<compile_context>
chip_gen: v7x
topology: tpu7x:2x2x1
jax: 0.10.2.dev20260603
libtpu: 0.0.44.dev20260713+nightly
codegen_flags: <defaults>
</compile_context>

<pallas_src>
import functools

import jax
import jax.numpy as jnp
from jax import lax
from jax.experimental import pallas as pl
from jax.experimental.pallas import tpu as pltpu
from jax.experimental.pallas import tpu_sc as plsc

NUM_USERS = 5000
N_NODES = 10000
D = 128
NNZ = 320000
BATCH = 4096

NC = 2
NS = 16
NW = NC * NS
L = 16

E = 128
NCHUNKS = NNZ // E
KMAX = (NCHUNKS + NW - 1) // NW
RC = 80
NRC = N_NODES // RC
RKMAX = (NRC + NS - 1) // NS

_MESH = plsc.VectorSubcoreMesh(
    core_axis_name="c", subcore_axis_name="s", num_cores=NC, num_subcores=NS)

_f32 = jnp.float32
_i32 = jnp.int32


def _zero_rows(buf, nrows):
    zero = jnp.zeros((L,), _f32)

    def body(j, _):
        for r in range(D // L):
            buf[j, pl.ds(r * L, L)] = zero
        return 0

    lax.fori_loop(0, nrows, body, 0)


def _propagate_body(src_hbm, rows_hbm, cols_hbm, vals_hbm,
                    out0_hbm, out1_hbm,
                    acc, cols_v, rows_v, vals_v, gbuf, sem):
    c = lax.axis_index("c")
    s = lax.axis_index("s")
    wid = c * NS + s

    _zero_rows(gbuf, RC)

    def zchunk(k, _):
        cid = s + NS * k

        @pl.when(cid < NRC)
        def _():
            pltpu.sync_copy(gbuf.at[pl.ds(0, RC)], acc.at[pl.ds(cid * RC, RC)])
        return 0

    lax.fori_loop(0, RKMAX, zchunk, 0)
    plsc.subcore_barrier()

    def chunk(k, _):
        cid = wid + NW * k

        @pl.when(cid < NCHUNKS)
        def _():
            eb = cid * E
            pltpu.sync_copy(cols_hbm.at[pl.ds(eb, E)], cols_v)
            pltpu.sync_copy(rows_hbm.at[pl.ds(eb, E)], rows_v)
            pltpu.sync_copy(vals_hbm.at[pl.ds(eb, E)], vals_v)
            pltpu.async_copy(src_hbm.at[cols_v], gbuf, sem).wait()

            def srow(j, _):
                vv = plsc.load_gather(vals_v, [jnp.full((L,), j, _i32)])
                for r in range(D // L):
                    gbuf[j, pl.ds(r * L, L)] = gbuf[j, pl.ds(r * L, L)] * vv
                return 0

            lax.fori_loop(0, E, srow, 0)
            pltpu.sync_copy(gbuf, acc.at[rows_v], add=True)
        return 0

    lax.fori_loop(0, KMAX, chunk, 0)
    plsc.subcore_barrier()

    def writeout(out_hbm):
        def wchunk(k, _):
            cid = s + NS * k

            @pl.when(cid < NRC)
            def _():
                rb = cid * RC
                pltpu.sync_copy(acc.at[pl.ds(rb, RC)], gbuf.at[pl.ds(0, RC)])
                pltpu.sync_copy(gbuf.at[pl.ds(0, RC)],
                                out_hbm.at[pl.ds(rb, RC)])
            return 0

        lax.fori_loop(0, RKMAX, wchunk, 0)

    @pl.when(c == 0)
    def _():
        writeout(out0_hbm)

    @pl.when(c == 1)
    def _():
        writeout(out1_hbm)


_propagate = pl.kernel(
    _propagate_body,
    out_type=(jax.ShapeDtypeStruct((N_NODES, D), _f32),
              jax.ShapeDtypeStruct((N_NODES, D), _f32)),
    mesh=_MESH,
    compiler_params=pltpu.CompilerParams(needs_layout_passes=False),
    scratch_types=[
        pltpu.VMEM_SHARED((N_NODES, D), _f32),
        pltpu.VMEM((E,), _i32),
        pltpu.VMEM((E,), _i32),
        pltpu.VMEM((E,), _f32),
        pltpu.VMEM((E, D), _f32),
        pltpu.SemaphoreType.DMA,
    ],
)


CR = 80
NCC = N_NODES // CR
CKMAX = (NCC + NW - 1) // NW


def _combine_body(p0_hbm, p1_hbm, out_hbm, b0, b1, sem):
    c = lax.axis_index("c")
    s = lax.axis_index("s")
    wid = c * NS + s

    def chunk(k, _):
        cid = wid + NW * k

        @pl.when(cid < NCC)
        def _():
            rb = cid * CR
            cp0 = pltpu.async_copy(p0_hbm.at[pl.ds(rb, CR)], b0, sem)
            cp1 = pltpu.async_copy(p1_hbm.at[pl.ds(rb, CR)], b1, sem)
            cp0.wait()
            cp1.wait()

            def add_row(j, _):
                for r in range(D // L):
                    b0[j, pl.ds(r * L, L)] = (b0[j, pl.ds(r * L, L)]
                                              + b1[j, pl.ds(r * L, L)])
                return 0

            lax.fori_loop(0, CR, add_row, 0)
            pltpu.sync_copy(b0, out_hbm.at[pl.ds(rb, CR)])
        return 0

    lax.fori_loop(0, CKMAX, chunk, 0)


_combine = pl.kernel(
    _combine_body,
    out_type=jax.ShapeDtypeStruct((N_NODES, D), _f32),
    mesh=_MESH,
    compiler_params=pltpu.CompilerParams(needs_layout_passes=False),
    scratch_types=[
        pltpu.VMEM((CR, D), _f32),
        pltpu.VMEM((CR, D), _f32),
        pltpu.SemaphoreType.DMA,
    ],
)


PB = BATCH // NW


def _finalize_body(users_hbm, items_hbm, e0_hbm, e1_hbm, p0_hbm, p1_hbm,
                   out_hbm, uidx, iidx, ubuf, ibuf, gtmp, outv, sem):
    c = lax.axis_index("c")
    s = lax.axis_index("s")
    wid = c * NS + s
    base = wid * PB

    pltpu.sync_copy(users_hbm.at[pl.ds(base, PB)], uidx)
    pltpu.sync_copy(items_hbm.at[pl.ds(base, PB)], iidx)

    def shift(g, _):
        iidx[pl.ds(g * L, L)] = iidx[pl.ds(g * L, L)] + NUM_USERS
        return 0

    lax.fori_loop(0, PB // L, shift, 0)

    def gather_sum(idx, dst):
        pltpu.async_copy(e0_hbm.at[idx], dst, sem).wait()

        def accum(src_hbm):
            pltpu.async_copy(src_hbm.at[idx], gtmp, sem).wait()

            def add_row(j, _):
                for r in range(D // L):
                    dst[j, pl.ds(r * L, L)] = (dst[j, pl.ds(r * L, L)]
                                               + gtmp[j, pl.ds(r * L, L)])
                return 0

            lax.fori_loop(0, PB, add_row, 0)

        accum(e1_hbm)
        accum(p0_hbm)
        accum(p1_hbm)

    gather_sum(uidx, ubuf)
    gather_sum(iidx, ibuf)

    for g in range(PB // L):
        rowids = lax.iota(_i32, L) + g * L

        def dstep(dd, acc):
            di = jnp.full((L,), dd, _i32)
            cu = plsc.load_gather(ubuf, [rowids, di])
            ci = plsc.load_gather(ibuf, [rowids, di])
            return acc + cu * ci

        accv = lax.fori_loop(0, D, dstep, jnp.zeros((L,), _f32))
        outv[pl.ds(g * L, L)] = accv * (1.0 / 9.0)

    pltpu.sync_copy(outv, out_hbm.at[pl.ds(base, PB)])


_finalize = pl.kernel(
    _finalize_body,
    out_type=jax.ShapeDtypeStruct((BATCH,), _f32),
    mesh=_MESH,
    compiler_params=pltpu.CompilerParams(needs_layout_passes=False),
    scratch_types=[
        pltpu.VMEM((PB,), _i32),
        pltpu.VMEM((PB,), _i32),
        pltpu.VMEM((PB, D), _f32),
        pltpu.VMEM((PB, D), _f32),
        pltpu.VMEM((PB, D), _f32),
        pltpu.VMEM((PB,), _f32),
        pltpu.SemaphoreType.DMA,
    ],
)


@jax.jit
def kernel(users, items, user_emb, item_emb, adj_rows, adj_cols, adj_vals):
    ego0 = jnp.concatenate([user_emb, item_emb], axis=0)
    p10, p11 = _propagate(ego0, adj_rows, adj_cols, adj_vals)
    ego1 = _combine(p10, p11)
    p20, p21 = _propagate(ego1, adj_rows, adj_cols, adj_vals)
    return _finalize(users.astype(_i32), items.astype(_i32),
                     ego0, ego1, p20, p21)

# --- scband reference (transcript-rebuilt; emitter-appended) ---
"""Pipeline reference for scband-light-gcn-47261820125825 (READ-ONLY COPY).

The authoritative reference and input builder live on the scoring server;
editing this copy changes nothing except your own understanding.
"""

import jax, jax.numpy as jnp
import numpy as np

NUM_USERS = 5000
NUM_ITEMS = 5000
N_NODES = NUM_USERS + NUM_ITEMS
EMBED_DIM = 128
NNZ = 320000
N_LAYERS = 2
BATCH = 4096


def setup_inputs(seed: int = 0) -> dict:
    key = jax.random.key(seed)
    k1, k2, k3, k4, k5, k6, k7 = jax.random.split(key, 7)
    adj_rows = jax.random.randint(k1, (NNZ,), 0, N_NODES)
    adj_cols = jax.random.randint(k2, (NNZ,), 0, N_NODES)
    # symmetric-normalized-ish edge weights (1/avg_degree scale)
    adj_vals = jax.random.uniform(k3, (NNZ,), dtype=jnp.float32) / 32.0
    user_emb = jax.random.normal(k4, (NUM_USERS, EMBED_DIM), dtype=jnp.float32) * 0.02
    item_emb = jax.random.normal(k5, (NUM_ITEMS, EMBED_DIM), dtype=jnp.float32) * 0.02
    users = jax.random.randint(k6, (BATCH,), 0, NUM_USERS)
    items = jax.random.randint(k7, (BATCH,), 0, NUM_ITEMS)
    return {"users": users, "items": items, "user_emb": user_emb,
            "item_emb": item_emb, "adj_rows": adj_rows, "adj_cols": adj_cols,
            "adj_vals": adj_vals}


def reference(users, items, user_emb, item_emb, adj_rows, adj_cols, adj_vals):
    # LightGCN propagate: ego = [U; I]; repeated sparse mm; mean over layers
    ego = jnp.concatenate([user_emb, item_emb], axis=0)
    all_embeddings = [ego]
    for _ in range(N_LAYERS):
        gathered = ego[adj_cols] * adj_vals[:, None]          # gather (SparseCore)
        ego = jnp.zeros_like(ego).at[adj_rows].add(gathered)  # scatter-add (SparseCore)
        all_embeddings.append(ego)
    final = jnp.mean(jnp.stack(all_embeddings, axis=1), axis=1)
    final_users = final[:NUM_USERS]
    final_items = final[NUM_USERS:]
    user_vecs = final_users[users]
    item_vecs = final_items[items]
    return (user_vecs * item_vecs).sum(axis=1)

if __name__ == "__main__":
    import jax
    _d = setup_inputs()
    print(jax.jit(kernel)(*tuple(_d.values())))

</pallas_src>

<mosaic_0001>
#map = affine_map<(d0, d1) -> (0)>
#map1 = affine_map<(d0, d1) -> (0, 0)>
module attributes {stable_mosaic.version = 14 : i64} {
  func.func @_finalize_body(%arg0: i32, %arg1: i32, %arg2: memref<4096xi32, #tpu.memory_space<hbm>>, %arg3: memref<4096xi32, #tpu.memory_space<hbm>>, %arg4: memref<10000x128xf32, #tpu.memory_space<hbm>>, %arg5: memref<10000x128xf32, #tpu.memory_space<hbm>>, %arg6: memref<10000x128xf32, #tpu.memory_space<hbm>>, %arg7: memref<10000x128xf32, #tpu.memory_space<hbm>>, %arg8: memref<4096xf32, #tpu.memory_space<hbm>>, %arg9: memref<128xi32, #tpu.memory_space<vmem>>, %arg10: memref<128xi32, #tpu.memory_space<vmem>>, %arg11: memref<128x128xf32, #tpu.memory_space<vmem>>, %arg12: memref<128x128xf32, #tpu.memory_space<vmem>>, %arg13: memref<128x128xf32, #tpu.memory_space<vmem>>, %arg14: memref<128xf32, #tpu.memory_space<vmem>>, %arg15: memref<!tpu.dma_semaphore, #tpu.memory_space<semaphore_mem>>) attributes {dimension_semantics = [#tpu.dimension_semantics<core_parallel>, #tpu.dimension_semantics<subcore_parallel>], iteration_bounds = array<i64: 2, 16>, scalar_prefetch = 0 : i64, scratch_operands = 7 : i64, tpu.core_type = #tpu.core_type<sc_vector_subcore>, window_params = [{transform_indices = #map}, {transform_indices = #map}, {transform_indices = #map1}, {transform_indices = #map1}, {transform_indices = #map1}, {transform_indices = #map1}, {transform_indices = #map}]} {
    %mul3A = arith.constant 16 : i32
    %mul3A_0 = arith.muli %arg0, %mul3A : i32
    %add3A = arith.addi %mul3A_0, %arg1 : i32
    %mul3A_1 = arith.constant 128 : i32
    %mul3A_2 = arith.muli %add3A, %mul3A_1 : i32
    "tpu.region"() ({
      %run_scoped3A = tpu.sem_alloc : memref<!tpu.dma_semaphore, #tpu.memory_space<semaphore_mem>>
      %dma_start3A_230 = tpu.memref_slice %arg2[%mul3A_2] : memref<4096xi32, #tpu.memory_space<hbm>> -> memref<128xi32, #tpu.memory_space<hbm>>
      %dma_start3A_231 = tpu.memref_slice %arg2[%mul3A_2] : memref<4096xi32, #tpu.memory_space<hbm>> -> memref<128xi32, #tpu.memory_space<hbm>>
      tpu.enqueue_dma source(%dma_start3A_231 : memref<128xi32, #tpu.memory_space<hbm>>) target(%arg9 : memref<128xi32, #tpu.memory_space<vmem>>) target_semaphore(%run_scoped3A : memref<!tpu.dma_semaphore, #tpu.memory_space<semaphore_mem>>)
      %dma_wait3A_232 = tpu.memref_slice %arg2[%mul3A_2] : memref<4096xi32, #tpu.memory_space<hbm>> -> memref<128xi32, #tpu.memory_space<hbm>>
      %dma_wait3A_233 = tpu.memref_slice %arg2[%mul3A_2] : memref<4096xi32, #tpu.memory_space<hbm>> -> memref<128xi32, #tpu.memory_space<hbm>>
      tpu.wait_dma2 semaphore(%run_scoped3A : memref<!tpu.dma_semaphore, #tpu.memory_space<semaphore_mem>>) src(%dma_wait3A_233 : memref<128xi32, #tpu.memory_space<hbm>>) dst(%arg9 : memref<128xi32, #tpu.memory_space<vmem>>)
      tpu.yield
    }) : () -> ()
    "tpu.region"() ({
      %run_scoped3A = tpu.sem_alloc : memref<!tpu.dma_semaphore, #tpu.memory_space<semaphore_mem>>
      %dma_start3A_230 = tpu.memref_slice %arg3[%mul3A_2] : memref<4096xi32, #tpu.memory_space<hbm>> -> memref<128xi32, #tpu.memory_space<hbm>>
      %dma_start3A_231 = tpu.memref_slice %arg3[%mul3A_2] : memref<4096xi32, #tpu.memory_space<hbm>> -> memref<128xi32, #tpu.memory_space<hbm>>
      tpu.enqueue_dma source(%dma_start3A_231 : memref<128xi32, #tpu.memory_space<hbm>>) target(%arg10 : memref<128xi32, #tpu.memory_space<vmem>>) target_semaphore(%run_scoped3A : memref<!tpu.dma_semaphore, #tpu.memory_space<semaphore_mem>>)
      %dma_wait3A_232 = tpu.memref_slice %arg3[%mul3A_2] : memref<4096xi32, #tpu.memory_space<hbm>> -> memref<128xi32, #tpu.memory_space<hbm>>
      %dma_wait3A_233 = tpu.memref_slice %arg3[%mul3A_2] : memref<4096xi32, #tpu.memory_space<hbm>> -> memref<128xi32, #tpu.memory_space<hbm>>
      tpu.wait_dma2 semaphore(%run_scoped3A : memref<!tpu.dma_semaphore, #tpu.memory_space<semaphore_mem>>) src(%dma_wait3A_233 : memref<128xi32, #tpu.memory_space<hbm>>) dst(%arg10 : memref<128xi32, #tpu.memory_space<vmem>>)
      tpu.yield
    }) : () -> ()
    %scan3A = arith.constant 0 : i32
    %scan3A_3 = arith.constant 0 : i32
    %scan3A_4 = arith.constant 8 : i32
    %scan3A_5 = arith.addi %scan3A_3, %scan3A_4 : i32
    %scan3A_6 = arith.constant 1 : i32
    %scan3A_7 = scf.for %scan3A_230 = %scan3A_3 to %scan3A_5 step %scan3A_6 iter_args(%scan3A_231 = %scan3A) -> (i32)  : i32 {
      %mul3A_232 = arith.constant 16 : i32
      %mul3A_233 = arith.muli %scan3A_230, %mul3A_232 : i32
      %get3A = arith.index_cast %mul3A_233 : i32 to index
      %get3A_234 = tpu.vector_load %arg10[%get3A] {strides = array<i32>} : memref<128xi32, #tpu.memory_space<vmem>>, vector<16xi32>,
      %add3A_235 = arith.constant 5000 : i32
      %add3A_236 = vector.broadcast %add3A_235 : i32 to vector<16xi32>
      %add3A_237 = arith.addi %get3A_234, %add3A_236 : vector<16xi32>
      %mul3A_238 = arith.constant 16 : i32
      %mul3A_239 = arith.muli %scan3A_230, %mul3A_238 : i32
      %swap3A_240 = arith.index_cast %mul3A_239 : i32 to index
      %swap3A_241 = tpu.vector_load %arg10[%swap3A_240] {strides = array<i32>} : memref<128xi32, #tpu.memory_space<vmem>>, vector<16xi32>,
      tpu.vector_store %arg10[%swap3A_240], %add3A_237 {strides = array<i32>} : memref<128xi32, #tpu.memory_space<vmem>>, vector<16xi32>,
      %scan3A_242 = arith.constant 0 : i32
      scf.yield %scan3A_242 : i32
    }
    %scan3A_8 = arith.constant 8 : i32
    %dma_start3A = arith.constant 0 : i32
    %dma_start3A_9 = arith.constant 0 : i32
    %dma_start3A_10 = tpu.memref_slice %arg4[%dma_start3A, %dma_start3A_9] : memref<10000x128xf32, #tpu.memory_space<hbm>> -> memref<10000x128xf32, #tpu.memory_space<hbm>>
    tpu.enqueue_indirect_dma source(%dma_start3A_10 : memref<10000x128xf32, #tpu.memory_space<hbm>>) target(%arg11 : memref<128x128xf32, #tpu.memory_space<vmem>>) offsets(%arg9 : memref<128xi32, #tpu.memory_space<vmem>>) semaphore(%arg15 : memref<!tpu.dma_semaphore, #tpu.memory_space<semaphore_mem>>)
    %dma_wait3A = arith.constant 0 : i32
    %dma_wait3A_11 = arith.constant 0 : i32
    %dma_wait3A_12 = tpu.memref_slice %arg4[%dma_wait3A, %dma_wait3A_11] : memref<10000x128xf32, #tpu.memory_space<hbm>> -> memref<10000x128xf32, #tpu.memory_space<hbm>>
    tpu.wait_indirect_dma semaphore(%arg15 : memref<!tpu.dma_semaphore, #tpu.memory_space<semaphore_mem>>) src(%dma_wait3A_12 : memref<10000x128xf32, #tpu.memory_space<hbm>>) dst(%arg11 : memref<128x128xf32, #tpu.memory_space<vmem>>)
    %dma_start3A_13 = arith.constant 0 : i32
    %dma_start3A_14 = arith.constant 0 : i32
    %dma_start3A_15 = tpu.memref_slice %arg5[%dma_start3A_13, %dma_start3A_14] : memref<10000x128xf32, #tpu.memory_space<hbm>> -> memref<10000x128xf32, #tpu.memory_space<hbm>>
    tpu.enqueue_indirect_dma source(%dma_start3A_15 : memref<10000x128xf32, #tpu.memory_space<hbm>>) target(%arg13 : memref<128x128xf32, #tpu.memory_space<vmem>>) offsets(%arg9 : memref<128xi32, #tpu.memory_space<vmem>>) semaphore(%arg15 : memref<!tpu.dma_semaphore, #tpu.memory_space<semaphore_mem>>)
    %dma_wait3A_16 = arith.constant 0 : i32
    %dma_wait3A_17 = arith.constant 0 : i32
    %dma_wait3A_18 = tpu.memref_slice %arg5[%dma_wait3A_16, %dma_wait3A_17] : memref<10000x128xf32, #tpu.memory_space<hbm>> -> memref<10000x128xf32, #tpu.memory_space<hbm>>
    tpu.wait_indirect_dma semaphore(%arg15 : memref<!tpu.dma_semaphore, #tpu.memory_space<semaphore_mem>>) src(%dma_wait3A_18 : memref<10000x128xf32, #tpu.memory_space<hbm>>) dst(%arg13 : memref<128x128xf32, #tpu.memory_space<vmem>>)
    %scan3A_19 = arith.constant 0 : i32
    %scan3A_20 = arith.constant 0 : i32
    %scan3A_21 = arith.constant 128 : i32
    %scan3A_22 = arith.addi %scan3A_20, %scan3A_21 : i32
    %scan3A_23 = arith.constant 1 : i32
    %scan3A_24 = scf.for %scan3A_230 = %scan3A_20 to %scan3A_22 step %scan3A_23 iter_args(%scan3A_231 = %scan3A_19) -> (i32)  : i32 {
      %get3A = arith.index_cast %scan3A_230 : i32 to index
      %get3A_232 = arith.constant 0 : index
      %get3A_233 = tpu.vector_load %arg11[%get3A, %get3A_232] {strides = array<i32>} : memref<128x128xf32, #tpu.memory_space<vmem>>, vector<16xf32>,
      %get3A_234 = arith.index_cast %scan3A_230 : i32 to index
      %get3A_235 = arith.constant 0 : index
      %get3A_236 = tpu.vector_load %arg13[%get3A_234, %get3A_235] {strides = array<i32>} : memref<128x128xf32, #tpu.memory_space<vmem>>, vector<16xf32>,
      %add3A_237 = arith.addf %get3A_233, %get3A_236 : vector<16xf32>
      %swap3A_238 = arith.index_cast %scan3A_230 : i32 to index
      %swap3A_239 = arith.constant 0 : index
      %swap3A_240 = tpu.vector_load %arg11[%swap3A_238, %swap3A_239] {strides = array<i32>} : memref<128x128xf32, #tpu.memory_space<vmem>>, vector<16xf32>,
      tpu.vector_store %arg11[%swap3A_238, %swap3A_239], %add3A_237 {strides = array<i32>} : memref<128x128xf32, #tpu.memory_space<vmem>>, vector<16xf32>,
      %get3A_241 = arith.index_cast %scan3A_230 : i32 to index
      %get3A_242 = arith.constant 16 : index
      %get3A_243 = tpu.vector_load %arg11[%get3A_241, %get3A_242] {strides = array<i32>} : memref<128x128xf32, #tpu.memory_space<vmem>>, vector<16xf32>,
      %get3A_244 = arith.index_cast %scan3A_230 : i32 to index
      %get3A_245 = arith.constant 16 : index
      %get3A_246 = tpu.vector_load %arg13[%get3A_244, %get3A_245] {strides = array<i32>} : memref<128x128xf32, #tpu.memory_space<vmem>>, vector<16xf32>,
      %add3A_247 = arith.addf %get3A_243, %get3A_246 : vector<16xf32>
      %swap3A_248 = arith.index_cast %scan3A_230 : i32 to index
      %swap3A_249 = arith.constant 16 : index
      %swap3A_250 = tpu.vector_load %arg11[%swap3A_248, %swap3A_249] {strides = array<i32>} : memref<128x128xf32, #tpu.memory_space<vmem>>, vector<16xf32>,
      tpu.vector_store %arg11[%swap3A_248, %swap3A_249], %add3A_247 {strides = array<i32>} : memref<128x128xf32, #tpu.memory_space<vmem>>, vector<16xf32>,
      %get3A_251 = arith.index_cast %scan3A_230 : i32 to index
      %get3A_252 = arith.constant 32 : index
      %get3A_253 = tpu.vector_load %arg11[%get3A_251, %get3A_252] {strides = array<i32>} : memref<128x128xf32, #tpu.memory_space<vmem>>, vector<16xf32>,
      %get3A_254 = arith.index_cast %scan3A_230 : i32 to index
      %get3A_255 = arith.constant 32 : index
      %get3A_256 = tpu.vector_load %arg13[%get3A_254, %get3A_255] {strides = array<i32>} : memref<128x128xf32, #tpu.memory_space<vmem>>, vector<16xf32>,
      %add3A_257 = arith.addf %get3A_253, %get3A_256 : vector<16xf32>
      %swap3A_258 = arith.index_cast %scan3A_230 : i32 to index
      %swap3A_259 = arith.constant 32 : index
      %swap3A_260 = tpu.vector_load %arg11[%swap3A_258, %swap3A_259] {strides = array<i32>} : memref<128x128xf32, #tpu.memory_space<vmem>>, vector<16xf32>,
      tpu.vector_store %arg11[%swap3A_258, %swap3A_259], %add3A_257 {strides = array<i32>} : memref<128x128xf32, #tpu.memory_space<vmem>>, vector<16xf32>,
      %get3A_261 = arith.index_cast %scan3A_230 : i32 to index
      %get3A_262 = arith.constant 48 : index
      %get3A_263 = tpu.vector_load %arg11[%get3A_261, %get3A_262] {strides = array<i32>} : memref<128x128xf32, #tpu.memory_space<vmem>>, vector<16xf32>,
      %get3A_264 = arith.index_cast %scan3A_230 : i32 to index
      %get3A_265 = arith.constant 48 : index
      %get3A_266 = tpu.vector_load %arg13[%get3A_264, %get3A_265] {strides = array<i32>} : memref<128x128xf32, #tpu.memory_space<vmem>>, vector<16xf32>,
      %add3A_267 = arith.addf %get3A_263, %get3A_266 : vector<16xf32>
      %swap3A_268 = arith.index_cast %scan3A_230 : i32 to index
      %swap3A_269 = arith.constant 48 : index
      %swap3A_270 = tpu.vector_load %arg11[%swap3A_268, %swap3A_269] {strides = array<i32>} : memref<128x128xf32, #tpu.memory_space<vmem>>, vector<16xf32>,
      tpu.vector_store %arg11[%swap3A_268, %swap3A_269], %add3A_267 {strides = array<i32>} : memref<128x128xf32, #tpu.memory_space<vmem>>, vector<16xf32>,
      %get3A_271 = arith.index_cast %scan3A_230 : i32 to index
      %get3A_272 = arith.constant 64 : index
      %get3A_273 = tpu.vector_load %arg11[%get3A_271, %get3A_272] {strides = array<i32>} : memref<128x128xf32, #tpu.memory_space<vmem>>, vector<16xf32>,
      %get3A_274 = arith.index_cast %scan3A_230 : i32 to index
      %get3A_275 = arith.constant 64 : index
      %get3A_276 = tpu.vector_load %arg13[%get3A_274, %get3A_275] {strides = array<i32>} : memref<128x128xf32, #tpu.memory_space<vmem>>, vector<16xf32>,
      %add3A_277 = arith.addf %get3A_273, %get3A_276 : vector<16xf32>
      %swap3A_278 = arith.index_cast %scan3A_230 : i32 to index
      %swap3A_279 = arith.constant 64 : index
      %swap3A_280 = tpu.vector_load %arg11[%swap3A_278, %swap3A_279] {strides = array<i32>} : memref<128x128xf32, #tpu.memory_space<vmem>>, vector<16xf32>,
      tpu.vector_store %arg11[%swap3A_278, %swap3A_279], %add3A_277 {strides = array<i32>} : memref<128x128xf32, #tpu.memory_space<vmem>>, vector<16xf32>,
      %get3A_281 = arith.index_cast %scan3A_230 : i32 to index
      %get3A_282 = arith.constant 80 : index
      %get3A_283 = tpu.vector_load %arg11[%get3A_281, %get3A_282] {strides = array<i32>} : memref<128x128xf32, #tpu.memory_space<vmem>>, vector<16xf32>,
      %get3A_284 = arith.index_cast %scan3A_230 : i32 to index
      %get3A_285 = arith.constant 80 : index
      %get3A_286 = tpu.vector_load %arg13[%get3A_284, %get3A_285] {strides = array<i32>} : memref<128x128xf32, #tpu.memory_space<vmem>>, vector<16xf32>,
      %add3A_287 = arith.addf %get3A_283, %get3A_286 : vector<16xf32>
      %swap3A_288 = arith.index_cast %scan3A_230 : i32 to index
      %swap3A_289 = arith.constant 80 : index
      %swap3A_290 = tpu.vector_load %arg11[%swap3A_288, %swap3A_289] {strides = array<i32>} : memref<128x128xf32, #tpu.memory_space<vmem>>, vector<16xf32>,
      tpu.vector_store %arg11[%swap3A_288, %swap3A_289], %add3A_287 {strides = array<i32>} : memref<128x128xf32, #tpu.memory_space<vmem>>, vector<16xf32>,
      %get3A_291 = arith.index_cast %scan3A_230 : i32 to index
      %get3A_292 = arith.constant 96 : index
      %get3A_293 = tpu.vector_load %arg11[%get3A_291, %get3A_292] {strides = array<i32>} : memref<128x128xf32, #tpu.memory_space<vmem>>, vector<16xf32>,
      %get3A_294 = arith.index_cast %scan3A_230 : i32 to index
      %get3A_295 = arith.constant 96 : index
      %get3A_296 = tpu.vector_load %arg13[%get3A_294, %get3A_295] {strides = array<i32>} : memref<128x128xf32, #tpu.memory_space<vmem>>, vector<16xf32>,
      %add3A_297 = arith.addf %get3A_293, %get3A_296 : vector<16xf32>
      %swap3A_298 = arith.index_cast %scan3A_230 : i32 to index
      %swap3A_299 = arith.constant 96 : index
      %swap3A_300 = tpu.vector_load %arg11[%swap3A_298, %swap3A_299] {strides = array<i32>} : memref<128x128xf32, #tpu.memory_space<vmem>>, vector<16xf32>,
      tpu.vector_store %arg11[%swap3A_298, %swap3A_299], %add3A_297 {strides = array<i32>} : memref<128x128xf32, #tpu.memory_space<vmem>>, vector<16xf32>,
      %get3A_301 = arith.index_cast %scan3A_230 : i32 to index
      %get3A_302 = arith.constant 112 : index
      %get3A_303 = tpu.vector_load %arg11[%get3A_301, %get3A_302] {strides = array<i32>} : memref<128x128xf32, #tpu.memory_space<vmem>>, vector<16xf32>,
      %get3A_304 = arith.index_cast %scan3A_230 : i32 to index
      %get3A_305 = arith.constant 112 : index
      %get3A_306 = tpu.vector_load %arg13[%get3A_304, %get3A_305] {strides = array<i32>} : memref<128x128xf32, #tpu.memory_space<vmem>>, vector<16xf32>,
      %add3A_307 = arith.addf %get3A_303, %get3A_306 : vector<16xf32>
      %swap3A_308 = arith.index_cast %scan3A_230 : i32 to index
      %swap3A_309 = arith.constant 112 : index
      %swap3A_310 = tpu.vector_load %arg11[%swap3A_308, %swap3A_309] {strides = array<i32>} : memref<128x128xf32, #tpu.memory_space<vmem>>, vector<16xf32>,
      tpu.vector_store %arg11[%swap3A_308, %swap3A_309], %add3A_307 {strides = array<i32>} : memref<128x128xf32, #tpu.memory_space<vmem>>, vector<16xf32>,
      %scan3A_311 = arith.constant 0 : i32
      scf.yield %scan3A_311 : i32
    }
    %scan3A_25 = arith.constant 128 : i32
    %dma_start3A_26 = arith.constant 0 : i32
    %dma_start3A_27 = arith.constant 0 : i32
    %dma_start3A_28 = tpu.memref_slice %arg6[%dma_start3A_26, %dma_start3A_27] : memref<10000x128xf32, #tpu.memory_space<hbm>> -> memref<10000x128xf32, #tpu.memory_space<hbm>>
    tpu.enqueue_indirect_dma source(%dma_start3A_28 : memref<10000x128xf32, #tpu.memory_space<hbm>>) target(%arg13 : memref<128x128xf32, #tpu.memory_space<vmem>>) offsets(%arg9 : memref<128xi32, #tpu.memory_space<vmem>>) semaphore(%arg15 : memref<!tpu.dma_semaphore, #tpu.memory_space<semaphore_mem>>)
    %dma_wait3A_29 = arith.constant 0 : i32
    %dma_wait3A_30 = arith.constant 0 : i32
    %dma_wait3A_31 = tpu.memref_slice %arg6[%dma_wait3A_29, %dma_wait3A_30] : memref<10000x128xf32, #tpu.memory_space<hbm>> -> memref<10000x128xf32, #tpu.memory_space<hbm>>
    tpu.wait_indirect_dma semaphore(%arg15 : memref<!tpu.dma_semaphore, #tpu.memory_space<semaphore_mem>>) src(%dma_wait3A_31 : memref<10000x128xf32, #tpu.memory_space<hbm>>) dst(%arg13 : memref<128x128xf32, #tpu.memory_space<vmem>>)
    %scan3A_32 = arith.constant 0 : i32
    %scan3A_33 = arith.constant 0 : i32
    %scan3A_34 = arith.constant 128 : i32
    %scan3A_35 = arith.addi %scan3A_33, %scan3A_34 : i32
    %scan3A_36 = arith.constant 1 : i32
    %scan3A_37 = scf.for %scan3A_230 = %scan3A_33 to %scan3A_35 step %scan3A_36 iter_args(%scan3A_231 = %scan3A_32) -> (i32)  : i32 {
      %get3A = arith.index_cast %scan3A_230 : i32 to index
      %get3A_232 = arith.constant 0 : index
      %get3A_233 = tpu.vector_load %arg11[%get3A, %get3A_232] {strides = array<i32>} : memref<128x128xf32, #tpu.memory_space<vmem>>, vector<16xf32>,
      %get3A_234 = arith.index_cast %scan3A_230 : i32 to index
      %get3A_235 = arith.constant 0 : index
      %get3A_236 = tpu.vector_load %arg13[%get3A_234, %get3A_235] {strides = array<i32>} : memref<128x128xf32, #tpu.memory_space<vmem>>, vector<16xf32>,
      %add3A_237 = arith.addf %get3A_233, %get3A_236 : vector<16xf32>
      %swap3A_238 = arith.index_cast %scan3A_230 : i32 to index
      %swap3A_239 = arith.constant 0 : index
      %swap3A_240 = tpu.vector_load %arg11[%swap3A_238, %swap3A_239] {strides = array<i32>} : memref<128x128xf32, #tpu.memory_space<vmem>>, vector<16xf32>,
      tpu.vector_store %arg11[%swap3A_238, %swap3A_239], %add3A_237 {strides = array<i32>} : memref<128x128xf32, #tpu.memory_space<vmem>>, vector<16xf32>,
      %get3A_241 = arith.index_cast %scan3A_230 : i32 to index
      %get3A_242 = arith.constant 16 : index
      %get3A_243 = tpu.vector_load %arg11[%get3A_241, %get3A_242] {strides = array<i32>} : memref<128x128xf32, #tpu.memory_space<vmem>>, vector<16xf32>,
      %get3A_244 = arith.index_cast %scan3A_230 : i32 to index
      %get3A_245 = arith.constant 16 : index
      %get3A_246 = tpu.vector_load %arg13[%get3A_244, %get3A_245] {strides = array<i32>} : memref<128x128xf32, #tpu.memory_space<vmem>>, vector<16xf32>,
      %add3A_247 = arith.addf %get3A_243, %get3A_246 : vector<16xf32>
      %swap3A_248 = arith.index_cast %scan3A_230 : i32 to index
      %swap3A_249 = arith.constant 16 : index
      %swap3A_250 = tpu.vector_load %arg11[%swap3A_248, %swap3A_249] {strides = array<i32>} : memref<128x128xf32, #tpu.memory_space<vmem>>, vector<16xf32>,
      tpu.vector_store %arg11[%swap3A_248, %swap3A_249], %add3A_247 {strides = array<i32>} : memref<128x128xf32, #tpu.memory_space<vmem>>, vector<16xf32>,
      %get3A_251 = arith.index_cast %scan3A_230 : i32 to index
      %get3A_252 = arith.constant 32 : index
      %get3A_253 = tpu.vector_load %arg11[%get3A_251, %get3A_252] {strides = array<i32>} : memref<128x128xf32, #tpu.memory_space<vmem>>, vector<16xf32>,
      %get3A_254 = arith.index_cast %scan3A_230 : i32 to index
      %get3A_255 = arith.constant 32 : index
      %get3A_256 = tpu.vector_load %arg13[%get3A_254, %get3A_255] {strides = array<i32>} : memref<128x128xf32, #tpu.memory_space<vmem>>, vector<16xf32>,
      %add3A_257 = arith.addf %get3A_253, %get3A_256 : vector<16xf32>
      %swap3A_258 = arith.index_cast %scan3A_230 : i32 to index
      %swap3A_259 = arith.constant 32 : index
      %swap3A_260 = tpu.vector_load %arg11[%swap3A_258, %swap3A_259] {strides = array<i32>} : memref<128x128xf32, #tpu.memory_space<vmem>>, vector<16xf32>,
      tpu.vector_store %arg11[%swap3A_258, %swap3A_259], %add3A_257 {strides = array<i32>} : memref<128x128xf32, #tpu.memory_space<vmem>>, vector<16xf32>,
      %get3A_261 = arith.index_cast %scan3A_230 : i32 to index
      %get3A_262 = arith.constant 48 : index
      %get3A_263 = tpu.vector_load %arg11[%get3A_261, %get3A_262] {strides = array<i32>} : memref<128x128xf32, #tpu.memory_space<vmem>>, vector<16xf32>,
      %get3A_264 = arith.index_cast %scan3A_230 : i32 to index
      %get3A_265 = arith.constant 48 : index
      %get3A_266 = tpu.vector_load %arg13[%get3A_264, %get3A_265] {strides = array<i32>} : memref<128x128xf32, #tpu.memory_space<vmem>>, vector<16xf32>,
      %add3A_267 = arith.addf %get3A_263, %get3A_266 : vector<16xf32>
      %swap3A_268 = arith.index_cast %scan3A_230 : i32 to index
      %swap3A_269 = arith.constant 48 : index
      %swap3A_270 = tpu.vector_load %arg11[%swap3A_268, %swap3A_269] {strides = array<i32>} : memref<128x128xf32, #tpu.memory_space<vmem>>, vector<16xf32>,
      tpu.vector_store %arg11[%swap3A_268, %swap3A_269], %add3A_267 {strides = array<i32>} : memref<128x128xf32, #tpu.memory_space<vmem>>, vector<16xf32>,
      %get3A_271 = arith.index_cast %scan3A_230 : i32 to index
      %get3A_272 = arith.constant 64 : index
      %get3A_273 = tpu.vector_load %arg11[%get3A_271, %get3A_272] {strides = array<i32>} : memref<128x128xf32, #tpu.memory_space<vmem>>, vector<16xf32>,
      %get3A_274 = arith.index_cast %scan3A_230 : i32 to index
      %get3A_275 = arith.constant 64 : index
      %get3A_276 = tpu.vector_load %arg13[%get3A_274, %get3A_275] {strides = array<i32>} : memref<128x128xf32, #tpu.memory_space<vmem>>, vector<16xf32>,
      %add3A_277 = arith.addf %get3A_273, %get3A_276 : vector<16xf32>
      %swap3A_278 = arith.index_cast %scan3A_230 : i32 to index
      %swap3A_279 = arith.constant 64 : index
      %swap3A_280 = tpu.vector_load %arg11[%swap3A_278, %swap3A_279] {strides = array<i32>} : memref<128x128xf32, #tpu.memory_space<vmem>>, vector<16xf32>,
      tpu.vector_store %arg11[%swap3A_278, %swap3A_279], %add3A_277 {strides = array<i32>} : memref<128x128xf32, #tpu.memory_space<vmem>>, vector<16xf32>,
      %get3A_281 = arith.index_cast %scan3A_230 : i32 to index
      %get3A_282 = arith.constant 80 : index
      %get3A_283 = tpu.vector_load %arg11[%get3A_281, %get3A_282] {strides = array<i32>} : memref<128x128xf32, #tpu.memory_space<vmem>>, vector<16xf32>,
      %get3A_284 = arith.index_cast %scan3A_230 : i32 to index
      %get3A_285 = arith.constant 80 : index
      %get3A_286 = tpu.vector_load %arg13[%get3A_284, %get3A_285] {strides = array<i32>} : memref<128x128xf32, #tpu.memory_space<vmem>>, vector<16xf32>,
      %add3A_287 = arith.addf %get3A_283, %get3A_286 : vector<16xf32>
      %swap3A_288 = arith.index_cast %scan3A_230 : i32 to index
      %swap3A_289 = arith.constant 80 : index
      %swap3A_290 = tpu.vector_load %arg11[%swap3A_288, %swap3A_289] {strides = array<i32>} : memref<128x128xf32, #tpu.memory_space<vmem>>, vector<16xf32>,
      tpu.vector_store %arg11[%swap3A_288, %swap3A_289], %add3A_287 {strides = array<i32>} : memref<128x128xf32, #tpu.memory_space<vmem>>, vector<16xf32>,
      %get3A_291 = arith.index_cast %scan3A_230 : i32 to index
      %get3A_292 = arith.constant 96 : index
      %get3A_293 = tpu.vector_load %arg11[%get3A_291, %get3A_292] {strides = array<i32>} : memref<128x128xf32, #tpu.memory_space<vmem>>, vector<16xf32>,
      %get3A_294 = arith.index_cast %scan3A_230 : i32 to index
      %get3A_295 = arith.constant 96 : index
      %get3A_296 = tpu.vector_load %arg13[%get3A_294, %get3A_295] {strides = array<i32>} : memref<128x128xf32, #tpu.memory_space<vmem>>, vector<16xf32>,
      %add3A_297 = arith.addf %get3A_293, %get3A_296 : vector<16xf32>
      %swap3A_298 = arith.index_cast %scan3A_230 : i32 to index
      %swap3A_299 = arith.constant 96 : index
      %swap3A_300 = tpu.vector_load %arg11[%swap3A_298, %swap3A_299] {strides = array<i32>} : memref<128x128xf32, #tpu.memory_space<vmem>>, vector<16xf32>,
      tpu.vector_store %arg11[%swap3A_298, %swap3A_299], %add3A_297 {strides = array<i32>} : memref<128x128xf32, #tpu.memory_space<vmem>>, vector<16xf32>,
      %get3A_301 = arith.index_cast %scan3A_230 : i32 to index
      %get3A_302 = arith.constant 112 : index
      %get3A_303 = tpu.vector_load %arg11[%get3A_301, %get3A_302] {strides = array<i32>} : memref<128x128xf32, #tpu.memory_space<vmem>>, vector<16xf32>,
      %get3A_304 = arith.index_cast %scan3A_230 : i32 to index
      %get3A_305 = arith.constant 112 : index
      %get3A_306 = tpu.vector_load %arg13[%get3A_304, %get3A_305] {strides = array<i32>} : memref<128x128xf32, #tpu.memory_space<vmem>>, vector<16xf32>,
      %add3A_307 = arith.addf %get3A_303, %get3A_306 : vector<16xf32>
      %swap3A_308 = arith.index_cast %scan3A_230 : i32 to index
      %swap3A_309 = arith.constant 112 : index
      %swap3A_310 = tpu.vector_load %arg11[%swap3A_308, %swap3A_309] {strides = array<i32>} : memref<128x128xf32, #tpu.memory_space<vmem>>, vector<16xf32>,
      tpu.vector_store %arg11[%swap3A_308, %swap3A_309], %add3A_307 {strides = array<i32>} : memref<128x128xf32, #tpu.memory_space<vmem>>, vector<16xf32>,
      %scan3A_311 = arith.constant 0 : i32
      scf.yield %scan3A_311 : i32
    }
    %scan3A_38 = arith.constant 128 : i32
    %dma_start3A_39 = arith.constant 0 : i32
    %dma_start3A_40 = arith.constant 0 : i32
    %dma_start3A_41 = tpu.memref_slice %arg7[%dma_start3A_39, %dma_start3A_40] : memref<10000x128xf32, #tpu.memory_space<hbm>> -> memref<10000x128xf32, #tpu.memory_space<hbm>>
    tpu.enqueue_indirect_dma source(%dma_start3A_41 : memref<10000x128xf32, #tpu.memory_space<hbm>>) target(%arg13 : memref<128x128xf32, #tpu.memory_space<vmem>>) offsets(%arg9 : memref<128xi32, #tpu.memory_space<vmem>>) semaphore(%arg15 : memref<!tpu.dma_semaphore, #tpu.memory_space<semaphore_mem>>)
    %dma_wait3A_42 = arith.constant 0 : i32
    %dma_wait3A_43 = arith.constant 0 : i32
    %dma_wait3A_44 = tpu.memref_slice %arg7[%dma_wait3A_42, %dma_wait3A_43] : memref<10000x128xf32, #tpu.memory_space<hbm>> -> memref<10000x128xf32, #tpu.memory_space<hbm>>
    tpu.wait_indirect_dma semaphore(%arg15 : memref<!tpu.dma_semaphore, #tpu.memory_space<semaphore_mem>>) src(%dma_wait3A_44 : memref<10000x128xf32, #tpu.memory_space<hbm>>) dst(%arg13 : memref<128x128xf32, #tpu.memory_space<vmem>>)
    %scan3A_45 = arith.constant 0 : i32
    %scan3A_46 = arith.constant 0 : i32
    %scan3A_47 = arith.constant 128 : i32
    %scan3A_48 = arith.addi %scan3A_46, %scan3A_47 : i32
    %scan3A_49 = arith.constant 1 : i32
    %scan3A_50 = scf.for %scan3A_230 = %scan3A_46 to %scan3A_48 step %scan3A_49 iter_args(%scan3A_231 = %scan3A_45) -> (i32)  : i32 {
      %get3A = arith.index_cast %scan3A_230 : i32 to index
      %get3A_232 = arith.constant 0 : index
      %get3A_233 = tpu.vector_load %arg11[%get3A, %get3A_232] {strides = array<i32>} : memref<128x128xf32, #tpu.memory_space<vmem>>, vector<16xf32>,
      %get3A_234 = arith.index_cast %scan3A_230 : i32 to index
      %get3A_235 = arith.constant 0 : index
      %get3A_236 = tpu.vector_load %arg13[%get3A_234, %get3A_235] {strides = array<i32>} : memref<128x128xf32, #tpu.memory_space<vmem>>, vector<16xf32>,
      %add3A_237 = arith.addf %get3A_233, %get3A_236 : vector<16xf32>
      %swap3A_238 = arith.index_cast %scan3A_230 : i32 to index
      %swap3A_239 = arith.constant 0 : index
      %swap3A_240 = tpu.vector_load %arg11[%swap3A_238, %swap3A_239] {strides = array<i32>} : memref<128x128xf32, #tpu.memory_space<vmem>>, vector<16xf32>,
      tpu.vector_store %arg11[%swap3A_238, %swap3A_239], %add3A_237 {strides = array<i32>} : memref<128x128xf32, #tpu.memory_space<vmem>>, vector<16xf32>,
      %get3A_241 = arith.index_cast %scan3A_230 : i32 to index
      %get3A_242 = arith.constant 16 : index
      %get3A_243 = tpu.vector_load %arg11[%get3A_241, %get3A_242] {strides = array<i32>} : memref<128x128xf32, #tpu.memory_space<vmem>>, vector<16xf32>,
      %get3A_244 = arith.index_cast %scan3A_230 : i32 to index
      %get3A_245 = arith.constant 16 : index
      %get3A_246 = tpu.vector_load %arg13[%get3A_244, %get3A_245] {strides = array<i32>} : memref<128x128xf32, #tpu.memory_space<vmem>>, vector<16xf32>,
      %add3A_247 = arith.addf %get3A_243, %get3A_246 : vector<16xf32>
      %swap3A_248 = arith.index_cast %scan3A_230 : i32 to index
      %swap3A_249 = arith.constant 16 : index
      %swap3A_250 = tpu.vector_load %arg11[%swap3A_248, %swap3A_249] {strides = array<i32>} : memref<128x128xf32, #tpu.memory_space<vmem>>, vector<16xf32>,
      tpu.vector_store %arg11[%swap3A_248, %swap3A_249], %add3A_247 {strides = array<i32>} : memref<128x128xf32, #tpu.memory_space<vmem>>, vector<16xf32>,
      %get3A_251 = arith.index_cast %scan3A_230 : i32 to index
      %get3A_252 = arith.constant 32 : index
      %get3A_253 = tpu.vector_load %arg11[%get3A_251, %get3A_252] {strides = array<i32>} : memref<128x128xf32, #tpu.memory_space<vmem>>, vector<16xf32>,
      %get3A_254 = arith.index_cast %scan3A_230 : i32 to index
      %get3A_255 = arith.constant 32 : index
      %get3A_256 = tpu.vector_load %arg13[%get3A_254, %get3A_255] {strides = array<i32>} : memref<128x128xf32, #tpu.memory_space<vmem>>, vector<16xf32>,
      %add3A_257 = arith.addf %get3A_253, %get3A_256 : vector<16xf32>
      %swap3A_258 = arith.index_cast %scan3A_230 : i32 to index
      %swap3A_259 = arith.constant 32 : index
      %swap3A_260 = tpu.vector_load %arg11[%swap3A_258, %swap3A_259] {strides = array<i32>} : memref<128x128xf32, #tpu.memory_space<vmem>>, vector<16xf32>,
      tpu.vector_store %arg11[%swap3A_258, %swap3A_259], %add3A_257 {strides = array<i32>} : memref<128x128xf32, #tpu.memory_space<vmem>>, vector<16xf32>,
      %get3A_261 = arith.index_cast %scan3A_230 : i32 to index
      %get3A_262 = arith.constant 48 : index
      %get3A_263 = tpu.vector_load %arg11[%get3A_261, %get3A_262] {strides = array<i32>} : memref<128x128xf32, #tpu.memory_space<vmem>>, vector<16xf32>,
      %get3A_264 = arith.index_cast %scan3A_230 : i32 to index
      %get3A_265 = arith.constant 48 : index
      %get3A_266 = tpu.vector_load %arg13[%get3A_264, %get3A_265] {strides = array<i32>} : memref<128x128xf32, #tpu.memory_space<vmem>>, vector<16xf32>,
      %add3A_267 = arith.addf %get3A_263, %get3A_266 : vector<16xf32>
      %swap3A_268 = arith.index_cast %scan3A_230 : i32 to index
      %swap3A_269 = arith.constant 48 : index
      %swap3A_270 = tpu.vector_load %arg11[%swap3A_268, %swap3A_269] {strides = array<i32>} : memref<128x128xf32, #tpu.memory_space<vmem>>, vector<16xf32>,
      tpu.vector_store %arg11[%swap3A_268, %swap3A_269], %add3A_267 {strides = array<i32>} : memref<128x128xf32, #tpu.memory_space<vmem>>, vector<16xf32>,
      %get3A_271 = arith.index_cast %scan3A_230 : i32 to index
      %get3A_272 = arith.constant 64 : index
      %get3A_273 = tpu.vector_load %arg11[%get3A_271, %get3A_272] {strides = array<i32>} : memref<128x128xf32, #tpu.memory_space<vmem>>, vector<16xf32>,
      %get3A_274 = arith.index_cast %scan3A_230 : i32 to index
      %get3A_275 = arith.constant 64 : index
      %get3A_276 = tpu.vector_load %arg13[%get3A_274, %get3A_275] {strides = array<i32>} : memref<128x128xf32, #tpu.memory_space<vmem>>, vector<16xf32>,
      %add3A_277 = arith.addf %get3A_273, %get3A_276 : vector<16xf32>
      %swap3A_278 = arith.index_cast %scan3A_230 : i32 to index
      %swap3A_279 = arith.constant 64 : index
      %swap3A_280 = tpu.vector_load %arg11[%swap3A_278, %swap3A_279] {strides = array<i32>} : memref<128x128xf32, #tpu.memory_space<vmem>>, vector<16xf32>,
      tpu.vector_store %arg11[%swap3A_278, %swap3A_279], %add3A_277 {strides = array<i32>} : memref<128x128xf32, #tpu.memory_space<vmem>>, vector<16xf32>,
      %get3A_281 = arith.index_cast %scan3A_230 : i32 to index
      %get3A_282 = arith.constant 80 : index
      %get3A_283 = tpu.vector_load %arg11[%get3A_281, %get3A_282] {strides = array<i32>} : memref<128x128xf32, #tpu.memory_space<vmem>>, vector<16xf32>,
      %get3A_284 = arith.index_cast %scan3A_230 : i32 to index
      %get3A_285 = arith.constant 80 : index
      %get3A_286 = tpu.vector_load %arg13[%get3A_284, %get3A_285] {strides = array<i32>} : memref<128x128xf32, #tpu.memory_space<vmem>>, vector<16xf32>,
      %add3A_287 = arith.addf %get3A_283, %get3A_286 : vector<16xf32>
      %swap3A_288 = arith.index_cast %scan3A_230 : i32 to index
      %swap3A_289 = arith.constant 80 : index
      %swap3A_290 = tpu.vector_load %arg11[%swap3A_288, %swap3A_289] {strides = array<i32>} : memref<128x128xf32, #tpu.memory_space<vmem>>, vector<16xf32>,
      tpu.vector_store %arg11[%swap3A_288, %swap3A_289], %add3A_287 {strides = array<i32>} : memref<128x128xf32, #tpu.memory_space<vmem>>, vector<16xf32>,
      %get3A_291 = arith.index_cast %scan3A_230 : i32 to index
      %get3A_292 = arith.constant 96 : index
      %get3A_293 = tpu.vector_load %arg11[%get3A_291, %get3A_292] {strides = array<i32>} : memref<128x128xf32, #tpu.memory_space<vmem>>, vector<16xf32>,
      %get3A_294 = arith.index_cast %scan3A_230 : i32 to index
      %get3A_295 = arith.constant 96 : index
      %get3A_296 = tpu.vector_load %arg13[%get3A_294, %get3A_295] {strides = array<i32>} : memref<128x128xf32, #tpu.memory_space<vmem>>, vector<16xf32>,
      %add3A_297 = arith.addf %get3A_293, %get3A_296 : vector<16xf32>
      %swap3A_298 = arith.index_cast %scan3A_230 : i32 to index
      %swap3A_299 = arith.constant 96 : index
      %swap3A_300 = tpu.vector_load %arg11[%swap3A_298, %swap3A_299] {strides = array<i32>} : memref<128x128xf32, #tpu.memory_space<vmem>>, vector<16xf32>,
      tpu.vector_store %arg11[%swap3A_298, %swap3A_299], %add3A_297 {strides = array<i32>} : memref<128x128xf32, #tpu.memory_space<vmem>>, vector<16xf32>,
      %get3A_301 = arith.index_cast %scan3A_230 : i32 to index
      %get3A_302 = arith.constant 112 : index
      %get3A_303 = tpu.vector_load %arg11[%get3A_301, %get3A_302] {strides = array<i32>} : memref<128x128xf32, #tpu.memory_space<vmem>>, vector<16xf32>,
      %get3A_304 = arith.index_cast %scan3A_230 : i32 to index
      %get3A_305 = arith.constant 112 : index
      %get3A_306 = tpu.vector_load %arg13[%get3A_304, %get3A_305] {strides = array<i32>} : memref<128x128xf32, #tpu.memory_space<vmem>>, vector<16xf32>,
      %add3A_307 = arith.addf %get3A_303, %get3A_306 : vector<16xf32>
      %swap3A_308 = arith.index_cast %scan3A_230 : i32 to index
      %swap3A_309 = arith.constant 112 : index
      %swap3A_310 = tpu.vector_load %arg11[%swap3A_308, %swap3A_309] {strides = array<i32>} : memref<128x128xf32, #tpu.memory_space<vmem>>, vector<16xf32>,
      tpu.vector_store %arg11[%swap3A_308, %swap3A_309], %add3A_307 {strides = array<i32>} : memref<128x128xf32, #tpu.memory_space<vmem>>, vector<16xf32>,
      %scan3A_311 = arith.constant 0 : i32
      scf.yield %scan3A_311 : i32
    }
    %scan3A_51 = arith.constant 128 : i32
    %dma_start3A_52 = arith.constant 0 : i32
    %dma_start3A_53 = arith.constant 0 : i32
    %dma_start3A_54 = tpu.memref_slice %arg4[%dma_start3A_52, %dma_start3A_53] : memref<10000x128xf32, #tpu.memory_space<hbm>> -> memref<10000x128xf32, #tpu.memory_space<hbm>>
    tpu.enqueue_indirect_dma source(%dma_start3A_54 : memref<10000x128xf32, #tpu.memory_space<hbm>>) target(%arg12 : memref<128x128xf32, #tpu.memory_space<vmem>>) offsets(%arg10 : memref<128xi32, #tpu.memory_space<vmem>>) semaphore(%arg15 : memref<!tpu.dma_semaphore, #tpu.memory_space<semaphore_mem>>)
    %dma_wait3A_55 = arith.constant 0 : i32
    %dma_wait3A_56 = arith.constant 0 : i32
    %dma_wait3A_57 = tpu.memref_slice %arg4[%dma_wait3A_55, %dma_wait3A_56] : memref<10000x128xf32, #tpu.memory_space<hbm>> -> memref<10000x128xf32, #tpu.memory_space<hbm>>
    tpu.wait_indirect_dma semaphore(%arg15 : memref<!tpu.dma_semaphore, #tpu.memory_space<semaphore_mem>>) src(%dma_wait3A_57 : memref<10000x128xf32, #tpu.memory_space<hbm>>) dst(%arg12 : memref<128x128xf32, #tpu.memory_space<vmem>>)
    %dma_start3A_58 = arith.constant 0 : i32
    %dma_start3A_59 = arith.constant 0 : i32
    %dma_start3A_60 = tpu.memref_slice %arg5[%dma_start3A_58, %dma_start3A_59] : memref<10000x128xf32, #tpu.memory_space<hbm>> -> memref<10000x128xf32, #tpu.memory_space<hbm>>
    tpu.enqueue_indirect_dma source(%dma_start3A_60 : memref<10000x128xf32, #tpu.memory_space<hbm>>) target(%arg13 : memref<128x128xf32, #tpu.memory_space<vmem>>) offsets(%arg10 : memref<128xi32, #tpu.memory_space<vmem>>) semaphore(%arg15 : memref<!tpu.dma_semaphore, #tpu.memory_space<semaphore_mem>>)
    %dma_wait3A_61 = arith.constant 0 : i32
    %dma_wait3A_62 = arith.constant 0 : i32
    %dma_wait3A_63 = tpu.memref_slice %arg5[%dma_wait3A_61, %dma_wait3A_62] : memref<10000x128xf32, #tpu.memory_space<hbm>> -> memref<10000x128xf32, #tpu.memory_space<hbm>>
    tpu.wait_indirect_dma semaphore(%arg15 : memref<!tpu.dma_semaphore, #tpu.memory_space<semaphore_mem>>) src(%dma_wait3A_63 : memref<10000x128xf32, #tpu.memory_space<hbm>>) dst(%arg13 : memref<128x128xf32, #tpu.memory_space<vmem>>)
    %scan3A_64 = arith.constant 0 : i32
    %scan3A_65 = arith.constant 0 : i32
    %scan3A_66 = arith.constant 128 : i32
    %scan3A_67 = arith.addi %scan3A_65, %scan3A_66 : i32
    %scan3A_68 = arith.constant 1 : i32
    %scan3A_69 = scf.for %scan3A_230 = %scan3A_65 to %scan3A_67 step %scan3A_68 iter_args(%scan3A_231 = %scan3A_64) -> (i32)  : i32 {
      %get3A = arith.index_cast %scan3A_230 : i32 to index
      %get3A_232 = arith.constant 0 : index
      %get3A_233 = tpu.vector_load %arg12[%get3A, %get3A_232] {strides = array<i32>} : memref<128x128xf32, #tpu.memory_space<vmem>>, vector<16xf32>,
      %get3A_234 = arith.index_cast %scan3A_230 : i32 to index
      %get3A_235 = arith.constant 0 : index
      %get3A_236 = tpu.vector_load %arg13[%get3A_234, %get3A_235] {strides = array<i32>} : memref<128x128xf32, #tpu.memory_space<vmem>>, vector<16xf32>,
      %add3A_237 = arith.addf %get3A_233, %get3A_236 : vector<16xf32>
      %swap3A_238 = arith.index_cast %scan3A_230 : i32 to index
      %swap3A_239 = arith.constant 0 : index
      %swap3A_240 = tpu.vector_load %arg12[%swap3A_238, %swap3A_239] {strides = array<i32>} : memref<128x128xf32, #tpu.memory_space<vmem>>, vector<16xf32>,
      tpu.vector_store %arg12[%swap3A_238, %swap3A_239], %add3A_237 {strides = array<i32>} : memref<128x128xf32, #tpu.memory_space<vmem>>, vector<16xf32>,
      %get3A_241 = arith.index_cast %scan3A_230 : i32 to index
      %get3A_242 = arith.constant 16 : index
      %get3A_243 = tpu.vector_load %arg12[%get3A_241, %get3A_242] {strides = array<i32>} : memref<128x128xf32, #tpu.memory_space<vmem>>, vector<16xf32>,
      %get3A_244 = arith.index_cast %scan3A_230 : i32 to index
      %get3A_245 = arith.constant 16 : index
      %get3A_246 = tpu.vector_load %arg13[%get3A_244, %get3A_245] {strides = array<i32>} : memref<128x128xf32, #tpu.memory_space<vmem>>, vector<16xf32>,
      %add3A_247 = arith.addf %get3A_243, %get3A_246 : vector<16xf32>
      %swap3A_248 = arith.index_cast %scan3A_230 : i32 to index
      %swap3A_249 = arith.constant 16 : index
      %swap3A_250 = tpu.vector_load %arg12[%swap3A_248, %swap3A_249] {strides = array<i32>} : memref<128x128xf32, #tpu.memory_space<vmem>>, vector<16xf32>,
      tpu.vector_store %arg12[%swap3A_248, %swap3A_249], %add3A_247 {strides = array<i32>} : memref<128x128xf32, #tpu.memory_space<vmem>>, vector<16xf32>,
      %get3A_251 = arith.index_cast %scan3A_230 : i32 to index
      %get3A_252 = arith.constant 32 : index
      %get3A_253 = tpu.vector_load %arg12[%get3A_251, %get3A_252] {strides = array<i32>} : memref<128x128xf32, #tpu.memory_space<vmem>>, vector<16xf32>,
      %get3A_254 = arith.index_cast %scan3A_230 : i32 to index
      %get3A_255 = arith.constant 32 : index
      %get3A_256 = tpu.vector_load %arg13[%get3A_254, %get3A_255] {strides = array<i32>} : memref<128x128xf32, #tpu.memory_space<vmem>>, vector<16xf32>,
      %add3A_257 = arith.addf %get3A_253, %get3A_256 : vector<16xf32>
      %swap3A_258 = arith.index_cast %scan3A_230 : i32 to index
      %swap3A_259 = arith.constant 32 : index
      %swap3A_260 = tpu.vector_load %arg12[%swap3A_258, %swap3A_259] {strides = array<i32>} : memref<128x128xf32, #tpu.memory_space<vmem>>, vector<16xf32>,
      tpu.vector_store %arg12[%swap3A_258, %swap3A_259], %add3A_257 {strides = array<i32>} : memref<128x128xf32, #tpu.memory_space<vmem>>, vector<16xf32>,
      %get3A_261 = arith.index_cast %scan3A_230 : i32 to index
      %get3A_262 = arith.constant 48 : index
      %get3A_263 = tpu.vector_load %arg12[%get3A_261, %get3A_262] {strides = array<i32>} : memref<128x128xf32, #tpu.memory_space<vmem>>, vector<16xf32>,
      %get3A_264 = arith.index_cast %scan3A_230 : i32 to index
      %get3A_265 = arith.constant 48 : index
      %get3A_266 = tpu.vector_load %arg13[%get3A_264, %get3A_265] {strides = array<i32>} : memref<128x128xf32, #tpu.memory_space<vmem>>, vector<16xf32>,
      %add3A_267 = arith.addf %get3A_263, %get3A_266 : vector<16xf32>
      %swap3A_268 = arith.index_cast %scan3A_230 : i32 to index
      %swap3A_269 = arith.constant 48 : index
      %swap3A_270 = tpu.vector_load %arg12[%swap3A_268, %swap3A_269] {strides = array<i32>} : memref<128x128xf32, #tpu.memory_space<vmem>>, vector<16xf32>,
      tpu.vector_store %arg12[%swap3A_268, %swap3A_269], %add3A_267 {strides = array<i32>} : memref<128x128xf32, #tpu.memory_space<vmem>>, vector<16xf32>,
      %get3A_271 = arith.index_cast %scan3A_230 : i32 to index
      %get3A_272 = arith.constant 64 : index
      %get3A_273 = tpu.vector_load %arg12[%get3A_271, %get3A_272] {strides = array<i32>} : memref<128x128xf32, #tpu.memory_space<vmem>>, vector<16xf32>,
      %get3A_274 = arith.index_cast %scan3A_230 : i32 to index
      %get3A_275 = arith.constant 64 : index
      %get3A_276 = tpu.vector_load %arg13[%get3A_274, %get3A_275] {strides = array<i32>} : memref<128x128xf32, #tpu.memory_space<vmem>>, vector<16xf32>,
      %add3A_277 = arith.addf %get3A_273, %get3A_276 : vector<16xf32>
      %swap3A_278 = arith.index_cast %scan3A_230 : i32 to index
      %swap3A_279 = arith.constant 64 : index
      %swap3A_280 = tpu.vector_load %arg12[%swap3A_278, %swap3A_279] {strides = array<i32>} : memref<128x128xf32, #tpu.memory_space<vmem>>, vector<16xf32>,
      tpu.vector_store %arg12[%swap3A_278, %swap3A_279], %add3A_277 {strides = array<i32>} : memref<128x128xf32, #tpu.memory_space<vmem>>, vector<16xf32>,
      %get3A_281 = arith.index_cast %scan3A_230 : i32 to index
      %get3A_282 = arith.constant 80 : index
      %get3A_283 = tpu.vector_load %arg12[%get3A_281, %get3A_282] {strides = array<i32>} : memref<128x128xf32, #tpu.memory_space<vmem>>, vector<16xf32>,
      %get3A_284 = arith.index_cast %scan3A_230 : i32 to index
      %get3A_285 = arith.constant 80 : index
      %get3A_286 = tpu.vector_load %arg13[%get3A_284, %get3A_285] {strides = array<i32>} : memref<128x128xf32, #tpu.memory_space<vmem>>, vector<16xf32>,
      %add3A_287 = arith.addf %get3A_283, %get3A_286 : vector<16xf32>
      %swap3A_288 = arith.index_cast %scan3A_230 : i32 to index
      %swap3A_289 = arith.constant 80 : index
      %swap3A_290 = tpu.vector_load %arg12[%swap3A_288, %swap3A_289] {strides = array<i32>} : memref<128x128xf32, #tpu.memory_space<vmem>>, vector<16xf32>,
      tpu.vector_store %arg12[%swap3A_288, %swap3A_289], %add3A_287 {strides = array<i32>} : memref<128x128xf32, #tpu.memory_space<vmem>>, vector<16xf32>,
      %get3A_291 = arith.index_cast %scan3A_230 : i32 to index
      %get3A_292 = arith.constant 96 : index
      %get3A_293 = tpu.vector_load %arg12[%get3A_291, %get3A_292] {strides = array<i32>} : memref<128x128xf32, #tpu.memory_space<vmem>>, vector<16xf32>,
      %get3A_294 = arith.index_cast %scan3A_230 : i32 to index
      %get3A_295 = arith.constant 96 : index
      %get3A_296 = tpu.vector_load %arg13[%get3A_294, %get3A_295] {strides = array<i32>} : memref<128x128xf32, #tpu.memory_space<vmem>>, vector<16xf32>,
      %add3A_297 = arith.addf %get3A_293, %get3A_296 : vector<16xf32>
      %swap3A_298 = arith.index_cast %scan3A_230 : i32 to index
      %swap3A_299 = arith.constant 96 : index
      %swap3A_300 = tpu.vector_load %arg12[%swap3A_298, %swap3A_299] {strides = array<i32>} : memref<128x128xf32, #tpu.memory_space<vmem>>, vector<16xf32>,
      tpu.vector_store %arg12[%swap3A_298, %swap3A_299], %add3A_297 {strides = array<i32>} : memref<128x128xf32, #tpu.memory_space<vmem>>, vector<16xf32>,
      %get3A_301 = arith.index_cast %scan3A_230 : i32 to index
      %get3A_302 = arith.constant 112 : index
      %get3A_303 = tpu.vector_load %arg12[%get3A_301, %get3A_302] {strides = array<i32>} : memref<128x128xf32, #tpu.memory_space<vmem>>, vector<16xf32>,
      %get3A_304 = arith.index_cast %scan3A_230 : i32 to index
      %get3A_305 = arith.constant 112 : index
      %get3A_306 = tpu.vector_load %arg13[%get3A_304, %get3A_305] {strides = array<i32>} : memref<128x128xf32, #tpu.memory_space<vmem>>, vector<16xf32>,
      %add3A_307 = arith.addf %get3A_303, %get3A_306 : vector<16xf32>
      %swap3A_308 = arith.index_cast %scan3A_230 : i32 to index
      %swap3A_309 = arith.constant 112 : index
      %swap3A_310 = tpu.vector_load %arg12[%swap3A_308, %swap3A_309] {strides = array<i32>} : memref<128x128xf32, #tpu.memory_space<vmem>>, vector<16xf32>,
      tpu.vector_store %arg12[%swap3A_308, %swap3A_309], %add3A_307 {strides = array<i32>} : memref<128x128xf32, #tpu.memory_space<vmem>>, vector<16xf32>,
      %scan3A_311 = arith.constant 0 : i32
      scf.yield %scan3A_311 : i32
    }
    %scan3A_70 = arith.constant 128 : i32
    %dma_start3A_71 = arith.constant 0 : i32
    %dma_start3A_72 = arith.constant 0 : i32
    %dma_start3A_73 = tpu.memref_slice %arg6[%dma_start3A_71, %dma_start3A_72] : memref<10000x128xf32, #tpu.memory_space<hbm>> -> memref<10000x128xf32, #tpu.memory_space<hbm>>
    tpu.enqueue_indirect_dma source(%dma_start3A_73 : memref<10000x128xf32, #tpu.memory_space<hbm>>) target(%arg13 : memref<128x128xf32, #tpu.memory_space<vmem>>) offsets(%arg10 : memref<128xi32, #tpu.memory_space<vmem>>) semaphore(%arg15 : memref<!tpu.dma_semaphore, #tpu.memory_space<semaphore_mem>>)
    %dma_wait3A_74 = arith.constant 0 : i32
    %dma_wait3A_75 = arith.constant 0 : i32
    %dma_wait3A_76 = tpu.memref_slice %arg6[%dma_wait3A_74, %dma_wait3A_75] : memref<10000x128xf32, #tpu.memory_space<hbm>> -> memref<10000x128xf32, #tpu.memory_space<hbm>>
    tpu.wait_indirect_dma semaphore(%arg15 : memref<!tpu.dma_semaphore, #tpu.memory_space<semaphore_mem>>) src(%dma_wait3A_76 : memref<10000x128xf32, #tpu.memory_space<hbm>>) dst(%arg13 : memref<128x128xf32, #tpu.memory_space<vmem>>)
    %scan3A_77 = arith.constant 0 : i32
    %scan3A_78 = arith.constant 0 : i32
    %scan3A_79 = arith.constant 128 : i32
    %scan3A_80 = arith.addi %scan3A_78, %scan3A_79 : i32
    %scan3A_81 = arith.constant 1 : i32
    %scan3A_82 = scf.for %scan3A_230 = %scan3A_78 to %scan3A_80 step %scan3A_81 iter_args(%scan3A_231 = %scan3A_77) -> (i32)  : i32 {
      %get3A = arith.index_cast %scan3A_230 : i32 to index
      %get3A_232 = arith.constant 0 : index
      %get3A_233 = tpu.vector_load %arg12[%get3A, %get3A_232] {strides = array<i32>} : memref<128x128xf32, #tpu.memory_space<vmem>>, vector<16xf32>,
      %get3A_234 = arith.index_cast %scan3A_230 : i32 to index
      %get3A_235 = arith.constant 0 : index
      %get3A_236 = tpu.vector_load %arg13[%get3A_234, %get3A_235] {strides = array<i32>} : memref<128x128xf32, #tpu.memory_space<vmem>>, vector<16xf32>,
      %add3A_237 = arith.addf %get3A_233, %get3A_236 : vector<16xf32>
      %swap3A_238 = arith.index_cast %scan3A_230 : i32 to index
      %swap3A_239 = arith.constant 0 : index
      %swap3A_240 = tpu.vector_load %arg12[%swap3A_238, %swap3A_239] {strides = array<i32>} : memref<128x128xf32, #tpu.memory_space<vmem>>, vector<16xf32>,
      tpu.vector_store %arg12[%swap3A_238, %swap3A_239], %add3A_237 {strides = array<i32>} : memref<128x128xf32, #tpu.memory_space<vmem>>, vector<16xf32>,
      %get3A_241 = arith.index_cast %scan3A_230 : i32 to index
      %get3A_242 = arith.constant 16 : index
      %get3A_243 = tpu.vector_load %arg12[%get3A_241, %get3A_242] {strides = array<i32>} : memref<128x128xf32, #tpu.memory_space<vmem>>, vector<16xf32>,
      %get3A_244 = arith.index_cast %scan3A_230 : i32 to index
      %get3A_245 = arith.constant 16 : index
      %get3A_246 = tpu.vector_load %arg13[%get3A_244, %get3A_245] {strides = array<i32>} : memref<128x128xf32, #tpu.memory_space<vmem>>, vector<16xf32>,
      %add3A_247 = arith.addf %get3A_243, %get3A_246 : vector<16xf32>
      %swap3A_248 = arith.index_cast %scan3A_230 : i32 to index
      %swap3A_249 = arith.constant 16 : index
      %swap3A_250 = tpu.vector_load %arg12[%swap3A_248, %swap3A_249] {strides = array<i32>} : memref<128x128xf32, #tpu.memory_space<vmem>>, vector<16xf32>,
      tpu.vector_store %arg12[%swap3A_248, %swap3A_249], %add3A_247 {strides = array<i32>} : memref<128x128xf32, #tpu.memory_space<vmem>>, vector<16xf32>,
      %get3A_251 = arith.index_cast %scan3A_230 : i32 to index
      %get3A_252 = arith.constant 32 : index
      %get3A_253 = tpu.vector_load %arg12[%get3A_251, %get3A_252] {strides = array<i32>} : memref<128x128xf32, #tpu.memory_space<vmem>>, vector<16xf32>,
      %get3A_254 = arith.index_cast %scan3A_230 : i32 to index
      %get3A_255 = arith.constant 32 : index
      %get3A_256 = tpu.vector_load %arg13[%get3A_254, %get3A_255] {strides = array<i32>} : memref<128x128xf32, #tpu.memory_space<vmem>>, vector<16xf32>,
      %add3A_257 = arith.addf %get3A_253, %get3A_256 : vector<16xf32>
      %swap3A_258 = arith.index_cast %scan3A_230 : i32 to index
      %swap3A_259 = arith.constant 32 : index
      %swap3A_260 = tpu.vector_load %arg12[%swap3A_258, %swap3A_259] {strides = array<i32>} : memref<128x128xf32, #tpu.memory_space<vmem>>, vector<16xf32>,
      tpu.vector_store %arg12[%swap3A_258, %swap3A_259], %add3A_257 {strides = array<i32>} : memref<128x128xf32, #tpu.memory_space<vmem>>, vector<16xf32>,
      %get3A_261 = arith.index_cast %scan3A_230 : i32 to index
      %get3A_262 = arith.constant 48 : index
      %get3A_263 = tpu.vector_load %arg12[%get3A_261, %get3A_262] {strides = array<i32>} : memref<128x128xf32, #tpu.memory_space<vmem>>, vector<16xf32>,
      %get3A_264 = arith.index_cast %scan3A_230 : i32 to index
      %get3A_265 = arith.constant 48 : index
      %get3A_266 = tpu.vector_load %arg13[%get3A_264, %get3A_265] {strides = array<i32>} : memref<128x128xf32, #tpu.memory_space<vmem>>, vector<16xf32>,
      %add3A_267 = arith.addf %get3A_263, %get3A_266 : vector<16xf32>
      %swap3A_268 = arith.index_cast %scan3A_230 : i32 to index
      %swap3A_269 = arith.constant 48 : index
      %swap3A_270 = tpu.vector_load %arg12[%swap3A_268, %swap3A_269] {strides = array<i32>} : memref<128x128xf32, #tpu.memory_space<vmem>>, vector<16xf32>,
      tpu.vector_store %arg12[%swap3A_268, %swap3A_269], %add3A_267 {strides = array<i32>} : memref<128x128xf32, #tpu.memory_space<vmem>>, vector<16xf32>,
      %get3A_271 = arith.index_cast %scan3A_230 : i32 to index
      %get3A_272 = arith.constant 64 : index
      %get3A_273 = tpu.vector_load %arg12[%get3A_271, %get3A_272] {strides = array<i32>} : memref<128x128xf32, #tpu.memory_space<vmem>>, vector<16xf32>,
      %get3A_274 = arith.index_cast %scan3A_230 : i32 to index
      %get3A_275 = arith.constant 64 : index
      %get3A_276 = tpu.vector_load %arg13[%get3A_274, %get3A_275] {strides = array<i32>} : memref<128x128xf32, #tpu.memory_space<vmem>>, vector<16xf32>,
      %add3A_277 = arith.addf %get3A_273, %get3A_276 : vector<16xf32>
      %swap3A_278 = arith.index_cast %scan3A_230 : i32 to index
      %swap3A_279 = arith.constant 64 : index
      %swap3A_280 = tpu.vector_load %arg12[%swap3A_278, %swap3A_279] {strides = array<i32>} : memref<128x128xf32, #tpu.memory_space<vmem>>, vector<16xf32>,
      tpu.vector_store %arg12[%swap3A_278, %swap3A_279], %add3A_277 {strides = array<i32>} : memref<128x128xf32, #tpu.memory_space<vmem>>, vector<16xf32>,
      %get3A_281 = arith.index_cast %scan3A_230 : i32 to index
      %get3A_282 = arith.constant 80 : index
      %get3A_283 = tpu.vector_load %arg12[%get3A_281, %get3A_282] {strides = array<i32>} : memref<128x128xf32, #tpu.memory_space<vmem>>, vector<16xf32>,
      %get3A_284 = arith.index_cast %scan3A_230 : i32 to index
      %get3A_285 = arith.constant 80 : index
      %get3A_286 = tpu.vector_load %arg13[%get3A_284, %get3A_285] {strides = array<i32>} : memref<128x128xf32, #tpu.memory_space<vmem>>, vector<16xf32>,
      %add3A_287 = arith.addf %get3A_283, %get3A_286 : vector<16xf32>
      %swap3A_288 = arith.index_cast %scan3A_230 : i32 to index
      %swap3A_289 = arith.constant 80 : index
      %swap3A_290 = tpu.vector_load %arg12[%swap3A_288, %swap3A_289] {strides = array<i32>} : memref<128x128xf32, #tpu.memory_space<vmem>>, vector<16xf32>,
      tpu.vector_store %arg12[%swap3A_288, %swap3A_289], %add3A_287 {strides = array<i32>} : memref<128x128xf32, #tpu.memory_space<vmem>>, vector<16xf32>,
      %get3A_291 = arith.index_cast %scan3A_230 : i32 to index
      %get3A_292 = arith.constant 96 : index
      %get3A_293 = tpu.vector_load %arg12[%get3A_291, %get3A_292] {strides = array<i32>} : memref<128x128xf32, #tpu.memory_space<vmem>>, vector<16xf32>,
      %get3A_294 = arith.index_cast %scan3A_230 : i32 to index
      %get3A_295 = arith.constant 96 : index
      %get3A_296 = tpu.vector_load %arg13[%get3A_294, %get3A_295] {strides = array<i32>} : memref<128x128xf32, #tpu.memory_space<vmem>>, vector<16xf32>,
      %add3A_297 = arith.addf %get3A_293, %get3A_296 : vector<16xf32>
      %swap3A_298 = arith.index_cast %scan3A_230 : i32 to index
      %swap3A_299 = arith.constant 96 : index
      %swap3A_300 = tpu.vector_load %arg12[%swap3A_298, %swap3A_299] {strides = array<i32>} : memref<128x128xf32, #tpu.memory_space<vmem>>, vector<16xf32>,
      tpu.vector_store %arg12[%swap3A_298, %swap3A_299], %add3A_297 {strides = array<i32>} : memref<128x128xf32, #tpu.memory_space<vmem>>, vector<16xf32>,
      %get3A_301 = arith.index_cast %scan3A_230 : i32 to index
      %get3A_302 = arith.constant 112 : index
      %get3A_303 = tpu.vector_load %arg12[%get3A_301, %get3A_302] {strides = array<i32>} : memref<128x128xf32, #tpu.memory_space<vmem>>, vector<16xf32>,
      %get3A_304 = arith.index_cast %scan3A_230 : i32 to index
      %get3A_305 = arith.constant 112 : index
      %get3A_306 = tpu.vector_load %arg13[%get3A_304, %get3A_305] {strides = array<i32>} : memref<128x128xf32, #tpu.memory_space<vmem>>, vector<16xf32>,
      %add3A_307 = arith.addf %get3A_303, %get3A_306 : vector<16xf32>
      %swap3A_308 = arith.index_cast %scan3A_230 : i32 to index
      %swap3A_309 = arith.constant 112 : index
      %swap3A_310 = tpu.vector_load %arg12[%swap3A_308, %swap3A_309] {strides = array<i32>} : memref<128x128xf32, #tpu.memory_space<vmem>>, vector<16xf32>,
      tpu.vector_store %arg12[%swap3A_308, %swap3A_309], %add3A_307 {strides = array<i32>} : memref<128x128xf32, #tpu.memory_space<vmem>>, vector<16xf32>,
      %scan3A_311 = arith.constant 0 : i32
      scf.yield %scan3A_311 : i32
    }
    %scan3A_83 = arith.constant 128 : i32
    %dma_start3A_84 = arith.constant 0 : i32
    %dma_start3A_85 = arith.constant 0 : i32
    %dma_start3A_86 = tpu.memref_slice %arg7[%dma_start3A_84, %dma_start3A_85] : memref<10000x128xf32, #tpu.memory_space<hbm>> -> memref<10000x128xf32, #tpu.memory_space<hbm>>
    tpu.enqueue_indirect_dma source(%dma_start3A_86 : memref<10000x128xf32, #tpu.memory_space<hbm>>) target(%arg13 : memref<128x128xf32, #tpu.memory_space<vmem>>) offsets(%arg10 : memref<128xi32, #tpu.memory_space<vmem>>) semaphore(%arg15 : memref<!tpu.dma_semaphore, #tpu.memory_space<semaphore_mem>>)
    %dma_wait3A_87 = arith.constant 0 : i32
    %dma_wait3A_88 = arith.constant 0 : i32
    %dma_wait3A_89 = tpu.memref_slice %arg7[%dma_wait3A_87, %dma_wait3A_88] : memref<10000x128xf32, #tpu.memory_space<hbm>> -> memref<10000x128xf32, #tpu.memory_space<hbm>>
    tpu.wait_indirect_dma semaphore(%arg15 : memref<!tpu.dma_semaphore, #tpu.memory_space<semaphore_mem>>) src(%dma_wait3A_89 : memref<10000x128xf32, #tpu.memory_space<hbm>>) dst(%arg13 : memref<128x128xf32, #tpu.memory_space<vmem>>)
    %scan3A_90 = arith.constant 0 : i32
    %scan3A_91 = arith.constant 0 : i32
    %scan3A_92 = arith.constant 128 : i32
    %scan3A_93 = arith.addi %scan3A_91, %scan3A_92 : i32
    %scan3A_94 = arith.constant 1 : i32
    %scan3A_95 = scf.for %scan3A_230 = %scan3A_91 to %scan3A_93 step %scan3A_94 iter_args(%scan3A_231 = %scan3A_90) -> (i32)  : i32 {
      %get3A = arith.index_cast %scan3A_230 : i32 to index
      %get3A_232 = arith.constant 0 : index
      %get3A_233 = tpu.vector_load %arg12[%get3A, %get3A_232] {strides = array<i32>} : memref<128x128xf32, #tpu.memory_space<vmem>>, vector<16xf32>,
      %get3A_234 = arith.index_cast %scan3A_230 : i32 to index
      %get3A_235 = arith.constant 0 : index
      %get3A_236 = tpu.vector_load %arg13[%get3A_234, %get3A_235] {strides = array<i32>} : memref<128x128xf32, #tpu.memory_space<vmem>>, vector<16xf32>,
      %add3A_237 = arith.addf %get3A_233, %get3A_236 : vector<16xf32>
      %swap3A_238 = arith.index_cast %scan3A_230 : i32 to index
      %swap3A_239 = arith.constant 0 : index
      %swap3A_240 = tpu.vector_load %arg12[%swap3A_238, %swap3A_239] {strides = array<i32>} : memref<128x128xf32, #tpu.memory_space<vmem>>, vector<16xf32>,
      tpu.vector_store %arg12[%swap3A_238, %swap3A_239], %add3A_237 {strides = array<i32>} : memref<128x128xf32, #tpu.memory_space<vmem>>, vector<16xf32>,
      %get3A_241 = arith.index_cast %scan3A_230 : i32 to index
      %get3A_242 = arith.constant 16 : index
      %get3A_243 = tpu.vector_load %arg12[%get3A_241, %get3A_242] {strides = array<i32>} : memref<128x128xf32, #tpu.memory_space<vmem>>, vector<16xf32>,
      %get3A_244 = arith.index_cast %scan3A_230 : i32 to index
      %get3A_245 = arith.constant 16 : index
      %get3A_246 = tpu.vector_load %arg13[%get3A_244, %get3A_245] {strides = array<i32>} : memref<128x128xf32, #tpu.memory_space<vmem>>, vector<16xf32>,
      %add3A_247 = arith.addf %get3A_243, %get3A_246 : vector<16xf32>
      %swap3A_248 = arith.index_cast %scan3A_230 : i32 to index
      %swap3A_249 = arith.constant 16 : index
      %swap3A_250 = tpu.vector_load %arg12[%swap3A_248, %swap3A_249] {strides = array<i32>} : memref<128x128xf32, #tpu.memory_space<vmem>>, vector<16xf32>,
      tpu.vector_store %arg12[%swap3A_248, %swap3A_249], %add3A_247 {strides = array<i32>} : memref<128x128xf32, #tpu.memory_space<vmem>>, vector<16xf32>,
      %get3A_251 = arith.index_cast %scan3A_230 : i32 to index
      %get3A_252 = arith.constant 32 : index
      %get3A_253 = tpu.vector_load %arg12[%get3A_251, %get3A_252] {strides = array<i32>} : memref<128x128xf32, #tpu.memory_space<vmem>>, vector<16xf32>,
      %get3A_254 = arith.index_cast %scan3A_230 : i32 to index
      %get3A_255 = arith.constant 32 : index
      %get3A_256 = tpu.vector_load %arg13[%get3A_254, %get3A_255] {strides = array<i32>} : memref<128x128xf32, #tpu.memory_space<vmem>>, vector<16xf32>,
      %add3A_257 = arith.addf %get3A_253, %get3A_256 : vector<16xf32>
      %swap3A_258 = arith.index_cast %scan3A_230 : i32 to index
      %swap3A_259 = arith.constant 32 : index
      %swap3A_260 = tpu.vector_load %arg12[%swap3A_258, %swap3A_259] {strides = array<i32>} : memref<128x128xf32, #tpu.memory_space<vmem>>, vector<16xf32>,
      tpu.vector_store %arg12[%swap3A_258, %swap3A_259], %add3A_257 {strides = array<i32>} : memref<128x128xf32, #tpu.memory_space<vmem>>, vector<16xf32>,
      %get3A_261 = arith.index_cast %scan3A_230 : i32 to index
      %get3A_262 = arith.constant 48 : index
      %get3A_263 = tpu.vector_load %arg12[%get3A_261, %get3A_262] {strides = array<i32>} : memref<128x128xf32, #tpu.memory_space<vmem>>, vector<16xf32>,
      %get3A_264 = arith.index_cast %scan3A_230 : i32 to index
      %get3A_265 = arith.constant 48 : index
      %get3A_266 = tpu.vector_load %arg13[%get3A_264, %get3A_265] {strides = array<i32>} : memref<128x128xf32, #tpu.memory_space<vmem>>, vector<16xf32>,
      %add3A_267 = arith.addf %get3A_263, %get3A_266 : vector<16xf32>
      %swap3A_268 = arith.index_cast %scan3A_230 : i32 to index
      %swap3A_269 = arith.constant 48 : index
      %swap3A_270 = tpu.vector_load %arg12[%swap3A_268, %swap3A_269] {strides = array<i32>} : memref<128x128xf32, #tpu.memory_space<vmem>>, vector<16xf32>,
      tpu.vector_store %arg12[%swap3A_268, %swap3A_269], %add3A_267 {strides = array<i32>} : memref<128x128xf32, #tpu.memory_space<vmem>>, vector<16xf32>,
      %get3A_271 = arith.index_cast %scan3A_230 : i32 to index
      %get3A_272 = arith.constant 64 : index
      %get3A_273 = tpu.vector_load %arg12[%get3A_271, %get3A_272] {strides = array<i32>} : memref<128x128xf32, #tpu.memory_space<vmem>>, vector<16xf32>,
      %get3A_274 = arith.index_cast %scan3A_230 : i32 to index
      %get3A_275 = arith.constant 64 : index
      %get3A_276 = tpu.vector_load %arg13[%get3A_274, %get3A_275] {strides = array<i32>} : memref<128x128xf32, #tpu.memory_space<vmem>>, vector<16xf32>,
      %add3A_277 = arith.addf %get3A_273, %get3A_276 : vector<16xf32>
      %swap3A_278 = arith.index_cast %scan3A_230 : i32 to index
      %swap3A_279 = arith.constant 64 : index
      %swap3A_280 = tpu.vector_load %arg12[%swap3A_278, %swap3A_279] {strides = array<i32>} : memref<128x128xf32, #tpu.memory_space<vmem>>, vector<16xf32>,
      tpu.vector_store %arg12[%swap3A_278, %swap3A_279], %add3A_277 {strides = array<i32>} : memref<128x128xf32, #tpu.memory_space<vmem>>, vector<16xf32>,
      %get3A_281 = arith.index_cast %scan3A_230 : i32 to index
      %get3A_282 = arith.constant 80 : index
      %get3A_283 = tpu.vector_load %arg12[%get3A_281, %get3A_282] {strides = array<i32>} : memref<128x128xf32, #tpu.memory_space<vmem>>, vector<16xf32>,
      %get3A_284 = arith.index_cast %scan3A_230 : i32 to index
      %get3A_285 = arith.constant 80 : index
      %get3A_286 = tpu.vector_load %arg13[%get3A_284, %get3A_285] {strides = array<i32>} : memref<128x128xf32, #tpu.memory_space<vmem>>, vector<16xf32>,
      %add3A_287 = arith.addf %get3A_283, %get3A_286 : vector<16xf32>
      %swap3A_288 = arith.index_cast %scan3A_230 : i32 to index
      %swap3A_289 = arith.constant 80 : index
      %swap3A_290 = tpu.vector_load %arg12[%swap3A_288, %swap3A_289] {strides = array<i32>} : memref<128x128xf32, #tpu.memory_space<vmem>>, vector<16xf32>,
      tpu.vector_store %arg12[%swap3A_288, %swap3A_289], %add3A_287 {strides = array<i32>} : memref<128x128xf32, #tpu.memory_space<vmem>>, vector<16xf32>,
      %get3A_291 = arith.index_cast %scan3A_230 : i32 to index
      %get3A_292 = arith.constant 96 : index
      %get3A_293 = tpu.vector_load %arg12[%get3A_291, %get3A_292] {strides = array<i32>} : memref<128x128xf32, #tpu.memory_space<vmem>>, vector<16xf32>,
      %get3A_294 = arith.index_cast %scan3A_230 : i32 to index
      %get3A_295 = arith.constant 96 : index
      %get3A_296 = tpu.vector_load %arg13[%get3A_294, %get3A_295] {strides = array<i32>} : memref<128x128xf32, #tpu.memory_space<vmem>>, vector<16xf32>,
      %add3A_297 = arith.addf %get3A_293, %get3A_296 : vector<16xf32>
      %swap3A_298 = arith.index_cast %scan3A_230 : i32 to index
      %swap3A_299 = arith.constant 96 : index
      %swap3A_300 = tpu.vector_load %arg12[%swap3A_298, %swap3A_299] {strides = array<i32>} : memref<128x128xf32, #tpu.memory_space<vmem>>, vector<16xf32>,
      tpu.vector_store %arg12[%swap3A_298, %swap3A_299], %add3A_297 {strides = array<i32>} : memref<128x128xf32, #tpu.memory_space<vmem>>, vector<16xf32>,
      %get3A_301 = arith.index_cast %scan3A_230 : i32 to index
      %get3A_302 = arith.constant 112 : index
      %get3A_303 = tpu.vector_load %arg12[%get3A_301, %get3A_302] {strides = array<i32>} : memref<128x128xf32, #tpu.memory_space<vmem>>, vector<16xf32>,
      %get3A_304 = arith.index_cast %scan3A_230 : i32 to index
      %get3A_305 = arith.constant 112 : index
      %get3A_306 = tpu.vector_load %arg13[%get3A_304, %get3A_305] {strides = array<i32>} : memref<128x128xf32, #tpu.memory_space<vmem>>, vector<16xf32>,
      %add3A_307 = arith.addf %get3A_303, %get3A_306 : vector<16xf32>
      %swap3A_308 = arith.index_cast %scan3A_230 : i32 to index
      %swap3A_309 = arith.constant 112 : index
      %swap3A_310 = tpu.vector_load %arg12[%swap3A_308, %swap3A_309] {strides = array<i32>} : memref<128x128xf32, #tpu.memory_space<vmem>>, vector<16xf32>,
      tpu.vector_store %arg12[%swap3A_308, %swap3A_309], %add3A_307 {strides = array<i32>} : memref<128x128xf32, #tpu.memory_space<vmem>>, vector<16xf32>,
      %scan3A_311 = arith.constant 0 : i32
      scf.yield %scan3A_311 : i32
    }
    %scan3A_96 = arith.constant 128 : i32
    %iota3A = tpu.iota {dimensions = array<i32: 0>} : vector<16xi32>
    %add3A_97 = arith.constant 0 : i32
    %add3A_98 = vector.broadcast %add3A_97 : i32 to vector<16xi32>
    %add3A_99 = arith.addi %iota3A, %add3A_98 : vector<16xi32>
    %broadcast_in_dim3A = arith.constant 0.000000e+00 : f32
    %broadcast_in_dim3A_100 = vector.broadcast %broadcast_in_dim3A : f32 to vector<16xf32>
    %scan3A_101 = arith.constant 0 : i32
    %scan3A_102 = arith.constant 128 : i32
    %scan3A_103 = arith.addi %scan3A_101, %scan3A_102 : i32
    %scan3A_104 = arith.constant 1 : i32
    %scan3A_105 = scf.for %scan3A_230 = %scan3A_101 to %scan3A_103 step %scan3A_104 iter_args(%scan3A_231 = %broadcast_in_dim3A_100) -> (vector<16xf32>)  : i32 {
      %broadcast_in_dim3A_232 = vector.broadcast %scan3A_230 : i32 to vector<16xi32>
      %gather3A = tpu.vector_load_idx %arg11[%add3A_99, %broadcast_in_dim3A_232] : memref<128x128xf32, #tpu.memory_space<vmem>>[vector<16xi32>, vector<16xi32>], vector<16xf32>,
      %gather3A_233 = tpu.vector_load_idx %arg12[%add3A_99, %broadcast_in_dim3A_232] : memref<128x128xf32, #tpu.memory_space<vmem>>[vector<16xi32>, vector<16xi32>], vector<16xf32>,
      %mul3A_234 = arith.mulf %gather3A, %gather3A_233 : vector<16xf32>
      %add3A_235 = arith.addf %scan3A_231, %mul3A_234 : vector<16xf32>
      scf.yield %add3A_235 : vector<16xf32>
    }
    %scan3A_106 = arith.constant 128 : i32
    %mul3A_107 = arith.constant 0.111111112 : f32
    %mul3A_108 = vector.broadcast %mul3A_107 : f32 to vector<16xf32>
    %mul3A_109 = arith.mulf %scan3A_105, %mul3A_108 : vector<16xf32>
    %swap3A = arith.constant 0 : index
    %swap3A_110 = tpu.vector_load %arg14[%swap3A] {strides = array<i32>} : memref<128xf32, #tpu.memory_space<vmem>>, vector<16xf32>,
    tpu.vector_store %arg14[%swap3A], %mul3A_109 {strides = array<i32>} : memref<128xf32, #tpu.memory_space<vmem>>, vector<16xf32>,
    %iota3A_111 = tpu.iota {dimensions = array<i32: 0>} : vector<16xi32>
    %add3A_112 = arith.constant 16 : i32
    %add3A_113 = vector.broadcast %add3A_112 : i32 to vector<16xi32>
    %add3A_114 = arith.addi %iota3A_111, %add3A_113 : vector<16xi32>
    %broadcast_in_dim3A_115 = arith.constant 0.000000e+00 : f32
    %broadcast_in_dim3A_116 = vector.broadcast %broadcast_in_dim3A_115 : f32 to vector<16xf32>
    %scan3A_117 = arith.constant 0 : i32
    %scan3A_118 = arith.constant 128 : i32
    %scan3A_119 = arith.addi %scan3A_117, %scan3A_118 : i32
    %scan3A_120 = arith.constant 1 : i32
    %scan3A_121 = scf.for %scan3A_230 = %scan3A_117 to %scan3A_119 step %scan3A_120 iter_args(%scan3A_231 = %broadcast_in_dim3A_116) -> (vector<16xf32>)  : i32 {
      %broadcast_in_dim3A_232 = vector.broadcast %scan3A_230 : i32 to vector<16xi32>
      %gather3A = tpu.vector_load_idx %arg11[%add3A_114, %broadcast_in_dim3A_232] : memref<128x128xf32, #tpu.memory_space<vmem>>[vector<16xi32>, vector<16xi32>], vector<16xf32>,
      %gather3A_233 = tpu.vector_load_idx %arg12[%add3A_114, %broadcast_in_dim3A_232] : memref<128x128xf32, #tpu.memory_space<vmem>>[vector<16xi32>, vector<16xi32>], vector<16xf32>,
      %mul3A_234 = arith.mulf %gather3A, %gather3A_233 : vector<16xf32>
      %add3A_235 = arith.addf %scan3A_231, %mul3A_234 : vector<16xf32>
      scf.yield %add3A_235 : vector<16xf32>
    }
    %scan3A_122 = arith.constant 128 : i32
    %mul3A_123 = arith.constant 0.111111112 : f32
    %mul3A_124 = vector.broadcast %mul3A_123 : f32 to vector<16xf32>
    %mul3A_125 = arith.mulf %scan3A_121, %mul3A_124 : vector<16xf32>
    %swap3A_126 = arith.constant 16 : index
    %swap3A_127 = tpu.vector_load %arg14[%swap3A_126] {strides = array<i32>} : memref<128xf32, #tpu.memory_space<vmem>>, vector<16xf32>,
    tpu.vector_store %arg14[%swap3A_126], %mul3A_125 {strides = array<i32>} : memref<128xf32, #tpu.memory_space<vmem>>, vector<16xf32>,
    %iota3A_128 = tpu.iota {dimensions = array<i32: 0>} : vector<16xi32>
    %add3A_129 = arith.constant 32 : i32
    %add3A_130 = vector.broadcast %add3A_129 : i32 to vector<16xi32>
    %add3A_131 = arith.addi %iota3A_128, %add3A_130 : vector<16xi32>
    %broadcast_in_dim3A_132 = arith.constant 0.000000e+00 : f32
    %broadcast_in_dim3A_133 = vector.broadcast %broadcast_in_dim3A_132 : f32 to vector<16xf32>
    %scan3A_134 = arith.constant 0 : i32
    %scan3A_135 = arith.constant 128 : i32
    %scan3A_136 = arith.addi %scan3A_134, %scan3A_135 : i32
    %scan3A_137 = arith.constant 1 : i32
    %scan3A_138 = scf.for %scan3A_230 = %scan3A_134 to %scan3A_136 step %scan3A_137 iter_args(%scan3A_231 = %broadcast_in_dim3A_133) -> (vector<16xf32>)  : i32 {
      %broadcast_in_dim3A_232 = vector.broadcast %scan3A_230 : i32 to vector<16xi32>
      %gather3A = tpu.vector_load_idx %arg11[%add3A_131, %broadcast_in_dim3A_232] : memref<128x128xf32, #tpu.memory_space<vmem>>[vector<16xi32>, vector<16xi32>], vector<16xf32>,
      %gather3A_233 = tpu.vector_load_idx %arg12[%add3A_131, %broadcast_in_dim3A_232] : memref<128x128xf32, #tpu.memory_space<vmem>>[vector<16xi32>, vector<16xi32>], vector<16xf32>,
      %mul3A_234 = arith.mulf %gather3A, %gather3A_233 : vector<16xf32>
      %add3A_235 = arith.addf %scan3A_231, %mul3A_234 : vector<16xf32>
      scf.yield %add3A_235 : vector<16xf32>
    }
    %scan3A_139 = arith.constant 128 : i32
    %mul3A_140 = arith.constant 0.111111112 : f32
    %mul3A_141 = vector.broadcast %mul3A_140 : f32 to vector<16xf32>
    %mul3A_142 = arith.mulf %scan3A_138, %mul3A_141 : vector<16xf32>
    %swap3A_143 = arith.constant 32 : index
    %swap3A_144 = tpu.vector_load %arg14[%swap3A_143] {strides = array<i32>} : memref<128xf32, #tpu.memory_space<vmem>>, vector<16xf32>,
    tpu.vector_store %arg14[%swap3A_143], %mul3A_142 {strides = array<i32>} : memref<128xf32, #tpu.memory_space<vmem>>, vector<16xf32>,
    %iota3A_145 = tpu.iota {dimensions = array<i32: 0>} : vector<16xi32>
    %add3A_146 = arith.constant 48 : i32
    %add3A_147 = vector.broadcast %add3A_146 : i32 to vector<16xi32>
    %add3A_148 = arith.addi %iota3A_145, %add3A_147 : vector<16xi32>
    %broadcast_in_dim3A_149 = arith.constant 0.000000e+00 : f32
    %broadcast_in_dim3A_150 = vector.broadcast %broadcast_in_dim3A_149 : f32 to vector<16xf32>
    %scan3A_151 = arith.constant 0 : i32
    %scan3A_152 = arith.constant 128 : i32
    %scan3A_153 = arith.addi %scan3A_151, %scan3A_152 : i32
    %scan3A_154 = arith.constant 1 : i32
    %scan3A_155 = scf.for %scan3A_230 = %scan3A_151 to %scan3A_153 step %scan3A_154 iter_args(%scan3A_231 = %broadcast_in_dim3A_150) -> (vector<16xf32>)  : i32 {
      %broadcast_in_dim3A_232 = vector.broadcast %scan3A_230 : i32 to vector<16xi32>
      %gather3A = tpu.vector_load_idx %arg11[%add3A_148, %broadcast_in_dim3A_232] : memref<128x128xf32, #tpu.memory_space<vmem>>[vector<16xi32>, vector<16xi32>], vector<16xf32>,
      %gather3A_233 = tpu.vector_load_idx %arg12[%add3A_148, %broadcast_in_dim3A_232] : memref<128x128xf32, #tpu.memory_space<vmem>>[vector<16xi32>, vector<16xi32>], vector<16xf32>,
      %mul3A_234 = arith.mulf %gather3A, %gather3A_233 : vector<16xf32>
      %add3A_235 = arith.addf %scan3A_231, %mul3A_234 : vector<16xf32>
      scf.yield %add3A_235 : vector<16xf32>
    }
    %scan3A_156 = arith.constant 128 : i32
    %mul3A_157 = arith.constant 0.111111112 : f32
    %mul3A_158 = vector.broadcast %mul3A_157 : f32 to vector<16xf32>
    %mul3A_159 = arith.mulf %scan3A_155, %mul3A_158 : vector<16xf32>
    %swap3A_160 = arith.constant 48 : index
    %swap3A_161 = tpu.vector_load %arg14[%swap3A_160] {strides = array<i32>} : memref<128xf32, #tpu.memory_space<vmem>>, vector<16xf32>,
    tpu.vector_store %arg14[%swap3A_160], %mul3A_159 {strides = array<i32>} : memref<128xf32, #tpu.memory_space<vmem>>, vector<16xf32>,
    %iota3A_162 = tpu.iota {dimensions = array<i32: 0>} : vector<16xi32>
    %add3A_163 = arith.constant 64 : i32
    %add3A_164 = vector.broadcast %add3A_163 : i32 to vector<16xi32>
    %add3A_165 = arith.addi %iota3A_162, %add3A_164 : vector<16xi32>
    %broadcast_in_dim3A_166 = arith.constant 0.000000e+00 : f32
    %broadcast_in_dim3A_167 = vector.broadcast %broadcast_in_dim3A_166 : f32 to vector<16xf32>
    %scan3A_168 = arith.constant 0 : i32
    %scan3A_169 = arith.constant 128 : i32
    %scan3A_170 = arith.addi %scan3A_168, %scan3A_169 : i32
    %scan3A_171 = arith.constant 1 : i32
    %scan3A_172 = scf.for %scan3A_230 = %scan3A_168 to %scan3A_170 step %scan3A_171 iter_args(%scan3A_231 = %broadcast_in_dim3A_167) -> (vector<16xf32>)  : i32 {
      %broadcast_in_dim3A_232 = vector.broadcast %scan3A_230 : i32 to vector<16xi32>
      %gather3A = tpu.vector_load_idx %arg11[%add3A_165, %broadcast_in_dim3A_232] : memref<128x128xf32, #tpu.memory_space<vmem>>[vector<16xi32>, vector<16xi32>], vector<16xf32>,
      %gather3A_233 = tpu.vector_load_idx %arg12[%add3A_165, %broadcast_in_dim3A_232] : memref<128x128xf32, #tpu.memory_space<vmem>>[vector<16xi32>, vector<16xi32>], vector<16xf32>,
      %mul3A_234 = arith.mulf %gather3A, %gather3A_233 : vector<16xf32>
      %add3A_235 = arith.addf %scan3A_231, %mul3A_234 : vector<16xf32>
      scf.yield %add3A_235 : vector<16xf32>
    }
    %scan3A_173 = arith.constant 128 : i32
    %mul3A_174 = arith.constant 0.111111112 : f32
    %mul3A_175 = vector.broadcast %mul3A_174 : f32 to vector<16xf32>
    %mul3A_176 = arith.mulf %scan3A_172, %mul3A_175 : vector<16xf32>
    %swap3A_177 = arith.constant 64 : index
    %swap3A_178 = tpu.vector_load %arg14[%swap3A_177] {strides = array<i32>} : memref<128xf32, #tpu.memory_space<vmem>>, vector<16xf32>,
    tpu.vector_store %arg14[%swap3A_177], %mul3A_176 {strides = array<i32>} : memref<128xf32, #tpu.memory_space<vmem>>, vector<16xf32>,
    %iota3A_179 = tpu.iota {dimensions = array<i32: 0>} : vector<16xi32>
    %add3A_180 = arith.constant 80 : i32
    %add3A_181 = vector.broadcast %add3A_180 : i32 to vector<16xi32>
    %add3A_182 = arith.addi %iota3A_179, %add3A_181 : vector<16xi32>
    %broadcast_in_dim3A_183 = arith.constant 0.000000e+00 : f32
    %broadcast_in_dim3A_184 = vector.broadcast %broadcast_in_dim3A_183 : f32 to vector<16xf32>
    %scan3A_185 = arith.constant 0 : i32
    %scan3A_186 = arith.constant 128 : i32
    %scan3A_187 = arith.addi %scan3A_185, %scan3A_186 : i32
    %scan3A_188 = arith.constant 1 : i32
    %scan3A_189 = scf.for %scan3A_230 = %scan3A_185 to %scan3A_187 step %scan3A_188 iter_args(%scan3A_231 = %broadcast_in_dim3A_184) -> (vector<16xf32>)  : i32 {
      %broadcast_in_dim3A_232 = vector.broadcast %scan3A_230 : i32 to vector<16xi32>
      %gather3A = tpu.vector_load_idx %arg11[%add3A_182, %broadcast_in_dim3A_232] : memref<128x128xf32, #tpu.memory_space<vmem>>[vector<16xi32>, vector<16xi32>], vector<16xf32>,
      %gather3A_233 = tpu.vector_load_idx %arg12[%add3A_182, %broadcast_in_dim3A_232] : memref<128x128xf32, #tpu.memory_space<vmem>>[vector<16xi32>, vector<16xi32>], vector<16xf32>,
      %mul3A_234 = arith.mulf %gather3A, %gather3A_233 : vector<16xf32>
      %add3A_235 = arith.addf %scan3A_231, %mul3A_234 : vector<16xf32>
      scf.yield %add3A_235 : vector<16xf32>
    }
    %scan3A_190 = arith.constant 128 : i32
    %mul3A_191 = arith.constant 0.111111112 : f32
    %mul3A_192 = vector.broadcast %mul3A_191 : f32 to vector<16xf32>
    %mul3A_193 = arith.mulf %scan3A_189, %mul3A_192 : vector<16xf32>
    %swap3A_194 = arith.constant 80 : index
    %swap3A_195 = tpu.vector_load %arg14[%swap3A_194] {strides = array<i32>} : memref<128xf32, #tpu.memory_space<vmem>>, vector<16xf32>,
    tpu.vector_store %arg14[%swap3A_194], %mul3A_193 {strides = array<i32>} : memref<128xf32, #tpu.memory_space<vmem>>, vector<16xf32>,
    %iota3A_196 = tpu.iota {dimensions = array<i32: 0>} : vector<16xi32>
    %add3A_197 = arith.constant 96 : i32
    %add3A_198 = vector.broadcast %add3A_197 : i32 to vector<16xi32>
    %add3A_199 = arith.addi %iota3A_196, %add3A_198 : vector<16xi32>
    %broadcast_in_dim3A_200 = arith.constant 0.000000e+00 : f32
    %broadcast_in_dim3A_201 = vector.broadcast %broadcast_in_dim3A_200 : f32 to vector<16xf32>
    %scan3A_202 = arith.constant 0 : i32
    %scan3A_203 = arith.constant 128 : i32
    %scan3A_204 = arith.addi %scan3A_202, %scan3A_203 : i32
    %scan3A_205 = arith.constant 1 : i32
    %scan3A_206 = scf.for %scan3A_230 = %scan3A_202 to %scan3A_204 step %scan3A_205 iter_args(%scan3A_231 = %broadcast_in_dim3A_201) -> (vector<16xf32>)  : i32 {
      %broadcast_in_dim3A_232 = vector.broadcast %scan3A_230 : i32 to vector<16xi32>
      %gather3A = tpu.vector_load_idx %arg11[%add3A_199, %broadcast_in_dim3A_232] : memref<128x128xf32, #tpu.memory_space<vmem>>[vector<16xi32>, vector<16xi32>], vector<16xf32>,
      %gather3A_233 = tpu.vector_load_idx %arg12[%add3A_199, %broadcast_in_dim3A_232] : memref<128x128xf32, #tpu.memory_space<vmem>>[vector<16xi32>, vector<16xi32>], vector<16xf32>,
      %mul3A_234 = arith.mulf %gather3A, %gather3A_233 : vector<16xf32>
      %add3A_235 = arith.addf %scan3A_231, %mul3A_234 : vector<16xf32>
      scf.yield %add3A_235 : vector<16xf32>
    }
    %scan3A_207 = arith.constant 128 : i32
    %mul3A_208 = arith.constant 0.111111112 : f32
    %mul3A_209 = vector.broadcast %mul3A_208 : f32 to vector<16xf32>
    %mul3A_210 = arith.mulf %scan3A_206, %mul3A_209 : vector<16xf32>
    %swap3A_211 = arith.constant 96 : index
    %swap3A_212 = tpu.vector_load %arg14[%swap3A_211] {strides = array<i32>} : memref<128xf32, #tpu.memory_space<vmem>>, vector<16xf32>,
    tpu.vector_store %arg14[%swap3A_211], %mul3A_210 {strides = array<i32>} : memref<128xf32, #tpu.memory_space<vmem>>, vector<16xf32>,
    %iota3A_213 = tpu.iota {dimensions = array<i32: 0>} : vector<16xi32>
    %add3A_214 = arith.constant 112 : i32
    %add3A_215 = vector.broadcast %add3A_214 : i32 to vector<16xi32>
    %add3A_216 = arith.addi %iota3A_213, %add3A_215 : vector<16xi32>
    %broadcast_in_dim3A_217 = arith.constant 0.000000e+00 : f32
    %broadcast_in_dim3A_218 = vector.broadcast %broadcast_in_dim3A_217 : f32 to vector<16xf32>
    %scan3A_219 = arith.constant 0 : i32
    %scan3A_220 = arith.constant 128 : i32
    %scan3A_221 = arith.addi %scan3A_219, %scan3A_220 : i32
    %scan3A_222 = arith.constant 1 : i32
    %scan3A_223 = scf.for %scan3A_230 = %scan3A_219 to %scan3A_221 step %scan3A_222 iter_args(%scan3A_231 = %broadcast_in_dim3A_218) -> (vector<16xf32>)  : i32 {
      %broadcast_in_dim3A_232 = vector.broadcast %scan3A_230 : i32 to vector<16xi32>
      %gather3A = tpu.vector_load_idx %arg11[%add3A_216, %broadcast_in_dim3A_232] : memref<128x128xf32, #tpu.memory_space<vmem>>[vector<16xi32>, vector<16xi32>], vector<16xf32>,
      %gather3A_233 = tpu.vector_load_idx %arg12[%add3A_216, %broadcast_in_dim3A_232] : memref<128x128xf32, #tpu.memory_space<vmem>>[vector<16xi32>, vector<16xi32>], vector<16xf32>,
      %mul3A_234 = arith.mulf %gather3A, %gather3A_233 : vector<16xf32>
      %add3A_235 = arith.addf %scan3A_231, %mul3A_234 : vector<16xf32>
      scf.yield %add3A_235 : vector<16xf32>
    }
    %scan3A_224 = arith.constant 128 : i32
    %mul3A_225 = arith.constant 0.111111112 : f32
    %mul3A_226 = vector.broadcast %mul3A_225 : f32 to vector<16xf32>
    %mul3A_227 = arith.mulf %scan3A_223, %mul3A_226 : vector<16xf32>
    %swap3A_228 = arith.constant 112 : index
    %swap3A_229 = tpu.vector_load %arg14[%swap3A_228] {strides = array<i32>} : memref<128xf32, #tpu.memory_space<vmem>>, vector<16xf32>,
    tpu.vector_store %arg14[%swap3A_228], %mul3A_227 {strides = array<i32>} : memref<128xf32, #tpu.memory_space<vmem>>, vector<16xf32>,
    "tpu.region"() ({
      %run_scoped3A = tpu.sem_alloc : memref<!tpu.dma_semaphore, #tpu.memory_space<semaphore_mem>>
      %dma_start3A_230 = tpu.memref_slice %arg8[%mul3A_2] : memref<4096xf32, #tpu.memory_space<hbm>> -> memref<128xf32, #tpu.memory_space<hbm>>
      %dma_start3A_231 = tpu.memref_slice %arg8[%mul3A_2] : memref<4096xf32, #tpu.memory_space<hbm>> -> memref<128xf32, #tpu.memory_space<hbm>>
      tpu.enqueue_dma source(%arg14 : memref<128xf32, #tpu.memory_space<vmem>>) target(%dma_start3A_231 : memref<128xf32, #tpu.memory_space<hbm>>) target_semaphore(%run_scoped3A : memref<!tpu.dma_semaphore, #tpu.memory_space<semaphore_mem>>)
      %dma_wait3A_232 = tpu.memref_slice %arg8[%mul3A_2] : memref<4096xf32, #tpu.memory_space<hbm>> -> memref<128xf32, #tpu.memory_space<hbm>>
      %dma_wait3A_233 = tpu.memref_slice %arg8[%mul3A_2] : memref<4096xf32, #tpu.memory_space<hbm>> -> memref<128xf32, #tpu.memory_space<hbm>>
      tpu.wait_dma2 semaphore(%run_scoped3A : memref<!tpu.dma_semaphore, #tpu.memory_space<semaphore_mem>>) src(%arg14 : memref<128xf32, #tpu.memory_space<vmem>>) dst(%dma_wait3A_233 : memref<128xf32, #tpu.memory_space<hbm>>)
      tpu.yield
    }) : () -> ()
    return
  }
}

#map = affine_map<(d0, d1) -> (0, 0)>
#map1 = affine_map<(d0, d1) -> (0)>
module attributes {stable_mosaic.version = 14 : i64} {
  func.func @_propagate_body(%arg0: i32, %arg1: i32, %arg2: memref<10000x128xf32, #tpu.memory_space<hbm>>, %arg3: memref<320000xi32, #tpu.memory_space<hbm>>, %arg4: memref<320000xi32, #tpu.memory_space<hbm>>, %arg5: memref<320000xf32, #tpu.memory_space<hbm>>, %arg6: memref<10000x128xf32, #tpu.memory_space<hbm>>, %arg7: memref<10000x128xf32, #tpu.memory_space<hbm>>, %arg8: memref<10000x128xf32, #tpu.memory_space<vmem_shared>>, %arg9: memref<128xi32, #tpu.memory_space<vmem>>, %arg10: memref<128xi32, #tpu.memory_space<vmem>>, %arg11: memref<128xf32, #tpu.memory_space<vmem>>, %arg12: memref<128x128xf32, #tpu.memory_space<vmem>>, %arg13: memref<!tpu.dma_semaphore, #tpu.memory_space<semaphore_mem>>) attributes {dimension_semantics = [#tpu.dimension_semantics<core_parallel>, #tpu.dimension_semantics<subcore_parallel>], iteration_bounds = array<i64: 2, 16>, scalar_prefetch = 0 : i64, scratch_operands = 6 : i64, tpu.core_type = #tpu.core_type<sc_vector_subcore>, window_params = [{transform_indices = #map}, {transform_indices = #map1}, {transform_indices = #map1}, {transform_indices = #map1}, {transform_indices = #map}, {transform_indices = #map}]} {
    %mul3A = arith.constant 16 : i32
    %mul3A_0 = arith.muli %arg0, %mul3A : i32
    %add3A = arith.addi %mul3A_0, %arg1 : i32
    %broadcast_in_dim3A = arith.constant 0.000000e+00 : f32
    %broadcast_in_dim3A_1 = vector.broadcast %broadcast_in_dim3A : f32 to vector<16xf32>
    %scan3A = arith.constant 0 : i32
    %scan3A_2 = arith.constant 0 : i32
    %scan3A_3 = arith.constant 80 : i32
    %scan3A_4 = arith.addi %scan3A_2, %scan3A_3 : i32
    %scan3A_5 = arith.constant 1 : i32
    %scan3A_6 = scf.for %scan3A_30 = %scan3A_2 to %scan3A_4 step %scan3A_5 iter_args(%scan3A_31 = %scan3A) -> (i32)  : i32 {
      %swap3A = arith.index_cast %scan3A_30 : i32 to index
      %swap3A_32 = arith.constant 0 : index
      %swap3A_33 = tpu.vector_load %arg12[%swap3A, %swap3A_32] {strides = array<i32>} : memref<128x128xf32, #tpu.memory_space<vmem>>, vector<16xf32>,
      tpu.vector_store %arg12[%swap3A, %swap3A_32], %broadcast_in_dim3A_1 {strides = array<i32>} : memref<128x128xf32, #tpu.memory_space<vmem>>, vector<16xf32>,
      %swap3A_34 = arith.index_cast %scan3A_30 : i32 to index
      %swap3A_35 = arith.constant 16 : index
      %swap3A_36 = tpu.vector_load %arg12[%swap3A_34, %swap3A_35] {strides = array<i32>} : memref<128x128xf32, #tpu.memory_space<vmem>>, vector<16xf32>,
      tpu.vector_store %arg12[%swap3A_34, %swap3A_35], %broadcast_in_dim3A_1 {strides = array<i32>} : memref<128x128xf32, #tpu.memory_space<vmem>>, vector<16xf32>,
      %swap3A_37 = arith.index_cast %scan3A_30 : i32 to index
      %swap3A_38 = arith.constant 32 : index
      %swap3A_39 = tpu.vector_load %arg12[%swap3A_37, %swap3A_38] {strides = array<i32>} : memref<128x128xf32, #tpu.memory_space<vmem>>, vector<16xf32>,
      tpu.vector_store %arg12[%swap3A_37, %swap3A_38], %broadcast_in_dim3A_1 {strides = array<i32>} : memref<128x128xf32, #tpu.memory_space<vmem>>, vector<16xf32>,
      %swap3A_40 = arith.index_cast %scan3A_30 : i32 to index
      %swap3A_41 = arith.constant 48 : index
      %swap3A_42 = tpu.vector_load %arg12[%swap3A_40, %swap3A_41] {strides = array<i32>} : memref<128x128xf32, #tpu.memory_space<vmem>>, vector<16xf32>,
      tpu.vector_store %arg12[%swap3A_40, %swap3A_41], %broadcast_in_dim3A_1 {strides = array<i32>} : memref<128x128xf32, #tpu.memory_space<vmem>>, vector<16xf32>,
      %swap3A_43 = arith.index_cast %scan3A_30 : i32 to index
      %swap3A_44 = arith.constant 64 : index
      %swap3A_45 = tpu.vector_load %arg12[%swap3A_43, %swap3A_44] {strides = array<i32>} : memref<128x128xf32, #tpu.memory_space<vmem>>, vector<16xf32>,
      tpu.vector_store %arg12[%swap3A_43, %swap3A_44], %broadcast_in_dim3A_1 {strides = array<i32>} : memref<128x128xf32, #tpu.memory_space<vmem>>, vector<16xf32>,
      %swap3A_46 = arith.index_cast %scan3A_30 : i32 to index
      %swap3A_47 = arith.constant 80 : index
      %swap3A_48 = tpu.vector_load %arg12[%swap3A_46, %swap3A_47] {strides = array<i32>} : memref<128x128xf32, #tpu.memory_space<vmem>>, vector<16xf32>,
      tpu.vector_store %arg12[%swap3A_46, %swap3A_47], %broadcast_in_dim3A_1 {strides = array<i32>} : memref<128x128xf32, #tpu.memory_space<vmem>>, vector<16xf32>,
      %swap3A_49 = arith.index_cast %scan3A_30 : i32 to index
      %swap3A_50 = arith.constant 96 : index
      %swap3A_51 = tpu.vector_load %arg12[%swap3A_49, %swap3A_50] {strides = array<i32>} : memref<128x128xf32, #tpu.memory_space<vmem>>, vector<16xf32>,
      tpu.vector_store %arg12[%swap3A_49, %swap3A_50], %broadcast_in_dim3A_1 {strides = array<i32>} : memref<128x128xf32, #tpu.memory_space<vmem>>, vector<16xf32>,
      %swap3A_52 = arith.index_cast %scan3A_30 : i32 to index
      %swap3A_53 = arith.constant 112 : index
      %swap3A_54 = tpu.vector_load %arg12[%swap3A_52, %swap3A_53] {strides = array<i32>} : memref<128x128xf32, #tpu.memory_space<vmem>>, vector<16xf32>,
      tpu.vector_store %arg12[%swap3A_52, %swap3A_53], %broadcast_in_dim3A_1 {strides = array<i32>} : memref<128x128xf32, #tpu.memory_space<vmem>>, vector<16xf32>,
      %scan3A_55 = arith.constant 0 : i32
      scf.yield %scan3A_55 : i32
    }
    %scan3A_7 = arith.constant 80 : i32
    %scan3A_8 = arith.constant 0 : i32
    %scan3A_9 = arith.constant 0 : i32
    %scan3A_10 = arith.constant 8 : i32
    %scan3A_11 = arith.addi %scan3A_9, %scan3A_10 : i32
    %scan3A_12 = arith.constant 1 : i32
    %scan3A_13 = scf.for %scan3A_30 = %scan3A_9 to %scan3A_11 step %scan3A_12 iter_args(%scan3A_31 = %scan3A_8) -> (i32)  : i32 {
      %mul3A_32 = arith.constant 16 : i32
      %mul3A_33 = arith.muli %mul3A_32, %scan3A_30 : i32
      %add3A_34 = arith.addi %arg1, %mul3A_33 : i32
      %lt3A = arith.constant 125 : i32
      %lt3A_35 = arith.cmpi slt, %add3A_34, %lt3A : i32
      %convert_element_type3A_36 = arith.extui %lt3A_35 : i1 to i32
      %cond3A_37 = arith.constant 0 : i32
      %cond3A_38 = arith.cmpi ne, %convert_element_type3A_36, %cond3A_37 : i32
      scf.if %cond3A_38 {
        %mul3A_40 = arith.constant 80 : i32
        %mul3A_41 = arith.muli %add3A_34, %mul3A_40 : i32
        "tpu.region"() ({
          %run_scoped3A = tpu.sem_alloc : memref<!tpu.dma_semaphore, #tpu.memory_space<semaphore_mem>>
          %dma_start3A = arith.constant 0 : i32
          %dma_start3A_42 = arith.constant 0 : i32
          %dma_start3A_43 = tpu.memref_slice %arg12[%dma_start3A, %dma_start3A_42] : memref<128x128xf32, #tpu.memory_space<vmem>> -> memref<80x128xf32, #tpu.memory_space<vmem>>
          %dma_start3A_44 = arith.constant 0 : i32
          %dma_start3A_45 = tpu.memref_slice %arg8[%mul3A_41, %dma_start3A_44] : memref<10000x128xf32, #tpu.memory_space<vmem_shared>> -> memref<80x128xf32, #tpu.memory_space<vmem_shared>>
          %dma_start3A_46 = arith.constant 0 : i32
          %dma_start3A_47 = tpu.memref_slice %arg8[%mul3A_41, %dma_start3A_46] : memref<10000x128xf32, #tpu.memory_space<vmem_shared>> -> memref<80x128xf32, #tpu.memory_space<vmem_shared>>
          %dma_start3A_48 = arith.constant 0 : i32
          %dma_start3A_49 = arith.constant 0 : i32
          %dma_start3A_50 = tpu.memref_slice %arg12[%dma_start3A_48, %dma_start3A_49] : memref<128x128xf32, #tpu.memory_space<vmem>> -> memref<80x128xf32, #tpu.memory_space<vmem>>
          tpu.enqueue_dma source(%dma_start3A_50 : memref<80x128xf32, #tpu.memory_space<vmem>>) target(%dma_start3A_47 : memref<80x128xf32, #tpu.memory_space<vmem_shared>>) target_semaphore(%run_scoped3A : memref<!tpu.dma_semaphore, #tpu.memory_space<semaphore_mem>>)
          %dma_wait3A = arith.constant 0 : i32
          %dma_wait3A_51 = arith.constant 0 : i32
          %dma_wait3A_52 = tpu.memref_slice %arg12[%dma_wait3A, %dma_wait3A_51] : memref<128x128xf32, #tpu.memory_space<vmem>> -> memref<80x128xf32, #tpu.memory_space<vmem>>
          %dma_wait3A_53 = arith.constant 0 : i32
          %dma_wait3A_54 = tpu.memref_slice %arg8[%mul3A_41, %dma_wait3A_53] : memref<10000x128xf32, #tpu.memory_space<vmem_shared>> -> memref<80x128xf32, #tpu.memory_space<vmem_shared>>
          %dma_wait3A_55 = arith.constant 0 : i32
          %dma_wait3A_56 = tpu.memref_slice %arg8[%mul3A_41, %dma_wait3A_55] : memref<10000x128xf32, #tpu.memory_space<vmem_shared>> -> memref<80x128xf32, #tpu.memory_space<vmem_shared>>
          %dma_wait3A_57 = arith.constant 0 : i32
          %dma_wait3A_58 = arith.constant 0 : i32
          %dma_wait3A_59 = tpu.memref_slice %arg12[%dma_wait3A_57, %dma_wait3A_58] : memref<128x128xf32, #tpu.memory_space<vmem>> -> memref<80x128xf32, #tpu.memory_space<vmem>>
          tpu.wait_dma2 semaphore(%run_scoped3A : memref<!tpu.dma_semaphore, #tpu.memory_space<semaphore_mem>>) src(%dma_wait3A_59 : memref<80x128xf32, #tpu.memory_space<vmem>>) dst(%dma_wait3A_56 : memref<80x128xf32, #tpu.memory_space<vmem_shared>>)
          tpu.yield
        }) : () -> ()
      } else {
      }
      %scan3A_39 = arith.constant 0 : i32
      scf.yield %scan3A_39 : i32
    }
    %scan3A_14 = arith.constant 8 : i32
    %barrier3A = arith.constant 0 : index
    tpu.barrier barrier_id(%barrier3A)
    %scan3A_15 = arith.constant 0 : i32
    %scan3A_16 = arith.constant 0 : i32
    %scan3A_17 = arith.constant 79 : i32
    %scan3A_18 = arith.addi %scan3A_16, %scan3A_17 : i32
    %scan3A_19 = arith.constant 1 : i32
    %scan3A_20 = scf.for %scan3A_30 = %scan3A_16 to %scan3A_18 step %scan3A_19 iter_args(%scan3A_31 = %scan3A_15) -> (i32)  : i32 {
      %mul3A_32 = arith.constant 32 : i32
      %mul3A_33 = arith.muli %mul3A_32, %scan3A_30 : i32
      %add3A_34 = arith.addi %add3A, %mul3A_33 : i32
      %lt3A = arith.constant 2500 : i32
      %lt3A_35 = arith.cmpi slt, %add3A_34, %lt3A : i32
      %convert_element_type3A_36 = arith.extui %lt3A_35 : i1 to i32
      %cond3A_37 = arith.constant 0 : i32
      %cond3A_38 = arith.cmpi ne, %convert_element_type3A_36, %cond3A_37 : i32
      scf.if %cond3A_38 {
        %mul3A_40 = arith.constant 128 : i32
        %mul3A_41 = arith.muli %add3A_34, %mul3A_40 : i32
        "tpu.region"() ({
          %run_scoped3A = tpu.sem_alloc : memref<!tpu.dma_semaphore, #tpu.memory_space<semaphore_mem>>
          %dma_start3A_53 = tpu.memref_slice %arg4[%mul3A_41] : memref<320000xi32, #tpu.memory_space<hbm>> -> memref<128xi32, #tpu.memory_space<hbm>>
          %dma_start3A_54 = tpu.memref_slice %arg4[%mul3A_41] : memref<320000xi32, #tpu.memory_space<hbm>> -> memref<128xi32, #tpu.memory_space<hbm>>
          tpu.enqueue_dma source(%dma_start3A_54 : memref<128xi32, #tpu.memory_space<hbm>>) target(%arg9 : memref<128xi32, #tpu.memory_space<vmem>>) target_semaphore(%run_scoped3A : memref<!tpu.dma_semaphore, #tpu.memory_space<semaphore_mem>>)
          %dma_wait3A_55 = tpu.memref_slice %arg4[%mul3A_41] : memref<320000xi32, #tpu.memory_space<hbm>> -> memref<128xi32, #tpu.memory_space<hbm>>
          %dma_wait3A_56 = tpu.memref_slice %arg4[%mul3A_41] : memref<320000xi32, #tpu.memory_space<hbm>> -> memref<128xi32, #tpu.memory_space<hbm>>
          tpu.wait_dma2 semaphore(%run_scoped3A : memref<!tpu.dma_semaphore, #tpu.memory_space<semaphore_mem>>) src(%dma_wait3A_56 : memref<128xi32, #tpu.memory_space<hbm>>) dst(%arg9 : memref<128xi32, #tpu.memory_space<vmem>>)
          tpu.yield
        }) : () -> ()
        "tpu.region"() ({
          %run_scoped3A = tpu.sem_alloc : memref<!tpu.dma_semaphore, #tpu.memory_space<semaphore_mem>>
          %dma_start3A_53 = tpu.memref_slice %arg3[%mul3A_41] : memref<320000xi32, #tpu.memory_space<hbm>> -> memref<128xi32, #tpu.memory_space<hbm>>
          %dma_start3A_54 = tpu.memref_slice %arg3[%mul3A_41] : memref<320000xi32, #tpu.memory_space<hbm>> -> memref<128xi32, #tpu.memory_space<hbm>>
          tpu.enqueue_dma source(%dma_start3A_54 : memref<128xi32, #tpu.memory_space<hbm>>) target(%arg10 : memref<128xi32, #tpu.memory_space<vmem>>) target_semaphore(%run_scoped3A : memref<!tpu.dma_semaphore, #tpu.memory_space<semaphore_mem>>)
          %dma_wait3A_55 = tpu.memref_slice %arg3[%mul3A_41] : memref<320000xi32, #tpu.memory_space<hbm>> -> memref<128xi32, #tpu.memory_space<hbm>>
          %dma_wait3A_56 = tpu.memref_slice %arg3[%mul3A_41] : memref<320000xi32, #tpu.memory_space<hbm>> -> memref<128xi32, #tpu.memory_space<hbm>>
          tpu.wait_dma2 semaphore(%run_scoped3A : memref<!tpu.dma_semaphore, #tpu.memory_space<semaphore_mem>>) src(%dma_wait3A_56 : memref<128xi32, #tpu.memory_space<hbm>>) dst(%arg10 : memref<128xi32, #tpu.memory_space<vmem>>)
          tpu.yield
        }) : () -> ()
        "tpu.region"() ({
          %run_scoped3A = tpu.sem_alloc : memref<!tpu.dma_semaphore, #tpu.memory_space<semaphore_mem>>
          %dma_start3A_53 = tpu.memref_slice %arg5[%mul3A_41] : memref<320000xf32, #tpu.memory_space<hbm>> -> memref<128xf32, #tpu.memory_space<hbm>>
          %dma_start3A_54 = tpu.memref_slice %arg5[%mul3A_41] : memref<320000xf32, #tpu.memory_space<hbm>> -> memref<128xf32, #tpu.memory_space<hbm>>
          tpu.enqueue_dma source(%dma_start3A_54 : memref<128xf32, #tpu.memory_space<hbm>>) target(%arg11 : memref<128xf32, #tpu.memory_space<vmem>>) target_semaphore(%run_scoped3A : memref<!tpu.dma_semaphore, #tpu.memory_space<semaphore_mem>>)
          %dma_wait3A_55 = tpu.memref_slice %arg5[%mul3A_41] : memref<320000xf32, #tpu.memory_space<hbm>> -> memref<128xf32, #tpu.memory_space<hbm>>
          %dma_wait3A_56 = tpu.memref_slice %arg5[%mul3A_41] : memref<320000xf32, #tpu.memory_space<hbm>> -> memref<128xf32, #tpu.memory_space<hbm>>
          tpu.wait_dma2 semaphore(%run_scoped3A : memref<!tpu.dma_semaphore, #tpu.memory_space<semaphore_mem>>) src(%dma_wait3A_56 : memref<128xf32, #tpu.memory_space<hbm>>) dst(%arg11 : memref<128xf32, #tpu.memory_space<vmem>>)
          tpu.yield
        }) : () -> ()
        %dma_start3A = arith.constant 0 : i32
        %dma_start3A_42 = arith.constant 0 : i32
        %dma_start3A_43 = tpu.memref_slice %arg2[%dma_start3A, %dma_start3A_42] : memref<10000x128xf32, #tpu.memory_space<hbm>> -> memref<10000x128xf32, #tpu.memory_space<hbm>>
        tpu.enqueue_indirect_dma source(%dma_start3A_43 : memref<10000x128xf32, #tpu.memory_space<hbm>>) target(%arg12 : memref<128x128xf32, #tpu.memory_space<vmem>>) offsets(%arg9 : memref<128xi32, #tpu.memory_space<vmem>>) semaphore(%arg13 : memref<!tpu.dma_semaphore, #tpu.memory_space<semaphore_mem>>)
        %dma_wait3A = arith.constant 0 : i32
        %dma_wait3A_44 = arith.constant 0 : i32
        %dma_wait3A_45 = tpu.memref_slice %arg2[%dma_wait3A, %dma_wait3A_44] : memref<10000x128xf32, #tpu.memory_space<hbm>> -> memref<10000x128xf32, #tpu.memory_space<hbm>>
        tpu.wait_indirect_dma semaphore(%arg13 : memref<!tpu.dma_semaphore, #tpu.memory_space<semaphore_mem>>) src(%dma_wait3A_45 : memref<10000x128xf32, #tpu.memory_space<hbm>>) dst(%arg12 : memref<128x128xf32, #tpu.memory_space<vmem>>)
        %scan3A_46 = arith.constant 0 : i32
        %scan3A_47 = arith.constant 0 : i32
        %scan3A_48 = arith.constant 128 : i32
        %scan3A_49 = arith.addi %scan3A_47, %scan3A_48 : i32
        %scan3A_50 = arith.constant 1 : i32
        %scan3A_51 = scf.for %scan3A_53 = %scan3A_47 to %scan3A_49 step %scan3A_50 iter_args(%scan3A_54 = %scan3A_46) -> (i32)  : i32 {
          %broadcast_in_dim3A_55 = vector.broadcast %scan3A_53 : i32 to vector<16xi32>
          %gather3A = tpu.vector_load_idx %arg11[%broadcast_in_dim3A_55] : memref<128xf32, #tpu.memory_space<vmem>>[vector<16xi32>], vector<16xf32>,
          %get3A = arith.index_cast %scan3A_53 : i32 to index
          %get3A_56 = arith.constant 0 : index
          %get3A_57 = tpu.vector_load %arg12[%get3A, %get3A_56] {strides = array<i32>} : memref<128x128xf32, #tpu.memory_space<vmem>>, vector<16xf32>,
          %mul3A_58 = arith.mulf %get3A_57, %gather3A : vector<16xf32>
          %swap3A = arith.index_cast %scan3A_53 : i32 to index
          %swap3A_59 = arith.constant 0 : index
          %swap3A_60 = tpu.vector_load %arg12[%swap3A, %swap3A_59] {strides = array<i32>} : memref<128x128xf32, #tpu.memory_space<vmem>>, vector<16xf32>,
          tpu.vector_store %arg12[%swap3A, %swap3A_59], %mul3A_58 {strides = array<i32>} : memref<128x128xf32, #tpu.memory_space<vmem>>, vector<16xf32>,
          %get3A_61 = arith.index_cast %scan3A_53 : i32 to index
          %get3A_62 = arith.constant 16 : index
          %get3A_63 = tpu.vector_load %arg12[%get3A_61, %get3A_62] {strides = array<i32>} : memref<128x128xf32, #tpu.memory_space<vmem>>, vector<16xf32>,
          %mul3A_64 = arith.mulf %get3A_63, %gather3A : vector<16xf32>
          %swap3A_65 = arith.index_cast %scan3A_53 : i32 to index
          %swap3A_66 = arith.constant 16 : index
          %swap3A_67 = tpu.vector_load %arg12[%swap3A_65, %swap3A_66] {strides = array<i32>} : memref<128x128xf32, #tpu.memory_space<vmem>>, vector<16xf32>,
          tpu.vector_store %arg12[%swap3A_65, %swap3A_66], %mul3A_64 {strides = array<i32>} : memref<128x128xf32, #tpu.memory_space<vmem>>, vector<16xf32>,
          %get3A_68 = arith.index_cast %scan3A_53 : i32 to index
          %get3A_69 = arith.constant 32 : index
          %get3A_70 = tpu.vector_load %arg12[%get3A_68, %get3A_69] {strides = array<i32>} : memref<128x128xf32, #tpu.memory_space<vmem>>, vector<16xf32>,
          %mul3A_71 = arith.mulf %get3A_70, %gather3A : vector<16xf32>
          %swap3A_72 = arith.index_cast %scan3A_53 : i32 to index
          %swap3A_73 = arith.constant 32 : index
          %swap3A_74 = tpu.vector_load %arg12[%swap3A_72, %swap3A_73] {strides = array<i32>} : memref<128x128xf32, #tpu.memory_space<vmem>>, vector<16xf32>,
          tpu.vector_store %arg12[%swap3A_72, %swap3A_73], %mul3A_71 {strides = array<i32>} : memref<128x128xf32, #tpu.memory_space<vmem>>, vector<16xf32>,
          %get3A_75 = arith.index_cast %scan3A_53 : i32 to index
          %get3A_76 = arith.constant 48 : index
          %get3A_77 = tpu.vector_load %arg12[%get3A_75, %get3A_76] {strides = array<i32>} : memref<128x128xf32, #tpu.memory_space<vmem>>, vector<16xf32>,
          %mul3A_78 = arith.mulf %get3A_77, %gather3A : vector<16xf32>
          %swap3A_79 = arith.index_cast %scan3A_53 : i32 to index
          %swap3A_80 = arith.constant 48 : index
          %swap3A_81 = tpu.vector_load %arg12[%swap3A_79, %swap3A_80] {strides = array<i32>} : memref<128x128xf32, #tpu.memory_space<vmem>>, vector<16xf32>,
          tpu.vector_store %arg12[%swap3A_79, %swap3A_80], %mul3A_78 {strides = array<i32>} : memref<128x128xf32, #tpu.memory_space<vmem>>, vector<16xf32>,
          %get3A_82 = arith.index_cast %scan3A_53 : i32 to index
          %get3A_83 = arith.constant 64 : index
          %get3A_84 = tpu.vector_load %arg12[%get3A_82, %get3A_83] {strides = array<i32>} : memref<128x128xf32, #tpu.memory_space<vmem>>, vector<16xf32>,
          %mul3A_85 = arith.mulf %get3A_84, %gather3A : vector<16xf32>
          %swap3A_86 = arith.index_cast %scan3A_53 : i32 to index
          %swap3A_87 = arith.constant 64 : index
          %swap3A_88 = tpu.vector_load %arg12[%swap3A_86, %swap3A_87] {strides = array<i32>} : memref<128x128xf32, #tpu.memory_space<vmem>>, vector<16xf32>,
          tpu.vector_store %arg12[%swap3A_86, %swap3A_87], %mul3A_85 {strides = array<i32>} : memref<128x128xf32, #tpu.memory_space<vmem>>, vector<16xf32>,
          %get3A_89 = arith.index_cast %scan3A_53 : i32 to index
          %get3A_90 = arith.constant 80 : index
          %get3A_91 = tpu.vector_load %arg12[%get3A_89, %get3A_90] {strides = array<i32>} : memref<128x128xf32, #tpu.memory_space<vmem>>, vector<16xf32>,
          %mul3A_92 = arith.mulf %get3A_91, %gather3A : vector<16xf32>
          %swap3A_93 = arith.index_cast %scan3A_53 : i32 to index
          %swap3A_94 = arith.constant 80 : index
          %swap3A_95 = tpu.vector_load %arg12[%swap3A_93, %swap3A_94] {strides = array<i32>} : memref<128x128xf32, #tpu.memory_space<vmem>>, vector<16xf32>,
          tpu.vector_store %arg12[%swap3A_93, %swap3A_94], %mul3A_92 {strides = array<i32>} : memref<128x128xf32, #tpu.memory_space<vmem>>, vector<16xf32>,
          %get3A_96 = arith.index_cast %scan3A_53 : i32 to index
          %get3A_97 = arith.constant 96 : index
          %get3A_98 = tpu.vector_load %arg12[%get3A_96, %get3A_97] {strides = array<i32>} : memref<128x128xf32, #tpu.memory_space<vmem>>, vector<16xf32>,
          %mul3A_99 = arith.mulf %get3A_98, %gather3A : vector<16xf32>
          %swap3A_100 = arith.index_cast %scan3A_53 : i32 to index
          %swap3A_101 = arith.constant 96 : index
          %swap3A_102 = tpu.vector_load %arg12[%swap3A_100, %swap3A_101] {strides = array<i32>} : memref<128x128xf32, #tpu.memory_space<vmem>>, vector<16xf32>,
          tpu.vector_store %arg12[%swap3A_100, %swap3A_101], %mul3A_99 {strides = array<i32>} : memref<128x128xf32, #tpu.memory_space<vmem>>, vector<16xf32>,
          %get3A_103 = arith.index_cast %scan3A_53 : i32 to index
          %get3A_104 = arith.constant 112 : index
          %get3A_105 = tpu.vector_load %arg12[%get3A_103, %get3A_104] {strides = array<i32>} : memref<128x128xf32, #tpu.memory_space<vmem>>, vector<16xf32>,
          %mul3A_106 = arith.mulf %get3A_105, %gather3A : vector<16xf32>
          %swap3A_107 = arith.index_cast %scan3A_53 : i32 to index
          %swap3A_108 = arith.constant 112 : index
          %swap3A_109 = tpu.vector_load %arg12[%swap3A_107, %swap3A_108] {strides = array<i32>} : memref<128x128xf32, #tpu.memory_space<vmem>>, vector<16xf32>,
          tpu.vector_store %arg12[%swap3A_107, %swap3A_108], %mul3A_106 {strides = array<i32>} : memref<128x128xf32, #tpu.memory_space<vmem>>, vector<16xf32>,
          %scan3A_110 = arith.constant 0 : i32
          scf.yield %scan3A_110 : i32
        }
        %scan3A_52 = arith.constant 128 : i32
        "tpu.region"() ({
          %run_scoped3A = tpu.sem_alloc : memref<!tpu.dma_semaphore, #tpu.memory_space<semaphore_mem>>
          %dma_start3A_53 = arith.constant 0 : i32
          %dma_start3A_54 = arith.constant 0 : i32
          %dma_start3A_55 = tpu.memref_slice %arg8[%dma_start3A_53, %dma_start3A_54] : memref<10000x128xf32, #tpu.memory_space<vmem_shared>> -> memref<10000x128xf32, #tpu.memory_space<vmem_shared>>
          tpu.enqueue_indirect_dma source(%arg12 : memref<128x128xf32, #tpu.memory_space<vmem>>) target(%dma_start3A_55 : memref<10000x128xf32, #tpu.memory_space<vmem_shared>>) offsets(%arg10 : memref<128xi32, #tpu.memory_space<vmem>>) semaphore(%run_scoped3A : memref<!tpu.dma_semaphore, #tpu.memory_space<semaphore_mem>>) {add = true}
          %dma_wait3A_56 = arith.constant 0 : i32
          %dma_wait3A_57 = arith.constant 0 : i32
          %dma_wait3A_58 = tpu.memref_slice %arg8[%dma_wait3A_56, %dma_wait3A_57] : memref<10000x128xf32, #tpu.memory_space<vmem_shared>> -> memref<10000x128xf32, #tpu.memory_space<vmem_shared>>
          tpu.wait_indirect_dma semaphore(%run_scoped3A : memref<!tpu.dma_semaphore, #tpu.memory_space<semaphore_mem>>) src(%arg12 : memref<128x128xf32, #tpu.memory_space<vmem>>) dst(%dma_wait3A_58 : memref<10000x128xf32, #tpu.memory_space<vmem_shared>>)
          tpu.yield
        }) : () -> ()
      } else {
      }
      %scan3A_39 = arith.constant 0 : i32
      scf.yield %scan3A_39 : i32
    }
    %scan3A_21 = arith.constant 79 : i32
    %barrier3A_22 = arith.constant 0 : index
    tpu.barrier barrier_id(%barrier3A_22)
    %eq3A = arith.constant 0 : i32
    %eq3A_23 = arith.cmpi eq, %arg0, %eq3A : i32
    %convert_element_type3A = arith.extui %eq3A_23 : i1 to i32
    %cond3A = arith.constant 0 : i32
    %cond3A_24 = arith.cmpi ne, %convert_element_type3A, %cond3A : i32
    scf.if %cond3A_24 {
      %scan3A_30 = arith.constant 0 : i32
      %scan3A_31 = arith.constant 0 : i32
      %scan3A_32 = arith.constant 8 : i32
      %scan3A_33 = arith.addi %scan3A_31, %scan3A_32 : i32
      %scan3A_34 = arith.constant 1 : i32
      %scan3A_35 = scf.for %scan3A_37 = %scan3A_31 to %scan3A_33 step %scan3A_34 iter_args(%scan3A_38 = %scan3A_30) -> (i32)  : i32 {
        %mul3A_39 = arith.constant 16 : i32
        %mul3A_40 = arith.muli %mul3A_39, %scan3A_37 : i32
        %add3A_41 = arith.addi %arg1, %mul3A_40 : i32
        %lt3A = arith.constant 125 : i32
        %lt3A_42 = arith.cmpi slt, %add3A_41, %lt3A : i32
        %convert_element_type3A_43 = arith.extui %lt3A_42 : i1 to i32
        %cond3A_44 = arith.constant 0 : i32
        %cond3A_45 = arith.cmpi ne, %convert_element_type3A_43, %cond3A_44 : i32
        scf.if %cond3A_45 {
          %mul3A_47 = arith.constant 80 : i32
          %mul3A_48 = arith.muli %add3A_41, %mul3A_47 : i32
          "tpu.region"() ({
            %run_scoped3A = tpu.sem_alloc : memref<!tpu.dma_semaphore, #tpu.memory_space<semaphore_mem>>
            %dma_start3A = arith.constant 0 : i32
            %dma_start3A_49 = arith.constant 0 : i32
            %dma_start3A_50 = tpu.memref_slice %arg12[%dma_start3A, %dma_start3A_49] : memref<128x128xf32, #tpu.memory_space<vmem>> -> memref<80x128xf32, #tpu.memory_space<vmem>>
            %dma_start3A_51 = arith.constant 0 : i32
            %dma_start3A_52 = tpu.memref_slice %arg8[%mul3A_48, %dma_start3A_51] : memref<10000x128xf32, #tpu.memory_space<vmem_shared>> -> memref<80x128xf32, #tpu.memory_space<vmem_shared>>
            %dma_start3A_53 = arith.constant 0 : i32
            %dma_start3A_54 = arith.constant 0 : i32
            %dma_start3A_55 = tpu.memref_slice %arg12[%dma_start3A_53, %dma_start3A_54] : memref<128x128xf32, #tpu.memory_space<vmem>> -> memref<80x128xf32, #tpu.memory_space<vmem>>
            %dma_start3A_56 = arith.constant 0 : i32
            %dma_start3A_57 = tpu.memref_slice %arg8[%mul3A_48, %dma_start3A_56] : memref<10000x128xf32, #tpu.memory_space<vmem_shared>> -> memref<80x128xf32, #tpu.memory_space<vmem_shared>>
            tpu.enqueue_dma source(%dma_start3A_57 : memref<80x128xf32, #tpu.memory_space<vmem_shared>>) target(%dma_start3A_55 : memref<80x128xf32, #tpu.memory_space<vmem>>) target_semaphore(%run_scoped3A : memref<!tpu.dma_semaphore, #tpu.memory_space<semaphore_mem>>)
            %dma_wait3A = arith.constant 0 : i32
            %dma_wait3A_58 = arith.constant 0 : i32
            %dma_wait3A_59 = tpu.memref_slice %arg12[%dma_wait3A, %dma_wait3A_58] : memref<128x128xf32, #tpu.memory_space<vmem>> -> memref<80x128xf32, #tpu.memory_space<vmem>>
            %dma_wait3A_60 = arith.constant 0 : i32
            %dma_wait3A_61 = tpu.memref_slice %arg8[%mul3A_48, %dma_wait3A_60] : memref<10000x128xf32, #tpu.memory_space<vmem_shared>> -> memref<80x128xf32, #tpu.memory_space<vmem_shared>>
            %dma_wait3A_62 = arith.constant 0 : i32
            %dma_wait3A_63 = arith.constant 0 : i32
            %dma_wait3A_64 = tpu.memref_slice %arg12[%dma_wait3A_62, %dma_wait3A_63] : memref<128x128xf32, #tpu.memory_space<vmem>> -> memref<80x128xf32, #tpu.memory_space<vmem>>
            %dma_wait3A_65 = arith.constant 0 : i32
            %dma_wait3A_66 = tpu.memref_slice %arg8[%mul3A_48, %dma_wait3A_65] : memref<10000x128xf32, #tpu.memory_space<vmem_shared>> -> memref<80x128xf32, #tpu.memory_space<vmem_shared>>
            tpu.wait_dma2 semaphore(%run_scoped3A : memref<!tpu.dma_semaphore, #tpu.memory_space<semaphore_mem>>) src(%dma_wait3A_66 : memref<80x128xf32, #tpu.memory_space<vmem_shared>>) dst(%dma_wait3A_64 : memref<80x128xf32, #tpu.memory_space<vmem>>)
            tpu.yield
          }) : () -> ()
          "tpu.region"() ({
            %run_scoped3A = tpu.sem_alloc : memref<!tpu.dma_semaphore, #tpu.memory_space<semaphore_mem>>
            %dma_start3A = arith.constant 0 : i32
            %dma_start3A_49 = arith.constant 0 : i32
            %dma_start3A_50 = tpu.memref_slice %arg12[%dma_start3A, %dma_start3A_49] : memref<128x128xf32, #tpu.memory_space<vmem>> -> memref<80x128xf32, #tpu.memory_space<vmem>>
            %dma_start3A_51 = arith.constant 0 : i32
            %dma_start3A_52 = tpu.memref_slice %arg6[%mul3A_48, %dma_start3A_51] : memref<10000x128xf32, #tpu.memory_space<hbm>> -> memref<80x128xf32, #tpu.memory_space<hbm>>
            %dma_start3A_53 = arith.constant 0 : i32
            %dma_start3A_54 = tpu.memref_slice %arg6[%mul3A_48, %dma_start3A_53] : memref<10000x128xf32, #tpu.memory_space<hbm>> -> memref<80x128xf32, #tpu.memory_space<hbm>>
            %dma_start3A_55 = arith.constant 0 : i32
            %dma_start3A_56 = arith.constant 0 : i32
            %dma_start3A_57 = tpu.memref_slice %arg12[%dma_start3A_55, %dma_start3A_56] : memref<128x128xf32, #tpu.memory_space<vmem>> -> memref<80x128xf32, #tpu.memory_space<vmem>>
            tpu.enqueue_dma source(%dma_start3A_57 : memref<80x128xf32, #tpu.memory_space<vmem>>) target(%dma_start3A_54 : memref<80x128xf32, #tpu.memory_space<hbm>>) target_semaphore(%run_scoped3A : memref<!tpu.dma_semaphore, #tpu.memory_space<semaphore_mem>>)
            %dma_wait3A = arith.constant 0 : i32
            %dma_wait3A_58 = arith.constant 0 : i32
            %dma_wait3A_59 = tpu.memref_slice %arg12[%dma_wait3A, %dma_wait3A_58] : memref<128x128xf32, #tpu.memory_space<vmem>> -> memref<80x128xf32, #tpu.memory_space<vmem>>
            %dma_wait3A_60 = arith.constant 0 : i32
            %dma_wait3A_61 = tpu.memref_slice %arg6[%mul3A_48, %dma_wait3A_60] : memref<10000x128xf32, #tpu.memory_space<hbm>> -> memref<80x128xf32, #tpu.memory_space<hbm>>
            %dma_wait3A_62 = arith.constant 0 : i32
            %dma_wait3A_63 = tpu.memref_slice %arg6[%mul3A_48, %dma_wait3A_62] : memref<10000x128xf32, #tpu.memory_space<hbm>> -> memref<80x128xf32, #tpu.memory_space<hbm>>
            %dma_wait3A_64 = arith.constant 0 : i32
            %dma_wait3A_65 = arith.constant 0 : i32
            %dma_wait3A_66 = tpu.memref_slice %arg12[%dma_wait3A_64, %dma_wait3A_65] : memref<128x128xf32, #tpu.memory_space<vmem>> -> memref<80x128xf32, #tpu.memory_space<vmem>>
            tpu.wait_dma2 semaphore(%run_scoped3A : memref<!tpu.dma_semaphore, #tpu.memory_space<semaphore_mem>>) src(%dma_wait3A_66 : memref<80x128xf32, #tpu.memory_space<vmem>>) dst(%dma_wait3A_63 : memref<80x128xf32, #tpu.memory_space<hbm>>)
            tpu.yield
          }) : () -> ()
        } else {
        }
        %scan3A_46 = arith.constant 0 : i32
        scf.yield %scan3A_46 : i32
      }
      %scan3A_36 = arith.constant 8 : i32
    } else {
    }
    %eq3A_25 = arith.constant 1 : i32
    %eq3A_26 = arith.cmpi eq, %arg0, %eq3A_25 : i32
    %convert_element_type3A_27 = arith.extui %eq3A_26 : i1 to i32
    %cond3A_28 = arith.constant 0 : i32
    %cond3A_29 = arith.cmpi ne, %convert_element_type3A_27, %cond3A_28 : i32
    scf.if %cond3A_29 {
      %scan3A_30 = arith.constant 0 : i32
      %scan3A_31 = arith.constant 0 : i32
      %scan3A_32 = arith.constant 8 : i32
      %scan3A_33 = arith.addi %scan3A_31, %scan3A_32 : i32
      %scan3A_34 = arith.constant 1 : i32
      %scan3A_35 = scf.for %scan3A_37 = %scan3A_31 to %scan3A_33 step %scan3A_34 iter_args(%scan3A_38 = %scan3A_30) -> (i32)  : i32 {
        %mul3A_39 = arith.constant 16 : i32
        %mul3A_40 = arith.muli %mul3A_39, %scan3A_37 : i32
        %add3A_41 = arith.addi %arg1, %mul3A_40 : i32
        %lt3A = arith.constant 125 : i32
        %lt3A_42 = arith.cmpi slt, %add3A_41, %lt3A : i32
        %convert_element_type3A_43 = arith.extui %lt3A_42 : i1 to i32
        %cond3A_44 = arith.constant 0 : i32
        %cond3A_45 = arith.cmpi ne, %convert_element_type3A_43, %cond3A_44 : i32
        scf.if %cond3A_45 {
          %mul3A_47 = arith.constant 80 : i32
          %mul3A_48 = arith.muli %add3A_41, %mul3A_47 : i32
          "tpu.region"() ({
            %run_scoped3A = tpu.sem_alloc : memref<!tpu.dma_semaphore, #tpu.memory_space<semaphore_mem>>
            %dma_start3A = arith.constant 0 : i32
            %dma_start3A_49 = arith.constant 0 : i32
            %dma_start3A_50 = tpu.memref_slice %arg12[%dma_start3A, %dma_start3A_49] : memref<128x128xf32, #tpu.memory_space<vmem>> -> memref<80x128xf32, #tpu.memory_space<vmem>>
            %dma_start3A_51 = arith.constant 0 : i32
            %dma_start3A_52 = tpu.memref_slice %arg8[%mul3A_48, %dma_start3A_51] : memref<10000x128xf32, #tpu.memory_space<vmem_shared>> -> memref<80x128xf32, #tpu.memory_space<vmem_shared>>
            %dma_start3A_53 = arith.constant 0 : i32
            %dma_start3A_54 = arith.constant 0 : i32
            %dma_start3A_55 = tpu.memref_slice %arg12[%dma_start3A_53, %dma_start3A_54] : memref<128x128xf32, #tpu.memory_space<vmem>> -> memref<80x128xf32, #tpu.memory_space<vmem>>
            %dma_start3A_56 = arith.constant 0 : i32
            %dma_start3A_57 = tpu.memref_slice %arg8[%mul3A_48, %dma_start3A_56] : memref<10000x128xf32, #tpu.memory_space<vmem_shared>> -> memref<80x128xf32, #tpu.memory_space<vmem_shared>>
            tpu.enqueue_dma source(%dma_start3A_57 : memref<80x128xf32, #tpu.memory_space<vmem_shared>>) target(%dma_start3A_55 : memref<80x128xf32, #tpu.memory_space<vmem>>) target_semaphore(%run_scoped3A : memref<!tpu.dma_semaphore, #tpu.memory_space<semaphore_mem>>)
            %dma_wait3A = arith.constant 0 : i32
            %dma_wait3A_58 = arith.constant 0 : i32
            %dma_wait3A_59 = tpu.memref_slice %arg12[%dma_wait3A, %dma_wait3A_58] : memref<128x128xf32, #tpu.memory_space<vmem>> -> memref<80x128xf32, #tpu.memory_space<vmem>>
            %dma_wait3A_60 = arith.constant 0 : i32
            %dma_wait3A_61 = tpu.memref_slice %arg8[%mul3A_48, %dma_wait3A_60] : memref<10000x128xf32, #tpu.memory_space<vmem_shared>> -> memref<80x128xf32, #tpu.memory_space<vmem_shared>>
            %dma_wait3A_62 = arith.constant 0 : i32
            %dma_wait3A_63 = arith.constant 0 : i32
            %dma_wait3A_64 = tpu.memref_slice %arg12[%dma_wait3A_62, %dma_wait3A_63] : memref<128x128xf32, #tpu.memory_space<vmem>> -> memref<80x128xf32, #tpu.memory_space<vmem>>
            %dma_wait3A_65 = arith.constant 0 : i32
            %dma_wait3A_66 = tpu.memref_slice %arg8[%mul3A_48, %dma_wait3A_65] : memref<10000x128xf32, #tpu.memory_space<vmem_shared>> -> memref<80x128xf32, #tpu.memory_space<vmem_shared>>
            tpu.wait_dma2 semaphore(%run_scoped3A : memref<!tpu.dma_semaphore, #tpu.memory_space<semaphore_mem>>) src(%dma_wait3A_66 : memref<80x128xf32, #tpu.memory_space<vmem_shared>>) dst(%dma_wait3A_64 : memref<80x128xf32, #tpu.memory_space<vmem>>)
            tpu.yield
          }) : () -> ()
          "tpu.region"() ({
            %run_scoped3A = tpu.sem_alloc : memref<!tpu.dma_semaphore, #tpu.memory_space<semaphore_mem>>
            %dma_start3A = arith.constant 0 : i32
            %dma_start3A_49 = arith.constant 0 : i32
            %dma_start3A_50 = tpu.memref_slice %arg12[%dma_start3A, %dma_start3A_49] : memref<128x128xf32, #tpu.memory_space<vmem>> -> memref<80x128xf32, #tpu.memory_space<vmem>>
            %dma_start3A_51 = arith.constant 0 : i32
            %dma_start3A_52 = tpu.memref_slice %arg7[%mul3A_48, %dma_start3A_51] : memref<10000x128xf32, #tpu.memory_space<hbm>> -> memref<80x128xf32, #tpu.memory_space<hbm>>
            %dma_start3A_53 = arith.constant 0 : i32
            %dma_start3A_54 = tpu.memref_slice %arg7[%mul3A_48, %dma_start3A_53] : memref<10000x128xf32, #tpu.memory_space<hbm>> -> memref<80x128xf32, #tpu.memory_space<hbm>>
            %dma_start3A_55 = arith.constant 0 : i32
            %dma_start3A_56 = arith.constant 0 : i32
            %dma_start3A_57 = tpu.memref_slice %arg12[%dma_start3A_55, %dma_start3A_56] : memref<128x128xf32, #tpu.memory_space<vmem>> -> memref<80x128xf32, #tpu.memory_space<vmem>>
            tpu.enqueue_dma source(%dma_start3A_57 : memref<80x128xf32, #tpu.memory_space<vmem>>) target(%dma_start3A_54 : memref<80x128xf32, #tpu.memory_space<hbm>>) target_semaphore(%run_scoped3A : memref<!tpu.dma_semaphore, #tpu.memory_space<semaphore_mem>>)
            %dma_wait3A = arith.constant 0 : i32
            %dma_wait3A_58 = arith.constant 0 : i32
            %dma_wait3A_59 = tpu.memref_slice %arg12[%dma_wait3A, %dma_wait3A_58] : memref<128x128xf32, #tpu.memory_space<vmem>> -> memref<80x128xf32, #tpu.memory_space<vmem>>
            %dma_wait3A_60 = arith.constant 0 : i32
            %dma_wait3A_61 = tpu.memref_slice %arg7[%mul3A_48, %dma_wait3A_60] : memref<10000x128xf32, #tpu.memory_space<hbm>> -> memref<80x128xf32, #tpu.memory_space<hbm>>
            %dma_wait3A_62 = arith.constant 0 : i32
            %dma_wait3A_63 = tpu.memref_slice %arg7[%mul3A_48, %dma_wait3A_62] : memref<10000x128xf32, #tpu.memory_space<hbm>> -> memref<80x128xf32, #tpu.memory_space<hbm>>
            %dma_wait3A_64 = arith.constant 0 : i32
            %dma_wait3A_65 = arith.constant 0 : i32
            %dma_wait3A_66 = tpu.memref_slice %arg12[%dma_wait3A_64, %dma_wait3A_65] : memref<128x128xf32, #tpu.memory_space<vmem>> -> memref<80x128xf32, #tpu.memory_space<vmem>>
            tpu.wait_dma2 semaphore(%run_scoped3A : memref<!tpu.dma_semaphore, #tpu.memory_space<semaphore_mem>>) src(%dma_wait3A_66 : memref<80x128xf32, #tpu.memory_space<vmem>>) dst(%dma_wait3A_63 : memref<80x128xf32, #tpu.memory_space<hbm>>)
            tpu.yield
          }) : () -> ()
        } else {
        }
        %scan3A_46 = arith.constant 0 : i32
        scf.yield %scan3A_46 : i32
      }
      %scan3A_36 = arith.constant 8 : i32
    } else {
    }
    return
  }
}

#map = affine_map<(d0, d1) -> (0, 0)>
#map1 = affine_map<(d0, d1) -> (0)>
module attributes {stable_mosaic.version = 14 : i64} {
  func.func @_propagate_body(%arg0: i32, %arg1: i32, %arg2: memref<10000x128xf32, #tpu.memory_space<hbm>>, %arg3: memref<320000xi32, #tpu.memory_space<hbm>>, %arg4: memref<320000xi32, #tpu.memory_space<hbm>>, %arg5: memref<320000xf32, #tpu.memory_space<hbm>>, %arg6: memref<10000x128xf32, #tpu.memory_space<hbm>>, %arg7: memref<10000x128xf32, #tpu.memory_space<hbm>>, %arg8: memref<10000x128xf32, #tpu.memory_space<vmem_shared>>, %arg9: memref<128xi32, #tpu.memory_space<vmem>>, %arg10: memref<128xi32, #tpu.memory_space<vmem>>, %arg11: memref<128xf32, #tpu.memory_space<vmem>>, %arg12: memref<128x128xf32, #tpu.memory_space<vmem>>, %arg13: memref<!tpu.dma_semaphore, #tpu.memory_space<semaphore_mem>>) attributes {dimension_semantics = [#tpu.dimension_semantics<core_parallel>, #tpu.dimension_semantics<subcore_parallel>], iteration_bounds = array<i64: 2, 16>, scalar_prefetch = 0 : i64, scratch_operands = 6 : i64, tpu.core_type = #tpu.core_type<sc_vector_subcore>, window_params = [{transform_indices = #map}, {transform_indices = #map1}, {transform_indices = #map1}, {transform_indices = #map1}, {transform_indices = #map}, {transform_indices = #map}]} {
    %mul3A = arith.constant 16 : i32
    %mul3A_0 = arith.muli %arg0, %mul3A : i32
    %add3A = arith.addi %mul3A_0, %arg1 : i32
    %broadcast_in_dim3A = arith.constant 0.000000e+00 : f32
    %broadcast_in_dim3A_1 = vector.broadcast %broadcast_in_dim3A : f32 to vector<16xf32>
    %scan3A = arith.constant 0 : i32
    %scan3A_2 = arith.constant 0 : i32
    %scan3A_3 = arith.constant 80 : i32
    %scan3A_4 = arith.addi %scan3A_2, %scan3A_3 : i32
    %scan3A_5 = arith.constant 1 : i32
    %scan3A_6 = scf.for %scan3A_30 = %scan3A_2 to %scan3A_4 step %scan3A_5 iter_args(%scan3A_31 = %scan3A) -> (i32)  : i32 {
      %swap3A = arith.index_cast %scan3A_30 : i32 to index
      %swap3A_32 = arith.constant 0 : index
      %swap3A_33 = tpu.vector_load %arg12[%swap3A, %swap3A_32] {strides = array<i32>} : memref<128x128xf32, #tpu.memory_space<vmem>>, vector<16xf32>,
      tpu.vector_store %arg12[%swap3A, %swap3A_32], %broadcast_in_dim3A_1 {strides = array<i32>} : memref<128x128xf32, #tpu.memory_space<vmem>>, vector<16xf32>,
      %swap3A_34 = arith.index_cast %scan3A_30 : i32 to index
      %swap3A_35 = arith.constant 16 : index
      %swap3A_36 = tpu.vector_load %arg12[%swap3A_34, %swap3A_35] {strides = array<i32>} : memref<128x128xf32, #tpu.memory_space<vmem>>, vector<16xf32>,
      tpu.vector_store %arg12[%swap3A_34, %swap3A_35], %broadcast_in_dim3A_1 {strides = array<i32>} : memref<128x128xf32, #tpu.memory_space<vmem>>, vector<16xf32>,
      %swap3A_37 = arith.index_cast %scan3A_30 : i32 to index
      %swap3A_38 = arith.constant 32 : index
      %swap3A_39 = tpu.vector_load %arg12[%swap3A_37, %swap3A_38] {strides = array<i32>} : memref<128x128xf32, #tpu.memory_space<vmem>>, vector<16xf32>,
      tpu.vector_store %arg12[%swap3A_37, %swap3A_38], %broadcast_in_dim3A_1 {strides = array<i32>} : memref<128x128xf32, #tpu.memory_space<vmem>>, vector<16xf32>,
      %swap3A_40 = arith.index_cast %scan3A_30 : i32 to index
      %swap3A_41 = arith.constant 48 : index
      %swap3A_42 = tpu.vector_load %arg12[%swap3A_40, %swap3A_41] {strides = array<i32>} : memref<128x128xf32, #tpu.memory_space<vmem>>, vector<16xf32>,
      tpu.vector_store %arg12[%swap3A_40, %swap3A_41], %broadcast_in_dim3A_1 {strides = array<i32>} : memref<128x128xf32, #tpu.memory_space<vmem>>, vector<16xf32>,
      %swap3A_43 = arith.index_cast %scan3A_30 : i32 to index
      %swap3A_44 = arith.constant 64 : index
      %swap3A_45 = tpu.vector_load %arg12[%swap3A_43, %swap3A_44] {strides = array<i32>} : memref<128x128xf32, #tpu.memory_space<vmem>>, vector<16xf32>,
      tpu.vector_store %arg12[%swap3A_43, %swap3A_44], %broadcast_in_dim3A_1 {strides = array<i32>} : memref<128x128xf32, #tpu.memory_space<vmem>>, vector<16xf32>,
      %swap3A_46 = arith.index_cast %scan3A_30 : i32 to index
      %swap3A_47 = arith.constant 80 : index
      %swap3A_48 = tpu.vector_load %arg12[%swap3A_46, %swap3A_47] {strides = array<i32>} : memref<128x128xf32, #tpu.memory_space<vmem>>, vector<16xf32>,
      tpu.vector_store %arg12[%swap3A_46, %swap3A_47], %broadcast_in_dim3A_1 {strides = array<i32>} : memref<128x128xf32, #tpu.memory_space<vmem>>, vector<16xf32>,
      %swap3A_49 = arith.index_cast %scan3A_30 : i32 to index
      %swap3A_50 = arith.constant 96 : index
      %swap3A_51 = tpu.vector_load %arg12[%swap3A_49, %swap3A_50] {strides = array<i32>} : memref<128x128xf32, #tpu.memory_space<vmem>>, vector<16xf32>,
      tpu.vector_store %arg12[%swap3A_49, %swap3A_50], %broadcast_in_dim3A_1 {strides = array<i32>} : memref<128x128xf32, #tpu.memory_space<vmem>>, vector<16xf32>,
      %swap3A_52 = arith.index_cast %scan3A_30 : i32 to index
      %swap3A_53 = arith.constant 112 : index
      %swap3A_54 = tpu.vector_load %arg12[%swap3A_52, %swap3A_53] {strides = array<i32>} : memref<128x128xf32, #tpu.memory_space<vmem>>, vector<16xf32>,
      tpu.vector_store %arg12[%swap3A_52, %swap3A_53], %broadcast_in_dim3A_1 {strides = array<i32>} : memref<128x128xf32, #tpu.memory_space<vmem>>, vector<16xf32>,
      %scan3A_55 = arith.constant 0 : i32
      scf.yield %scan3A_55 : i32
    }
    %scan3A_7 = arith.constant 80 : i32
    %scan3A_8 = arith.constant 0 : i32
    %scan3A_9 = arith.constant 0 : i32
    %scan3A_10 = arith.constant 8 : i32
    %scan3A_11 = arith.addi %scan3A_9, %scan3A_10 : i32
    %scan3A_12 = arith.constant 1 : i32
    %scan3A_13 = scf.for %scan3A_30 = %scan3A_9 to %scan3A_11 step %scan3A_12 iter_args(%scan3A_31 = %scan3A_8) -> (i32)  : i32 {
      %mul3A_32 = arith.constant 16 : i32
      %mul3A_33 = arith.muli %mul3A_32, %scan3A_30 : i32
      %add3A_34 = arith.addi %arg1, %mul3A_33 : i32
      %lt3A = arith.constant 125 : i32
      %lt3A_35 = arith.cmpi slt, %add3A_34, %lt3A : i32
      %convert_element_type3A_36 = arith.extui %lt3A_35 : i1 to i32
      %cond3A_37 = arith.constant 0 : i32
      %cond3A_38 = arith.cmpi ne, %convert_element_type3A_36, %cond3A_37 : i32
      scf.if %cond3A_38 {
        %mul3A_40 = arith.constant 80 : i32
        %mul3A_41 = arith.muli %add3A_34, %mul3A_40 : i32
        "tpu.region"() ({
          %run_scoped3A = tpu.sem_alloc : memref<!tpu.dma_semaphore, #tpu.memory_space<semaphore_mem>>
          %dma_start3A = arith.constant 0 : i32
          %dma_start3A_42 = arith.constant 0 : i32
          %dma_start3A_43 = tpu.memref_slice %arg12[%dma_start3A, %dma_start3A_42] : memref<128x128xf32, #tpu.memory_space<vmem>> -> memref<80x128xf32, #tpu.memory_space<vmem>>
          %dma_start3A_44 = arith.constant 0 : i32
          %dma_start3A_45 = tpu.memref_slice %arg8[%mul3A_41, %dma_start3A_44] : memref<10000x128xf32, #tpu.memory_space<vmem_shared>> -> memref<80x128xf32, #tpu.memory_space<vmem_shared>>
          %dma_start3A_46 = arith.constant 0 : i32
          %dma_start3A_47 = tpu.memref_slice %arg8[%mul3A_41, %dma_start3A_46] : memref<10000x128xf32, #tpu.memory_space<vmem_shared>> -> memref<80x128xf32, #tpu.memory_space<vmem_shared>>
          %dma_start3A_48 = arith.constant 0 : i32
          %dma_start3A_49 = arith.constant 0 : i32
          %dma_start3A_50 = tpu.memref_slice %arg12[%dma_start3A_48, %dma_start3A_49] : memref<128x128xf32, #tpu.memory_space<vmem>> -> memref<80x128xf32, #tpu.memory_space<vmem>>
          tpu.enqueue_dma source(%dma_start3A_50 : memref<80x128xf32, #tpu.memory_space<vmem>>) target(%dma_start3A_47 : memref<80x128xf32, #tpu.memory_space<vmem_shared>>) target_semaphore(%run_scoped3A : memref<!tpu.dma_semaphore, #tpu.memory_space<semaphore_mem>>)
          %dma_wait3A = arith.constant 0 : i32
          %dma_wait3A_51 = arith.constant 0 : i32
          %dma_wait3A_52 = tpu.memref_slice %arg12[%dma_wait3A, %dma_wait3A_51] : memref<128x128xf32, #tpu.memory_space<vmem>> -> memref<80x128xf32, #tpu.memory_space<vmem>>
          %dma_wait3A_53 = arith.constant 0 : i32
          %dma_wait3A_54 = tpu.memref_slice %arg8[%mul3A_41, %dma_wait3A_53] : memref<10000x128xf32, #tpu.memory_space<vmem_shared>> -> memref<80x128xf32, #tpu.memory_space<vmem_shared>>
          %dma_wait3A_55 = arith.constant 0 : i32
          %dma_wait3A_56 = tpu.memref_slice %arg8[%mul3A_41, %dma_wait3A_55] : memref<10000x128xf32, #tpu.memory_space<vmem_shared>> -> memref<80x128xf32, #tpu.memory_space<vmem_shared>>
          %dma_wait3A_57 = arith.constant 0 : i32
          %dma_wait3A_58 = arith.constant 0 : i32
          %dma_wait3A_59 = tpu.memref_slice %arg12[%dma_wait3A_57, %dma_wait3A_58] : memref<128x128xf32, #tpu.memory_space<vmem>> -> memref<80x128xf32, #tpu.memory_space<vmem>>
          tpu.wait_dma2 semaphore(%run_scoped3A : memref<!tpu.dma_semaphore, #tpu.memory_space<semaphore_mem>>) src(%dma_wait3A_59 : memref<80x128xf32, #tpu.memory_space<vmem>>) dst(%dma_wait3A_56 : memref<80x128xf32, #tpu.memory_space<vmem_shared>>)
          tpu.yield
        }) : () -> ()
      } else {
      }
      %scan3A_39 = arith.constant 0 : i32
      scf.yield %scan3A_39 : i32
    }
    %scan3A_14 = arith.constant 8 : i32
    %barrier3A = arith.constant 0 : index
    tpu.barrier barrier_id(%barrier3A)
    %scan3A_15 = arith.constant 0 : i32
    %scan3A_16 = arith.constant 0 : i32
    %scan3A_17 = arith.constant 79 : i32
    %scan3A_18 = arith.addi %scan3A_16, %scan3A_17 : i32
    %scan3A_19 = arith.constant 1 : i32
    %scan3A_20 = scf.for %scan3A_30 = %scan3A_16 to %scan3A_18 step %scan3A_19 iter_args(%scan3A_31 = %scan3A_15) -> (i32)  : i32 {
      %mul3A_32 = arith.constant 32 : i32
      %mul3A_33 = arith.muli %mul3A_32, %scan3A_30 : i32
      %add3A_34 = arith.addi %add3A, %mul3A_33 : i32
      %lt3A = arith.constant 2500 : i32
      %lt3A_35 = arith.cmpi slt, %add3A_34, %lt3A : i32
      %convert_element_type3A_36 = arith.extui %lt3A_35 : i1 to i32
      %cond3A_37 = arith.constant 0 : i32
      %cond3A_38 = arith.cmpi ne, %convert_element_type3A_36, %cond3A_37 : i32
      scf.if %cond3A_38 {
        %mul3A_40 = arith.constant 128 : i32
        %mul3A_41 = arith.muli %add3A_34, %mul3A_40 : i32
        "tpu.region"() ({
          %run_scoped3A = tpu.sem_alloc : memref<!tpu.dma_semaphore, #tpu.memory_space<semaphore_mem>>
          %dma_start3A_53 = tpu.memref_slice %arg4[%mul3A_41] : memref<320000xi32, #tpu.memory_space<hbm>> -> memref<128xi32, #tpu.memory_space<hbm>>
          %dma_start3A_54 = tpu.memref_slice %arg4[%mul3A_41] : memref<320000xi32, #tpu.memory_space<hbm>> -> memref<128xi32, #tpu.memory_space<hbm>>
          tpu.enqueue_dma source(%dma_start3A_54 : memref<128xi32, #tpu.memory_space<hbm>>) target(%arg9 : memref<128xi32, #tpu.memory_space<vmem>>) target_semaphore(%run_scoped3A : memref<!tpu.dma_semaphore, #tpu.memory_space<semaphore_mem>>)
          %dma_wait3A_55 = tpu.memref_slice %arg4[%mul3A_41] : memref<320000xi32, #tpu.memory_space<hbm>> -> memref<128xi32, #tpu.memory_space<hbm>>
          %dma_wait3A_56 = tpu.memref_slice %arg4[%mul3A_41] : memref<320000xi32, #tpu.memory_space<hbm>> -> memref<128xi32, #tpu.memory_space<hbm>>
          tpu.wait_dma2 semaphore(%run_scoped3A : memref<!tpu.dma_semaphore, #tpu.memory_space<semaphore_mem>>) src(%dma_wait3A_56 : memref<128xi32, #tpu.memory_space<hbm>>) dst(%arg9 : memref<128xi32, #tpu.memory_space<vmem>>)
          tpu.yield
        }) : () -> ()
        "tpu.region"() ({
          %run_scoped3A = tpu.sem_alloc : memref<!tpu.dma_semaphore, #tpu.memory_space<semaphore_mem>>
          %dma_start3A_53 = tpu.memref_slice %arg3[%mul3A_41] : memref<320000xi32, #tpu.memory_space<hbm>> -> memref<128xi32, #tpu.memory_space<hbm>>
          %dma_start3A_54 = tpu.memref_slice %arg3[%mul3A_41] : memref<320000xi32, #tpu.memory_space<hbm>> -> memref<128xi32, #tpu.memory_space<hbm>>
          tpu.enqueue_dma source(%dma_start3A_54 : memref<128xi32, #tpu.memory_space<hbm>>) target(%arg10 : memref<128xi32, #tpu.memory_space<vmem>>) target_semaphore(%run_scoped3A : memref<!tpu.dma_semaphore, #tpu.memory_space<semaphore_mem>>)
          %dma_wait3A_55 = tpu.memref_slice %arg3[%mul3A_41] : memref<320000xi32, #tpu.memory_space<hbm>> -> memref<128xi32, #tpu.memory_space<hbm>>
          %dma_wait3A_56 = tpu.memref_slice %arg3[%mul3A_41] : memref<320000xi32, #tpu.memory_space<hbm>> -> memref<128xi32, #tpu.memory_space<hbm>>
          tpu.wait_dma2 semaphore(%run_scoped3A : memref<!tpu.dma_semaphore, #tpu.memory_space<semaphore_mem>>) src(%dma_wait3A_56 : memref<128xi32, #tpu.memory_space<hbm>>) dst(%arg10 : memref<128xi32, #tpu.memory_space<vmem>>)
          tpu.yield
        }) : () -> ()
        "tpu.region"() ({
          %run_scoped3A = tpu.sem_alloc : memref<!tpu.dma_semaphore, #tpu.memory_space<semaphore_mem>>
          %dma_start3A_53 = tpu.memref_slice %arg5[%mul3A_41] : memref<320000xf32, #tpu.memory_space<hbm>> -> memref<128xf32, #tpu.memory_space<hbm>>
          %dma_start3A_54 = tpu.memref_slice %arg5[%mul3A_41] : memref<320000xf32, #tpu.memory_space<hbm>> -> memref<128xf32, #tpu.memory_space<hbm>>
          tpu.enqueue_dma source(%dma_start3A_54 : memref<128xf32, #tpu.memory_space<hbm>>) target(%arg11 : memref<128xf32, #tpu.memory_space<vmem>>) target_semaphore(%run_scoped3A : memref<!tpu.dma_semaphore, #tpu.memory_space<semaphore_mem>>)
          %dma_wait3A_55 = tpu.memref_slice %arg5[%mul3A_41] : memref<320000xf32, #tpu.memory_space<hbm>> -> memref<128xf32, #tpu.memory_space<hbm>>
          %dma_wait3A_56 = tpu.memref_slice %arg5[%mul3A_41] : memref<320000xf32, #tpu.memory_space<hbm>> -> memref<128xf32, #tpu.memory_space<hbm>>
          tpu.wait_dma2 semaphore(%run_scoped3A : memref<!tpu.dma_semaphore, #tpu.memory_space<semaphore_mem>>) src(%dma_wait3A_56 : memref<128xf32, #tpu.memory_space<hbm>>) dst(%arg11 : memref<128xf32, #tpu.memory_space<vmem>>)
          tpu.yield
        }) : () -> ()
        %dma_start3A = arith.constant 0 : i32
        %dma_start3A_42 = arith.constant 0 : i32
        %dma_start3A_43 = tpu.memref_slice %arg2[%dma_start3A, %dma_start3A_42] : memref<10000x128xf32, #tpu.memory_space<hbm>> -> memref<10000x128xf32, #tpu.memory_space<hbm>>
        tpu.enqueue_indirect_dma source(%dma_start3A_43 : memref<10000x128xf32, #tpu.memory_space<hbm>>) target(%arg12 : memref<128x128xf32, #tpu.memory_space<vmem>>) offsets(%arg9 : memref<128xi32, #tpu.memory_space<vmem>>) semaphore(%arg13 : memref<!tpu.dma_semaphore, #tpu.memory_space<semaphore_mem>>)
        %dma_wait3A = arith.constant 0 : i32
        %dma_wait3A_44 = arith.constant 0 : i32
        %dma_wait3A_45 = tpu.memref_slice %arg2[%dma_wait3A, %dma_wait3A_44] : memref<10000x128xf32, #tpu.memory_space<hbm>> -> memref<10000x128xf32, #tpu.memory_space<hbm>>
        tpu.wait_indirect_dma semaphore(%arg13 : memref<!tpu.dma_semaphore, #tpu.memory_space<semaphore_mem>>) src(%dma_wait3A_45 : memref<10000x128xf32, #tpu.memory_space<hbm>>) dst(%arg12 : memref<128x128xf32, #tpu.memory_space<vmem>>)
        %scan3A_46 = arith.constant 0 : i32
        %scan3A_47 = arith.constant 0 : i32
        %scan3A_48 = arith.constant 128 : i32
        %scan3A_49 = arith.addi %scan3A_47, %scan3A_48 : i32
        %scan3A_50 = arith.constant 1 : i32
        %scan3A_51 = scf.for %scan3A_53 = %scan3A_47 to %scan3A_49 step %scan3A_50 iter_args(%scan3A_54 = %scan3A_46) -> (i32)  : i32 {
          %broadcast_in_dim3A_55 = vector.broadcast %scan3A_53 : i32 to vector<16xi32>
          %gather3A = tpu.vector_load_idx %arg11[%broadcast_in_dim3A_55] : memref<128xf32, #tpu.memory_space<vmem>>[vector<16xi32>], vector<16xf32>,
          %get3A = arith.index_cast %scan3A_53 : i32 to index
          %get3A_56 = arith.constant 0 : index
          %get3A_57 = tpu.vector_load %arg12[%get3A, %get3A_56] {strides = array<i32>} : memref<128x128xf32, #tpu.memory_space<vmem>>, vector<16xf32>,
          %mul3A_58 = arith.mulf %get3A_57, %gather3A : vector<16xf32>
          %swap3A = arith.index_cast %scan3A_53 : i32 to index
          %swap3A_59 = arith.constant 0 : index
          %swap3A_60 = tpu.vector_load %arg12[%swap3A, %swap3A_59] {strides = array<i32>} : memref<128x128xf32, #tpu.memory_space<vmem>>, vector<16xf32>,
          tpu.vector_store %arg12[%swap3A, %swap3A_59], %mul3A_58 {strides = array<i32>} : memref<128x128xf32, #tpu.memory_space<vmem>>, vector<16xf32>,
          %get3A_61 = arith.index_cast %scan3A_53 : i32 to index
          %get3A_62 = arith.constant 16 : index
          %get3A_63 = tpu.vector_load %arg12[%get3A_61, %get3A_62] {strides = array<i32>} : memref<128x128xf32, #tpu.memory_space<vmem>>, vector<16xf32>,
          %mul3A_64 = arith.mulf %get3A_63, %gather3A : vector<16xf32>
          %swap3A_65 = arith.index_cast %scan3A_53 : i32 to index
          %swap3A_66 = arith.constant 16 : index
          %swap3A_67 = tpu.vector_load %arg12[%swap3A_65, %swap3A_66] {strides = array<i32>} : memref<128x128xf32, #tpu.memory_space<vmem>>, vector<16xf32>,
          tpu.vector_store %arg12[%swap3A_65, %swap3A_66], %mul3A_64 {strides = array<i32>} : memref<128x128xf32, #tpu.memory_space<vmem>>, vector<16xf32>,
          %get3A_68 = arith.index_cast %scan3A_53 : i32 to index
          %get3A_69 = arith.constant 32 : index
          %get3A_70 = tpu.vector_load %arg12[%get3A_68, %get3A_69] {strides = array<i32>} : memref<128x128xf32, #tpu.memory_space<vmem>>, vector<16xf32>,
          %mul3A_71 = arith.mulf %get3A_70, %gather3A : vector<16xf32>
          %swap3A_72 = arith.index_cast %scan3A_53 : i32 to index
          %swap3A_73 = arith.constant 32 : index
          %swap3A_74 = tpu.vector_load %arg12[%swap3A_72, %swap3A_73] {strides = array<i32>} : memref<128x128xf32, #tpu.memory_space<vmem>>, vector<16xf32>,
          tpu.vector_store %arg12[%swap3A_72, %swap3A_73], %mul3A_71 {strides = array<i32>} : memref<128x128xf32, #tpu.memory_space<vmem>>, vector<16xf32>,
          %get3A_75 = arith.index_cast %scan3A_53 : i32 to index
          %get3A_76 = arith.constant 48 : index
          %get3A_77 = tpu.vector_load %arg12[%get3A_75, %get3A_76] {strides = array<i32>} : memref<128x128xf32, #tpu.memory_space<vmem>>, vector<16xf32>,
          %mul3A_78 = arith.mulf %get3A_77, %gather3A : vector<16xf32>
          %swap3A_79 = arith.index_cast %scan3A_53 : i32 to index
          %swap3A_80 = arith.constant 48 : index
          %swap3A_81 = tpu.vector_load %arg12[%swap3A_79, %swap3A_80] {strides = array<i32>} : memref<128x128xf32, #tpu.memory_space<vmem>>, vector<16xf32>,
          tpu.vector_store %arg12[%swap3A_79, %swap3A_80], %mul3A_78 {strides = array<i32>} : memref<128x128xf32, #tpu.memory_space<vmem>>, vector<16xf32>,
          %get3A_82 = arith.index_cast %scan3A_53 : i32 to index
          %get3A_83 = arith.constant 64 : index
          %get3A_84 = tpu.vector_load %arg12[%get3A_82, %get3A_83] {strides = array<i32>} : memref<128x128xf32, #tpu.memory_space<vmem>>, vector<16xf32>,
          %mul3A_85 = arith.mulf %get3A_84, %gather3A : vector<16xf32>
          %swap3A_86 = arith.index_cast %scan3A_53 : i32 to index
          %swap3A_87 = arith.constant 64 : index
          %swap3A_88 = tpu.vector_load %arg12[%swap3A_86, %swap3A_87] {strides = array<i32>} : memref<128x128xf32, #tpu.memory_space<vmem>>, vector<16xf32>,
          tpu.vector_store %arg12[%swap3A_86, %swap3A_87], %mul3A_85 {strides = array<i32>} : memref<128x128xf32, #tpu.memory_space<vmem>>, vector<16xf32>,
          %get3A_89 = arith.index_cast %scan3A_53 : i32 to index
          %get3A_90 = arith.constant 80 : index
          %get3A_91 = tpu.vector_load %arg12[%get3A_89, %get3A_90] {strides = array<i32>} : memref<128x128xf32, #tpu.memory_space<vmem>>, vector<16xf32>,
          %mul3A_92 = arith.mulf %get3A_91, %gather3A : vector<16xf32>
          %swap3A_93 = arith.index_cast %scan3A_53 : i32 to index
          %swap3A_94 = arith.constant 80 : index
          %swap3A_95 = tpu.vector_load %arg12[%swap3A_93, %swap3A_94] {strides = array<i32>} : memref<128x128xf32, #tpu.memory_space<vmem>>, vector<16xf32>,
          tpu.vector_store %arg12[%swap3A_93, %swap3A_94], %mul3A_92 {strides = array<i32>} : memref<128x128xf32, #tpu.memory_space<vmem>>, vector<16xf32>,
          %get3A_96 = arith.index_cast %scan3A_53 : i32 to index
          %get3A_97 = arith.constant 96 : index
          %get3A_98 = tpu.vector_load %arg12[%get3A_96, %get3A_97] {strides = array<i32>} : memref<128x128xf32, #tpu.memory_space<vmem>>, vector<16xf32>,
          %mul3A_99 = arith.mulf %get3A_98, %gather3A : vector<16xf32>
          %swap3A_100 = arith.index_cast %scan3A_53 : i32 to index
          %swap3A_101 = arith.constant 96 : index
          %swap3A_102 = tpu.vector_load %arg12[%swap3A_100, %swap3A_101] {strides = array<i32>} : memref<128x128xf32, #tpu.memory_space<vmem>>, vector<16xf32>,
          tpu.vector_store %arg12[%swap3A_100, %swap3A_101], %mul3A_99 {strides = array<i32>} : memref<128x128xf32, #tpu.memory_space<vmem>>, vector<16xf32>,
          %get3A_103 = arith.index_cast %scan3A_53 : i32 to index
          %get3A_104 = arith.constant 112 : index
          %get3A_105 = tpu.vector_load %arg12[%get3A_103, %get3A_104] {strides = array<i32>} : memref<128x128xf32, #tpu.memory_space<vmem>>, vector<16xf32>,
          %mul3A_106 = arith.mulf %get3A_105, %gather3A : vector<16xf32>
          %swap3A_107 = arith.index_cast %scan3A_53 : i32 to index
          %swap3A_108 = arith.constant 112 : index
          %swap3A_109 = tpu.vector_load %arg12[%swap3A_107, %swap3A_108] {strides = array<i32>} : memref<128x128xf32, #tpu.memory_space<vmem>>, vector<16xf32>,
          tpu.vector_store %arg12[%swap3A_107, %swap3A_108], %mul3A_106 {strides = array<i32>} : memref<128x128xf32, #tpu.memory_space<vmem>>, vector<16xf32>,
          %scan3A_110 = arith.constant 0 : i32
          scf.yield %scan3A_110 : i32
        }
        %scan3A_52 = arith.constant 128 : i32
        "tpu.region"() ({
          %run_scoped3A = tpu.sem_alloc : memref<!tpu.dma_semaphore, #tpu.memory_space<semaphore_mem>>
          %dma_start3A_53 = arith.constant 0 : i32
          %dma_start3A_54 = arith.constant 0 : i32
          %dma_start3A_55 = tpu.memref_slice %arg8[%dma_start3A_53, %dma_start3A_54] : memref<10000x128xf32, #tpu.memory_space<vmem_shared>> -> memref<10000x128xf32, #tpu.memory_space<vmem_shared>>
          tpu.enqueue_indirect_dma source(%arg12 : memref<128x128xf32, #tpu.memory_space<vmem>>) target(%dma_start3A_55 : memref<10000x128xf32, #tpu.memory_space<vmem_shared>>) offsets(%arg10 : memref<128xi32, #tpu.memory_space<vmem>>) semaphore(%run_scoped3A : memref<!tpu.dma_semaphore, #tpu.memory_space<semaphore_mem>>) {add = true}
          %dma_wait3A_56 = arith.constant 0 : i32
          %dma_wait3A_57 = arith.constant 0 : i32
          %dma_wait3A_58 = tpu.memref_slice %arg8[%dma_wait3A_56, %dma_wait3A_57] : memref<10000x128xf32, #tpu.memory_space<vmem_shared>> -> memref<10000x128xf32, #tpu.memory_space<vmem_shared>>
          tpu.wait_indirect_dma semaphore(%run_scoped3A : memref<!tpu.dma_semaphore, #tpu.memory_space<semaphore_mem>>) src(%arg12 : memref<128x128xf32, #tpu.memory_space<vmem>>) dst(%dma_wait3A_58 : memref<10000x128xf32, #tpu.memory_space<vmem_shared>>)
          tpu.yield
        }) : () -> ()
      } else {
      }
      %scan3A_39 = arith.constant 0 : i32
      scf.yield %scan3A_39 : i32
    }
    %scan3A_21 = arith.constant 79 : i32
    %barrier3A_22 = arith.constant 0 : index
    tpu.barrier barrier_id(%barrier3A_22)
    %eq3A = arith.constant 0 : i32
    %eq3A_23 = arith.cmpi eq, %arg0, %eq3A : i32
    %convert_element_type3A = arith.extui %eq3A_23 : i1 to i32
    %cond3A = arith.constant 0 : i32
    %cond3A_24 = arith.cmpi ne, %convert_element_type3A, %cond3A : i32
    scf.if %cond3A_24 {
      %scan3A_30 = arith.constant 0 : i32
      %scan3A_31 = arith.constant 0 : i32
      %scan3A_32 = arith.constant 8 : i32
      %scan3A_33 = arith.addi %scan3A_31, %scan3A_32 : i32
      %scan3A_34 = arith.constant 1 : i32
      %scan3A_35 = scf.for %scan3A_37 = %scan3A_31 to %scan3A_33 step %scan3A_34 iter_args(%scan3A_38 = %scan3A_30) -> (i32)  : i32 {
        %mul3A_39 = arith.constant 16 : i32
        %mul3A_40 = arith.muli %mul3A_39, %scan3A_37 : i32
        %add3A_41 = arith.addi %arg1, %mul3A_40 : i32
        %lt3A = arith.constant 125 : i32
        %lt3A_42 = arith.cmpi slt, %add3A_41, %lt3A : i32
        %convert_element_type3A_43 = arith.extui %lt3A_42 : i1 to i32
        %cond3A_44 = arith.constant 0 : i32
        %cond3A_45 = arith.cmpi ne, %convert_element_type3A_43, %cond3A_44 : i32
        scf.if %cond3A_45 {
          %mul3A_47 = arith.constant 80 : i32
          %mul3A_48 = arith.muli %add3A_41, %mul3A_47 : i32
          "tpu.region"() ({
            %run_scoped3A = tpu.sem_alloc : memref<!tpu.dma_semaphore, #tpu.memory_space<semaphore_mem>>
            %dma_start3A = arith.constant 0 : i32
            %dma_start3A_49 = arith.constant 0 : i32
            %dma_start3A_50 = tpu.memref_slice %arg12[%dma_start3A, %dma_start3A_49] : memref<128x128xf32, #tpu.memory_space<vmem>> -> memref<80x128xf32, #tpu.memory_space<vmem>>
            %dma_start3A_51 = arith.constant 0 : i32
            %dma_start3A_52 = tpu.memref_slice %arg8[%mul3A_48, %dma_start3A_51] : memref<10000x128xf32, #tpu.memory_space<vmem_shared>> -> memref<80x128xf32, #tpu.memory_space<vmem_shared>>
            %dma_start3A_53 = arith.constant 0 : i32
            %dma_start3A_54 = arith.constant 0 : i32
            %dma_start3A_55 = tpu.memref_slice %arg12[%dma_start3A_53, %dma_start3A_54] : memref<128x128xf32, #tpu.memory_space<vmem>> -> memref<80x128xf32, #tpu.memory_space<vmem>>
            %dma_start3A_56 = arith.constant 0 : i32
            %dma_start3A_57 = tpu.memref_slice %arg8[%mul3A_48, %dma_start3A_56] : memref<10000x128xf32, #tpu.memory_space<vmem_shared>> -> memref<80x128xf32, #tpu.memory_space<vmem_shared>>
            tpu.enqueue_dma source(%dma_start3A_57 : memref<80x128xf32, #tpu.memory_space<vmem_shared>>) target(%dma_start3A_55 : memref<80x128xf32, #tpu.memory_space<vmem>>) target_semaphore(%run_scoped3A : memref<!tpu.dma_semaphore, #tpu.memory_space<semaphore_mem>>)
            %dma_wait3A = arith.constant 0 : i32
            %dma_wait3A_58 = arith.constant 0 : i32
            %dma_wait3A_59 = tpu.memref_slice %arg12[%dma_wait3A, %dma_wait3A_58] : memref<128x128xf32, #tpu.memory_space<vmem>> -> memref<80x128xf32, #tpu.memory_space<vmem>>
            %dma_wait3A_60 = arith.constant 0 : i32
            %dma_wait3A_61 = tpu.memref_slice %arg8[%mul3A_48, %dma_wait3A_60] : memref<10000x128xf32, #tpu.memory_space<vmem_shared>> -> memref<80x128xf32, #tpu.memory_space<vmem_shared>>
            %dma_wait3A_62 = arith.constant 0 : i32
            %dma_wait3A_63 = arith.constant 0 : i32
            %dma_wait3A_64 = tpu.memref_slice %arg12[%dma_wait3A_62, %dma_wait3A_63] : memref<128x128xf32, #tpu.memory_space<vmem>> -> memref<80x128xf32, #tpu.memory_space<vmem>>
            %dma_wait3A_65 = arith.constant 0 : i32
            %dma_wait3A_66 = tpu.memref_slice %arg8[%mul3A_48, %dma_wait3A_65] : memref<10000x128xf32, #tpu.memory_space<vmem_shared>> -> memref<80x128xf32, #tpu.memory_space<vmem_shared>>
            tpu.wait_dma2 semaphore(%run_scoped3A : memref<!tpu.dma_semaphore, #tpu.memory_space<semaphore_mem>>) src(%dma_wait3A_66 : memref<80x128xf32, #tpu.memory_space<vmem_shared>>) dst(%dma_wait3A_64 : memref<80x128xf32, #tpu.memory_space<vmem>>)
            tpu.yield
          }) : () -> ()
          "tpu.region"() ({
            %run_scoped3A = tpu.sem_alloc : memref<!tpu.dma_semaphore, #tpu.memory_space<semaphore_mem>>
            %dma_start3A = arith.constant 0 : i32
            %dma_start3A_49 = arith.constant 0 : i32
            %dma_start3A_50 = tpu.memref_slice %arg12[%dma_start3A, %dma_start3A_49] : memref<128x128xf32, #tpu.memory_space<vmem>> -> memref<80x128xf32, #tpu.memory_space<vmem>>
            %dma_start3A_51 = arith.constant 0 : i32
            %dma_start3A_52 = tpu.memref_slice %arg6[%mul3A_48, %dma_start3A_51] : memref<10000x128xf32, #tpu.memory_space<hbm>> -> memref<80x128xf32, #tpu.memory_space<hbm>>
            %dma_start3A_53 = arith.constant 0 : i32
            %dma_start3A_54 = tpu.memref_slice %arg6[%mul3A_48, %dma_start3A_53] : memref<10000x128xf32, #tpu.memory_space<hbm>> -> memref<80x128xf32, #tpu.memory_space<hbm>>
            %dma_start3A_55 = arith.constant 0 : i32
            %dma_start3A_56 = arith.constant 0 : i32
            %dma_start3A_57 = tpu.memref_slice %arg12[%dma_start3A_55, %dma_start3A_56] : memref<128x128xf32, #tpu.memory_space<vmem>> -> memref<80x128xf32, #tpu.memory_space<vmem>>
            tpu.enqueue_dma source(%dma_start3A_57 : memref<80x128xf32, #tpu.memory_space<vmem>>) target(%dma_start3A_54 : memref<80x128xf32, #tpu.memory_space<hbm>>) target_semaphore(%run_scoped3A : memref<!tpu.dma_semaphore, #tpu.memory_space<semaphore_mem>>)
            %dma_wait3A = arith.constant 0 : i32
            %dma_wait3A_58 = arith.constant 0 : i32
            %dma_wait3A_59 = tpu.memref_slice %arg12[%dma_wait3A, %dma_wait3A_58] : memref<128x128xf32, #tpu.memory_space<vmem>> -> memref<80x128xf32, #tpu.memory_space<vmem>>
            %dma_wait3A_60 = arith.constant 0 : i32
            %dma_wait3A_61 = tpu.memref_slice %arg6[%mul3A_48, %dma_wait3A_60] : memref<10000x128xf32, #tpu.memory_space<hbm>> -> memref<80x128xf32, #tpu.memory_space<hbm>>
            %dma_wait3A_62 = arith.constant 0 : i32
            %dma_wait3A_63 = tpu.memref_slice %arg6[%mul3A_48, %dma_wait3A_62] : memref<10000x128xf32, #tpu.memory_space<hbm>> -> memref<80x128xf32, #tpu.memory_space<hbm>>
            %dma_wait3A_64 = arith.constant 0 : i32
            %dma_wait3A_65 = arith.constant 0 : i32
            %dma_wait3A_66 = tpu.memref_slice %arg12[%dma_wait3A_64, %dma_wait3A_65] : memref<128x128xf32, #tpu.memory_space<vmem>> -> memref<80x128xf32, #tpu.memory_space<vmem>>
            tpu.wait_dma2 semaphore(%run_scoped3A : memref<!tpu.dma_semaphore, #tpu.memory_space<semaphore_mem>>) src(%dma_wait3A_66 : memref<80x128xf32, #tpu.memory_space<vmem>>) dst(%dma_wait3A_63 : memref<80x128xf32, #tpu.memory_space<hbm>>)
            tpu.yield
          }) : () -> ()
        } else {
        }
        %scan3A_46 = arith.constant 0 : i32
        scf.yield %scan3A_46 : i32
      }
      %scan3A_36 = arith.constant 8 : i32
    } else {
    }
    %eq3A_25 = arith.constant 1 : i32
    %eq3A_26 = arith.cmpi eq, %arg0, %eq3A_25 : i32
    %convert_element_type3A_27 = arith.extui %eq3A_26 : i1 to i32
    %cond3A_28 = arith.constant 0 : i32
    %cond3A_29 = arith.cmpi ne, %convert_element_type3A_27, %cond3A_28 : i32
    scf.if %cond3A_29 {
      %scan3A_30 = arith.constant 0 : i32
      %scan3A_31 = arith.constant 0 : i32
      %scan3A_32 = arith.constant 8 : i32
      %scan3A_33 = arith.addi %scan3A_31, %scan3A_32 : i32
      %scan3A_34 = arith.constant 1 : i32
      %scan3A_35 = scf.for %scan3A_37 = %scan3A_31 to %scan3A_33 step %scan3A_34 iter_args(%scan3A_38 = %scan3A_30) -> (i32)  : i32 {
        %mul3A_39 = arith.constant 16 : i32
        %mul3A_40 = arith.muli %mul3A_39, %scan3A_37 : i32
        %add3A_41 = arith.addi %arg1, %mul3A_40 : i32
        %lt3A = arith.constant 125 : i32
        %lt3A_42 = arith.cmpi slt, %add3A_41, %lt3A : i32
        %convert_element_type3A_43 = arith.extui %lt3A_42 : i1 to i32
        %cond3A_44 = arith.constant 0 : i32
        %cond3A_45 = arith.cmpi ne, %convert_element_type3A_43, %cond3A_44 : i32
        scf.if %cond3A_45 {
          %mul3A_47 = arith.constant 80 : i32
          %mul3A_48 = arith.muli %add3A_41, %mul3A_47 : i32
          "tpu.region"() ({
            %run_scoped3A = tpu.sem_alloc : memref<!tpu.dma_semaphore, #tpu.memory_space<semaphore_mem>>
            %dma_start3A = arith.constant 0 : i32
            %dma_start3A_49 = arith.constant 0 : i32
            %dma_start3A_50 = tpu.memref_slice %arg12[%dma_start3A, %dma_start3A_49] : memref<128x128xf32, #tpu.memory_space<vmem>> -> memref<80x128xf32, #tpu.memory_space<vmem>>
            %dma_start3A_51 = arith.constant 0 : i32
            %dma_start3A_52 = tpu.memref_slice %arg8[%mul3A_48, %dma_start3A_51] : memref<10000x128xf32, #tpu.memory_space<vmem_shared>> -> memref<80x128xf32, #tpu.memory_space<vmem_shared>>
            %dma_start3A_53 = arith.constant 0 : i32
            %dma_start3A_54 = arith.constant 0 : i32
            %dma_start3A_55 = tpu.memref_slice %arg12[%dma_start3A_53, %dma_start3A_54] : memref<128x128xf32, #tpu.memory_space<vmem>> -> memref<80x128xf32, #tpu.memory_space<vmem>>
            %dma_start3A_56 = arith.constant 0 : i32
            %dma_start3A_57 = tpu.memref_slice %arg8[%mul3A_48, %dma_start3A_56] : memref<10000x128xf32, #tpu.memory_space<vmem_shared>> -> memref<80x128xf32, #tpu.memory_space<vmem_shared>>
            tpu.enqueue_dma source(%dma_start3A_57 : memref<80x128xf32, #tpu.memory_space<vmem_shared>>) target(%dma_start3A_55 : memref<80x128xf32, #tpu.memory_space<vmem>>) target_semaphore(%run_scoped3A : memref<!tpu.dma_semaphore, #tpu.memory_space<semaphore_mem>>)
            %dma_wait3A = arith.constant 0 : i32
            %dma_wait3A_58 = arith.constant 0 : i32
            %dma_wait3A_59 = tpu.memref_slice %arg12[%dma_wait3A, %dma_wait3A_58] : memref<128x128xf32, #tpu.memory_space<vmem>> -> memref<80x128xf32, #tpu.memory_space<vmem>>
            %dma_wait3A_60 = arith.constant 0 : i32
            %dma_wait3A_61 = tpu.memref_slice %arg8[%mul3A_48, %dma_wait3A_60] : memref<10000x128xf32, #tpu.memory_space<vmem_shared>> -> memref<80x128xf32, #tpu.memory_space<vmem_shared>>
            %dma_wait3A_62 = arith.constant 0 : i32
            %dma_wait3A_63 = arith.constant 0 : i32
            %dma_wait3A_64 = tpu.memref_slice %arg12[%dma_wait3A_62, %dma_wait3A_63] : memref<128x128xf32, #tpu.memory_space<vmem>> -> memref<80x128xf32, #tpu.memory_space<vmem>>
            %dma_wait3A_65 = arith.constant 0 : i32
            %dma_wait3A_66 = tpu.memref_slice %arg8[%mul3A_48, %dma_wait3A_65] : memref<10000x128xf32, #tpu.memory_space<vmem_shared>> -> memref<80x128xf32, #tpu.memory_space<vmem_shared>>
            tpu.wait_dma2 semaphore(%run_scoped3A : memref<!tpu.dma_semaphore, #tpu.memory_space<semaphore_mem>>) src(%dma_wait3A_66 : memref<80x128xf32, #tpu.memory_space<vmem_shared>>) dst(%dma_wait3A_64 : memref<80x128xf32, #tpu.memory_space<vmem>>)
            tpu.yield
          }) : () -> ()
          "tpu.region"() ({
            %run_scoped3A = tpu.sem_alloc : memref<!tpu.dma_semaphore, #tpu.memory_space<semaphore_mem>>
            %dma_start3A = arith.constant 0 : i32
            %dma_start3A_49 = arith.constant 0 : i32
            %dma_start3A_50 = tpu.memref_slice %arg12[%dma_start3A, %dma_start3A_49] : memref<128x128xf32, #tpu.memory_space<vmem>> -> memref<80x128xf32, #tpu.memory_space<vmem>>
            %dma_start3A_51 = arith.constant 0 : i32
            %dma_start3A_52 = tpu.memref_slice %arg7[%mul3A_48, %dma_start3A_51] : memref<10000x128xf32, #tpu.memory_space<hbm>> -> memref<80x128xf32, #tpu.memory_space<hbm>>
            %dma_start3A_53 = arith.constant 0 : i32
            %dma_start3A_54 = tpu.memref_slice %arg7[%mul3A_48, %dma_start3A_53] : memref<10000x128xf32, #tpu.memory_space<hbm>> -> memref<80x128xf32, #tpu.memory_space<hbm>>
            %dma_start3A_55 = arith.constant 0 : i32
            %dma_start3A_56 = arith.constant 0 : i32
            %dma_start3A_57 = tpu.memref_slice %arg12[%dma_start3A_55, %dma_start3A_56] : memref<128x128xf32, #tpu.memory_space<vmem>> -> memref<80x128xf32, #tpu.memory_space<vmem>>
            tpu.enqueue_dma source(%dma_start3A_57 : memref<80x128xf32, #tpu.memory_space<vmem>>) target(%dma_start3A_54 : memref<80x128xf32, #tpu.memory_space<hbm>>) target_semaphore(%run_scoped3A : memref<!tpu.dma_semaphore, #tpu.memory_space<semaphore_mem>>)
            %dma_wait3A = arith.constant 0 : i32
            %dma_wait3A_58 = arith.constant 0 : i32
            %dma_wait3A_59 = tpu.memref_slice %arg12[%dma_wait3A, %dma_wait3A_58] : memref<128x128xf32, #tpu.memory_space<vmem>> -> memref<80x128xf32, #tpu.memory_space<vmem>>
            %dma_wait3A_60 = arith.constant 0 : i32
            %dma_wait3A_61 = tpu.memref_slice %arg7[%mul3A_48, %dma_wait3A_60] : memref<10000x128xf32, #tpu.memory_space<hbm>> -> memref<80x128xf32, #tpu.memory_space<hbm>>
            %dma_wait3A_62 = arith.constant 0 : i32
            %dma_wait3A_63 = tpu.memref_slice %arg7[%mul3A_48, %dma_wait3A_62] : memref<10000x128xf32, #tpu.memory_space<hbm>> -> memref<80x128xf32, #tpu.memory_space<hbm>>
            %dma_wait3A_64 = arith.constant 0 : i32
            %dma_wait3A_65 = arith.constant 0 : i32
            %dma_wait3A_66 = tpu.memref_slice %arg12[%dma_wait3A_64, %dma_wait3A_65] : memref<128x128xf32, #tpu.memory_space<vmem>> -> memref<80x128xf32, #tpu.memory_space<vmem>>
            tpu.wait_dma2 semaphore(%run_scoped3A : memref<!tpu.dma_semaphore, #tpu.memory_space<semaphore_mem>>) src(%dma_wait3A_66 : memref<80x128xf32, #tpu.memory_space<vmem>>) dst(%dma_wait3A_63 : memref<80x128xf32, #tpu.memory_space<hbm>>)
            tpu.yield
          }) : () -> ()
        } else {
        }
        %scan3A_46 = arith.constant 0 : i32
        scf.yield %scan3A_46 : i32
      }
      %scan3A_36 = arith.constant 8 : i32
    } else {
    }
    return
  }
}

#map = affine_map<(d0, d1) -> (0, 0)>
module attributes {stable_mosaic.version = 14 : i64} {
  func.func @_combine_body(%arg0: i32, %arg1: i32, %arg2: memref<10000x128xf32, #tpu.memory_space<hbm>>, %arg3: memref<10000x128xf32, #tpu.memory_space<hbm>>, %arg4: memref<10000x128xf32, #tpu.memory_space<hbm>>, %arg5: memref<80x128xf32, #tpu.memory_space<vmem>>, %arg6: memref<80x128xf32, #tpu.memory_space<vmem>>, %arg7: memref<!tpu.dma_semaphore, #tpu.memory_space<semaphore_mem>>) attributes {dimension_semantics = [#tpu.dimension_semantics<core_parallel>, #tpu.dimension_semantics<subcore_parallel>], iteration_bounds = array<i64: 2, 16>, scalar_prefetch = 0 : i64, scratch_operands = 3 : i64, tpu.core_type = #tpu.core_type<sc_vector_subcore>, window_params = [{transform_indices = #map}, {transform_indices = #map}, {transform_indices = #map}]} {
    %mul3A = arith.constant 16 : i32
    %mul3A_0 = arith.muli %arg0, %mul3A : i32
    %add3A = arith.addi %mul3A_0, %arg1 : i32
    %scan3A = arith.constant 0 : i32
    %scan3A_1 = arith.constant 0 : i32
    %scan3A_2 = arith.constant 4 : i32
    %scan3A_3 = arith.addi %scan3A_1, %scan3A_2 : i32
    %scan3A_4 = arith.constant 1 : i32
    %scan3A_5 = scf.for %scan3A_7 = %scan3A_1 to %scan3A_3 step %scan3A_4 iter_args(%scan3A_8 = %scan3A) -> (i32)  : i32 {
      %mul3A_9 = arith.constant 32 : i32
      %mul3A_10 = arith.muli %mul3A_9, %scan3A_7 : i32
      %add3A_11 = arith.addi %add3A, %mul3A_10 : i32
      %lt3A = arith.constant 125 : i32
      %lt3A_12 = arith.cmpi slt, %add3A_11, %lt3A : i32
      %convert_element_type3A = arith.extui %lt3A_12 : i1 to i32
      %cond3A = arith.constant 0 : i32
      %cond3A_13 = arith.cmpi ne, %convert_element_type3A, %cond3A : i32
      scf.if %cond3A_13 {
        %mul3A_15 = arith.constant 80 : i32
        %mul3A_16 = arith.muli %add3A_11, %mul3A_15 : i32
        %dma_start3A = arith.constant 0 : i32
        %dma_start3A_17 = tpu.memref_slice %arg2[%mul3A_16, %dma_start3A] : memref<10000x128xf32, #tpu.memory_space<hbm>> -> memref<80x128xf32, #tpu.memory_space<hbm>>
        %dma_start3A_18 = arith.constant 0 : i32
        %dma_start3A_19 = tpu.memref_slice %arg2[%mul3A_16, %dma_start3A_18] : memref<10000x128xf32, #tpu.memory_space<hbm>> -> memref<80x128xf32, #tpu.memory_space<hbm>>
        tpu.enqueue_dma source(%dma_start3A_19 : memref<80x128xf32, #tpu.memory_space<hbm>>) target(%arg5 : memref<80x128xf32, #tpu.memory_space<vmem>>) target_semaphore(%arg7 : memref<!tpu.dma_semaphore, #tpu.memory_space<semaphore_mem>>)
        %dma_start3A_20 = arith.constant 0 : i32
        %dma_start3A_21 = tpu.memref_slice %arg3[%mul3A_16, %dma_start3A_20] : memref<10000x128xf32, #tpu.memory_space<hbm>> -> memref<80x128xf32, #tpu.memory_space<hbm>>
        %dma_start3A_22 = arith.constant 0 : i32
        %dma_start3A_23 = tpu.memref_slice %arg3[%mul3A_16, %dma_start3A_22] : memref<10000x128xf32, #tpu.memory_space<hbm>> -> memref<80x128xf32, #tpu.memory_space<hbm>>
        tpu.enqueue_dma source(%dma_start3A_23 : memref<80x128xf32, #tpu.memory_space<hbm>>) target(%arg6 : memref<80x128xf32, #tpu.memory_space<vmem>>) target_semaphore(%arg7 : memref<!tpu.dma_semaphore, #tpu.memory_space<semaphore_mem>>)
        %dma_wait3A = arith.constant 0 : i32
        %dma_wait3A_24 = tpu.memref_slice %arg2[%mul3A_16, %dma_wait3A] : memref<10000x128xf32, #tpu.memory_space<hbm>> -> memref<80x128xf32, #tpu.memory_space<hbm>>
        %dma_wait3A_25 = arith.constant 0 : i32
        %dma_wait3A_26 = tpu.memref_slice %arg2[%mul3A_16, %dma_wait3A_25] : memref<10000x128xf32, #tpu.memory_space<hbm>> -> memref<80x128xf32, #tpu.memory_space<hbm>>
        tpu.wait_dma2 semaphore(%arg7 : memref<!tpu.dma_semaphore, #tpu.memory_space<semaphore_mem>>) src(%dma_wait3A_26 : memref<80x128xf32, #tpu.memory_space<hbm>>) dst(%arg5 : memref<80x128xf32, #tpu.memory_space<vmem>>)
        %dma_wait3A_27 = arith.constant 0 : i32
        %dma_wait3A_28 = tpu.memref_slice %arg3[%mul3A_16, %dma_wait3A_27] : memref<10000x128xf32, #tpu.memory_space<hbm>> -> memref<80x128xf32, #tpu.memory_space<hbm>>
        %dma_wait3A_29 = arith.constant 0 : i32
        %dma_wait3A_30 = tpu.memref_slice %arg3[%mul3A_16, %dma_wait3A_29] : memref<10000x128xf32, #tpu.memory_space<hbm>> -> memref<80x128xf32, #tpu.memory_space<hbm>>
        tpu.wait_dma2 semaphore(%arg7 : memref<!tpu.dma_semaphore, #tpu.memory_space<semaphore_mem>>) src(%dma_wait3A_30 : memref<80x128xf32, #tpu.memory_space<hbm>>) dst(%arg6 : memref<80x128xf32, #tpu.memory_space<vmem>>)
        %scan3A_31 = arith.constant 0 : i32
        %scan3A_32 = arith.constant 0 : i32
        %scan3A_33 = arith.constant 80 : i32
        %scan3A_34 = arith.addi %scan3A_32, %scan3A_33 : i32
        %scan3A_35 = arith.constant 1 : i32
        %scan3A_36 = scf.for %scan3A_38 = %scan3A_32 to %scan3A_34 step %scan3A_35 iter_args(%scan3A_39 = %scan3A_31) -> (i32)  : i32 {
          %get3A = arith.index_cast %scan3A_38 : i32 to index
          %get3A_40 = arith.constant 0 : index
          %get3A_41 = tpu.vector_load %arg5[%get3A, %get3A_40] {strides = array<i32>} : memref<80x128xf32, #tpu.memory_space<vmem>>, vector<16xf32>,
          %get3A_42 = arith.index_cast %scan3A_38 : i32 to index
          %get3A_43 = arith.constant 0 : index
          %get3A_44 = tpu.vector_load %arg6[%get3A_42, %get3A_43] {strides = array<i32>} : memref<80x128xf32, #tpu.memory_space<vmem>>, vector<16xf32>,
          %add3A_45 = arith.addf %get3A_41, %get3A_44 : vector<16xf32>
          %swap3A = arith.index_cast %scan3A_38 : i32 to index
          %swap3A_46 = arith.constant 0 : index
          %swap3A_47 = tpu.vector_load %arg5[%swap3A, %swap3A_46] {strides = array<i32>} : memref<80x128xf32, #tpu.memory_space<vmem>>, vector<16xf32>,
          tpu.vector_store %arg5[%swap3A, %swap3A_46], %add3A_45 {strides = array<i32>} : memref<80x128xf32, #tpu.memory_space<vmem>>, vector<16xf32>,
          %get3A_48 = arith.index_cast %scan3A_38 : i32 to index
          %get3A_49 = arith.constant 16 : index
          %get3A_50 = tpu.vector_load %arg5[%get3A_48, %get3A_49] {strides = array<i32>} : memref<80x128xf32, #tpu.memory_space<vmem>>, vector<16xf32>,
          %get3A_51 = arith.index_cast %scan3A_38 : i32 to index
          %get3A_52 = arith.constant 16 : index
          %get3A_53 = tpu.vector_load %arg6[%get3A_51, %get3A_52] {strides = array<i32>} : memref<80x128xf32, #tpu.memory_space<vmem>>, vector<16xf32>,
          %add3A_54 = arith.addf %get3A_50, %get3A_53 : vector<16xf32>
          %swap3A_55 = arith.index_cast %scan3A_38 : i32 to index
          %swap3A_56 = arith.constant 16 : index
          %swap3A_57 = tpu.vector_load %arg5[%swap3A_55, %swap3A_56] {strides = array<i32>} : memref<80x128xf32, #tpu.memory_space<vmem>>, vector<16xf32>,
          tpu.vector_store %arg5[%swap3A_55, %swap3A_56], %add3A_54 {strides = array<i32>} : memref<80x128xf32, #tpu.memory_space<vmem>>, vector<16xf32>,
          %get3A_58 = arith.index_cast %scan3A_38 : i32 to index
          %get3A_59 = arith.constant 32 : index
          %get3A_60 = tpu.vector_load %arg5[%get3A_58, %get3A_59] {strides = array<i32>} : memref<80x128xf32, #tpu.memory_space<vmem>>, vector<16xf32>,
          %get3A_61 = arith.index_cast %scan3A_38 : i32 to index
          %get3A_62 = arith.constant 32 : index
          %get3A_63 = tpu.vector_load %arg6[%get3A_61, %get3A_62] {strides = array<i32>} : memref<80x128xf32, #tpu.memory_space<vmem>>, vector<16xf32>,
          %add3A_64 = arith.addf %get3A_60, %get3A_63 : vector<16xf32>
          %swap3A_65 = arith.index_cast %scan3A_38 : i32 to index
          %swap3A_66 = arith.constant 32 : index
          %swap3A_67 = tpu.vector_load %arg5[%swap3A_65, %swap3A_66] {strides = array<i32>} : memref<80x128xf32, #tpu.memory_space<vmem>>, vector<16xf32>,
          tpu.vector_store %arg5[%swap3A_65, %swap3A_66], %add3A_64 {strides = array<i32>} : memref<80x128xf32, #tpu.memory_space<vmem>>, vector<16xf32>,
          %get3A_68 = arith.index_cast %scan3A_38 : i32 to index
          %get3A_69 = arith.constant 48 : index
          %get3A_70 = tpu.vector_load %arg5[%get3A_68, %get3A_69] {strides = array<i32>} : memref<80x128xf32, #tpu.memory_space<vmem>>, vector<16xf32>,
          %get3A_71 = arith.index_cast %scan3A_38 : i32 to index
          %get3A_72 = arith.constant 48 : index
          %get3A_73 = tpu.vector_load %arg6[%get3A_71, %get3A_72] {strides = array<i32>} : memref<80x128xf32, #tpu.memory_space<vmem>>, vector<16xf32>,
          %add3A_74 = arith.addf %get3A_70, %get3A_73 : vector<16xf32>
          %swap3A_75 = arith.index_cast %scan3A_38 : i32 to index
          %swap3A_76 = arith.constant 48 : index
          %swap3A_77 = tpu.vector_load %arg5[%swap3A_75, %swap3A_76] {strides = array<i32>} : memref<80x128xf32, #tpu.memory_space<vmem>>, vector<16xf32>,
          tpu.vector_store %arg5[%swap3A_75, %swap3A_76], %add3A_74 {strides = array<i32>} : memref<80x128xf32, #tpu.memory_space<vmem>>, vector<16xf32>,
          %get3A_78 = arith.index_cast %scan3A_38 : i32 to index
          %get3A_79 = arith.constant 64 : index
          %get3A_80 = tpu.vector_load %arg5[%get3A_78, %get3A_79] {strides = array<i32>} : memref<80x128xf32, #tpu.memory_space<vmem>>, vector<16xf32>,
          %get3A_81 = arith.index_cast %scan3A_38 : i32 to index
          %get3A_82 = arith.constant 64 : index
          %get3A_83 = tpu.vector_load %arg6[%get3A_81, %get3A_82] {strides = array<i32>} : memref<80x128xf32, #tpu.memory_space<vmem>>, vector<16xf32>,
          %add3A_84 = arith.addf %get3A_80, %get3A_83 : vector<16xf32>
          %swap3A_85 = arith.index_cast %scan3A_38 : i32 to index
          %swap3A_86 = arith.constant 64 : index
          %swap3A_87 = tpu.vector_load %arg5[%swap3A_85, %swap3A_86] {strides = array<i32>} : memref<80x128xf32, #tpu.memory_space<vmem>>, vector<16xf32>,
          tpu.vector_store %arg5[%swap3A_85, %swap3A_86], %add3A_84 {strides = array<i32>} : memref<80x128xf32, #tpu.memory_space<vmem>>, vector<16xf32>,
          %get3A_88 = arith.index_cast %scan3A_38 : i32 to index
          %get3A_89 = arith.constant 80 : index
          %get3A_90 = tpu.vector_load %arg5[%get3A_88, %get3A_89] {strides = array<i32>} : memref<80x128xf32, #tpu.memory_space<vmem>>, vector<16xf32>,
          %get3A_91 = arith.index_cast %scan3A_38 : i32 to index
          %get3A_92 = arith.constant 80 : index
          %get3A_93 = tpu.vector_load %arg6[%get3A_91, %get3A_92] {strides = array<i32>} : memref<80x128xf32, #tpu.memory_space<vmem>>, vector<16xf32>,
          %add3A_94 = arith.addf %get3A_90, %get3A_93 : vector<16xf32>
          %swap3A_95 = arith.index_cast %scan3A_38 : i32 to index
          %swap3A_96 = arith.constant 80 : index
          %swap3A_97 = tpu.vector_load %arg5[%swap3A_95, %swap3A_96] {strides = array<i32>} : memref<80x128xf32, #tpu.memory_space<vmem>>, vector<16xf32>,
          tpu.vector_store %arg5[%swap3A_95, %swap3A_96], %add3A_94 {strides = array<i32>} : memref<80x128xf32, #tpu.memory_space<vmem>>, vector<16xf32>,
          %get3A_98 = arith.index_cast %scan3A_38 : i32 to index
          %get3A_99 = arith.constant 96 : index
          %get3A_100 = tpu.vector_load %arg5[%get3A_98, %get3A_99] {strides = array<i32>} : memref<80x128xf32, #tpu.memory_space<vmem>>, vector<16xf32>,
          %get3A_101 = arith.index_cast %scan3A_38 : i32 to index
          %get3A_102 = arith.constant 96 : index
          %get3A_103 = tpu.vector_load %arg6[%get3A_101, %get3A_102] {strides = array<i32>} : memref<80x128xf32, #tpu.memory_space<vmem>>, vector<16xf32>,
          %add3A_104 = arith.addf %get3A_100, %get3A_103 : vector<16xf32>
          %swap3A_105 = arith.index_cast %scan3A_38 : i32 to index
          %swap3A_106 = arith.constant 96 : index
          %swap3A_107 = tpu.vector_load %arg5[%swap3A_105, %swap3A_106] {strides = array<i32>} : memref<80x128xf32, #tpu.memory_space<vmem>>, vector<16xf32>,
          tpu.vector_store %arg5[%swap3A_105, %swap3A_106], %add3A_104 {strides = array<i32>} : memref<80x128xf32, #tpu.memory_space<vmem>>, vector<16xf32>,
          %get3A_108 = arith.index_cast %scan3A_38 : i32 to index
          %get3A_109 = arith.constant 112 : index
          %get3A_110 = tpu.vector_load %arg5[%get3A_108, %get3A_109] {strides = array<i32>} : memref<80x128xf32, #tpu.memory_space<vmem>>, vector<16xf32>,
          %get3A_111 = arith.index_cast %scan3A_38 : i32 to index
          %get3A_112 = arith.constant 112 : index
          %get3A_113 = tpu.vector_load %arg6[%get3A_111, %get3A_112] {strides = array<i32>} : memref<80x128xf32, #tpu.memory_space<vmem>>, vector<16xf32>,
          %add3A_114 = arith.addf %get3A_110, %get3A_113 : vector<16xf32>
          %swap3A_115 = arith.index_cast %scan3A_38 : i32 to index
          %swap3A_116 = arith.constant 112 : index
          %swap3A_117 = tpu.vector_load %arg5[%swap3A_115, %swap3A_116] {strides = array<i32>} : memref<80x128xf32, #tpu.memory_space<vmem>>, vector<16xf32>,
          tpu.vector_store %arg5[%swap3A_115, %swap3A_116], %add3A_114 {strides = array<i32>} : memref<80x128xf32, #tpu.memory_space<vmem>>, vector<16xf32>,
          %scan3A_118 = arith.constant 0 : i32
          scf.yield %scan3A_118 : i32
        }
        %scan3A_37 = arith.constant 80 : i32
        "tpu.region"() ({
          %run_scoped3A = tpu.sem_alloc : memref<!tpu.dma_semaphore, #tpu.memory_space<semaphore_mem>>
          %dma_start3A_38 = arith.constant 0 : i32
          %dma_start3A_39 = tpu.memref_slice %arg4[%mul3A_16, %dma_start3A_38] : memref<10000x128xf32, #tpu.memory_space<hbm>> -> memref<80x128xf32, #tpu.memory_space<hbm>>
          %dma_start3A_40 = arith.constant 0 : i32
          %dma_start3A_41 = tpu.memref_slice %arg4[%mul3A_16, %dma_start3A_40] : memref<10000x128xf32, #tpu.memory_space<hbm>> -> memref<80x128xf32, #tpu.memory_space<hbm>>
          tpu.enqueue_dma source(%arg5 : memref<80x128xf32, #tpu.memory_space<vmem>>) target(%dma_start3A_41 : memref<80x128xf32, #tpu.memory_space<hbm>>) target_semaphore(%run_scoped3A : memref<!tpu.dma_semaphore, #tpu.memory_space<semaphore_mem>>)
          %dma_wait3A_42 = arith.constant 0 : i32
          %dma_wait3A_43 = tpu.memref_slice %arg4[%mul3A_16, %dma_wait3A_42] : memref<10000x128xf32, #tpu.memory_space<hbm>> -> memref<80x128xf32, #tpu.memory_space<hbm>>
          %dma_wait3A_44 = arith.constant 0 : i32
          %dma_wait3A_45 = tpu.memref_slice %arg4[%mul3A_16, %dma_wait3A_44] : memref<10000x128xf32, #tpu.memory_space<hbm>> -> memref<80x128xf32, #tpu.memory_space<hbm>>
          tpu.wait_dma2 semaphore(%run_scoped3A : memref<!tpu.dma_semaphore, #tpu.memory_space<semaphore_mem>>) src(%arg5 : memref<80x128xf32, #tpu.memory_space<vmem>>) dst(%dma_wait3A_45 : memref<80x128xf32, #tpu.memory_space<hbm>>)
          tpu.yield
        }) : () -> ()
      } else {
      }
      %scan3A_14 = arith.constant 0 : i32
      scf.yield %scan3A_14 : i32
    }
    %scan3A_6 = arith.constant 4 : i32
    return
  }
}

</mosaic_0001>

<sc_bundles>
// kernel: kernel.12.cloned.1.call-start
scs
__scs_entry_jumppad:
0x0: {  	(pc) =	sbr.rel $0x88, $3  }
0x1: {  	(tag) =	ssettag $0x0;
	lr =	simm.s32 $0x1  }
0x2: {  	[smem:$0x3F9A] =	sst lr;
	_ =	strace $0xD0000000  }
0x3: {  	_ = 	snop  }
0x4: {  	_ = 	snop  }
0x5: {  	_ = 	snop  }
0x6: {  	_ = 	snop  }
0x7: {  	_ = 	snop  }
__scs_overlays_trampoline_lowered:
0x8: {  	[smem:$0x3FA9] =	sst s0  }
0x9: {  	[smem:$0x3FAA] =	sst s1  }
0xa: {  	[smem:$0x3FAB] =	sst s2  }
0xb: {  	[smem:$0x3FAC] =	sst s3  }
0xc: {  	[smem:$0x3FAD] =	sst s4  }
0xd: {  	[smem:$0x3FAE] =	sst s5  }
0xe: {  	[smem:$0x3FAF] =	sst s6  }
0xf: {  	[smem:$0x3FB0] =	sst s7  }
0x10: {  	[smem:$0x3FB1] =	sst s8  }
0x11: {  	[smem:$0x3FB2] =	sst s9;
	s0 =	simm.s32 @!p0 $0x0  }
0x12: {  	s1 =	sld [smem:$0x3F98];
	s0 =	simm.s32 @p0 $0x1  }
0x13: {  	[smem:$0x3FB3] =	sst s0;
	s0 =	simm.s32 @!p1 $0x0  }
0x14: {  	s2 =	sld [smem:$0x3F97];
	s0 =	simm.s32 @p1 $0x1  }
0x15: {  	[smem:$0x3FB4] =	sst s0;
	s0 =	simm.s32 @!p2 $0x0  }
0x16: {  	s3 =	sld [smem:$0x3FDB];
	s0 =	simm.s32 @p2 $0x1  }
0x17: {  	s4 =	simm.s32 $0x1BF5;
	[smem:$0x3FB6] =	sst s0  }
0x18: {  	s0 =	sld [smem:$0x3F99];
	_ =	swait.ge [sflag:s4], $0x0  }
0x19: {  	s7 =	sld [smem:$0x3F9A]  }
0x1a: {  	s8 =	sadd.s32 $0xFFFFE003, lr  }
0x1b: {  	s9 =	sadd.s32 $0xFFFFFEF7, lr;
	s5 =	simm.s32 $0xFFFFFFFF;
	p2 =	slt.u32 s8, $0xFFFFF086  }
0x1c: {  	p1 =	slt.u32 s9, $0xF7A;
	s5 =	simm.s32 @!p2 $0x0  }
0x1d: {  	s5 =	simm.s32 @p1 $0x1;
	p0 =	seq.s32 s7, s2  }
0x1e: {  	s7 =	smul.u32 @!p0 $0xF7A, s2;
	p2 =	seq.s32 @!p0 s5, $0x0  }
0x1f: {  	s9 =	smul.u32 $0xF7A, s1;
	s8 =	simm.s32 @!p0 $0x1BF5;
	p2 =	por !p2, p0  }
0x20: {  	[sflag:s8] =	ssyncset.s32 @!p0 $0xFFFFF086;
	s6 =	sadd.s32 @!p0 s3, s7;
	s7 =	simm.s32 @!p0 $0x108  }
0x21: {  	s3 =	sadd.s32 s3, s9;
	s6 =	sadd.s32 @!p0 $0x88, s6;
	s7 =	simm.s32 @p2 $0x1082  }
0x22: {  	[simem:s7], [sflag:s8] =	dma.local @!p0 [hbm:s6], $0xF7A  }
0x23: {  	s9 =	sor.u32 $0xD0000000, s2;
	s6 =	simm.s32 $0x108;
	_ =	swait.ge @!p0 [sflag:s8], $0x0  }
0x24: {  	s3 =	sadd.s32 $0x88, s3;
	s6 =	simm.s32 @!p1 $0x1082;
	[sflag:s4] =	ssyncset.s32 $0xFFFFF086  }
0x25: {  	[simem:s6], [sflag:s4] =	dma.local [hbm:s3], $0xF7A  }
0x26: {  	[smem:$0x3F9A] =	sst s1;
	(tag) =	ssettag s2;
	_ =	strace s9  }
0x27: {  	s1 =	sld [smem:$0x3FAA]  }
0x28: {  	s2 =	sld [smem:$0x3FAB]  }
0x29: {  	s4 =	sld [smem:$0x3FAD]  }
0x2a: {  	p0 =	seq.s32 s5, $0x0;
	s5 =	sld [smem:$0x3FAE]  }
0x2b: {  	s6 =	sld [smem:$0x3FAF]  }
0x2c: {  	s7 =	sld [smem:$0x3FB0]  }
0x2d: {  	s3 =	simm.s32 $0x108;
	s8 =	sld [smem:$0x3FB1]  }
0x2e: {  	s3 =	simm.s32 @!p0 $0x1082;
	s9 =	sld [smem:$0x3FB2]  }
0x2f: {  	lr =	sadd.s32 s0, s3;
	s0 =	sld [smem:$0x3FA9]  }
0x30: {  	s3 =	sld [smem:$0x3FAC]  }
0x31: {  	[smem:$0x3FB5] =	sst s10  }
0x32: {  	s10 =	sld [smem:$0x3FB3];
	_ =	sdelay $0x3  }
0x33: {  	p0 =	seq.s32 s10, $0x1;
	s10 =	sld [smem:$0x3FB5];
	_ =	sdelay $0x3  }
0x34: {  	[smem:$0x3FB5] =	sst s10  }
0x35: {  	s10 =	sld [smem:$0x3FB4];
	_ =	sdelay $0x3  }
0x36: {  	p1 =	seq.s32 s10, $0x1;
	s10 =	sld [smem:$0x3FB5];
	_ =	sdelay $0x3  }
0x37: {  	[smem:$0x3FB5] =	sst s10  }
0x38: {  	s10 =	sld [smem:$0x3FB6]  }
0x39: {  	_ = 	snop;
	(pc) =	sbr.ind lr, $3  }
0x3a: {  	_ = 	snop  }
0x3b: {  	_ = 	snop  }
0x3c: {  	p2 =	seq.s32 s10, $0x1;
	s10 =	sld [smem:$0x3FB5]  }
0x3d: {  	_ =	shalt  }
0x3e: {  	_ =	shalt  }
0x3f: {  	_ =	shalt  }
0x40: {  	_ =	shalt  }
0x41: {  	_ =	shalt  }
0x42: {  	_ =	shalt  }
0x43: {  	_ =	shalt  }
0x44: {  	_ =	shalt  }
0x45: {  	_ =	shalt  }
0x46: {  	_ =	shalt  }
0x47: {  	_ =	shalt  }
0x48: {  	_ =	shalt  }
0x49: {  	_ =	shalt  }
0x4a: {  	_ =	shalt  }
0x4b: {  	_ =	shalt  }
0x4c: {  	_ =	shalt  }
0x4d: {  	_ =	shalt  }
0x4e: {  	_ =	shalt  }
0x4f: {  	_ =	shalt  }
0x50: {  	_ =	shalt  }
0x51: {  	_ =	shalt  }
0x52: {  	_ =	shalt  }
0x53: {  	_ =	shalt  }
0x54: {  	_ =	shalt  }
0x55: {  	_ =	shalt  }
0x56: {  	_ =	shalt  }
0x57: {  	_ =	shalt  }
0x58: {  	_ =	shalt  }
0x59: {  	_ =	shalt  }
0x5a: {  	_ =	shalt  }
0x5b: {  	_ =	shalt  }
0x5c: {  	_ =	shalt  }
0x5d: {  	_ =	shalt  }
0x5e: {  	_ =	shalt  }
0x5f: {  	_ =	shalt  }
0x60: {  	_ =	shalt  }
0x61: {  	_ =	shalt  }
0x62: {  	_ =	shalt  }
0x63: {  	_ =	shalt  }
0x64: {  	_ =	shalt  }
0x65: {  	_ =	shalt  }
0x66: {  	_ =	shalt  }
0x67: {  	_ =	shalt  }
0x68: {  	_ =	shalt  }
0x69: {  	_ =	shalt  }
0x6a: {  	_ =	shalt  }
0x6b: {  	_ =	shalt  }
0x6c: {  	_ =	shalt  }
0x6d: {  	_ =	shalt  }
0x6e: {  	_ =	shalt  }
0x6f: {  	_ =	shalt  }
0x70: {  	_ =	shalt  }
0x71: {  	_ =	shalt  }
0x72: {  	_ =	shalt  }
0x73: {  	_ =	shalt  }
0x74: {  	_ =	shalt  }
0x75: {  	_ =	shalt  }
0x76: {  	_ =	shalt  }
0x77: {  	_ =	shalt  }
0x78: {  	_ =	shalt  }
0x79: {  	_ =	shalt  }
0x7a: {  	_ =	shalt  }
0x7b: {  	_ =	shalt  }
0x7c: {  	_ =	shalt  }
0x7d: {  	_ =	shalt  }
0x7e: {  	_ =	shalt  }
0x7f: {  	_ =	shalt  }
0x80: {  	_ =	shalt  }
0x81: {  	_ =	shalt  }
0x82: {  	_ =	shalt  }
0x83: {  	_ =	shalt  }
0x84: {  	_ =	shalt  }
0x85: {  	_ =	shalt  }
0x86: {  	_ =	shalt  }
0x87: {  	_ =	shalt  }
.Lfunc_end0:
.L_simem_size_0:
called_computation.2_lowered:
.L_overlay_start_0:
0x88: {  	s2 =	sld [smem:$0x3FD9]  }
0x89: {  	s3 =	sld [smem:$0x3FFE];
	_ =	sdelay $0x1  }
0x8a: {  	s1 =	srdreg.scid  }
0x8b: {  	s0 =	sand.u32 $0x1, s1  }
0x8c: {  	s17 =	sshll.u32 s0, $0xA;
	s2 =	sadd.s32 s3, s2  }
0x8d: {  	s2 =	sadd.s32 s2, s17  }
0x8e: {  	[smem:$0x3FC1] =	sst s2  }
0x8f: {  	_ = 	snop  }
0x90: {  	s2 =	sld [smem:$0x3FC5]  }
0x91: {  	s18 =	sld [smem:$0x3FC4]  }
0x92: {  	s4 =	sld [smem:$0x3FC3];
	(tm) =	ssettm $0x1  }
0x93: {  	s5 =	sld [smem:$0x3FFB];
	_ =	sdelay $0x3  }
0x94: {  	_ =	strace s5  }
0x95: {  	s5 =	sld [smem:$0x3FFC];
	_ =	sdelay $0x3  }
0x96: {  	_ =	strace s5  }
0x97: {  	s5 =	sld [smem:$0x3FFD];
	_ =	sdelay $0x3  }
0x98: {  	_ =	strace s5  }
0x99: {  	_ =	strace $0x8FFFFFFF  }
0x9a: {  	s19 =	sld [smem:$0x3FDB];
	_ =	sdelay $0x1  }
0x9b: {  	s6 =	simm.s32 $_scs_section_size  }
0x9c: {  	s7 =	simm.s32 $_size__tile_overlayer_lowered;
	s8 =	simm.s32 $_tile_overlayer_lowered  }
0x9d: {  	s22 =	simm.s32 $0x1BFF;
	s21 =	sshll.u32 s8, $0x1;
	s5 =	sadd.s32 s6, s19  }
0x9e: {  	s9 =	simm.s32 $0x0;
	s20 =	sshll.u32 s7, $0x1;
	s7 =	sadd.s32 s21, s5  }
0x9f: {  	[timem:s9], [sflag:s22] =	dma.local [hbm:s7], s20  }
0xa0: {  	_ =	swait.ge [sflag:s22], s20  }
0xa1: {  	s6 =	ssub.s32 $0x0, s20;
	[sflag:s22] =	ssyncset.done $0x0  }
0xa2: {  	[sflag:s22] =	ssyncadd.s32 s6;
	_ =	sdelay $0x1  }
0xa3: {  	s23 =	simm.s32 $0x1B8B  }
0xa4: {  	_ =	swait.ge [sflag:s23], $0x1  }
0xa5: {  	[sflag:s23] =	ssyncset.done $0x0  }
0xa6: {  	s25 =	simm.s32 $0x1B8E;
	s24 =	sld [smem:$0x3FFE];
	[sflag:s23] =	ssyncadd.s32 $0xFFFFFFFF  }
0xa7: {  	s26 =	simm.s32 $execute0_lowered;
	[smem:$0x3FD2] =	sst s25  }
0xa8: {  	s7 =	sshll.u32 s26, $0x1;
	_ =	strace $0x8000004C;
	[dreg:$0x1] =	wrdreg $0xFFFFFFFF  }
0xa9: {  	s28 =	simm.s32 $_size_execute0_lowered;
	s5 =	sadd.s32 s5, s7;
	[dreg:$0x0] =	wrdreg $0x0  }
0xaa: {  	s7 =	sshll.u32 s28, $0x1;
	[dreg:$0x2] =	wrdreg s5  }
0xab: {  	[dreg:$0x3] =	wrdreg s7  }
0xac: {  	[dreg:$0x4] =	wrdreg $0xC0  }
0xad: {  	_ =	task [dreg:s9], $0x5FFFF  }
0xae: {  	[dreg:$0x1] =	wrdreg $0xFFFFFFFF  }
0xaf: {  	[dreg:$0x0] =	wrdreg $0x60  }
0xb0: {  	[dreg:$0x2] =	wrdreg s24  }
0xb1: {  	[dreg:$0x3] =	wrdreg s2  }
0xb2: {  	[dreg:$0x4] =	wrdreg s18  }
0xb3: {  	[dreg:$0x5] =	wrdreg s4  }
0xb4: {  	[dreg:$0x6] =	wrdreg $0x0  }
0xb5: {  	[dreg:$0x7] =	wrdreg $0x9  }
0xb6: {  	_ =	task.clear_ibuf [dreg:s9], $0x8FFFF;
	_ =	strace $0x9000004C  }
0xb7: {  	s29 =	simm.s32 $0x9;
	_ =	strace $0x8000004E  }
0xb8: {  	_ =	swait.ge [sflag:s29], $0x1  }
0xb9: {  	[sflag:s29] =	ssyncadd.s32 $0xFFFFFFFF  }
0xba: {  	_ =	strace $0x9000004E  }
0xbb: {  	_ =	sfence  }
0xbc: {  	s30 =	sld [smem:$0x0];
	_ =	sdelay $0x2  }
0xbd: {  	s31 =	sshll.u32 s1, $0xD;
	s1 =	sshrl.u32 s1, $0x2  }
0xbe: {  	s3 =	sand.u32 $0x4000, s31;
	s1 =	sadd.s32 s1, s30  }
0xbf: {  	s0 =	sor.u32 s3, s0;
	s1 =	sshll.u32 s1, $0x11  }
0xc0: {  	s0 =	sor.u32 s1, s0  }
0xc1: {  	s0 =	sadd.s32 $0x8F2B, s0  }
0xc2: {  	[sflag:s0] =	ssyncadd.remote.s32 $0x1  }
0xc3: {  	_ =	sfence.sel $0xFFFF  }
0xc4: {  	[dreg:$0x0] =	wrdreg $0xFFFFFFFF;
	(pc) =	sbr.abs _section_cstart, $3  }
0xc5: {  	[dreg:$0x1] =	wrdreg $0xFFFFFFFF  }
0xc6: {  	_ =	task.clear_ibuf [dreg:s9], $0x2FFFF;
	_ =	strace $0x9FFFFFFF  }
0xc7: {  	(tm) =	ssettm $0x7FFFFFFF  }
tec
execute0_lowered:
.L_overlay_start_1:
0x0: {  	(tag) =	ssettag $0x1  }
0x1: {  	s0 =	rddreg [dreg:$0x0]  }
0x2: {  	s1 =	rddreg [dreg:$0x1]  }
0x3: {  	s2 =	rddreg [dreg:$0x2]  }
0x4: {  	s3 =	rddreg [dreg:$0x3]  }
0x5: {  	s4 =	rddreg [dreg:$0x4];
	s6 =	srdreg.scid  }
0x6: {  	s5 =	simm.s32 $0x0;
	s8 =	sand.u32 $0x1, s6;
	s6 =	stileid.u32  }
0x7: {  	[smem:$0x7FF] =	sst s5;
	s7 =	sadd.s32 $0x77200, s0;
	s14 =	sor.u32 $0x10, s6  }
0x8: {  	s9 =	sadd.s32 $0x28E00, s0;
	s15 =	sor.u32 $0x20, s6;
	s13 =	smul.u32 $0xA000, s14  }
0x9: {  	s26 =	sadd.s32 $0x50000, s0;
	s17 =	sor.u32 $0x30, s6;
	s16 =	smul.u32 $0xA000, s15  }
0xa: {  	_ =	strace $0x8000004D;
	s19 =	sor.u32 $0x50, s6;
	s25 =	smul.u32 $0xA000, s17  }
0xb: {  	s24 =	ssub.s32 $0x2, s8;
	s21 =	sor.u32 $0x60, s6;
	s20 =	smul.u32 $0xA000, s19  }
0xc: {  	p0 =	seq.s32 s8, $0x1;
	s10 =	sshrl.u32 s24, $0x1;
	s22 =	smul.u32 $0xA000, s21  }
0xd: {  	s18 =	sor.u32 $0x40, s6;
	s23 =	smul.u32 $0x500, s14;
	s0 =	ssub.s32 s24, s10  }
0xe: {  	s10 =	sshll.u32 s8, $0x4;
	s24 =	smul.u32 $0x500, s15;
	s11 =	smax.u32 s0, $0x1  }
0xf: {  	s0 =	smul.u32 $0xA000, s18;
	s16 =	sshrl.u32 s16, $0x2;
	s8 =	sshrl.u32 s25, $0x2  }
0x10: {  	s25 =	smul.u32 $0x500, s17;
	s15 =	sadd.s32 s8, s4;
	s8 =	sor.u32 $0x70, s6  }
0x11: {  	s17 =	sshrl.u32 s20, $0x2;
	s0 =	sshrl.u32 s0, $0x2;
	s20 =	smul.u32 $0xA000, s8  }
0x12: {  	p1 =	sgt.u32 s8, $0x7C;
	p2 =	slt.u32 s8, $0x7D;
	s8 =	smul.u32 $0x500, s8  }
0x13: {  	s14 =	sadd.s32 s16, s4;
	s16 =	sadd.s32 s0, s4;
	s0 =	smul.u32 $0x500, s18  }
0x14: {  	s18 =	sshrl.u32 s22, $0x2;
	s22 =	smul.u32 $0x500, s19;
	s20 =	sshrl.u32 s20, $0x2  }
0x15: {  	[dreg:$0x6] =	wrdreg s9;
	s19 =	sadd.s32 s20, s4;
	s20 =	smul.u32 $0x500, s6  }
0x16: {  	[dreg:$0x7] =	wrdreg s26  }
0x17: {  	[dreg:$0x8] =	wrdreg s8;
	s8 =	sadd.s32 s9, s20  }
0x18: {  	s28 =	simm.s32 $0x13900;
	s20 =	sadd.s32 s26, s20;
	[dreg:$0x9] =	wrdreg s8  }
0x19: {  	s29 =	simm.s32 $0x13980;
	[dreg:$0xa] =	wrdreg s20;
	s20 =	sadd.s32 s9, s23  }
0x1a: {  	s30 =	simm.s32 $0x80;
	s23 =	sadd.s32 s26, s23;
	[dreg:$0xb] =	wrdreg s20  }
0x1b: {  	s31 =	simm.s32 $0x1;
	[dreg:$0xc] =	wrdreg s23;
	s20 =	sadd.s32 s9, s24  }
0x1c: {  	s12 =	smul.u32 $0xA000, s6;
	s23 =	sadd.s32 s26, s24;
	[dreg:$0xd] =	wrdreg s20  }
0x1d: {  	s21 =	smul.u32 $0x500, s21;
	s24 =	sadd.s32 s9, s25;
	[dreg:$0xe] =	wrdreg s23  }
0x1e: {  	s12 =	sshrl.u32 s12, $0x2;
	s25 =	sadd.s32 s26, s25;
	[dreg:$0xf] =	wrdreg s24  }
0x1f: {  	s12 =	sadd.s32 s12, s4;
	[dreg:$0x10] =	wrdreg s25;
	s20 =	sadd.s32 s9, s0  }
0x20: {  	s13 =	sshrl.u32 s13, $0x2;
	s0 =	sadd.s32 s26, s0;
	[dreg:$0x11] =	wrdreg s20  }
0x21: {  	s13 =	sadd.s32 s13, s4;
	s23 =	sadd.s32 s9, s22;
	[dreg:$0x12] =	wrdreg s0  }
.Ltmp0:
0x22: {  	s24 =	sadd.s32 s26, s22;
	[dreg:$0x13] =	wrdreg s23;
	(pc) =	sbr.rel .LBB2_1-.Ltmp0, $4  }
0x23: {  	s17 =	sadd.s32 s17, s4;
	s25 =	sadd.s32 s9, s21;
	[dreg:$0x14] =	wrdreg s24  }
0x24: {  	s18 =	sadd.s32 s18, s4;
	s26 =	sadd.s32 s26, s21;
	[dreg:$0x15] =	wrdreg s25  }
0x25: {  	[dreg:$0x16] =	wrdreg s26;
	s23 =	simm.s32 $0x13A00;
	s24 =	simm.s32 $0x2  }
0x26: {  	v0 =	vimm.f32 $0.0e+00;
	s25 =	simm.s32 $0x13880;
	s26 =	simm.s32 $0x3;
	s0 =	simm.s32 $0x0  }
.LBB2_12:
0x27: {  	[tilespmem:s23], [sflag:$0x3] =	stream.linear.gather [spmem:s19], $0x2800, $0x38;
	[tilespmem:$0x17A00] =	vst v63  }
0x28: {  	_ =	swait.ge [sflag:s26], $0x2800  }
0x29: {  	[sflag:s26] =	ssyncset.done $0x0;
	s9 =	rddreg [dreg:$0x8]  }
0x2a: {  	s8 =	sadd.s32 s8, s9;
	[sflag:s26] =	ssyncadd.s32 $0xFFFFD800  }
0x2b: {  	[hbm4b:s8+s5] =	stream.linear.scatter [tilespmem:s23], [sflag:$0x2], $0x2800, $0x38;
	[tilespmem:$0x17A00] =	vst v63  }
0x2c: {  	_ =	swait.ge [sflag:s24], $0x2800  }
0x2d: {  	[sflag:s24] =	ssyncset.done $0x0  }
0x2e: {  	[sflag:s24] =	ssyncadd.s32 $0xFFFFD800  }
.LBB2_13:
0x2f: {  	s0 =	sadd.s32 $0x1, s0  }
0x30: {  	p3 =	sne.s32 s0, s11  }
.Ltmp1:
0x31: {  	_ = 	snop;
	(pc) =	sbr.rel @!p3 .LBB2_14-.Ltmp1, $1  }
0x32: {  	_ =	sdelay $0x3  }
.LBB2_1:
0x33: {  	s8 =	simm.s32 $0x0;
	s20 =	simm.s32 $0x200  }
.LBB2_2:
0x34: {  	p3 =	sne.s32 s20, $0x9E00;
	[tilespmem:s8+$0x13A70] =	vst v0  }
0x35: {  	[tilespmem:s8+$0x13A00] =	vst v0  }
0x36: {  	[tilespmem:s8+$0x13A10] =	vst v0  }
.Ltmp2:
0x37: {  	[tilespmem:s8+$0x13A20] =	vst v0;
	(pc) =	sbr.rel @p3 .LBB2_2-.Ltmp2, $4  }
0x38: {  	[tilespmem:s8+$0x13A30] =	vst v0  }
0x39: {  	[tilespmem:s8+$0x13A40] =	vst v0  }
0x3a: {  	[tilespmem:s8+$0x13A50] =	vst v0  }
0x3b: {  	[tilespmem:s8+$0x13A60] =	vst v0;
	s8 =	sshra.s32 s20, $0x2;
	s20 =	sadd.s32 $0x200, s20  }
0x3c: {  	[tilespmem:s8+$0x13A70] =	vst v0  }
0x3d: {  	[tilespmem:s8+$0x13A00] =	vst v0  }
0x3e: {  	[tilespmem:s8+$0x13A10] =	vst v0  }
0x3f: {  	[tilespmem:s8+$0x13A20] =	vst v0  }
0x40: {  	[tilespmem:s8+$0x13A30] =	vst v0  }
0x41: {  	[tilespmem:s8+$0x13A40] =	vst v0  }
0x42: {  	[tilespmem:s8+$0x13A50] =	vst v0  }
0x43: {  	[tilespmem:s8+$0x13A60] =	vst v0  }
0x44: {  	[spmem:s12] =	stream.linear.scatter [tilespmem:s23], [sflag:$0x2], $0x2800, $0x38;
	[tilespmem:$0x17A00] =	vst v63  }
0x45: {  	_ =	swait.ge [sflag:s24], $0x2800  }
0x46: {  	[sflag:s24] =	ssyncset.done $0x0  }
0x47: {  	[sflag:s24] =	ssyncadd.s32 $0xFFFFD800  }
0x48: {  	[spmem:s13] =	stream.linear.scatter [tilespmem:s23], [sflag:$0x2], $0x2800, $0x38;
	[tilespmem:$0x17A00] =	vst v63  }
0x49: {  	_ =	swait.ge [sflag:s24], $0x2800  }
0x4a: {  	[sflag:s24] =	ssyncset.done $0x0  }
0x4b: {  	[sflag:s24] =	ssyncadd.s32 $0xFFFFD800  }
0x4c: {  	[spmem:s14] =	stream.linear.scatter [tilespmem:s23], [sflag:$0x2], $0x2800, $0x38;
	[tilespmem:$0x17A00] =	vst v63  }
0x4d: {  	_ =	swait.ge [sflag:s24], $0x2800  }
0x4e: {  	[sflag:s24] =	ssyncset.done $0x0  }
0x4f: {  	[sflag:s24] =	ssyncadd.s32 $0xFFFFD800  }
0x50: {  	[spmem:s15] =	stream.linear.scatter [tilespmem:s23], [sflag:$0x2], $0x2800, $0x38;
	[tilespmem:$0x17A00] =	vst v63  }
0x51: {  	_ =	swait.ge [sflag:s24], $0x2800  }
0x52: {  	[sflag:s24] =	ssyncset.done $0x0  }
0x53: {  	[sflag:s24] =	ssyncadd.s32 $0xFFFFD800  }
0x54: {  	[spmem:s16] =	stream.linear.scatter [tilespmem:s23], [sflag:$0x2], $0x2800, $0x38;
	[tilespmem:$0x17A00] =	vst v63  }
0x55: {  	_ =	swait.ge [sflag:s24], $0x2800  }
0x56: {  	[sflag:s24] =	ssyncset.done $0x0  }
0x57: {  	[sflag:s24] =	ssyncadd.s32 $0xFFFFD800  }
0x58: {  	[spmem:s17] =	stream.linear.scatter [tilespmem:s23], [sflag:$0x2], $0x2800, $0x38;
	[tilespmem:$0x17A00] =	vst v63  }
0x59: {  	_ =	swait.ge [sflag:s24], $0x2800  }
0x5a: {  	[sflag:s24] =	ssyncset.done $0x0  }
0x5b: {  	[sflag:s24] =	ssyncadd.s32 $0xFFFFD800  }
0x5c: {  	[spmem:s18] =	stream.linear.scatter [tilespmem:s23], [sflag:$0x2], $0x2800, $0x38;
	[tilespmem:$0x17A00] =	vst v63  }
0x5d: {  	_ =	swait.ge [sflag:s24], $0x2800  }
0x5e: {  	[sflag:s24] =	ssyncset.done $0x0  }
0x5f: {  	s8 =	simm.s32 @!p1 $0x13A00;
	[sflag:s24] =	ssyncadd.s32 $0xFFFFD800  }
0x60: {  	[spmem:s19] =	stream.linear.scatter @!p1 [tilespmem:s8], [sflag:$0x2], $0x2800, $0x38;
	[tilespmem:$0x17A00] =	vst v63  }
0x61: {  	s8 =	simm.s32 @!p1 $0x2  }
.Ltmp3:
0x62: {  	_ =	swait.ge @!p1 [sflag:s8], $0x2800;
	(pc) =	sbr.rel .LBB2_4-.Ltmp3, $4  }
0x63: {  	[sflag:s8] =	ssyncset.done @!p1 $0x0  }
0x64: {  	[sflag:s8] =	ssyncadd.s32 @!p1 $0xFFFFD800  }
0x65: {  	[bflag:$0x0] =	sbarrier.arrive $0xFFFF  }
0x66: {  	s20 =	simm.s32 $0x0  }
.LBB2_8:
0x67: {  	s20 =	sadd.s32 $0x1, s20  }
0x68: {  	p3 =	sne.s32 s20, $0x4F  }
.Ltmp4:
0x69: {  	_ = 	snop;
	(pc) =	sbr.rel @!p3 .LBB2_9-.Ltmp4, $1  }
0x6a: {  	_ =	sdelay $0x3  }
.LBB2_4:
0x6b: {  	s8 =	sshll.u32 s20, $0x5  }
0x6c: {  	s8 =	sor.u32 s8, s10  }
0x6d: {  	s8 =	sor.u32 s6, s8  }
0x6e: {  	p3 =	sgt.u32 s8, $0x9C3  }
.Ltmp5:
0x6f: {  	_ = 	snop;
	(pc) =	sbr.rel @p3 .LBB2_8-.Ltmp5, $1  }
0x70: {  	_ =	sdelay $0x3  }
0x71: {  	s8 =	sshll.u32 s8, $0x4  }
0x72: {  	s22 =	simm.s32 $0x0;
	s21 =	sadd.s32 s2, s8  }
0x73: {  	[tilespmem:s25], [sflag:$0x3] =	stream.linear.gather [hbm4b:s21+s22], $0x80, $0x38;
	[tilespmem:$0x17A00] =	vst v63  }
0x74: {  	_ =	swait.ge [sflag:s26], $0x80  }
0x75: {  	[sflag:s26] =	ssyncset.done $0x0  }
0x76: {  	s9 =	sadd.s32 s1, s8;
	[sflag:s26] =	ssyncadd.s32 $0xFFFFFF80  }
0x77: {  	[tilespmem:s28], [sflag:$0x3] =	stream.linear.gather [hbm4b:s9+s22], $0x80, $0x38;
	[tilespmem:$0x17A00] =	vst v63  }
0x78: {  	_ =	swait.ge [sflag:s26], $0x80  }
0x79: {  	[sflag:s26] =	ssyncset.done $0x0  }
0x7a: {  	s8 =	sadd.s32 s3, s8;
	[sflag:s26] =	ssyncadd.s32 $0xFFFFFF80  }
0x7b: {  	[tilespmem:s29], [sflag:$0x3] =	stream.linear.gather [hbm4b:s8+s22], $0x80, $0x38;
	[tilespmem:$0x17A00] =	vst v63  }
0x7c: {  	_ =	swait.ge [sflag:s26], $0x80  }
0x7d: {  	[sflag:s26] =	ssyncset.done $0x0  }
0x7e: {  	[sflag:s26] =	ssyncadd.s32 $0xFFFFFF80  }
0x7f: {  	[tilespmem:s23], [sflag:$0x1] =	stream.indirect.gather [hbm4b:s7+s30], $0x80, s25, s30, $0xb8;
	[tilespmem:$0x17A00] =	vst v63  }
0x80: {  	_ =	swait.ge [sflag:s31], $0x4000  }
0x81: {  	v1 =	vmov s22;
	[sflag:s31] =	ssyncset.done $0x0  }
0x82: {  	s21 =	simm.s32 $0x13A40;
	[sflag:s31] =	ssyncadd.s32 $0xFFFFC000  }
0x83: {  	v5 =	vld [tilespmem:s21+$0x30]  }
0x84: {  	v8 =	vld [tilespmem:s21+$0x10]  }
0x85: {  	v6 =	vld [tilespmem:s21+$0xFFFFFFC0]  }
0x86: {  	v2 =	vld.idx.msk [tilespmem:v1+s29+$0x0], $0xffff  }
0x87: {  	v10 =	vld [tilespmem:s21+$0xFFFFFFE0]  }
0x88: {  	v1 =	vld [tilespmem:s21+$0xFFFFFFF0]  }
0x89: {  	v3 =	vld [tilespmem:s21+$0x20]  }
0x8a: {  	v4 =	vld [tilespmem:s21+$0xFFFFFFD0]  }
0x8b: {  	v9 =	vmul.f32 v5, v2;
	v5 =	vld [tilespmem:s21+$0x0]  }
0x8c: {  	v7 =	vmul.f32 v6, v2  }
0x8d: {  	s22 =	simm.s32 $0x1;
	s8 =	simm.s32 $0x13A40;
	v6 =	vmul.f32 v10, v2;
	v8 =	vmul.f32 v8, v2  }
.LBB2_6:
0x8e: {  	p3 =	sne.s32 s22, $0x7F  }
0x8f: {  	v4 =	vmul.f32 v4, v2;
	v3 =	vmul.f32 v3, v2;
	[tilespmem:s21+$0x30] =	vst v9;
	s8 =	sadd.s32 $0x80, s8;
	s9 =	smov.u32 s22;
	s22 =	sadd.s32 $0x1, s22  }
0x90: {  	[tilespmem:s21+$0xFFFFFFC0] =	vst v7;
	v7 =	vmul.f32 v1, v2;
	v2 =	vmul.f32 v5, v2  }
0x91: {  	[tilespmem:s21+$0x10] =	vst v8  }
0x92: {  	v5 =	vmov s9;
	[tilespmem:s21+$0xFFFFFFE0] =	vst v6  }
0x93: {  	v1 =	vld [tilespmem:s8+$0xFFFFFFF0];
	[tilespmem:s21+$0xFFFFFFF0] =	vst v7  }
0x94: {  	v6 =	vld [tilespmem:s8+$0x30];
	[tilespmem:s21+$0x0] =	vst v2  }
0x95: {  	v8 =	vld [tilespmem:s8+$0x10];
	[tilespmem:s21+$0x20] =	vst v3  }
0x96: {  	v7 =	vld [tilespmem:s8+$0xFFFFFFC0];
	[tilespmem:s21+$0xFFFFFFD0] =	vst v4;
	s21 =	smov.u32 s8  }
0x97: {  	v2 =	vld.idx.msk [tilespmem:v5+s29+$0x0], $0xffff  }
0x98: {  	v10 =	vld [tilespmem:s8+$0xFFFFFFE0]  }
0x99: {  	v3 =	vld [tilespmem:s8+$0x20]  }
.Ltmp6:
0x9a: {  	v4 =	vld [tilespmem:s8+$0xFFFFFFD0];
	(pc) =	sbr.rel @p3 .LBB2_6-.Ltmp6, $3  }
0x9b: {  	v5 =	vld [tilespmem:s8+$0x0];
	_ =	sdelay $0x1  }
0x9c: {  	v7 =	vmul.f32 v7, v2;
	v9 =	vmul.f32 v6, v2  }
0x9d: {  	v8 =	vmul.f32 v8, v2;
	v6 =	vmul.f32 v10, v2  }
0x9e: {  	[tilespmem:s21+$0x30] =	vst v9  }
0x9f: {  	[tilespmem:s21+$0xFFFFFFC0] =	vst v7  }
0xa0: {  	v1 =	vmul.f32 v1, v2;
	[tilespmem:s21+$0x10] =	vst v8  }
0xa1: {  	v3 =	vmul.f32 v3, v2;
	[tilespmem:s21+$0xFFFFFFE0] =	vst v6  }
0xa2: {  	v5 =	vmul.f32 v5, v2;
	[tilespmem:s21+$0xFFFFFFF0] =	vst v1  }
0xa3: {  	v1 =	vmul.f32 v4, v2;
	[tilespmem:s21+$0x20] =	vst v3  }
0xa4: {  	[tilespmem:s21+$0x0] =	vst v5  }
.Ltmp7:
0xa5: {  	[tilespmem:s21+$0xFFFFFFD0] =	vst v1;
	(pc) =	sbr.rel .LBB2_8-.Ltmp7, $4  }
0xa6: {  	[spmem:s4] =	stream.indirect.scatter.add.f32 [tilespmem:s23], [sflag:$0x2], $0x80, s28, s30, $0xb8;
	[tilespmem:$0x17A00] =	vst v63  }
0xa7: {  	_ =	swait.ge [sflag:s24], $0x4000  }
0xa8: {  	[sflag:s24] =	ssyncset.done $0x0  }
0xa9: {  	[sflag:s24] =	ssyncadd.s32 $0xFFFFC000  }
.LBB2_9:
.Ltmp8:
0xaa: {  	(pc) =	sbr.rel @!p0 .LBB2_10-.Ltmp8, $2  }
0xab: {  	_ =	sdelay $0x1  }
0xac: {  	[bflag:$0x0] =	sbarrier.arrive $0xFFFF;
	_ =	sdelay $0x1  }
0xad: {  	[tilespmem:s23], [sflag:$0x3] =	stream.linear.gather [spmem:s12], $0x2800, $0x38;
	[tilespmem:$0x17A00] =	vst v63  }
0xae: {  	_ =	swait.ge [sflag:s26], $0x2800  }
0xaf: {  	[sflag:s26] =	ssyncset.done $0x0  }
0xb0: {  	s8 =	rddreg [dreg:$0xa];
	[sflag:s26] =	ssyncadd.s32 $0xFFFFD800  }
0xb1: {  	[hbm4b:s8+s5] =	stream.linear.scatter [tilespmem:s23], [sflag:$0x2], $0x2800, $0x38;
	[tilespmem:$0x17A00] =	vst v63  }
0xb2: {  	_ =	swait.ge [sflag:s24], $0x2800  }
0xb3: {  	[sflag:s24] =	ssyncset.done $0x0  }
0xb4: {  	[sflag:s24] =	ssyncadd.s32 $0xFFFFD800  }
0xb5: {  	[tilespmem:s23], [sflag:$0x3] =	stream.linear.gather [spmem:s13], $0x2800, $0x38;
	[tilespmem:$0x17A00] =	vst v63  }
0xb6: {  	_ =	swait.ge [sflag:s26], $0x2800  }
0xb7: {  	[sflag:s26] =	ssyncset.done $0x0  }
0xb8: {  	s21 =	rddreg [dreg:$0xc];
	[sflag:s26] =	ssyncadd.s32 $0xFFFFD800  }
0xb9: {  	[hbm4b:s21+s5] =	stream.linear.scatter [tilespmem:s23], [sflag:$0x2], $0x2800, $0x38;
	[tilespmem:$0x17A00] =	vst v63  }
0xba: {  	_ =	swait.ge [sflag:s24], $0x2800  }
0xbb: {  	[sflag:s24] =	ssyncset.done $0x0  }
0xbc: {  	[sflag:s24] =	ssyncadd.s32 $0xFFFFD800  }
0xbd: {  	[tilespmem:s23], [sflag:$0x3] =	stream.linear.gather [spmem:s14], $0x2800, $0x38;
	[tilespmem:$0x17A00] =	vst v63  }
0xbe: {  	_ =	swait.ge [sflag:s26], $0x2800  }
0xbf: {  	[sflag:s26] =	ssyncset.done $0x0  }
0xc0: {  	s22 =	rddreg [dreg:$0xe];
	[sflag:s26] =	ssyncadd.s32 $0xFFFFD800  }
0xc1: {  	[hbm4b:s22+s5] =	stream.linear.scatter [tilespmem:s23], [sflag:$0x2], $0x2800, $0x38;
	[tilespmem:$0x17A00] =	vst v63  }
0xc2: {  	_ =	swait.ge [sflag:s24], $0x2800  }
0xc3: {  	[sflag:s24] =	ssyncset.done $0x0  }
0xc4: {  	[sflag:s24] =	ssyncadd.s32 $0xFFFFD800  }
0xc5: {  	[tilespmem:s23], [sflag:$0x3] =	stream.linear.gather [spmem:s15], $0x2800, $0x38;
	[tilespmem:$0x17A00] =	vst v63  }
0xc6: {  	_ =	swait.ge [sflag:s26], $0x2800  }
0xc7: {  	[sflag:s26] =	ssyncset.done $0x0  }
0xc8: {  	s9 =	rddreg [dreg:$0x10];
	[sflag:s26] =	ssyncadd.s32 $0xFFFFD800  }
0xc9: {  	[hbm4b:s9+s5] =	stream.linear.scatter [tilespmem:s23], [sflag:$0x2], $0x2800, $0x38;
	[tilespmem:$0x17A00] =	vst v63  }
0xca: {  	_ =	swait.ge [sflag:s24], $0x2800  }
0xcb: {  	[sflag:s24] =	ssyncset.done $0x0  }
0xcc: {  	[sflag:s24] =	ssyncadd.s32 $0xFFFFD800  }
0xcd: {  	[tilespmem:s23], [sflag:$0x3] =	stream.linear.gather [spmem:s16], $0x2800, $0x38;
	[tilespmem:$0x17A00] =	vst v63  }
0xce: {  	_ =	swait.ge [sflag:s26], $0x2800  }
0xcf: {  	[sflag:s26] =	ssyncset.done $0x0  }
0xd0: {  	s20 =	rddreg [dreg:$0x12];
	[sflag:s26] =	ssyncadd.s32 $0xFFFFD800  }
0xd1: {  	[hbm4b:s20+s5] =	stream.linear.scatter [tilespmem:s23], [sflag:$0x2], $0x2800, $0x38;
	[tilespmem:$0x17A00] =	vst v63  }
0xd2: {  	_ =	swait.ge [sflag:s24], $0x2800  }
0xd3: {  	[sflag:s24] =	ssyncset.done $0x0  }
0xd4: {  	[sflag:s24] =	ssyncadd.s32 $0xFFFFD800  }
0xd5: {  	[tilespmem:s23], [sflag:$0x3] =	stream.linear.gather [spmem:s17], $0x2800, $0x38;
	[tilespmem:$0x17A00] =	vst v63  }
0xd6: {  	_ =	swait.ge [sflag:s26], $0x2800  }
0xd7: {  	[sflag:s26] =	ssyncset.done $0x0  }
0xd8: {  	s21 =	rddreg [dreg:$0x14];
	[sflag:s26] =	ssyncadd.s32 $0xFFFFD800  }
0xd9: {  	[hbm4b:s21+s5] =	stream.linear.scatter [tilespmem:s23], [sflag:$0x2], $0x2800, $0x38;
	[tilespmem:$0x17A00] =	vst v63  }
0xda: {  	_ =	swait.ge [sflag:s24], $0x2800  }
0xdb: {  	[sflag:s24] =	ssyncset.done $0x0  }
0xdc: {  	[sflag:s24] =	ssyncadd.s32 $0xFFFFD800  }
0xdd: {  	[tilespmem:s23], [sflag:$0x3] =	stream.linear.gather [spmem:s18], $0x2800, $0x38;
	[tilespmem:$0x17A00] =	vst v63  }
0xde: {  	_ =	swait.ge [sflag:s26], $0x2800  }
0xdf: {  	[sflag:s26] =	ssyncset.done $0x0  }
0xe0: {  	s22 =	rddreg [dreg:$0x16];
	[sflag:s26] =	ssyncadd.s32 $0xFFFFD800  }
0xe1: {  	[hbm4b:s22+s5] =	stream.linear.scatter [tilespmem:s23], [sflag:$0x2], $0x2800, $0x38;
	[tilespmem:$0x17A00] =	vst v63  }
.Ltmp9:
0xe2: {  	_ = 	snop;
	(pc) =	sbr.rel @p1 .LBB2_13-.Ltmp9, $4  }
.Ltmp10:
0xe3: {  	_ = 	snop;
	(pc) =	sbr.rel @!p1 .LBB2_12-.Ltmp10, $4  }
0xe4: {  	_ =	swait.ge [sflag:s24], $0x2800  }
0xe5: {  	[sflag:s24] =	ssyncset.done $0x0  }
0xe6: {  	s8 =	rddreg [dreg:$0x7];
	[sflag:s24] =	ssyncadd.s32 $0xFFFFD800  }
0xe7: {  	_ = 	snop  }
.LBB2_10:
0xe8: {  	[tilespmem:s23], [sflag:$0x3] =	stream.linear.gather [spmem:s12], $0x2800, $0x38;
	[tilespmem:$0x17A00] =	vst v63  }
0xe9: {  	_ =	swait.ge [sflag:s26], $0x2800  }
0xea: {  	[sflag:s26] =	ssyncset.done $0x0  }
0xeb: {  	s8 =	rddreg [dreg:$0x9];
	[sflag:s26] =	ssyncadd.s32 $0xFFFFD800  }
0xec: {  	[hbm4b:s8+s5] =	stream.linear.scatter [tilespmem:s23], [sflag:$0x2], $0x2800, $0x38;
	[tilespmem:$0x17A00] =	vst v63  }
0xed: {  	_ =	swait.ge [sflag:s24], $0x2800  }
0xee: {  	[sflag:s24] =	ssyncset.done $0x0  }
0xef: {  	[sflag:s24] =	ssyncadd.s32 $0xFFFFD800  }
0xf0: {  	[tilespmem:s23], [sflag:$0x3] =	stream.linear.gather [spmem:s13], $0x2800, $0x38;
	[tilespmem:$0x17A00] =	vst v63  }
0xf1: {  	_ =	swait.ge [sflag:s26], $0x2800  }
0xf2: {  	[sflag:s26] =	ssyncset.done $0x0  }
0xf3: {  	s21 =	rddreg [dreg:$0xb];
	[sflag:s26] =	ssyncadd.s32 $0xFFFFD800  }
0xf4: {  	[hbm4b:s21+s5] =	stream.linear.scatter [tilespmem:s23], [sflag:$0x2], $0x2800, $0x38;
	[tilespmem:$0x17A00] =	vst v63  }
0xf5: {  	_ =	swait.ge [sflag:s24], $0x2800  }
0xf6: {  	[sflag:s24] =	ssyncset.done $0x0  }
0xf7: {  	[sflag:s24] =	ssyncadd.s32 $0xFFFFD800  }
0xf8: {  	[tilespmem:s23], [sflag:$0x3] =	stream.linear.gather [spmem:s14], $0x2800, $0x38;
	[tilespmem:$0x17A00] =	vst v63  }
0xf9: {  	_ =	swait.ge [sflag:s26], $0x2800  }
0xfa: {  	[sflag:s26] =	ssyncset.done $0x0  }
0xfb: {  	s22 =	rddreg [dreg:$0xd];
	[sflag:s26] =	ssyncadd.s32 $0xFFFFD800  }
0xfc: {  	[hbm4b:s22+s5] =	stream.linear.scatter [tilespmem:s23], [sflag:$0x2], $0x2800, $0x38;
	[tilespmem:$0x17A00] =	vst v63  }
0xfd: {  	_ =	swait.ge [sflag:s24], $0x2800  }
0xfe: {  	[sflag:s24] =	ssyncset.done $0x0  }
0xff: {  	[sflag:s24] =	ssyncadd.s32 $0xFFFFD800  }
0x100: {  	[tilespmem:s23], [sflag:$0x3] =	stream.linear.gather [spmem:s15], $0x2800, $0x38;
	[tilespmem:$0x17A00] =	vst v63  }
0x101: {  	_ =	swait.ge [sflag:s26], $0x2800  }
0x102: {  	[sflag:s26] =	ssyncset.done $0x0  }
0x103: {  	s9 =	rddreg [dreg:$0xf];
	[sflag:s26] =	ssyncadd.s32 $0xFFFFD800  }
0x104: {  	[hbm4b:s9+s5] =	stream.linear.scatter [tilespmem:s23], [sflag:$0x2], $0x2800, $0x38;
	[tilespmem:$0x17A00] =	vst v63  }
0x105: {  	_ =	swait.ge [sflag:s24], $0x2800  }
0x106: {  	[sflag:s24] =	ssyncset.done $0x0  }
0x107: {  	[sflag:s24] =	ssyncadd.s32 $0xFFFFD800  }
0x108: {  	[tilespmem:s23], [sflag:$0x3] =	stream.linear.gather [spmem:s16], $0x2800, $0x38;
	[tilespmem:$0x17A00] =	vst v63  }
0x109: {  	_ =	swait.ge [sflag:s26], $0x2800  }
0x10a: {  	[sflag:s26] =	ssyncset.done $0x0  }
0x10b: {  	s20 =	rddreg [dreg:$0x11];
	[sflag:s26] =	ssyncadd.s32 $0xFFFFD800  }
0x10c: {  	[hbm4b:s20+s5] =	stream.linear.scatter [tilespmem:s23], [sflag:$0x2], $0x2800, $0x38;
	[tilespmem:$0x17A00] =	vst v63  }
0x10d: {  	_ =	swait.ge [sflag:s24], $0x2800  }
0x10e: {  	[sflag:s24] =	ssyncset.done $0x0  }
0x10f: {  	[sflag:s24] =	ssyncadd.s32 $0xFFFFD800  }
0x110: {  	[tilespmem:s23], [sflag:$0x3] =	stream.linear.gather [spmem:s17], $0x2800, $0x38;
	[tilespmem:$0x17A00] =	vst v63  }
0x111: {  	_ =	swait.ge [sflag:s26], $0x2800  }
0x112: {  	[sflag:s26] =	ssyncset.done $0x0  }
0x113: {  	s21 =	rddreg [dreg:$0x13];
	[sflag:s26] =	ssyncadd.s32 $0xFFFFD800  }
0x114: {  	[hbm4b:s21+s5] =	stream.linear.scatter [tilespmem:s23], [sflag:$0x2], $0x2800, $0x38;
	[tilespmem:$0x17A00] =	vst v63  }
0x115: {  	_ =	swait.ge [sflag:s24], $0x2800  }
0x116: {  	[sflag:s24] =	ssyncset.done $0x0  }
0x117: {  	[sflag:s24] =	ssyncadd.s32 $0xFFFFD800  }
0x118: {  	[tilespmem:s23], [sflag:$0x3] =	stream.linear.gather [spmem:s18], $0x2800, $0x38;
	[tilespmem:$0x17A00] =	vst v63  }
0x119: {  	_ =	swait.ge [sflag:s26], $0x2800  }
0x11a: {  	[sflag:s26] =	ssyncset.done $0x0  }
0x11b: {  	s22 =	rddreg [dreg:$0x15];
	[sflag:s26] =	ssyncadd.s32 $0xFFFFD800  }
0x11c: {  	[hbm4b:s22+s5] =	stream.linear.scatter [tilespmem:s23], [sflag:$0x2], $0x2800, $0x38;
	[tilespmem:$0x17A00] =	vst v63  }
.Ltmp11:
0x11d: {  	_ = 	snop;
	(pc) =	sbr.rel @p2 .LBB2_12-.Ltmp11, $4  }
.Ltmp12:
0x11e: {  	_ = 	snop;
	(pc) =	sbr.rel @!p2 .LBB2_13-.Ltmp12, $4  }
0x11f: {  	_ =	swait.ge [sflag:s24], $0x2800  }
0x120: {  	[sflag:s24] =	ssyncset.done $0x0  }
0x121: {  	s8 =	rddreg [dreg:$0x6];
	[sflag:s24] =	ssyncadd.s32 $0xFFFFD800  }
0x122: {  	_ = 	snop  }
.LBB2_14:
0x123: {  	_ =	sfence.sel $0x180000  }
0x124: {  	[bflag:$0x0] =	sbarrier.arrive $0xFFFF  }
0x125: {  	_ =	strace $0x9000004D  }
0x126: {  	[bflag:$0x2] =	sbarrier.arrive $0xFFFF  }
0x127: {  	p0 =	sne.s32 s6, $0x0;
	s0 =	rddreg [dreg:$0x5]  }
0x128: {  	s0 =	sadd.s32 @!p0 $0x100000, s0  }
0x129: {  	[sflag:s0] =	ssyncadd.tile.s32 @!p0 $0x1;
	_ =	shalt  }
.Lfunc_end2:
_tile_overlayer_lowered:
.L_overlay_start_2:
0x12a: {  	(tag) =	ssettag $0x2  }
0x12b: {  	s0 =	rddreg [dreg:$0x0];
	s2 =	stileid.u32  }
0x12c: {  	s1 =	rddreg [dreg:$0x1];
	p0 =	sne.s32 s2, $0x0  }
0x12d: {  	s3 =	rddreg [dreg:$0x2];
	[bflag:$0x3] =	sbarrier.arrive $0xFFFF;
	s2 =	simm.s32 @!p0 $0x1C02  }
0x12e: {  	[timem:s3], [sflag:s2] =	dma.local @!p0 [hbm:s0], s1  }
0x12f: {  	s0 =	simm.s32 @!p0 $0x2  }
0x130: {  	_ =	swait.ge @!p0 [sflag:s0], s1  }
0x131: {  	s1 =	ssub.s32 @!p0 $0x0, s1;
	[sflag:s0] =	ssyncset.done @!p0 $0x0  }
0x132: {  	[sflag:s0] =	ssyncadd.s32 @!p0 s1  }
0x133: {  	[bflag:$0x3] =	sbarrier.arrive $0xFFFF  }
0x134: {  	_ =	shalt  }

// kernel: kernel.15.cloned.1.call-start
scs
__scs_entry_jumppad:
0x0: {  	(pc) =	sbr.rel $0x88, $3  }
0x1: {  	(tag) =	ssettag $0x0;
	lr =	simm.s32 $0x1  }
0x2: {  	[smem:$0x3F9A] =	sst lr;
	_ =	strace $0xD0000000  }
0x3: {  	_ = 	snop  }
0x4: {  	_ = 	snop  }
0x5: {  	_ = 	snop  }
0x6: {  	_ = 	snop  }
0x7: {  	_ = 	snop  }
__scs_overlays_trampoline_lowered:
0x8: {  	[smem:$0x3FA9] =	sst s0  }
0x9: {  	[smem:$0x3FAA] =	sst s1  }
0xa: {  	[smem:$0x3FAB] =	sst s2  }
0xb: {  	[smem:$0x3FAC] =	sst s3  }
0xc: {  	[smem:$0x3FAD] =	sst s4  }
0xd: {  	[smem:$0x3FAE] =	sst s5  }
0xe: {  	[smem:$0x3FAF] =	sst s6  }
0xf: {  	[smem:$0x3FB0] =	sst s7  }
0x10: {  	[smem:$0x3FB1] =	sst s8  }
0x11: {  	[smem:$0x3FB2] =	sst s9;
	s0 =	simm.s32 @!p0 $0x0  }
0x12: {  	s1 =	sld [smem:$0x3F98];
	s0 =	simm.s32 @p0 $0x1  }
0x13: {  	[smem:$0x3FB3] =	sst s0;
	s0 =	simm.s32 @!p1 $0x0  }
0x14: {  	s2 =	sld [smem:$0x3F97];
	s0 =	simm.s32 @p1 $0x1  }
0x15: {  	[smem:$0x3FB4] =	sst s0;
	s0 =	simm.s32 @!p2 $0x0  }
0x16: {  	s3 =	sld [smem:$0x3FDB];
	s0 =	simm.s32 @p2 $0x1  }
0x17: {  	s4 =	simm.s32 $0x1BF5;
	[smem:$0x3FB6] =	sst s0  }
0x18: {  	s0 =	sld [smem:$0x3F99];
	_ =	swait.ge [sflag:s4], $0x0  }
0x19: {  	s7 =	sld [smem:$0x3F9A]  }
0x1a: {  	s8 =	sadd.s32 $0xFFFFE003, lr  }
0x1b: {  	s9 =	sadd.s32 $0xFFFFFEF7, lr;
	s5 =	simm.s32 $0xFFFFFFFF;
	p2 =	slt.u32 s8, $0xFFFFF086  }
0x1c: {  	p1 =	slt.u32 s9, $0xF7A;
	s5 =	simm.s32 @!p2 $0x0  }
0x1d: {  	s5 =	simm.s32 @p1 $0x1;
	p0 =	seq.s32 s7, s2  }
0x1e: {  	s7 =	smul.u32 @!p0 $0xF7A, s2;
	p2 =	seq.s32 @!p0 s5, $0x0  }
0x1f: {  	s9 =	smul.u32 $0xF7A, s1;
	s8 =	simm.s32 @!p0 $0x1BF5;
	p2 =	por !p2, p0  }
0x20: {  	[sflag:s8] =	ssyncset.s32 @!p0 $0xFFFFF086;
	s6 =	sadd.s32 @!p0 s3, s7;
	s7 =	simm.s32 @!p0 $0x108  }
0x21: {  	s3 =	sadd.s32 s3, s9;
	s6 =	sadd.s32 @!p0 $0x88, s6;
	s7 =	simm.s32 @p2 $0x1082  }
0x22: {  	[simem:s7], [sflag:s8] =	dma.local @!p0 [hbm:s6], $0xF7A  }
0x23: {  	s9 =	sor.u32 $0xD0000000, s2;
	s6 =	simm.s32 $0x108;
	_ =	swait.ge @!p0 [sflag:s8], $0x0  }
0x24: {  	s3 =	sadd.s32 $0x88, s3;
	s6 =	simm.s32 @!p1 $0x1082;
	[sflag:s4] =	ssyncset.s32 $0xFFFFF086  }
0x25: {  	[simem:s6], [sflag:s4] =	dma.local [hbm:s3], $0xF7A  }
0x26: {  	[smem:$0x3F9A] =	sst s1;
	(tag) =	ssettag s2;
	_ =	strace s9  }
0x27: {  	s1 =	sld [smem:$0x3FAA]  }
0x28: {  	s2 =	sld [smem:$0x3FAB]  }
0x29: {  	s4 =	sld [smem:$0x3FAD]  }
0x2a: {  	p0 =	seq.s32 s5, $0x0;
	s5 =	sld [smem:$0x3FAE]  }
0x2b: {  	s6 =	sld [smem:$0x3FAF]  }
0x2c: {  	s7 =	sld [smem:$0x3FB0]  }
0x2d: {  	s3 =	simm.s32 $0x108;
	s8 =	sld [smem:$0x3FB1]  }
0x2e: {  	s3 =	simm.s32 @!p0 $0x1082;
	s9 =	sld [smem:$0x3FB2]  }
0x2f: {  	lr =	sadd.s32 s0, s3;
	s0 =	sld [smem:$0x3FA9]  }
0x30: {  	s3 =	sld [smem:$0x3FAC]  }
0x31: {  	[smem:$0x3FB5] =	sst s10  }
0x32: {  	s10 =	sld [smem:$0x3FB3];
	_ =	sdelay $0x3  }
0x33: {  	p0 =	seq.s32 s10, $0x1;
	s10 =	sld [smem:$0x3FB5];
	_ =	sdelay $0x3  }
0x34: {  	[smem:$0x3FB5] =	sst s10  }
0x35: {  	s10 =	sld [smem:$0x3FB4];
	_ =	sdelay $0x3  }
0x36: {  	p1 =	seq.s32 s10, $0x1;
	s10 =	sld [smem:$0x3FB5];
	_ =	sdelay $0x3  }
0x37: {  	[smem:$0x3FB5] =	sst s10  }
0x38: {  	s10 =	sld [smem:$0x3FB6]  }
0x39: {  	_ = 	snop;
	(pc) =	sbr.ind lr, $3  }
0x3a: {  	_ = 	snop  }
0x3b: {  	_ = 	snop  }
0x3c: {  	p2 =	seq.s32 s10, $0x1;
	s10 =	sld [smem:$0x3FB5]  }
0x3d: {  	_ =	shalt  }
0x3e: {  	_ =	shalt  }
0x3f: {  	_ =	shalt  }
0x40: {  	_ =	shalt  }
0x41: {  	_ =	shalt  }
0x42: {  	_ =	shalt  }
0x43: {  	_ =	shalt  }
0x44: {  	_ =	shalt  }
0x45: {  	_ =	shalt  }
0x46: {  	_ =	shalt  }
0x47: {  	_ =	shalt  }
0x48: {  	_ =	shalt  }
0x49: {  	_ =	shalt  }
0x4a: {  	_ =	shalt  }
0x4b: {  	_ =	shalt  }
0x4c: {  	_ =	shalt  }
0x4d: {  	_ =	shalt  }
0x4e: {  	_ =	shalt  }
0x4f: {  	_ =	shalt  }
0x50: {  	_ =	shalt  }
0x51: {  	_ =	shalt  }
0x52: {  	_ =	shalt  }
0x53: {  	_ =	shalt  }
0x54: {  	_ =	shalt  }
0x55: {  	_ =	shalt  }
0x56: {  	_ =	shalt  }
0x57: {  	_ =	shalt  }
0x58: {  	_ =	shalt  }
0x59: {  	_ =	shalt  }
0x5a: {  	_ =	shalt  }
0x5b: {  	_ =	shalt  }
0x5c: {  	_ =	shalt  }
0x5d: {  	_ =	shalt  }
0x5e: {  	_ =	shalt  }
0x5f: {  	_ =	shalt  }
0x60: {  	_ =	shalt  }
0x61: {  	_ =	shalt  }
0x62: {  	_ =	shalt  }
0x63: {  	_ =	shalt  }
0x64: {  	_ =	shalt  }
0x65: {  	_ =	shalt  }
0x66: {  	_ =	shalt  }
0x67: {  	_ =	shalt  }
0x68: {  	_ =	shalt  }
0x69: {  	_ =	shalt  }
0x6a: {  	_ =	shalt  }
0x6b: {  	_ =	shalt  }
0x6c: {  	_ =	shalt  }
0x6d: {  	_ =	shalt  }
0x6e: {  	_ =	shalt  }
0x6f: {  	_ =	shalt  }
0x70: {  	_ =	shalt  }
0x71: {  	_ =	shalt  }
0x72: {  	_ =	shalt  }
0x73: {  	_ =	shalt  }
0x74: {  	_ =	shalt  }
0x75: {  	_ =	shalt  }
0x76: {  	_ =	shalt  }
0x77: {  	_ =	shalt  }
0x78: {  	_ =	shalt  }
0x79: {  	_ =	shalt  }
0x7a: {  	_ =	shalt  }
0x7b: {  	_ =	shalt  }
0x7c: {  	_ =	shalt  }
0x7d: {  	_ =	shalt  }
0x7e: {  	_ =	shalt  }
0x7f: {  	_ =	shalt  }
0x80: {  	_ =	shalt  }
0x81: {  	_ =	shalt  }
0x82: {  	_ =	shalt  }
0x83: {  	_ =	shalt  }
0x84: {  	_ =	shalt  }
0x85: {  	_ =	shalt  }
0x86: {  	_ =	shalt  }
0x87: {  	_ =	shalt  }
.Lfunc_end0:
.L_simem_size_0:
called_computation.3_lowered:
.L_overlay_start_0:
0x88: {  	s2 =	sld [smem:$0x3FD9]  }
0x89: {  	s3 =	sld [smem:$0x3FFE];
	_ =	sdelay $0x1  }
0x8a: {  	s1 =	srdreg.scid  }
0x8b: {  	s0 =	sand.u32 $0x1, s1  }
0x8c: {  	s17 =	sshll.u32 s0, $0xA;
	s2 =	sadd.s32 s3, s2  }
0x8d: {  	s2 =	sadd.s32 s2, s17  }
0x8e: {  	[smem:$0x3FC1] =	sst s2  }
0x8f: {  	_ = 	snop  }
0x90: {  	s2 =	sld [smem:$0x3FC9]  }
0x91: {  	s18 =	sld [smem:$0x3FC8]  }
0x92: {  	s4 =	sld [smem:$0x3FD0];
	(tm) =	ssettm $0x1  }
0x93: {  	s5 =	sld [smem:$0x3FFB];
	_ =	sdelay $0x3  }
0x94: {  	_ =	strace s5  }
0x95: {  	s5 =	sld [smem:$0x3FFC];
	_ =	sdelay $0x3  }
0x96: {  	_ =	strace s5  }
0x97: {  	s5 =	sld [smem:$0x3FFD];
	_ =	sdelay $0x3  }
0x98: {  	_ =	strace s5  }
0x99: {  	_ =	strace $0x8FFFFFFF  }
0x9a: {  	s19 =	sld [smem:$0x3FDB];
	_ =	sdelay $0x1  }
0x9b: {  	s6 =	simm.s32 $_scs_section_size  }
0x9c: {  	s7 =	simm.s32 $_size__tile_overlayer_lowered;
	s8 =	simm.s32 $_tile_overlayer_lowered  }
0x9d: {  	s22 =	simm.s32 $0x1BFF;
	s21 =	sshll.u32 s8, $0x1;
	s5 =	sadd.s32 s6, s19  }
0x9e: {  	s9 =	simm.s32 $0x0;
	s20 =	sshll.u32 s7, $0x1;
	s7 =	sadd.s32 s21, s5  }
0x9f: {  	[timem:s9], [sflag:s22] =	dma.local [hbm:s7], s20  }
0xa0: {  	_ =	swait.ge [sflag:s22], s20  }
0xa1: {  	s6 =	ssub.s32 $0x0, s20;
	[sflag:s22] =	ssyncset.done $0x0  }
0xa2: {  	[sflag:s22] =	ssyncadd.s32 s6;
	_ =	sdelay $0x1  }
0xa3: {  	s23 =	simm.s32 $0x1B8B  }
0xa4: {  	_ =	swait.ge [sflag:s23], $0x1  }
0xa5: {  	[sflag:s23] =	ssyncset.done $0x0  }
0xa6: {  	s25 =	simm.s32 $0x1B8E;
	s24 =	sld [smem:$0x3FFE];
	[sflag:s23] =	ssyncadd.s32 $0xFFFFFFFF  }
0xa7: {  	s26 =	simm.s32 $execute0_lowered;
	[smem:$0x3FD2] =	sst s25  }
0xa8: {  	s7 =	sshll.u32 s26, $0x1;
	_ =	strace $0x8000004F;
	[dreg:$0x1] =	wrdreg $0xFFFFFFFF  }
0xa9: {  	s28 =	simm.s32 $_size_execute0_lowered;
	s5 =	sadd.s32 s5, s7;
	[dreg:$0x0] =	wrdreg $0x0  }
0xaa: {  	s7 =	sshll.u32 s28, $0x1;
	[dreg:$0x2] =	wrdreg s5  }
0xab: {  	[dreg:$0x3] =	wrdreg s7  }
0xac: {  	[dreg:$0x4] =	wrdreg $0xC0  }
0xad: {  	_ =	task [dreg:s9], $0x5FFFF  }
0xae: {  	[dreg:$0x1] =	wrdreg $0xFFFFFFFF  }
0xaf: {  	[dreg:$0x0] =	wrdreg $0x60  }
0xb0: {  	[dreg:$0x2] =	wrdreg s2  }
0xb1: {  	[dreg:$0x3] =	wrdreg s18  }
0xb2: {  	[dreg:$0x4] =	wrdreg s24  }
0xb3: {  	[dreg:$0x5] =	wrdreg s4  }
0xb4: {  	[dreg:$0x6] =	wrdreg $0x9  }
0xb5: {  	_ =	task.clear_ibuf [dreg:s9], $0x7FFFF;
	_ =	strace $0x9000004F  }
0xb6: {  	s29 =	simm.s32 $0x9;
	_ =	strace $0x80000051  }
0xb7: {  	_ =	swait.ge [sflag:s29], $0x1  }
0xb8: {  	[sflag:s29] =	ssyncadd.s32 $0xFFFFFFFF  }
0xb9: {  	_ =	strace $0x90000051  }
0xba: {  	_ =	sfence  }
0xbb: {  	s30 =	sld [smem:$0x0];
	_ =	sdelay $0x2  }
0xbc: {  	s31 =	sshll.u32 s1, $0xD;
	s1 =	sshrl.u32 s1, $0x2  }
0xbd: {  	s3 =	sand.u32 $0x4000, s31;
	s1 =	sadd.s32 s1, s30  }
0xbe: {  	s0 =	sor.u32 s3, s0;
	s1 =	sshll.u32 s1, $0x11  }
0xbf: {  	s0 =	sor.u32 s1, s0  }
0xc0: {  	s0 =	sadd.s32 $0x8F2B, s0  }
0xc1: {  	[sflag:s0] =	ssyncadd.remote.s32 $0x1  }
0xc2: {  	_ =	sfence.sel $0xFFFF  }
0xc3: {  	[dreg:$0x0] =	wrdreg $0xFFFFFFFF;
	(pc) =	sbr.abs _section_cstart, $3  }
0xc4: {  	[dreg:$0x1] =	wrdreg $0xFFFFFFFF  }
0xc5: {  	_ =	task.clear_ibuf [dreg:s9], $0x2FFFF;
	_ =	strace $0x9FFFFFFF  }
0xc6: {  	(tm) =	ssettm $0x7FFFFFFF  }
0xc7: {  	_ =	shalt  }
tec
execute0_lowered:
.L_overlay_start_1:
0x0: {  	(tag) =	ssettag $0x1  }
0x1: {  	s7 =	rddreg [dreg:$0x0]  }
0x2: {  	s8 =	rddreg [dreg:$0x1]  }
0x3: {  	s6 =	rddreg [dreg:$0x2]  }
0x4: {  	s9 =	rddreg [dreg:$0x3]  }
0x5: {  	s0 =	rddreg [dreg:$0x4];
	s1 =	simm.s32 $0x0  }
0x6: {  	s2 =	srdreg.scid;
	s14 =	simm.s32 $0x1;
	s15 =	simm.s32 $0x8100  }
0x7: {  	s16 =	simm.s32 $0x4100;
	s17 =	simm.s32 $0xC100;
	s18 =	simm.s32 $0x0  }
0x8: {  	[smem:$0x7FF] =	sst s1;
	s3 =	sadd.s32 $0x1C00, s6;
	s4 =	sadd.s32 $0x77200, s6  }
0x9: {  	v0 =	vlaneseq.u32;
	s10 =	sand.u32 $0x1, s2;
	s5 =	sadd.s32 $0x28E00, s6;
	s2 =	stileid.u32  }
0xa: {  	s6 =	sadd.s32 $0x50000, s6;
	v0 =	vmul.u32 $0x80, v0;
	_ =	strace $0x80000050;
	s11 =	ssub.s32 $0x2, s10  }
0xb: {  	s10 =	sshll.u32 s10, $0x8;
	s13 =	sshll.u32 s2, $0x4;
	s12 =	sshrl.u32 s11, $0x1  }
0xc: {  	s10 =	sor.u32 s13, s10;
	v1 =	vor.u32 $0x800, v0;
	s13 =	simm.s32 $0x100;
	s11 =	ssub.s32 s11, s12  }
0xd: {  	v2 =	vor.u32 $0x1000, v0;
	v3 =	vor.u32 $0x1800, v0;
	v4 =	vor.u32 $0x2000, v0;
	s7 =	sadd.s32 s7, s10;
	s8 =	sadd.s32 s8, s10;
	s9 =	sadd.s32 s9, s10  }
0xe: {  	v5 =	vor.u32 $0x2800, v0;
	v6 =	vor.u32 $0x3000, v0;
	v7 =	vor.u32 $0x3800, v0;
	s12 =	simm.s32 $0x80;
	s10 =	smax.u32 s11, $0x1;
	s11 =	simm.s32 $0x2  }
.LBB2_1:
0xf: {  	[tilespmem:s1], [sflag:$0x2] =	stream.linear.gather [hbm4b:s7+s1], $0x80, $0x38;
	[tilespmem:$0xC180] =	vst v63  }
0x10: {  	_ =	swait.ge [sflag:s11], $0x80  }
0x11: {  	[sflag:s11] =	ssyncset.done $0x0  }
0x12: {  	[sflag:s11] =	ssyncadd.s32 $0xFFFFFF80  }
0x13: {  	[tilespmem:s12], [sflag:$0x2] =	stream.linear.gather [hbm4b:s8+s1], $0x80, $0x38;
	[tilespmem:$0xC180] =	vst v63  }
0x14: {  	_ =	swait.ge [sflag:s11], $0x80  }
0x15: {  	[sflag:s11] =	ssyncset.done $0x0  }
0x16: {  	[sflag:s11] =	ssyncadd.s32 $0xFFFFFF80  }
0x17: {  	v8 =	vld [tilespmem:$0x80]  }
0x18: {  	v9 =	vld [tilespmem:$0x90]  }
0x19: {  	v10 =	vld [tilespmem:$0xA0]  }
0x1a: {  	v11 =	vld [tilespmem:$0xB0]  }
0x1b: {  	v12 =	vld [tilespmem:$0xC0]  }
0x1c: {  	v13 =	vld [tilespmem:$0xD0];
	v8 =	vadd.s32 $0x1388, v8  }
0x1d: {  	[tilespmem:$0x80] =	vst v8;
	v8 =	vadd.s32 $0x1388, v9;
	v9 =	vld [tilespmem:$0xE0]  }
0x1e: {  	[tilespmem:$0x90] =	vst v8;
	v8 =	vadd.s32 $0x1388, v10;
	v10 =	vld [tilespmem:$0xF0]  }
0x1f: {  	[tilespmem:$0xA0] =	vst v8;
	v8 =	vadd.s32 $0x1388, v11  }
0x20: {  	[tilespmem:$0xB0] =	vst v8;
	v8 =	vadd.s32 $0x1388, v12  }
0x21: {  	[tilespmem:$0xC0] =	vst v8;
	v8 =	vadd.s32 $0x1388, v13  }
0x22: {  	[tilespmem:$0xD0] =	vst v8;
	v8 =	vadd.s32 $0x1388, v9  }
0x23: {  	[tilespmem:$0xE0] =	vst v8;
	v8 =	vadd.s32 $0x1388, v10  }
0x24: {  	[tilespmem:$0xF0] =	vst v8  }
0x25: {  	[tilespmem:s13], [sflag:$0x1] =	stream.indirect.gather [hbm4b:s3+s12], $0x80, s1, s12, $0xb8;
	[tilespmem:$0xC180] =	vst v63  }
0x26: {  	_ =	swait.ge [sflag:s14], $0x4000  }
0x27: {  	[sflag:s14] =	ssyncset.done $0x0  }
0x28: {  	[sflag:s14] =	ssyncadd.s32 $0xFFFFC000  }
0x29: {  	[tilespmem:s15], [sflag:$0x1] =	stream.indirect.gather [hbm4b:s4+s12], $0x80, s1, s12, $0xb8;
	[tilespmem:$0xC180] =	vst v63  }
0x2a: {  	_ =	swait.ge [sflag:s14], $0x4000  }
0x2b: {  	[sflag:s14] =	ssyncset.done $0x0  }
0x2c: {  	s19 =	simm.s32 $0x0;
	[sflag:s14] =	ssyncadd.s32 $0xFFFFC000  }
0x2d: {  	v15 =	vld [tilespmem:s19+$0x8100]  }
0x2e: {  	v19 =	vld [tilespmem:s19+$0x8110]  }
0x2f: {  	v13 =	vld [tilespmem:s19+$0x8120]  }
0x30: {  	v12 =	vld [tilespmem:s19+$0x8130]  }
0x31: {  	v11 =	vld [tilespmem:s19+$0x8140]  }
0x32: {  	v10 =	vld [tilespmem:s19+$0x8150]  }
0x33: {  	v9 =	vld [tilespmem:s19+$0x8160]  }
0x34: {  	v8 =	vld [tilespmem:s19+$0x8170]  }
0x35: {  	v20 =	vld [tilespmem:s19+$0x100]  }
0x36: {  	v21 =	vld [tilespmem:s19+$0x110]  }
0x37: {  	v18 =	vld [tilespmem:s19+$0x120]  }
0x38: {  	v17 =	vld [tilespmem:s19+$0x130]  }
0x39: {  	v16 =	vld [tilespmem:s19+$0x140]  }
0x3a: {  	v14 =	vld [tilespmem:s19+$0x150];
	v20 =	vadd.f32 v15, v20  }
0x3b: {  	s20 =	simm.s32 $0x200;
	v19 =	vadd.f32 v19, v21;
	v15 =	vld [tilespmem:s19+$0x160]  }
.LBB2_2:
0x3c: {  	s21 =	sshra.s32 s20, $0x2;
	p0 =	sne.s32 s20, $0xFE00;
	[tilespmem:s19+$0x100] =	vst v20;
	v13 =	vadd.f32 v13, v18;
	v18 =	vld [tilespmem:s19+$0x170]  }
0x3d: {  	v20 =	vld [tilespmem:s21+$0x8100];
	[tilespmem:s19+$0x110] =	vst v19;
	v12 =	vadd.f32 v12, v17  }
0x3e: {  	v19 =	vld [tilespmem:s21+$0x8110];
	[tilespmem:s19+$0x120] =	vst v13;
	v11 =	vadd.f32 v11, v16  }
0x3f: {  	v13 =	vld [tilespmem:s21+$0x8120];
	[tilespmem:s19+$0x130] =	vst v12;
	v10 =	vadd.f32 v10, v14  }
0x40: {  	v12 =	vld [tilespmem:s21+$0x8130];
	[tilespmem:s19+$0x140] =	vst v11;
	v9 =	vadd.f32 v9, v15  }
0x41: {  	v11 =	vld [tilespmem:s21+$0x8140];
	[tilespmem:s19+$0x150] =	vst v10;
	v8 =	vadd.f32 v8, v18  }
0x42: {  	v10 =	vld [tilespmem:s21+$0x8150];
	[tilespmem:s19+$0x160] =	vst v9  }
0x43: {  	v9 =	vld [tilespmem:s21+$0x8160];
	[tilespmem:s19+$0x170] =	vst v8;
	s19 =	smov.u32 s21  }
0x44: {  	v8 =	vld [tilespmem:s19+$0x8170]  }
0x45: {  	v14 =	vld [tilespmem:s19+$0x100]  }
0x46: {  	v15 =	vld [tilespmem:s19+$0x110]  }
.Ltmp0:
0x47: {  	v18 =	vld [tilespmem:s19+$0x120];
	(pc) =	sbr.rel @p0 .LBB2_2-.Ltmp0, $4  }
0x48: {  	v17 =	vld [tilespmem:s19+$0x130]  }
0x49: {  	v16 =	vld [tilespmem:s19+$0x140]  }
0x4a: {  	v20 =	vadd.f32 v20, v14;
	v14 =	vld [tilespmem:s19+$0x150]  }
0x4b: {  	s20 =	sadd.s32 $0x200, s20;
	v19 =	vadd.f32 v19, v15;
	v15 =	vld [tilespmem:s19+$0x160]  }
0x4c: {  	[tilespmem:s19+$0x100] =	vst v20;
	v13 =	vadd.f32 v13, v18;
	v18 =	vld [tilespmem:s19+$0x170]  }
0x4d: {  	[tilespmem:s19+$0x110] =	vst v19;
	v12 =	vadd.f32 v12, v17  }
0x4e: {  	[tilespmem:s19+$0x120] =	vst v13;
	v11 =	vadd.f32 v11, v16  }
0x4f: {  	[tilespmem:s19+$0x130] =	vst v12;
	v10 =	vadd.f32 v10, v14  }
0x50: {  	[tilespmem:s19+$0x140] =	vst v11;
	v9 =	vadd.f32 v9, v15  }
0x51: {  	[tilespmem:s19+$0x150] =	vst v10;
	v8 =	vadd.f32 v8, v18  }
0x52: {  	[tilespmem:s19+$0x160] =	vst v9  }
0x53: {  	s31 =	simm.s32 $0x0;
	[tilespmem:s19+$0x170] =	vst v8  }
0x54: {  	[tilespmem:s15], [sflag:$0x1] =	stream.indirect.gather [hbm4b:s5+s12], $0x80, s31, s12, $0xb8;
	[tilespmem:$0xC180] =	vst v63  }
0x55: {  	_ =	swait.ge [sflag:s14], $0x4000  }
0x56: {  	[sflag:s14] =	ssyncset.done $0x0  }
0x57: {  	s19 =	simm.s32 $0x0;
	[sflag:s14] =	ssyncadd.s32 $0xFFFFC000  }
0x58: {  	v15 =	vld [tilespmem:s19+$0x8100]  }
0x59: {  	v19 =	vld [tilespmem:s19+$0x8110]  }
0x5a: {  	v13 =	vld [tilespmem:s19+$0x8120]  }
0x5b: {  	v12 =	vld [tilespmem:s19+$0x8130]  }
0x5c: {  	v11 =	vld [tilespmem:s19+$0x8140]  }
0x5d: {  	v10 =	vld [tilespmem:s19+$0x8150]  }
0x5e: {  	v9 =	vld [tilespmem:s19+$0x8160]  }
0x5f: {  	v8 =	vld [tilespmem:s19+$0x8170]  }
0x60: {  	v20 =	vld [tilespmem:s19+$0x100]  }
0x61: {  	v21 =	vld [tilespmem:s19+$0x110]  }
0x62: {  	v18 =	vld [tilespmem:s19+$0x120]  }
0x63: {  	v17 =	vld [tilespmem:s19+$0x130]  }
0x64: {  	v16 =	vld [tilespmem:s19+$0x140]  }
0x65: {  	v14 =	vld [tilespmem:s19+$0x150];
	v20 =	vadd.f32 v15, v20  }
0x66: {  	s20 =	simm.s32 $0x200;
	v19 =	vadd.f32 v19, v21;
	v15 =	vld [tilespmem:s19+$0x160]  }
.LBB2_4:
0x67: {  	s21 =	sshra.s32 s20, $0x2;
	p0 =	sne.s32 s20, $0xFE00;
	[tilespmem:s19+$0x100] =	vst v20;
	v13 =	vadd.f32 v13, v18;
	v18 =	vld [tilespmem:s19+$0x170]  }
0x68: {  	v20 =	vld [tilespmem:s21+$0x8100];
	[tilespmem:s19+$0x110] =	vst v19;
	v12 =	vadd.f32 v12, v17  }
0x69: {  	v19 =	vld [tilespmem:s21+$0x8110];
	[tilespmem:s19+$0x120] =	vst v13;
	v11 =	vadd.f32 v11, v16  }
0x6a: {  	v13 =	vld [tilespmem:s21+$0x8120];
	[tilespmem:s19+$0x130] =	vst v12;
	v10 =	vadd.f32 v10, v14  }
0x6b: {  	v12 =	vld [tilespmem:s21+$0x8130];
	[tilespmem:s19+$0x140] =	vst v11;
	v9 =	vadd.f32 v9, v15  }
0x6c: {  	v11 =	vld [tilespmem:s21+$0x8140];
	[tilespmem:s19+$0x150] =	vst v10;
	v8 =	vadd.f32 v8, v18  }
0x6d: {  	v10 =	vld [tilespmem:s21+$0x8150];
	[tilespmem:s19+$0x160] =	vst v9  }
0x6e: {  	v9 =	vld [tilespmem:s21+$0x8160];
	[tilespmem:s19+$0x170] =	vst v8;
	s19 =	smov.u32 s21  }
0x6f: {  	v8 =	vld [tilespmem:s19+$0x8170]  }
0x70: {  	v14 =	vld [tilespmem:s19+$0x100]  }
0x71: {  	v15 =	vld [tilespmem:s19+$0x110]  }
.Ltmp1:
0x72: {  	v18 =	vld [tilespmem:s19+$0x120];
	(pc) =	sbr.rel @p0 .LBB2_4-.Ltmp1, $4  }
0x73: {  	v17 =	vld [tilespmem:s19+$0x130]  }
0x74: {  	v16 =	vld [tilespmem:s19+$0x140]  }
0x75: {  	v20 =	vadd.f32 v20, v14;
	v14 =	vld [tilespmem:s19+$0x150]  }
0x76: {  	s20 =	sadd.s32 $0x200, s20;
	v19 =	vadd.f32 v19, v15;
	v15 =	vld [tilespmem:s19+$0x160]  }
0x77: {  	[tilespmem:s19+$0x100] =	vst v20;
	v13 =	vadd.f32 v13, v18;
	v18 =	vld [tilespmem:s19+$0x170]  }
0x78: {  	[tilespmem:s19+$0x110] =	vst v19;
	v12 =	vadd.f32 v12, v17  }
0x79: {  	[tilespmem:s19+$0x120] =	vst v13;
	v11 =	vadd.f32 v11, v16  }
0x7a: {  	[tilespmem:s19+$0x130] =	vst v12;
	v10 =	vadd.f32 v10, v14  }
0x7b: {  	[tilespmem:s19+$0x140] =	vst v11;
	v9 =	vadd.f32 v9, v15  }
0x7c: {  	[tilespmem:s19+$0x150] =	vst v10;
	v8 =	vadd.f32 v8, v18  }
0x7d: {  	[tilespmem:s19+$0x160] =	vst v9  }
0x7e: {  	s31 =	simm.s32 $0x0;
	[tilespmem:s19+$0x170] =	vst v8  }
0x7f: {  	[tilespmem:s15], [sflag:$0x1] =	stream.indirect.gather [hbm4b:s6+s12], $0x80, s31, s12, $0xb8;
	[tilespmem:$0xC180] =	vst v63  }
0x80: {  	_ =	swait.ge [sflag:s14], $0x4000  }
0x81: {  	[sflag:s14] =	ssyncset.done $0x0  }
0x82: {  	s19 =	simm.s32 $0x0;
	[sflag:s14] =	ssyncadd.s32 $0xFFFFC000  }
0x83: {  	v15 =	vld [tilespmem:s19+$0x8100]  }
0x84: {  	v19 =	vld [tilespmem:s19+$0x8110]  }
0x85: {  	v13 =	vld [tilespmem:s19+$0x8120]  }
0x86: {  	v12 =	vld [tilespmem:s19+$0x8130]  }
0x87: {  	v11 =	vld [tilespmem:s19+$0x8140]  }
0x88: {  	v10 =	vld [tilespmem:s19+$0x8150]  }
0x89: {  	v9 =	vld [tilespmem:s19+$0x8160]  }
0x8a: {  	v8 =	vld [tilespmem:s19+$0x8170]  }
0x8b: {  	v20 =	vld [tilespmem:s19+$0x100]  }
0x8c: {  	v21 =	vld [tilespmem:s19+$0x110]  }
0x8d: {  	v18 =	vld [tilespmem:s19+$0x120]  }
0x8e: {  	v17 =	vld [tilespmem:s19+$0x130]  }
0x8f: {  	v16 =	vld [tilespmem:s19+$0x140]  }
0x90: {  	v14 =	vld [tilespmem:s19+$0x150];
	v20 =	vadd.f32 v15, v20  }
0x91: {  	s20 =	simm.s32 $0x200;
	v19 =	vadd.f32 v19, v21;
	v15 =	vld [tilespmem:s19+$0x160]  }
.LBB2_6:
0x92: {  	s21 =	sshra.s32 s20, $0x2;
	p0 =	sne.s32 s20, $0xFE00;
	[tilespmem:s19+$0x100] =	vst v20;
	v13 =	vadd.f32 v13, v18;
	v18 =	vld [tilespmem:s19+$0x170]  }
0x93: {  	v20 =	vld [tilespmem:s21+$0x8100];
	[tilespmem:s19+$0x110] =	vst v19;
	v12 =	vadd.f32 v12, v17  }
0x94: {  	v19 =	vld [tilespmem:s21+$0x8110];
	[tilespmem:s19+$0x120] =	vst v13;
	v11 =	vadd.f32 v11, v16  }
0x95: {  	v13 =	vld [tilespmem:s21+$0x8120];
	[tilespmem:s19+$0x130] =	vst v12;
	v10 =	vadd.f32 v10, v14  }
0x96: {  	v12 =	vld [tilespmem:s21+$0x8130];
	[tilespmem:s19+$0x140] =	vst v11;
	v9 =	vadd.f32 v9, v15  }
0x97: {  	v11 =	vld [tilespmem:s21+$0x8140];
	[tilespmem:s19+$0x150] =	vst v10;
	v8 =	vadd.f32 v8, v18  }
0x98: {  	v10 =	vld [tilespmem:s21+$0x8150];
	[tilespmem:s19+$0x160] =	vst v9  }
0x99: {  	v9 =	vld [tilespmem:s21+$0x8160];
	[tilespmem:s19+$0x170] =	vst v8;
	s19 =	smov.u32 s21  }
0x9a: {  	v8 =	vld [tilespmem:s19+$0x8170]  }
0x9b: {  	v14 =	vld [tilespmem:s19+$0x100]  }
0x9c: {  	v15 =	vld [tilespmem:s19+$0x110]  }
.Ltmp2:
0x9d: {  	v18 =	vld [tilespmem:s19+$0x120];
	(pc) =	sbr.rel @p0 .LBB2_6-.Ltmp2, $4  }
0x9e: {  	v17 =	vld [tilespmem:s19+$0x130]  }
0x9f: {  	v16 =	vld [tilespmem:s19+$0x140]  }
0xa0: {  	v20 =	vadd.f32 v20, v14;
	v14 =	vld [tilespmem:s19+$0x150]  }
0xa1: {  	s20 =	sadd.s32 $0x200, s20;
	v19 =	vadd.f32 v19, v15;
	v15 =	vld [tilespmem:s19+$0x160]  }
0xa2: {  	[tilespmem:s19+$0x100] =	vst v20;
	v13 =	vadd.f32 v13, v18;
	v18 =	vld [tilespmem:s19+$0x170]  }
0xa3: {  	[tilespmem:s19+$0x110] =	vst v19;
	v12 =	vadd.f32 v12, v17  }
0xa4: {  	[tilespmem:s19+$0x120] =	vst v13;
	v11 =	vadd.f32 v11, v16  }
0xa5: {  	[tilespmem:s19+$0x130] =	vst v12;
	v10 =	vadd.f32 v10, v14  }
0xa6: {  	[tilespmem:s19+$0x140] =	vst v11;
	v9 =	vadd.f32 v9, v15  }
0xa7: {  	[tilespmem:s19+$0x150] =	vst v10;
	v8 =	vadd.f32 v8, v18  }
0xa8: {  	[tilespmem:s19+$0x160] =	vst v9  }
0xa9: {  	[tilespmem:s19+$0x170] =	vst v8  }
0xaa: {  	[tilespmem:s16], [sflag:$0x1] =	stream.indirect.gather [hbm4b:s3+s12], $0x80, s12, s12, $0xb8;
	[tilespmem:$0xC180] =	vst v63  }
0xab: {  	_ =	swait.ge [sflag:s14], $0x4000  }
0xac: {  	[sflag:s14] =	ssyncset.done $0x0  }
0xad: {  	[sflag:s14] =	ssyncadd.s32 $0xFFFFC000  }
0xae: {  	[tilespmem:s15], [sflag:$0x1] =	stream.indirect.gather [hbm4b:s4+s12], $0x80, s12, s12, $0xb8;
	[tilespmem:$0xC180] =	vst v63  }
0xaf: {  	_ =	swait.ge [sflag:s14], $0x4000  }
0xb0: {  	[sflag:s14] =	ssyncset.done $0x0  }
0xb1: {  	s19 =	simm.s32 $0x0;
	[sflag:s14] =	ssyncadd.s32 $0xFFFFC000  }
0xb2: {  	v15 =	vld [tilespmem:s19+$0x8100]  }
0xb3: {  	v19 =	vld [tilespmem:s19+$0x8110]  }
0xb4: {  	v13 =	vld [tilespmem:s19+$0x8120]  }
0xb5: {  	v12 =	vld [tilespmem:s19+$0x8130]  }
0xb6: {  	v11 =	vld [tilespmem:s19+$0x8140]  }
0xb7: {  	v10 =	vld [tilespmem:s19+$0x8150]  }
0xb8: {  	v9 =	vld [tilespmem:s19+$0x8160]  }
0xb9: {  	v8 =	vld [tilespmem:s19+$0x8170]  }
0xba: {  	v20 =	vld [tilespmem:s19+$0x4100]  }
0xbb: {  	v21 =	vld [tilespmem:s19+$0x4110]  }
0xbc: {  	v18 =	vld [tilespmem:s19+$0x4120]  }
0xbd: {  	v17 =	vld [tilespmem:s19+$0x4130]  }
0xbe: {  	v16 =	vld [tilespmem:s19+$0x4140]  }
0xbf: {  	v14 =	vld [tilespmem:s19+$0x4150];
	v20 =	vadd.f32 v15, v20  }
0xc0: {  	s20 =	simm.s32 $0x200;
	v19 =	vadd.f32 v19, v21;
	v15 =	vld [tilespmem:s19+$0x4160]  }
.LBB2_8:
0xc1: {  	s21 =	sshra.s32 s20, $0x2;
	p0 =	sne.s32 s20, $0xFE00;
	[tilespmem:s19+$0x4100] =	vst v20;
	v13 =	vadd.f32 v13, v18;
	v18 =	vld [tilespmem:s19+$0x4170]  }
0xc2: {  	v20 =	vld [tilespmem:s21+$0x8100];
	[tilespmem:s19+$0x4110] =	vst v19;
	v12 =	vadd.f32 v12, v17  }
0xc3: {  	v19 =	vld [tilespmem:s21+$0x8110];
	[tilespmem:s19+$0x4120] =	vst v13;
	v11 =	vadd.f32 v11, v16  }
0xc4: {  	v13 =	vld [tilespmem:s21+$0x8120];
	[tilespmem:s19+$0x4130] =	vst v12;
	v10 =	vadd.f32 v10, v14  }
0xc5: {  	v12 =	vld [tilespmem:s21+$0x8130];
	[tilespmem:s19+$0x4140] =	vst v11;
	v9 =	vadd.f32 v9, v15  }
0xc6: {  	v11 =	vld [tilespmem:s21+$0x8140];
	[tilespmem:s19+$0x4150] =	vst v10;
	v8 =	vadd.f32 v8, v18  }
0xc7: {  	v10 =	vld [tilespmem:s21+$0x8150];
	[tilespmem:s19+$0x4160] =	vst v9  }
0xc8: {  	v9 =	vld [tilespmem:s21+$0x8160];
	[tilespmem:s19+$0x4170] =	vst v8;
	s19 =	smov.u32 s21  }
0xc9: {  	v8 =	vld [tilespmem:s19+$0x8170]  }
0xca: {  	v14 =	vld [tilespmem:s19+$0x4100]  }
0xcb: {  	v15 =	vld [tilespmem:s19+$0x4110]  }
.Ltmp3:
0xcc: {  	v18 =	vld [tilespmem:s19+$0x4120];
	(pc) =	sbr.rel @p0 .LBB2_8-.Ltmp3, $4  }
0xcd: {  	v17 =	vld [tilespmem:s19+$0x4130]  }
0xce: {  	v16 =	vld [tilespmem:s19+$0x4140]  }
0xcf: {  	v20 =	vadd.f32 v20, v14;
	v14 =	vld [tilespmem:s19+$0x4150]  }
0xd0: {  	s20 =	sadd.s32 $0x200, s20;
	v19 =	vadd.f32 v19, v15;
	v15 =	vld [tilespmem:s19+$0x4160]  }
0xd1: {  	[tilespmem:s19+$0x4100] =	vst v20;
	v13 =	vadd.f32 v13, v18;
	v18 =	vld [tilespmem:s19+$0x4170]  }
0xd2: {  	[tilespmem:s19+$0x4110] =	vst v19;
	v12 =	vadd.f32 v12, v17  }
0xd3: {  	[tilespmem:s19+$0x4120] =	vst v13;
	v11 =	vadd.f32 v11, v16  }
0xd4: {  	[tilespmem:s19+$0x4130] =	vst v12;
	v10 =	vadd.f32 v10, v14  }
0xd5: {  	[tilespmem:s19+$0x4140] =	vst v11;
	v9 =	vadd.f32 v9, v15  }
0xd6: {  	[tilespmem:s19+$0x4150] =	vst v10;
	v8 =	vadd.f32 v8, v18  }
0xd7: {  	[tilespmem:s19+$0x4160] =	vst v9  }
0xd8: {  	[tilespmem:s19+$0x4170] =	vst v8  }
0xd9: {  	[tilespmem:s15], [sflag:$0x1] =	stream.indirect.gather [hbm4b:s5+s12], $0x80, s12, s12, $0xb8;
	[tilespmem:$0xC180] =	vst v63  }
0xda: {  	_ =	swait.ge [sflag:s14], $0x4000  }
0xdb: {  	[sflag:s14] =	ssyncset.done $0x0  }
0xdc: {  	s19 =	simm.s32 $0x0;
	[sflag:s14] =	ssyncadd.s32 $0xFFFFC000  }
0xdd: {  	v15 =	vld [tilespmem:s19+$0x8100]  }
0xde: {  	v19 =	vld [tilespmem:s19+$0x8110]  }
0xdf: {  	v13 =	vld [tilespmem:s19+$0x8120]  }
0xe0: {  	v12 =	vld [tilespmem:s19+$0x8130]  }
0xe1: {  	v11 =	vld [tilespmem:s19+$0x8140]  }
0xe2: {  	v10 =	vld [tilespmem:s19+$0x8150]  }
0xe3: {  	v9 =	vld [tilespmem:s19+$0x8160]  }
0xe4: {  	v8 =	vld [tilespmem:s19+$0x8170]  }
0xe5: {  	v20 =	vld [tilespmem:s19+$0x4100]  }
0xe6: {  	v21 =	vld [tilespmem:s19+$0x4110]  }
0xe7: {  	v18 =	vld [tilespmem:s19+$0x4120]  }
0xe8: {  	v17 =	vld [tilespmem:s19+$0x4130]  }
0xe9: {  	v16 =	vld [tilespmem:s19+$0x4140]  }
0xea: {  	v14 =	vld [tilespmem:s19+$0x4150];
	v20 =	vadd.f32 v15, v20  }
0xeb: {  	s20 =	simm.s32 $0x200;
	v19 =	vadd.f32 v19, v21;
	v15 =	vld [tilespmem:s19+$0x4160]  }
.LBB2_10:
0xec: {  	s21 =	sshra.s32 s20, $0x2;
	p0 =	sne.s32 s20, $0xFE00;
	[tilespmem:s19+$0x4100] =	vst v20;
	v13 =	vadd.f32 v13, v18;
	v18 =	vld [tilespmem:s19+$0x4170]  }
0xed: {  	v20 =	vld [tilespmem:s21+$0x8100];
	[tilespmem:s19+$0x4110] =	vst v19;
	v12 =	vadd.f32 v12, v17  }
0xee: {  	v19 =	vld [tilespmem:s21+$0x8110];
	[tilespmem:s19+$0x4120] =	vst v13;
	v11 =	vadd.f32 v11, v16  }
0xef: {  	v13 =	vld [tilespmem:s21+$0x8120];
	[tilespmem:s19+$0x4130] =	vst v12;
	v10 =	vadd.f32 v10, v14  }
0xf0: {  	v12 =	vld [tilespmem:s21+$0x8130];
	[tilespmem:s19+$0x4140] =	vst v11;
	v9 =	vadd.f32 v9, v15  }
0xf1: {  	v11 =	vld [tilespmem:s21+$0x8140];
	[tilespmem:s19+$0x4150] =	vst v10;
	v8 =	vadd.f32 v8, v18  }
0xf2: {  	v10 =	vld [tilespmem:s21+$0x8150];
	[tilespmem:s19+$0x4160] =	vst v9  }
0xf3: {  	v9 =	vld [tilespmem:s21+$0x8160];
	[tilespmem:s19+$0x4170] =	vst v8;
	s19 =	smov.u32 s21  }
0xf4: {  	v8 =	vld [tilespmem:s19+$0x8170]  }
0xf5: {  	v14 =	vld [tilespmem:s19+$0x4100]  }
0xf6: {  	v15 =	vld [tilespmem:s19+$0x4110]  }
.Ltmp4:
0xf7: {  	v18 =	vld [tilespmem:s19+$0x4120];
	(pc) =	sbr.rel @p0 .LBB2_10-.Ltmp4, $4  }
0xf8: {  	v17 =	vld [tilespmem:s19+$0x4130]  }
0xf9: {  	v16 =	vld [tilespmem:s19+$0x4140]  }
0xfa: {  	v20 =	vadd.f32 v20, v14;
	v14 =	vld [tilespmem:s19+$0x4150]  }
0xfb: {  	s20 =	sadd.s32 $0x200, s20;
	v19 =	vadd.f32 v19, v15;
	v15 =	vld [tilespmem:s19+$0x4160]  }
0xfc: {  	[tilespmem:s19+$0x4100] =	vst v20;
	v13 =	vadd.f32 v13, v18;
	v18 =	vld [tilespmem:s19+$0x4170]  }
0xfd: {  	[tilespmem:s19+$0x4110] =	vst v19;
	v12 =	vadd.f32 v12, v17  }
0xfe: {  	[tilespmem:s19+$0x4120] =	vst v13;
	v11 =	vadd.f32 v11, v16  }
0xff: {  	[tilespmem:s19+$0x4130] =	vst v12;
	v10 =	vadd.f32 v10, v14  }
0x100: {  	[tilespmem:s19+$0x4140] =	vst v11;
	v9 =	vadd.f32 v9, v15  }
0x101: {  	[tilespmem:s19+$0x4150] =	vst v10;
	v8 =	vadd.f32 v8, v18  }
0x102: {  	[tilespmem:s19+$0x4160] =	vst v9  }
0x103: {  	[tilespmem:s19+$0x4170] =	vst v8  }
0x104: {  	[tilespmem:s15], [sflag:$0x1] =	stream.indirect.gather [hbm4b:s6+s12], $0x80, s12, s12, $0xb8;
	[tilespmem:$0xC180] =	vst v63  }
0x105: {  	_ =	swait.ge [sflag:s14], $0x4000  }
0x106: {  	[sflag:s14] =	ssyncset.done $0x0  }
0x107: {  	s19 =	simm.s32 $0x0;
	[sflag:s14] =	ssyncadd.s32 $0xFFFFC000  }
0x108: {  	v14 =	vld [tilespmem:s19+$0x8100]  }
0x109: {  	v19 =	vld [tilespmem:s19+$0x8110]  }
0x10a: {  	v13 =	vld [tilespmem:s19+$0x8120]  }
0x10b: {  	v12 =	vld [tilespmem:s19+$0x8130]  }
0x10c: {  	v11 =	vld [tilespmem:s19+$0x8140]  }
0x10d: {  	v10 =	vld [tilespmem:s19+$0x8150]  }
0x10e: {  	v9 =	vld [tilespmem:s19+$0x8160]  }
0x10f: {  	v8 =	vld [tilespmem:s19+$0x8170]  }
0x110: {  	v20 =	vld [tilespmem:s19+$0x4100]  }
0x111: {  	v21 =	vld [tilespmem:s19+$0x4110]  }
0x112: {  	v18 =	vld [tilespmem:s19+$0x4120]  }
0x113: {  	v17 =	vld [tilespmem:s19+$0x4130]  }
0x114: {  	v16 =	vld [tilespmem:s19+$0x4140]  }
0x115: {  	v15 =	vld [tilespmem:s19+$0x4150];
	v20 =	vadd.f32 v14, v20  }
0x116: {  	s20 =	simm.s32 $0x0;
	s21 =	simm.s32 $0x200;
	v19 =	vadd.f32 v19, v21;
	v14 =	vld [tilespmem:s19+$0x4160]  }
.LBB2_12:
0x117: {  	s22 =	sshra.s32 s21, $0x2;
	p0 =	sne.s32 s21, $0xFE00;
	[tilespmem:s19+$0x4100] =	vst v20;
	v13 =	vadd.f32 v13, v18;
	v18 =	vld [tilespmem:s19+$0x4170]  }
0x118: {  	v20 =	vld [tilespmem:s22+$0x8100];
	[tilespmem:s19+$0x4110] =	vst v19;
	v12 =	vadd.f32 v12, v17  }
0x119: {  	v19 =	vld [tilespmem:s22+$0x8110];
	[tilespmem:s19+$0x4120] =	vst v13;
	v11 =	vadd.f32 v11, v16  }
0x11a: {  	v13 =	vld [tilespmem:s22+$0x8120];
	[tilespmem:s19+$0x4130] =	vst v12;
	v10 =	vadd.f32 v10, v15  }
0x11b: {  	v12 =	vld [tilespmem:s22+$0x8130];
	[tilespmem:s19+$0x4140] =	vst v11;
	v9 =	vadd.f32 v9, v14  }
0x11c: {  	v11 =	vld [tilespmem:s22+$0x8140];
	[tilespmem:s19+$0x4150] =	vst v10;
	v8 =	vadd.f32 v8, v18  }
0x11d: {  	v10 =	vld [tilespmem:s22+$0x8150];
	[tilespmem:s19+$0x4160] =	vst v9  }
0x11e: {  	v9 =	vld [tilespmem:s22+$0x8160];
	[tilespmem:s19+$0x4170] =	vst v8;
	s19 =	smov.u32 s22  }
0x11f: {  	v8 =	vld [tilespmem:s19+$0x8170]  }
0x120: {  	v14 =	vld [tilespmem:s19+$0x4100]  }
0x121: {  	v21 =	vld [tilespmem:s19+$0x4110]  }
.Ltmp5:
0x122: {  	v18 =	vld [tilespmem:s19+$0x4120];
	(pc) =	sbr.rel @p0 .LBB2_12-.Ltmp5, $4  }
0x123: {  	v17 =	vld [tilespmem:s19+$0x4130]  }
0x124: {  	v16 =	vld [tilespmem:s19+$0x4140]  }
0x125: {  	v20 =	vadd.f32 v20, v14;
	v15 =	vld [tilespmem:s19+$0x4150]  }
0x126: {  	s21 =	sadd.s32 $0x200, s21;
	v19 =	vadd.f32 v19, v21;
	v14 =	vld [tilespmem:s19+$0x4160]  }
0x127: {  	v61 =	vmov s20  }
0x128: {  	[tilespmem:s19+$0x4100] =	vst v20;
	v13 =	vadd.f32 v13, v18;
	v62 =	vld [tilespmem:s19+$0x4170];
	v20 =	vand.u32 $0x7F, v61  }
0x129: {  	[tilespmem:s19+$0x4110] =	vst v19;
	v12 =	vadd.f32 v12, v17;
	v63 =	vbroadcast v20, $0x0  }
0x12a: {  	[tilespmem:s19+$0x4120] =	vst v13;
	v11 =	vadd.f32 v11, v16  }
0x12b: {  	s30 =	simm.s32 $0x1;
	[tilespmem:s19+$0x4130] =	vst v12;
	v10 =	vadd.f32 v10, v15;
	v12 =	vor.u32 v0, v63  }
0x12c: {  	[tilespmem:s19+$0x4140] =	vst v11;
	v9 =	vadd.f32 v9, v14;
	v11 =	vmov s30  }
0x12d: {  	[tilespmem:s19+$0x4150] =	vst v10;
	v8 =	vadd.f32 v8, v62;
	v10 =	vand.u32 $0x7F, v11  }
0x12e: {  	[tilespmem:s19+$0x4160] =	vst v9;
	v9 =	vbroadcast v10, $0x0  }
0x12f: {  	[tilespmem:s19+$0x4170] =	vst v8  }
0x130: {  	v10 =	vor.u32 v0, v9;
	v13 =	vld.idx.msk [tilespmem:v12+s13+$0x0], $0xffff  }
0x131: {  	s31 =	simm.s32 $0x2;
	v12 =	vld.idx.msk [tilespmem:v12+s16+$0x0], $0xffff  }
0x132: {  	v8 =	vmov s31  }
0x133: {  	v8 =	vand.u32 $0x7F, v8  }
0x134: {  	v11 =	vbroadcast v8, $0x0  }
0x135: {  	v8 =	vld.idx.msk [tilespmem:v10+s13+$0x0], $0xffff  }
0x136: {  	s19 =	simm.s32 $0x3;
	v9 =	vimm.f32 $0.0e+00;
	v11 =	vor.u32 v0, v11;
	v10 =	vld.idx.msk [tilespmem:v10+s16+$0x0], $0xffff;
	v12 =	vmul.f32 v12, v13  }
.LBB2_14:
0x137: {  	p0 =	sne.s32 s19, $0x7F  }
.Ltmp6:
0x138: {  	v13 =	vmov s19;
	v9 =	vadd.f32 v12, v9;
	(pc) =	sbr.rel @p0 .LBB2_14-.Ltmp6, $4  }
0x139: {  	s19 =	sadd.s32 $0x1, s19;
	v14 =	vand.u32 $0x7F, v13  }
0x13a: {  	v13 =	vbroadcast v14, $0x0  }
0x13b: {  	v12 =	vmov v8;
	v8 =	vld.idx.msk [tilespmem:v11+s13+$0x0], $0xffff  }
0x13c: {  	v12 =	vmul.f32 v10, v12;
	v10 =	vld.idx.msk [tilespmem:v11+s16+$0x0], $0xffff;
	v11 =	vor.u32 v0, v13  }
0x13d: {  	_ =	sdelay $0x3  }
0x13e: {  	v13 =	vld.idx.msk [tilespmem:v11+s13+$0x0], $0xffff  }
0x13f: {  	v11 =	vld.idx.msk [tilespmem:v11+s16+$0x0], $0xffff;
	_ =	sdelay $0x1  }
0x140: {  	s19 =	simm.s32 $0x0  }
0x141: {  	v9 =	vadd.f32 v12, v9;
	v8 =	vmul.f32 v10, v8;
	v10 =	vmov s19  }
0x142: {  	v10 =	vand.u32 $0x7F, v10  }
0x143: {  	v8 =	vadd.f32 v8, v9;
	v9 =	vmul.f32 v11, v13;
	v10 =	vbroadcast v10, $0x0;
	_ =	sdelay $0x1  }
0x144: {  	s30 =	simm.s32 $0x1;
	v8 =	vadd.f32 v9, v8;
	v9 =	vor.u32 v1, v10  }
0x145: {  	v10 =	vmov s30  }
0x146: {  	v10 =	vand.u32 $0x7F, v10;
	v8 =	vmul.f32 $1.111111120e-01, v8  }
0x147: {  	v10 =	vbroadcast v10, $0x0  }
0x148: {  	[tilespmem:$0xC100] =	vst v8  }
0x149: {  	v10 =	vor.u32 v1, v10;
	v12 =	vld.idx.msk [tilespmem:v9+s13+$0x0], $0xffff  }
0x14a: {  	s31 =	simm.s32 $0x2;
	v13 =	vld.idx.msk [tilespmem:v9+s16+$0x0], $0xffff  }
0x14b: {  	v8 =	vmov s31  }
0x14c: {  	v8 =	vand.u32 $0x7F, v8  }
0x14d: {  	v11 =	vbroadcast v8, $0x0  }
0x14e: {  	v8 =	vld.idx.msk [tilespmem:v10+s13+$0x0], $0xffff  }
0x14f: {  	s19 =	simm.s32 $0x3;
	v9 =	vimm.f32 $0.0e+00;
	v11 =	vor.u32 v1, v11;
	v10 =	vld.idx.msk [tilespmem:v10+s16+$0x0], $0xffff;
	v12 =	vmul.f32 v13, v12  }
.LBB2_16:
0x150: {  	p0 =	sne.s32 s19, $0x7F  }
.Ltmp7:
0x151: {  	v13 =	vmov s19;
	v9 =	vadd.f32 v12, v9;
	(pc) =	sbr.rel @p0 .LBB2_16-.Ltmp7, $4  }
0x152: {  	s19 =	sadd.s32 $0x1, s19;
	v14 =	vand.u32 $0x7F, v13  }
0x153: {  	v13 =	vbroadcast v14, $0x0  }
0x154: {  	v12 =	vmov v8;
	v8 =	vld.idx.msk [tilespmem:v11+s13+$0x0], $0xffff  }
0x155: {  	v12 =	vmul.f32 v10, v12;
	v10 =	vld.idx.msk [tilespmem:v11+s16+$0x0], $0xffff;
	v11 =	vor.u32 v1, v13  }
0x156: {  	_ =	sdelay $0x3  }
0x157: {  	v13 =	vld.idx.msk [tilespmem:v11+s13+$0x0], $0xffff  }
0x158: {  	v11 =	vld.idx.msk [tilespmem:v11+s16+$0x0], $0xffff;
	_ =	sdelay $0x1  }
0x159: {  	s19 =	simm.s32 $0x0  }
0x15a: {  	v9 =	vadd.f32 v12, v9;
	v8 =	vmul.f32 v10, v8;
	v10 =	vmov s19  }
0x15b: {  	v10 =	vand.u32 $0x7F, v10  }
0x15c: {  	v8 =	vadd.f32 v8, v9;
	v9 =	vmul.f32 v11, v13;
	v10 =	vbroadcast v10, $0x0;
	_ =	sdelay $0x1  }
0x15d: {  	s30 =	simm.s32 $0x1;
	v8 =	vadd.f32 v9, v8;
	v9 =	vor.u32 v2, v10  }
0x15e: {  	v10 =	vmov s30  }
0x15f: {  	v10 =	vand.u32 $0x7F, v10;
	v8 =	vmul.f32 $1.111111120e-01, v8  }
0x160: {  	v10 =	vbroadcast v10, $0x0  }
0x161: {  	[tilespmem:$0xC110] =	vst v8  }
0x162: {  	v10 =	vor.u32 v2, v10;
	v12 =	vld.idx.msk [tilespmem:v9+s13+$0x0], $0xffff  }
0x163: {  	s31 =	simm.s32 $0x2;
	v13 =	vld.idx.msk [tilespmem:v9+s16+$0x0], $0xffff  }
0x164: {  	v8 =	vmov s31  }
0x165: {  	v8 =	vand.u32 $0x7F, v8  }
0x166: {  	v11 =	vbroadcast v8, $0x0  }
0x167: {  	v8 =	vld.idx.msk [tilespmem:v10+s13+$0x0], $0xffff  }
0x168: {  	s19 =	simm.s32 $0x3;
	v9 =	vimm.f32 $0.0e+00;
	v11 =	vor.u32 v2, v11;
	v10 =	vld.idx.msk [tilespmem:v10+s16+$0x0], $0xffff;
	v12 =	vmul.f32 v13, v12  }
.LBB2_18:
0x169: {  	p0 =	sne.s32 s19, $0x7F  }
.Ltmp8:
0x16a: {  	v13 =	vmov s19;
	v9 =	vadd.f32 v12, v9;
	(pc) =	sbr.rel @p0 .LBB2_18-.Ltmp8, $4  }
0x16b: {  	s19 =	sadd.s32 $0x1, s19;
	v14 =	vand.u32 $0x7F, v13  }
0x16c: {  	v13 =	vbroadcast v14, $0x0  }
0x16d: {  	v12 =	vmov v8;
	v8 =	vld.idx.msk [tilespmem:v11+s13+$0x0], $0xffff  }
0x16e: {  	v12 =	vmul.f32 v10, v12;
	v10 =	vld.idx.msk [tilespmem:v11+s16+$0x0], $0xffff;
	v11 =	vor.u32 v2, v13  }
0x16f: {  	_ =	sdelay $0x3  }
0x170: {  	v13 =	vld.idx.msk [tilespmem:v11+s13+$0x0], $0xffff  }
0x171: {  	v11 =	vld.idx.msk [tilespmem:v11+s16+$0x0], $0xffff;
	_ =	sdelay $0x1  }
0x172: {  	s19 =	simm.s32 $0x0  }
0x173: {  	v9 =	vadd.f32 v12, v9;
	v8 =	vmul.f32 v10, v8;
	v10 =	vmov s19  }
0x174: {  	v10 =	vand.u32 $0x7F, v10  }
0x175: {  	v8 =	vadd.f32 v8, v9;
	v9 =	vmul.f32 v11, v13;
	v10 =	vbroadcast v10, $0x0;
	_ =	sdelay $0x1  }
0x176: {  	s30 =	simm.s32 $0x1;
	v8 =	vadd.f32 v9, v8;
	v9 =	vor.u32 v3, v10  }
0x177: {  	v10 =	vmov s30  }
0x178: {  	v10 =	vand.u32 $0x7F, v10;
	v8 =	vmul.f32 $1.111111120e-01, v8  }
0x179: {  	v10 =	vbroadcast v10, $0x0  }
0x17a: {  	[tilespmem:$0xC120] =	vst v8  }
0x17b: {  	v10 =	vor.u32 v3, v10;
	v12 =	vld.idx.msk [tilespmem:v9+s13+$0x0], $0xffff  }
0x17c: {  	s31 =	simm.s32 $0x2;
	v13 =	vld.idx.msk [tilespmem:v9+s16+$0x0], $0xffff  }
0x17d: {  	v8 =	vmov s31  }
0x17e: {  	v8 =	vand.u32 $0x7F, v8  }
0x17f: {  	v11 =	vbroadcast v8, $0x0  }
0x180: {  	v8 =	vld.idx.msk [tilespmem:v10+s13+$0x0], $0xffff  }
0x181: {  	s19 =	simm.s32 $0x3;
	v9 =	vimm.f32 $0.0e+00;
	v11 =	vor.u32 v3, v11;
	v10 =	vld.idx.msk [tilespmem:v10+s16+$0x0], $0xffff;
	v12 =	vmul.f32 v13, v12  }
.LBB2_20:
0x182: {  	p0 =	sne.s32 s19, $0x7F  }
.Ltmp9:
0x183: {  	v13 =	vmov s19;
	v9 =	vadd.f32 v12, v9;
	(pc) =	sbr.rel @p0 .LBB2_20-.Ltmp9, $4  }
0x184: {  	s19 =	sadd.s32 $0x1, s19;
	v14 =	vand.u32 $0x7F, v13  }
0x185: {  	v13 =	vbroadcast v14, $0x0  }
0x186: {  	v12 =	vmov v8;
	v8 =	vld.idx.msk [tilespmem:v11+s13+$0x0], $0xffff  }
0x187: {  	v12 =	vmul.f32 v10, v12;
	v10 =	vld.idx.msk [tilespmem:v11+s16+$0x0], $0xffff;
	v11 =	vor.u32 v3, v13  }
0x188: {  	_ =	sdelay $0x3  }
0x189: {  	v13 =	vld.idx.msk [tilespmem:v11+s13+$0x0], $0xffff  }
0x18a: {  	v11 =	vld.idx.msk [tilespmem:v11+s16+$0x0], $0xffff;
	_ =	sdelay $0x1  }
0x18b: {  	s19 =	simm.s32 $0x0  }
0x18c: {  	v9 =	vadd.f32 v12, v9;
	v8 =	vmul.f32 v10, v8;
	v10 =	vmov s19  }
0x18d: {  	v10 =	vand.u32 $0x7F, v10  }
0x18e: {  	v8 =	vadd.f32 v8, v9;
	v9 =	vmul.f32 v11, v13;
	v10 =	vbroadcast v10, $0x0;
	_ =	sdelay $0x1  }
0x18f: {  	s30 =	simm.s32 $0x1;
	v8 =	vadd.f32 v9, v8;
	v9 =	vor.u32 v4, v10  }
0x190: {  	v10 =	vmov s30  }
0x191: {  	v10 =	vand.u32 $0x7F, v10;
	v8 =	vmul.f32 $1.111111120e-01, v8  }
0x192: {  	v10 =	vbroadcast v10, $0x0  }
0x193: {  	[tilespmem:$0xC130] =	vst v8  }
0x194: {  	v10 =	vor.u32 v4, v10;
	v12 =	vld.idx.msk [tilespmem:v9+s13+$0x0], $0xffff  }
0x195: {  	s31 =	simm.s32 $0x2;
	v13 =	vld.idx.msk [tilespmem:v9+s16+$0x0], $0xffff  }
0x196: {  	v8 =	vmov s31  }
0x197: {  	v8 =	vand.u32 $0x7F, v8  }
0x198: {  	v11 =	vbroadcast v8, $0x0  }
0x199: {  	v8 =	vld.idx.msk [tilespmem:v10+s13+$0x0], $0xffff  }
0x19a: {  	s19 =	simm.s32 $0x3;
	v9 =	vimm.f32 $0.0e+00;
	v11 =	vor.u32 v4, v11;
	v10 =	vld.idx.msk [tilespmem:v10+s16+$0x0], $0xffff;
	v12 =	vmul.f32 v13, v12  }
.LBB2_22:
0x19b: {  	p0 =	sne.s32 s19, $0x7F  }
.Ltmp10:
0x19c: {  	v13 =	vmov s19;
	v9 =	vadd.f32 v12, v9;
	(pc) =	sbr.rel @p0 .LBB2_22-.Ltmp10, $4  }
0x19d: {  	s19 =	sadd.s32 $0x1, s19;
	v14 =	vand.u32 $0x7F, v13  }
0x19e: {  	v13 =	vbroadcast v14, $0x0  }
0x19f: {  	v12 =	vmov v8;
	v8 =	vld.idx.msk [tilespmem:v11+s13+$0x0], $0xffff  }
0x1a0: {  	v12 =	vmul.f32 v10, v12;
	v10 =	vld.idx.msk [tilespmem:v11+s16+$0x0], $0xffff;
	v11 =	vor.u32 v4, v13  }
0x1a1: {  	_ =	sdelay $0x3  }
0x1a2: {  	v13 =	vld.idx.msk [tilespmem:v11+s13+$0x0], $0xffff  }
0x1a3: {  	v11 =	vld.idx.msk [tilespmem:v11+s16+$0x0], $0xffff;
	_ =	sdelay $0x1  }
0x1a4: {  	s19 =	simm.s32 $0x0  }
0x1a5: {  	v9 =	vadd.f32 v12, v9;
	v8 =	vmul.f32 v10, v8;
	v10 =	vmov s19  }
0x1a6: {  	v10 =	vand.u32 $0x7F, v10  }
0x1a7: {  	v8 =	vadd.f32 v8, v9;
	v9 =	vmul.f32 v11, v13;
	v10 =	vbroadcast v10, $0x0;
	_ =	sdelay $0x1  }
0x1a8: {  	s30 =	simm.s32 $0x1;
	v8 =	vadd.f32 v9, v8;
	v9 =	vor.u32 v5, v10  }
0x1a9: {  	v10 =	vmov s30  }
0x1aa: {  	v10 =	vand.u32 $0x7F, v10;
	v8 =	vmul.f32 $1.111111120e-01, v8  }
0x1ab: {  	v10 =	vbroadcast v10, $0x0  }
0x1ac: {  	[tilespmem:$0xC140] =	vst v8  }
0x1ad: {  	v10 =	vor.u32 v5, v10;
	v12 =	vld.idx.msk [tilespmem:v9+s13+$0x0], $0xffff  }
0x1ae: {  	s31 =	simm.s32 $0x2;
	v13 =	vld.idx.msk [tilespmem:v9+s16+$0x0], $0xffff  }
0x1af: {  	v8 =	vmov s31  }
0x1b0: {  	v8 =	vand.u32 $0x7F, v8  }
0x1b1: {  	v11 =	vbroadcast v8, $0x0  }
0x1b2: {  	v8 =	vld.idx.msk [tilespmem:v10+s13+$0x0], $0xffff  }
0x1b3: {  	s19 =	simm.s32 $0x3;
	v9 =	vimm.f32 $0.0e+00;
	v11 =	vor.u32 v5, v11;
	v10 =	vld.idx.msk [tilespmem:v10+s16+$0x0], $0xffff;
	v12 =	vmul.f32 v13, v12  }
.LBB2_24:
0x1b4: {  	p0 =	sne.s32 s19, $0x7F  }
.Ltmp11:
0x1b5: {  	v13 =	vmov s19;
	v9 =	vadd.f32 v12, v9;
	(pc) =	sbr.rel @p0 .LBB2_24-.Ltmp11, $4  }
0x1b6: {  	s19 =	sadd.s32 $0x1, s19;
	v14 =	vand.u32 $0x7F, v13  }
0x1b7: {  	v13 =	vbroadcast v14, $0x0  }
0x1b8: {  	v12 =	vmov v8;
	v8 =	vld.idx.msk [tilespmem:v11+s13+$0x0], $0xffff  }
0x1b9: {  	v12 =	vmul.f32 v10, v12;
	v10 =	vld.idx.msk [tilespmem:v11+s16+$0x0], $0xffff;
	v11 =	vor.u32 v5, v13  }
0x1ba: {  	_ =	sdelay $0x3  }
0x1bb: {  	v13 =	vld.idx.msk [tilespmem:v11+s13+$0x0], $0xffff  }
0x1bc: {  	v11 =	vld.idx.msk [tilespmem:v11+s16+$0x0], $0xffff;
	_ =	sdelay $0x1  }
0x1bd: {  	s19 =	simm.s32 $0x0  }
0x1be: {  	v9 =	vadd.f32 v12, v9;
	v8 =	vmul.f32 v10, v8;
	v10 =	vmov s19  }
0x1bf: {  	v10 =	vand.u32 $0x7F, v10  }
0x1c0: {  	v8 =	vadd.f32 v8, v9;
	v9 =	vmul.f32 v11, v13;
	v10 =	vbroadcast v10, $0x0;
	_ =	sdelay $0x1  }
0x1c1: {  	s30 =	simm.s32 $0x1;
	v8 =	vadd.f32 v9, v8;
	v9 =	vor.u32 v6, v10  }
0x1c2: {  	v10 =	vmov s30  }
0x1c3: {  	v10 =	vand.u32 $0x7F, v10;
	v8 =	vmul.f32 $1.111111120e-01, v8  }
0x1c4: {  	v10 =	vbroadcast v10, $0x0  }
0x1c5: {  	[tilespmem:$0xC150] =	vst v8  }
0x1c6: {  	v10 =	vor.u32 v6, v10;
	v12 =	vld.idx.msk [tilespmem:v9+s13+$0x0], $0xffff  }
0x1c7: {  	s31 =	simm.s32 $0x2;
	v13 =	vld.idx.msk [tilespmem:v9+s16+$0x0], $0xffff  }
0x1c8: {  	v8 =	vmov s31  }
0x1c9: {  	v8 =	vand.u32 $0x7F, v8  }
0x1ca: {  	v11 =	vbroadcast v8, $0x0  }
0x1cb: {  	v8 =	vld.idx.msk [tilespmem:v10+s13+$0x0], $0xffff  }
0x1cc: {  	s19 =	simm.s32 $0x3;
	v9 =	vimm.f32 $0.0e+00;
	v11 =	vor.u32 v6, v11;
	v10 =	vld.idx.msk [tilespmem:v10+s16+$0x0], $0xffff;
	v12 =	vmul.f32 v13, v12  }
.LBB2_26:
0x1cd: {  	p0 =	sne.s32 s19, $0x7F  }
.Ltmp12:
0x1ce: {  	v13 =	vmov s19;
	v9 =	vadd.f32 v12, v9;
	(pc) =	sbr.rel @p0 .LBB2_26-.Ltmp12, $4  }
0x1cf: {  	s19 =	sadd.s32 $0x1, s19;
	v14 =	vand.u32 $0x7F, v13  }
0x1d0: {  	v13 =	vbroadcast v14, $0x0  }
0x1d1: {  	v12 =	vmov v8;
	v8 =	vld.idx.msk [tilespmem:v11+s13+$0x0], $0xffff  }
0x1d2: {  	v12 =	vmul.f32 v10, v12;
	v10 =	vld.idx.msk [tilespmem:v11+s16+$0x0], $0xffff;
	v11 =	vor.u32 v6, v13  }
0x1d3: {  	_ =	sdelay $0x3  }
0x1d4: {  	v13 =	vld.idx.msk [tilespmem:v11+s13+$0x0], $0xffff  }
0x1d5: {  	v11 =	vld.idx.msk [tilespmem:v11+s16+$0x0], $0xffff;
	_ =	sdelay $0x1  }
0x1d6: {  	s19 =	simm.s32 $0x0  }
0x1d7: {  	v9 =	vadd.f32 v12, v9;
	v8 =	vmul.f32 v10, v8;
	v10 =	vmov s19  }
0x1d8: {  	v10 =	vand.u32 $0x7F, v10  }
0x1d9: {  	v8 =	vadd.f32 v8, v9;
	v9 =	vmul.f32 v11, v13;
	v10 =	vbroadcast v10, $0x0;
	_ =	sdelay $0x1  }
0x1da: {  	s30 =	simm.s32 $0x1;
	v8 =	vadd.f32 v9, v8;
	v9 =	vor.u32 v7, v10  }
0x1db: {  	v10 =	vmov s30  }
0x1dc: {  	v10 =	vand.u32 $0x7F, v10;
	v8 =	vmul.f32 $1.111111120e-01, v8  }
0x1dd: {  	v10 =	vbroadcast v10, $0x0  }
0x1de: {  	[tilespmem:$0xC160] =	vst v8  }
0x1df: {  	v10 =	vor.u32 v7, v10;
	v12 =	vld.idx.msk [tilespmem:v9+s13+$0x0], $0xffff  }
0x1e0: {  	s31 =	simm.s32 $0x2;
	v13 =	vld.idx.msk [tilespmem:v9+s16+$0x0], $0xffff  }
0x1e1: {  	v8 =	vmov s31  }
0x1e2: {  	v8 =	vand.u32 $0x7F, v8  }
0x1e3: {  	v11 =	vbroadcast v8, $0x0  }
0x1e4: {  	v8 =	vld.idx.msk [tilespmem:v10+s13+$0x0], $0xffff  }
0x1e5: {  	s19 =	simm.s32 $0x3;
	v9 =	vimm.f32 $0.0e+00;
	v11 =	vor.u32 v7, v11;
	v10 =	vld.idx.msk [tilespmem:v10+s16+$0x0], $0xffff;
	v12 =	vmul.f32 v13, v12  }
.LBB2_28:
0x1e6: {  	p0 =	sne.s32 s19, $0x7F  }
.Ltmp13:
0x1e7: {  	v13 =	vmov s19;
	v9 =	vadd.f32 v12, v9;
	(pc) =	sbr.rel @p0 .LBB2_28-.Ltmp13, $4  }
0x1e8: {  	s19 =	sadd.s32 $0x1, s19;
	v14 =	vand.u32 $0x7F, v13  }
0x1e9: {  	v13 =	vbroadcast v14, $0x0  }
0x1ea: {  	v12 =	vmov v8;
	v8 =	vld.idx.msk [tilespmem:v11+s13+$0x0], $0xffff  }
0x1eb: {  	v12 =	vmul.f32 v10, v12;
	v10 =	vld.idx.msk [tilespmem:v11+s16+$0x0], $0xffff;
	v11 =	vor.u32 v7, v13  }
0x1ec: {  	_ =	sdelay $0x3  }
0x1ed: {  	v13 =	vld.idx.msk [tilespmem:v11+s13+$0x0], $0xffff  }
0x1ee: {  	v62 =	vld.idx.msk [tilespmem:v11+s16+$0x0], $0xffff;
	_ =	sdelay $0x2  }
0x1ef: {  	v9 =	vadd.f32 v12, v9;
	v8 =	vmul.f32 v10, v8;
	_ =	sdelay $0x1  }
0x1f0: {  	v63 =	vmul.f32 v62, v13;
	v8 =	vadd.f32 v8, v9;
	_ =	sdelay $0x1  }
0x1f1: {  	v8 =	vadd.f32 v63, v8;
	_ =	sdelay $0x1  }
0x1f2: {  	s18 =	sadd.s32 $0x1, s18;
	v8 =	vmul.f32 $1.111111120e-01, v8  }
0x1f3: {  	p0 =	sne.s32 s18, s10  }
.Ltmp14:
0x1f4: {  	[tilespmem:$0xC170] =	vst v8;
	(pc) =	sbr.rel @p0 .LBB2_1-.Ltmp14, $4  }
0x1f5: {  	[hbm4b:s9+s1] =	stream.linear.scatter [tilespmem:s17], [sflag:$0x2], $0x80, $0x38;
	[tilespmem:$0xC180] =	vst v63  }
0x1f6: {  	_ =	swait.ge [sflag:s11], $0x80  }
0x1f7: {  	[sflag:s11] =	ssyncset.done $0x0  }
0x1f8: {  	[sflag:s11] =	ssyncadd.s32 $0xFFFFFF80  }
0x1f9: {  	_ =	sfence.sel $0x180000  }
0x1fa: {  	[bflag:$0x0] =	sbarrier.arrive $0xFFFF  }
0x1fb: {  	p0 =	sne.s32 s2, $0x0;
	_ =	strace $0x90000050  }
0x1fc: {  	s0 =	sadd.s32 @!p0 $0x100000, s0;
	[bflag:$0x2] =	sbarrier.arrive $0xFFFF  }
0x1fd: {  	[sflag:s0] =	ssyncadd.tile.s32 @!p0 $0x1;
	_ =	shalt  }
.Lfunc_end2:
_tile_overlayer_lowered:
.L_overlay_start_2:
0x1fe: {  	(tag) =	ssettag $0x2  }
0x1ff: {  	s0 =	rddreg [dreg:$0x0];
	s2 =	stileid.u32  }
0x200: {  	s1 =	rddreg [dreg:$0x1];
	p0 =	sne.s32 s2, $0x0  }
0x201: {  	s3 =	rddreg [dreg:$0x2];
	[bflag:$0x3] =	sbarrier.arrive $0xFFFF;
	s2 =	simm.s32 @!p0 $0x1C02  }
0x202: {  	[timem:s3], [sflag:s2] =	dma.local @!p0 [hbm:s0], s1  }
0x203: {  	s0 =	simm.s32 @!p0 $0x2  }
0x204: {  	_ =	swait.ge @!p0 [sflag:s0], s1  }
0x205: {  	s1 =	ssub.s32 @!p0 $0x0, s1;
	[sflag:s0] =	ssyncset.done @!p0 $0x0  }
0x206: {  	[sflag:s0] =	ssyncadd.s32 @!p0 s1  }
0x207: {  	[bflag:$0x3] =	sbarrier.arrive $0xFFFF  }
0x208: {  	_ =	shalt  }

// kernel: kernel.6.cloned.1.call-start
scs
__scs_entry_jumppad:
0x0: {  	(pc) =	sbr.rel $0x88, $3  }
0x1: {  	(tag) =	ssettag $0x0;
	lr =	simm.s32 $0x1  }
0x2: {  	[smem:$0x3F9A] =	sst lr;
	_ =	strace $0xD0000000  }
0x3: {  	_ = 	snop  }
0x4: {  	_ = 	snop  }
0x5: {  	_ = 	snop  }
0x6: {  	_ = 	snop  }
0x7: {  	_ = 	snop  }
__scs_overlays_trampoline_lowered:
0x8: {  	[smem:$0x3FA9] =	sst s0  }
0x9: {  	[smem:$0x3FAA] =	sst s1  }
0xa: {  	[smem:$0x3FAB] =	sst s2  }
0xb: {  	[smem:$0x3FAC] =	sst s3  }
0xc: {  	[smem:$0x3FAD] =	sst s4  }
0xd: {  	[smem:$0x3FAE] =	sst s5  }
0xe: {  	[smem:$0x3FAF] =	sst s6  }
0xf: {  	[smem:$0x3FB0] =	sst s7  }
0x10: {  	[smem:$0x3FB1] =	sst s8  }
0x11: {  	[smem:$0x3FB2] =	sst s9;
	s0 =	simm.s32 @!p0 $0x0  }
0x12: {  	s1 =	sld [smem:$0x3F98];
	s0 =	simm.s32 @p0 $0x1  }
0x13: {  	[smem:$0x3FB3] =	sst s0;
	s0 =	simm.s32 @!p1 $0x0  }
0x14: {  	s2 =	sld [smem:$0x3F97];
	s0 =	simm.s32 @p1 $0x1  }
0x15: {  	[smem:$0x3FB4] =	sst s0;
	s0 =	simm.s32 @!p2 $0x0  }
0x16: {  	s3 =	sld [smem:$0x3FDB];
	s0 =	simm.s32 @p2 $0x1  }
0x17: {  	s4 =	simm.s32 $0x1BF5;
	[smem:$0x3FB6] =	sst s0  }
0x18: {  	s0 =	sld [smem:$0x3F99];
	_ =	swait.ge [sflag:s4], $0x0  }
0x19: {  	s7 =	sld [smem:$0x3F9A]  }
0x1a: {  	s8 =	sadd.s32 $0xFFFFE003, lr  }
0x1b: {  	s9 =	sadd.s32 $0xFFFFFEF7, lr;
	s5 =	simm.s32 $0xFFFFFFFF;
	p2 =	slt.u32 s8, $0xFFFFF086  }
0x1c: {  	p1 =	slt.u32 s9, $0xF7A;
	s5 =	simm.s32 @!p2 $0x0  }
0x1d: {  	s5 =	simm.s32 @p1 $0x1;
	p0 =	seq.s32 s7, s2  }
0x1e: {  	s7 =	smul.u32 @!p0 $0xF7A, s2;
	p2 =	seq.s32 @!p0 s5, $0x0  }
0x1f: {  	s9 =	smul.u32 $0xF7A, s1;
	s8 =	simm.s32 @!p0 $0x1BF5;
	p2 =	por !p2, p0  }
0x20: {  	[sflag:s8] =	ssyncset.s32 @!p0 $0xFFFFF086;
	s6 =	sadd.s32 @!p0 s3, s7;
	s7 =	simm.s32 @!p0 $0x108  }
0x21: {  	s3 =	sadd.s32 s3, s9;
	s6 =	sadd.s32 @!p0 $0x88, s6;
	s7 =	simm.s32 @p2 $0x1082  }
0x22: {  	[simem:s7], [sflag:s8] =	dma.local @!p0 [hbm:s6], $0xF7A  }
0x23: {  	s9 =	sor.u32 $0xD0000000, s2;
	s6 =	simm.s32 $0x108;
	_ =	swait.ge @!p0 [sflag:s8], $0x0  }
0x24: {  	s3 =	sadd.s32 $0x88, s3;
	s6 =	simm.s32 @!p1 $0x1082;
	[sflag:s4] =	ssyncset.s32 $0xFFFFF086  }
0x25: {  	[simem:s6], [sflag:s4] =	dma.local [hbm:s3], $0xF7A  }
0x26: {  	[smem:$0x3F9A] =	sst s1;
	(tag) =	ssettag s2;
	_ =	strace s9  }
0x27: {  	s1 =	sld [smem:$0x3FAA]  }
0x28: {  	s2 =	sld [smem:$0x3FAB]  }
0x29: {  	s4 =	sld [smem:$0x3FAD]  }
0x2a: {  	p0 =	seq.s32 s5, $0x0;
	s5 =	sld [smem:$0x3FAE]  }
0x2b: {  	s6 =	sld [smem:$0x3FAF]  }
0x2c: {  	s7 =	sld [smem:$0x3FB0]  }
0x2d: {  	s3 =	simm.s32 $0x108;
	s8 =	sld [smem:$0x3FB1]  }
0x2e: {  	s3 =	simm.s32 @!p0 $0x1082;
	s9 =	sld [smem:$0x3FB2]  }
0x2f: {  	lr =	sadd.s32 s0, s3;
	s0 =	sld [smem:$0x3FA9]  }
0x30: {  	s3 =	sld [smem:$0x3FAC]  }
0x31: {  	[smem:$0x3FB5] =	sst s10  }
0x32: {  	s10 =	sld [smem:$0x3FB3];
	_ =	sdelay $0x3  }
0x33: {  	p0 =	seq.s32 s10, $0x1;
	s10 =	sld [smem:$0x3FB5];
	_ =	sdelay $0x3  }
0x34: {  	[smem:$0x3FB5] =	sst s10  }
0x35: {  	s10 =	sld [smem:$0x3FB4];
	_ =	sdelay $0x3  }
0x36: {  	p1 =	seq.s32 s10, $0x1;
	s10 =	sld [smem:$0x3FB5];
	_ =	sdelay $0x3  }
0x37: {  	[smem:$0x3FB5] =	sst s10  }
0x38: {  	s10 =	sld [smem:$0x3FB6]  }
0x39: {  	_ = 	snop;
	(pc) =	sbr.ind lr, $3  }
0x3a: {  	_ = 	snop  }
0x3b: {  	_ = 	snop  }
0x3c: {  	p2 =	seq.s32 s10, $0x1;
	s10 =	sld [smem:$0x3FB5]  }
0x3d: {  	_ =	shalt  }
0x3e: {  	_ =	shalt  }
0x3f: {  	_ =	shalt  }
0x40: {  	_ =	shalt  }
0x41: {  	_ =	shalt  }
0x42: {  	_ =	shalt  }
0x43: {  	_ =	shalt  }
0x44: {  	_ =	shalt  }
0x45: {  	_ =	shalt  }
0x46: {  	_ =	shalt  }
0x47: {  	_ =	shalt  }
0x48: {  	_ =	shalt  }
0x49: {  	_ =	shalt  }
0x4a: {  	_ =	shalt  }
0x4b: {  	_ =	shalt  }
0x4c: {  	_ =	shalt  }
0x4d: {  	_ =	shalt  }
0x4e: {  	_ =	shalt  }
0x4f: {  	_ =	shalt  }
0x50: {  	_ =	shalt  }
0x51: {  	_ =	shalt  }
0x52: {  	_ =	shalt  }
0x53: {  	_ =	shalt  }
0x54: {  	_ =	shalt  }
0x55: {  	_ =	shalt  }
0x56: {  	_ =	shalt  }
0x57: {  	_ =	shalt  }
0x58: {  	_ =	shalt  }
0x59: {  	_ =	shalt  }
0x5a: {  	_ =	shalt  }
0x5b: {  	_ =	shalt  }
0x5c: {  	_ =	shalt  }
0x5d: {  	_ =	shalt  }
0x5e: {  	_ =	shalt  }
0x5f: {  	_ =	shalt  }
0x60: {  	_ =	shalt  }
0x61: {  	_ =	shalt  }
0x62: {  	_ =	shalt  }
0x63: {  	_ =	shalt  }
0x64: {  	_ =	shalt  }
0x65: {  	_ =	shalt  }
0x66: {  	_ =	shalt  }
0x67: {  	_ =	shalt  }
0x68: {  	_ =	shalt  }
0x69: {  	_ =	shalt  }
0x6a: {  	_ =	shalt  }
0x6b: {  	_ =	shalt  }
0x6c: {  	_ =	shalt  }
0x6d: {  	_ =	shalt  }
0x6e: {  	_ =	shalt  }
0x6f: {  	_ =	shalt  }
0x70: {  	_ =	shalt  }
0x71: {  	_ =	shalt  }
0x72: {  	_ =	shalt  }
0x73: {  	_ =	shalt  }
0x74: {  	_ =	shalt  }
0x75: {  	_ =	shalt  }
0x76: {  	_ =	shalt  }
0x77: {  	_ =	shalt  }
0x78: {  	_ =	shalt  }
0x79: {  	_ =	shalt  }
0x7a: {  	_ =	shalt  }
0x7b: {  	_ =	shalt  }
0x7c: {  	_ =	shalt  }
0x7d: {  	_ =	shalt  }
0x7e: {  	_ =	shalt  }
0x7f: {  	_ =	shalt  }
0x80: {  	_ =	shalt  }
0x81: {  	_ =	shalt  }
0x82: {  	_ =	shalt  }
0x83: {  	_ =	shalt  }
0x84: {  	_ =	shalt  }
0x85: {  	_ =	shalt  }
0x86: {  	_ =	shalt  }
0x87: {  	_ =	shalt  }
.Lfunc_end0:
.L_simem_size_0:
called_computation_lowered:
.L_overlay_start_0:
0x88: {  	s2 =	sld [smem:$0x3FD9]  }
0x89: {  	s3 =	sld [smem:$0x3FFE];
	_ =	sdelay $0x1  }
0x8a: {  	s1 =	srdreg.scid  }
0x8b: {  	s0 =	sand.u32 $0x1, s1  }
0x8c: {  	s17 =	sshll.u32 s0, $0xA;
	s2 =	sadd.s32 s3, s2  }
0x8d: {  	s2 =	sadd.s32 s2, s17  }
0x8e: {  	[smem:$0x3FC1] =	sst s2  }
0x8f: {  	_ = 	snop  }
0x90: {  	s2 =	sld [smem:$0x3FC5]  }
0x91: {  	s18 =	sld [smem:$0x3FC4]  }
0x92: {  	s4 =	sld [smem:$0x3FC3];
	(tm) =	ssettm $0x1  }
0x93: {  	s5 =	sld [smem:$0x3FFB];
	_ =	sdelay $0x3  }
0x94: {  	_ =	strace s5  }
0x95: {  	s5 =	sld [smem:$0x3FFC];
	_ =	sdelay $0x3  }
0x96: {  	_ =	strace s5  }
0x97: {  	s5 =	sld [smem:$0x3FFD];
	_ =	sdelay $0x3  }
0x98: {  	_ =	strace s5  }
0x99: {  	_ =	strace $0x8FFFFFFF  }
0x9a: {  	s19 =	sld [smem:$0x3FDB];
	_ =	sdelay $0x1  }
0x9b: {  	s6 =	simm.s32 $_scs_section_size  }
0x9c: {  	s7 =	simm.s32 $_size__tile_overlayer_lowered;
	s8 =	simm.s32 $_tile_overlayer_lowered  }
0x9d: {  	s22 =	simm.s32 $0x1BFF;
	s21 =	sshll.u32 s8, $0x1;
	s5 =	sadd.s32 s6, s19  }
0x9e: {  	s9 =	simm.s32 $0x0;
	s20 =	sshll.u32 s7, $0x1;
	s7 =	sadd.s32 s21, s5  }
0x9f: {  	[timem:s9], [sflag:s22] =	dma.local [hbm:s7], s20  }
0xa0: {  	_ =	swait.ge [sflag:s22], s20  }
0xa1: {  	s6 =	ssub.s32 $0x0, s20;
	[sflag:s22] =	ssyncset.done $0x0  }
0xa2: {  	[sflag:s22] =	ssyncadd.s32 s6;
	_ =	sdelay $0x1  }
0xa3: {  	s23 =	simm.s32 $0x1B8B  }
0xa4: {  	_ =	swait.ge [sflag:s23], $0x1  }
0xa5: {  	[sflag:s23] =	ssyncset.done $0x0  }
0xa6: {  	s25 =	simm.s32 $0x1B8E;
	s24 =	sld [smem:$0x3FFE];
	[sflag:s23] =	ssyncadd.s32 $0xFFFFFFFF  }
0xa7: {  	s26 =	simm.s32 $execute0_lowered;
	[smem:$0x3FD2] =	sst s25  }
0xa8: {  	s7 =	sshll.u32 s26, $0x1;
	_ =	strace $0x80000046;
	[dreg:$0x1] =	wrdreg $0xFFFFFFFF  }
0xa9: {  	s28 =	simm.s32 $_size_execute0_lowered;
	s5 =	sadd.s32 s5, s7;
	[dreg:$0x0] =	wrdreg $0x0  }
0xaa: {  	s7 =	sshll.u32 s28, $0x1;
	[dreg:$0x2] =	wrdreg s5  }
0xab: {  	[dreg:$0x3] =	wrdreg s7  }
0xac: {  	[dreg:$0x4] =	wrdreg $0xC0  }
0xad: {  	_ =	task [dreg:s9], $0x5FFFF  }
0xae: {  	[dreg:$0x1] =	wrdreg $0xFFFFFFFF  }
0xaf: {  	[dreg:$0x0] =	wrdreg $0x60  }
0xb0: {  	[dreg:$0x2] =	wrdreg s24  }
0xb1: {  	[dreg:$0x3] =	wrdreg s2  }
0xb2: {  	[dreg:$0x4] =	wrdreg s18  }
0xb3: {  	[dreg:$0x5] =	wrdreg s4  }
0xb4: {  	[dreg:$0x6] =	wrdreg $0x0  }
0xb5: {  	[dreg:$0x7] =	wrdreg $0x9  }
0xb6: {  	_ =	task.clear_ibuf [dreg:s9], $0x8FFFF;
	_ =	strace $0x90000046  }
0xb7: {  	s29 =	simm.s32 $0x9;
	_ =	strace $0x80000048  }
0xb8: {  	_ =	swait.ge [sflag:s29], $0x1  }
0xb9: {  	[sflag:s29] =	ssyncadd.s32 $0xFFFFFFFF  }
0xba: {  	_ =	strace $0x90000048  }
0xbb: {  	_ =	sfence  }
0xbc: {  	s30 =	sld [smem:$0x0];
	_ =	sdelay $0x2  }
0xbd: {  	s31 =	sshll.u32 s1, $0xD;
	s1 =	sshrl.u32 s1, $0x2  }
0xbe: {  	s3 =	sand.u32 $0x4000, s31;
	s1 =	sadd.s32 s1, s30  }
0xbf: {  	s0 =	sor.u32 s3, s0;
	s1 =	sshll.u32 s1, $0x11  }
0xc0: {  	s0 =	sor.u32 s1, s0  }
0xc1: {  	s0 =	sadd.s32 $0x8F2B, s0  }
0xc2: {  	[sflag:s0] =	ssyncadd.remote.s32 $0x1  }
0xc3: {  	_ =	sfence.sel $0xFFFF  }
0xc4: {  	[dreg:$0x0] =	wrdreg $0xFFFFFFFF;
	(pc) =	sbr.abs _section_cstart, $3  }
0xc5: {  	[dreg:$0x1] =	wrdreg $0xFFFFFFFF  }
0xc6: {  	_ =	task.clear_ibuf [dreg:s9], $0x2FFFF;
	_ =	strace $0x9FFFFFFF  }
0xc7: {  	(tm) =	ssettm $0x7FFFFFFF  }
tec
execute0_lowered:
.L_overlay_start_1:
0x0: {  	(tag) =	ssettag $0x1  }
0x1: {  	s0 =	rddreg [dreg:$0x0]  }
0x2: {  	s1 =	rddreg [dreg:$0x1]  }
0x3: {  	s2 =	rddreg [dreg:$0x2]  }
0x4: {  	s3 =	rddreg [dreg:$0x3]  }
0x5: {  	s4 =	rddreg [dreg:$0x4];
	s6 =	srdreg.scid  }
0x6: {  	s5 =	simm.s32 $0x0;
	s8 =	sand.u32 $0x1, s6;
	s6 =	stileid.u32  }
0x7: {  	[smem:$0x7FF] =	sst s5;
	s7 =	sadd.s32 $0x1C00, s0;
	s14 =	sor.u32 $0x10, s6  }
0x8: {  	s9 =	sadd.s32 $0x28E00, s0;
	s15 =	sor.u32 $0x20, s6;
	s13 =	smul.u32 $0xA000, s14  }
0x9: {  	s26 =	sadd.s32 $0x50000, s0;
	s17 =	sor.u32 $0x30, s6;
	s16 =	smul.u32 $0xA000, s15  }
0xa: {  	_ =	strace $0x80000047;
	s19 =	sor.u32 $0x50, s6;
	s25 =	smul.u32 $0xA000, s17  }
0xb: {  	s24 =	ssub.s32 $0x2, s8;
	s21 =	sor.u32 $0x60, s6;
	s20 =	smul.u32 $0xA000, s19  }
0xc: {  	p0 =	seq.s32 s8, $0x1;
	s10 =	sshrl.u32 s24, $0x1;
	s22 =	smul.u32 $0xA000, s21  }
0xd: {  	s18 =	sor.u32 $0x40, s6;
	s23 =	smul.u32 $0x500, s14;
	s0 =	ssub.s32 s24, s10  }
0xe: {  	s10 =	sshll.u32 s8, $0x4;
	s24 =	smul.u32 $0x500, s15;
	s11 =	smax.u32 s0, $0x1  }
0xf: {  	s0 =	smul.u32 $0xA000, s18;
	s16 =	sshrl.u32 s16, $0x2;
	s8 =	sshrl.u32 s25, $0x2  }
0x10: {  	s25 =	smul.u32 $0x500, s17;
	s15 =	sadd.s32 s8, s4;
	s8 =	sor.u32 $0x70, s6  }
0x11: {  	s17 =	sshrl.u32 s20, $0x2;
	s0 =	sshrl.u32 s0, $0x2;
	s20 =	smul.u32 $0xA000, s8  }
0x12: {  	p1 =	sgt.u32 s8, $0x7C;
	p2 =	slt.u32 s8, $0x7D;
	s8 =	smul.u32 $0x500, s8  }
0x13: {  	s14 =	sadd.s32 s16, s4;
	s16 =	sadd.s32 s0, s4;
	s0 =	smul.u32 $0x500, s18  }
0x14: {  	s18 =	sshrl.u32 s22, $0x2;
	s22 =	smul.u32 $0x500, s19;
	s20 =	sshrl.u32 s20, $0x2  }
0x15: {  	[dreg:$0x6] =	wrdreg s9;
	s19 =	sadd.s32 s20, s4;
	s20 =	smul.u32 $0x500, s6  }
0x16: {  	[dreg:$0x7] =	wrdreg s26  }
0x17: {  	[dreg:$0x8] =	wrdreg s8;
	s8 =	sadd.s32 s9, s20  }
0x18: {  	s28 =	simm.s32 $0x13900;
	s20 =	sadd.s32 s26, s20;
	[dreg:$0x9] =	wrdreg s8  }
0x19: {  	s29 =	simm.s32 $0x13980;
	[dreg:$0xa] =	wrdreg s20;
	s20 =	sadd.s32 s9, s23  }
0x1a: {  	s30 =	simm.s32 $0x80;
	s23 =	sadd.s32 s26, s23;
	[dreg:$0xb] =	wrdreg s20  }
0x1b: {  	s31 =	simm.s32 $0x1;
	[dreg:$0xc] =	wrdreg s23;
	s20 =	sadd.s32 s9, s24  }
0x1c: {  	s12 =	smul.u32 $0xA000, s6;
	s23 =	sadd.s32 s26, s24;
	[dreg:$0xd] =	wrdreg s20  }
0x1d: {  	s21 =	smul.u32 $0x500, s21;
	s24 =	sadd.s32 s9, s25;
	[dreg:$0xe] =	wrdreg s23  }
0x1e: {  	s12 =	sshrl.u32 s12, $0x2;
	s25 =	sadd.s32 s26, s25;
	[dreg:$0xf] =	wrdreg s24  }
0x1f: {  	s12 =	sadd.s32 s12, s4;
	[dreg:$0x10] =	wrdreg s25;
	s20 =	sadd.s32 s9, s0  }
0x20: {  	s13 =	sshrl.u32 s13, $0x2;
	s0 =	sadd.s32 s26, s0;
	[dreg:$0x11] =	wrdreg s20  }
0x21: {  	s13 =	sadd.s32 s13, s4;
	s23 =	sadd.s32 s9, s22;
	[dreg:$0x12] =	wrdreg s0  }
.Ltmp0:
0x22: {  	s24 =	sadd.s32 s26, s22;
	[dreg:$0x13] =	wrdreg s23;
	(pc) =	sbr.rel .LBB2_1-.Ltmp0, $4  }
0x23: {  	s17 =	sadd.s32 s17, s4;
	s25 =	sadd.s32 s9, s21;
	[dreg:$0x14] =	wrdreg s24  }
0x24: {  	s18 =	sadd.s32 s18, s4;
	s26 =	sadd.s32 s26, s21;
	[dreg:$0x15] =	wrdreg s25  }
0x25: {  	[dreg:$0x16] =	wrdreg s26;
	s23 =	simm.s32 $0x13A00;
	s24 =	simm.s32 $0x2  }
0x26: {  	v0 =	vimm.f32 $0.0e+00;
	s25 =	simm.s32 $0x13880;
	s26 =	simm.s32 $0x3;
	s0 =	simm.s32 $0x0  }
.LBB2_12:
0x27: {  	[tilespmem:s23], [sflag:$0x3] =	stream.linear.gather [spmem:s19], $0x2800, $0x38;
	[tilespmem:$0x17A00] =	vst v63  }
0x28: {  	_ =	swait.ge [sflag:s26], $0x2800  }
0x29: {  	[sflag:s26] =	ssyncset.done $0x0;
	s9 =	rddreg [dreg:$0x8]  }
0x2a: {  	s8 =	sadd.s32 s8, s9;
	[sflag:s26] =	ssyncadd.s32 $0xFFFFD800  }
0x2b: {  	[hbm4b:s8+s5] =	stream.linear.scatter [tilespmem:s23], [sflag:$0x2], $0x2800, $0x38;
	[tilespmem:$0x17A00] =	vst v63  }
0x2c: {  	_ =	swait.ge [sflag:s24], $0x2800  }
0x2d: {  	[sflag:s24] =	ssyncset.done $0x0  }
0x2e: {  	[sflag:s24] =	ssyncadd.s32 $0xFFFFD800  }
.LBB2_13:
0x2f: {  	s0 =	sadd.s32 $0x1, s0  }
0x30: {  	p3 =	sne.s32 s0, s11  }
.Ltmp1:
0x31: {  	_ = 	snop;
	(pc) =	sbr.rel @!p3 .LBB2_14-.Ltmp1, $1  }
0x32: {  	_ =	sdelay $0x3  }
.LBB2_1:
0x33: {  	s8 =	simm.s32 $0x0;
	s20 =	simm.s32 $0x200  }
.LBB2_2:
0x34: {  	p3 =	sne.s32 s20, $0x9E00;
	[tilespmem:s8+$0x13A70] =	vst v0  }
0x35: {  	[tilespmem:s8+$0x13A00] =	vst v0  }
0x36: {  	[tilespmem:s8+$0x13A10] =	vst v0  }
.Ltmp2:
0x37: {  	[tilespmem:s8+$0x13A20] =	vst v0;
	(pc) =	sbr.rel @p3 .LBB2_2-.Ltmp2, $4  }
0x38: {  	[tilespmem:s8+$0x13A30] =	vst v0  }
0x39: {  	[tilespmem:s8+$0x13A40] =	vst v0  }
0x3a: {  	[tilespmem:s8+$0x13A50] =	vst v0  }
0x3b: {  	[tilespmem:s8+$0x13A60] =	vst v0;
	s8 =	sshra.s32 s20, $0x2;
	s20 =	sadd.s32 $0x200, s20  }
0x3c: {  	[tilespmem:s8+$0x13A70] =	vst v0  }
0x3d: {  	[tilespmem:s8+$0x13A00] =	vst v0  }
0x3e: {  	[tilespmem:s8+$0x13A10] =	vst v0  }
0x3f: {  	[tilespmem:s8+$0x13A20] =	vst v0  }
0x40: {  	[tilespmem:s8+$0x13A30] =	vst v0  }
0x41: {  	[tilespmem:s8+$0x13A40] =	vst v0  }
0x42: {  	[tilespmem:s8+$0x13A50] =	vst v0  }
0x43: {  	[tilespmem:s8+$0x13A60] =	vst v0  }
0x44: {  	[spmem:s12] =	stream.linear.scatter [tilespmem:s23], [sflag:$0x2], $0x2800, $0x38;
	[tilespmem:$0x17A00] =	vst v63  }
0x45: {  	_ =	swait.ge [sflag:s24], $0x2800  }
0x46: {  	[sflag:s24] =	ssyncset.done $0x0  }
0x47: {  	[sflag:s24] =	ssyncadd.s32 $0xFFFFD800  }
0x48: {  	[spmem:s13] =	stream.linear.scatter [tilespmem:s23], [sflag:$0x2], $0x2800, $0x38;
	[tilespmem:$0x17A00] =	vst v63  }
0x49: {  	_ =	swait.ge [sflag:s24], $0x2800  }
0x4a: {  	[sflag:s24] =	ssyncset.done $0x0  }
0x4b: {  	[sflag:s24] =	ssyncadd.s32 $0xFFFFD800  }
0x4c: {  	[spmem:s14] =	stream.linear.scatter [tilespmem:s23], [sflag:$0x2], $0x2800, $0x38;
	[tilespmem:$0x17A00] =	vst v63  }
0x4d: {  	_ =	swait.ge [sflag:s24], $0x2800  }
0x4e: {  	[sflag:s24] =	ssyncset.done $0x0  }
0x4f: {  	[sflag:s24] =	ssyncadd.s32 $0xFFFFD800  }
0x50: {  	[spmem:s15] =	stream.linear.scatter [tilespmem:s23], [sflag:$0x2], $0x2800, $0x38;
	[tilespmem:$0x17A00] =	vst v63  }
0x51: {  	_ =	swait.ge [sflag:s24], $0x2800  }
0x52: {  	[sflag:s24] =	ssyncset.done $0x0  }
0x53: {  	[sflag:s24] =	ssyncadd.s32 $0xFFFFD800  }
0x54: {  	[spmem:s16] =	stream.linear.scatter [tilespmem:s23], [sflag:$0x2], $0x2800, $0x38;
	[tilespmem:$0x17A00] =	vst v63  }
0x55: {  	_ =	swait.ge [sflag:s24], $0x2800  }
0x56: {  	[sflag:s24] =	ssyncset.done $0x0  }
0x57: {  	[sflag:s24] =	ssyncadd.s32 $0xFFFFD800  }
0x58: {  	[spmem:s17] =	stream.linear.scatter [tilespmem:s23], [sflag:$0x2], $0x2800, $0x38;
	[tilespmem:$0x17A00] =	vst v63  }
0x59: {  	_ =	swait.ge [sflag:s24], $0x2800  }
0x5a: {  	[sflag:s24] =	ssyncset.done $0x0  }
0x5b: {  	[sflag:s24] =	ssyncadd.s32 $0xFFFFD800  }
0x5c: {  	[spmem:s18] =	stream.linear.scatter [tilespmem:s23], [sflag:$0x2], $0x2800, $0x38;
	[tilespmem:$0x17A00] =	vst v63  }
0x5d: {  	_ =	swait.ge [sflag:s24], $0x2800  }
0x5e: {  	[sflag:s24] =	ssyncset.done $0x0  }
0x5f: {  	s8 =	simm.s32 @!p1 $0x13A00;
	[sflag:s24] =	ssyncadd.s32 $0xFFFFD800  }
0x60: {  	[spmem:s19] =	stream.linear.scatter @!p1 [tilespmem:s8], [sflag:$0x2], $0x2800, $0x38;
	[tilespmem:$0x17A00] =	vst v63  }
0x61: {  	s8 =	simm.s32 @!p1 $0x2  }
.Ltmp3:
0x62: {  	_ =	swait.ge @!p1 [sflag:s8], $0x2800;
	(pc) =	sbr.rel .LBB2_4-.Ltmp3, $4  }
0x63: {  	[sflag:s8] =	ssyncset.done @!p1 $0x0  }
0x64: {  	[sflag:s8] =	ssyncadd.s32 @!p1 $0xFFFFD800  }
0x65: {  	[bflag:$0x0] =	sbarrier.arrive $0xFFFF  }
0x66: {  	s20 =	simm.s32 $0x0  }
.LBB2_8:
0x67: {  	s20 =	sadd.s32 $0x1, s20  }
0x68: {  	p3 =	sne.s32 s20, $0x4F  }
.Ltmp4:
0x69: {  	_ = 	snop;
	(pc) =	sbr.rel @!p3 .LBB2_9-.Ltmp4, $1  }
0x6a: {  	_ =	sdelay $0x3  }
.LBB2_4:
0x6b: {  	s8 =	sshll.u32 s20, $0x5  }
0x6c: {  	s8 =	sor.u32 s8, s10  }
0x6d: {  	s8 =	sor.u32 s6, s8  }
0x6e: {  	p3 =	sgt.u32 s8, $0x9C3  }
.Ltmp5:
0x6f: {  	_ = 	snop;
	(pc) =	sbr.rel @p3 .LBB2_8-.Ltmp5, $1  }
0x70: {  	_ =	sdelay $0x3  }
0x71: {  	s8 =	sshll.u32 s8, $0x4  }
0x72: {  	s22 =	simm.s32 $0x0;
	s21 =	sadd.s32 s2, s8  }
0x73: {  	[tilespmem:s25], [sflag:$0x3] =	stream.linear.gather [hbm4b:s21+s22], $0x80, $0x38;
	[tilespmem:$0x17A00] =	vst v63  }
0x74: {  	_ =	swait.ge [sflag:s26], $0x80  }
0x75: {  	[sflag:s26] =	ssyncset.done $0x0  }
0x76: {  	s9 =	sadd.s32 s1, s8;
	[sflag:s26] =	ssyncadd.s32 $0xFFFFFF80  }
0x77: {  	[tilespmem:s28], [sflag:$0x3] =	stream.linear.gather [hbm4b:s9+s22], $0x80, $0x38;
	[tilespmem:$0x17A00] =	vst v63  }
0x78: {  	_ =	swait.ge [sflag:s26], $0x80  }
0x79: {  	[sflag:s26] =	ssyncset.done $0x0  }
0x7a: {  	s8 =	sadd.s32 s3, s8;
	[sflag:s26] =	ssyncadd.s32 $0xFFFFFF80  }
0x7b: {  	[tilespmem:s29], [sflag:$0x3] =	stream.linear.gather [hbm4b:s8+s22], $0x80, $0x38;
	[tilespmem:$0x17A00] =	vst v63  }
0x7c: {  	_ =	swait.ge [sflag:s26], $0x80  }
0x7d: {  	[sflag:s26] =	ssyncset.done $0x0  }
0x7e: {  	[sflag:s26] =	ssyncadd.s32 $0xFFFFFF80  }
0x7f: {  	[tilespmem:s23], [sflag:$0x1] =	stream.indirect.gather [hbm4b:s7+s30], $0x80, s25, s30, $0xb8;
	[tilespmem:$0x17A00] =	vst v63  }
0x80: {  	_ =	swait.ge [sflag:s31], $0x4000  }
0x81: {  	v1 =	vmov s22;
	[sflag:s31] =	ssyncset.done $0x0  }
0x82: {  	s21 =	simm.s32 $0x13A40;
	[sflag:s31] =	ssyncadd.s32 $0xFFFFC000  }
0x83: {  	v5 =	vld [tilespmem:s21+$0x30]  }
0x84: {  	v8 =	vld [tilespmem:s21+$0x10]  }
0x85: {  	v6 =	vld [tilespmem:s21+$0xFFFFFFC0]  }
0x86: {  	v2 =	vld.idx.msk [tilespmem:v1+s29+$0x0], $0xffff  }
0x87: {  	v10 =	vld [tilespmem:s21+$0xFFFFFFE0]  }
0x88: {  	v1 =	vld [tilespmem:s21+$0xFFFFFFF0]  }
0x89: {  	v3 =	vld [tilespmem:s21+$0x20]  }
0x8a: {  	v4 =	vld [tilespmem:s21+$0xFFFFFFD0]  }
0x8b: {  	v9 =	vmul.f32 v5, v2;
	v5 =	vld [tilespmem:s21+$0x0]  }
0x8c: {  	v7 =	vmul.f32 v6, v2  }
0x8d: {  	s22 =	simm.s32 $0x1;
	s8 =	simm.s32 $0x13A40;
	v6 =	vmul.f32 v10, v2;
	v8 =	vmul.f32 v8, v2  }
.LBB2_6:
0x8e: {  	p3 =	sne.s32 s22, $0x7F  }
0x8f: {  	v4 =	vmul.f32 v4, v2;
	v3 =	vmul.f32 v3, v2;
	[tilespmem:s21+$0x30] =	vst v9;
	s8 =	sadd.s32 $0x80, s8;
	s9 =	smov.u32 s22;
	s22 =	sadd.s32 $0x1, s22  }
0x90: {  	[tilespmem:s21+$0xFFFFFFC0] =	vst v7;
	v7 =	vmul.f32 v1, v2;
	v2 =	vmul.f32 v5, v2  }
0x91: {  	[tilespmem:s21+$0x10] =	vst v8  }
0x92: {  	v5 =	vmov s9;
	[tilespmem:s21+$0xFFFFFFE0] =	vst v6  }
0x93: {  	v1 =	vld [tilespmem:s8+$0xFFFFFFF0];
	[tilespmem:s21+$0xFFFFFFF0] =	vst v7  }
0x94: {  	v6 =	vld [tilespmem:s8+$0x30];
	[tilespmem:s21+$0x0] =	vst v2  }
0x95: {  	v8 =	vld [tilespmem:s8+$0x10];
	[tilespmem:s21+$0x20] =	vst v3  }
0x96: {  	v7 =	vld [tilespmem:s8+$0xFFFFFFC0];
	[tilespmem:s21+$0xFFFFFFD0] =	vst v4;
	s21 =	smov.u32 s8  }
0x97: {  	v2 =	vld.idx.msk [tilespmem:v5+s29+$0x0], $0xffff  }
0x98: {  	v10 =	vld [tilespmem:s8+$0xFFFFFFE0]  }
0x99: {  	v3 =	vld [tilespmem:s8+$0x20]  }
.Ltmp6:
0x9a: {  	v4 =	vld [tilespmem:s8+$0xFFFFFFD0];
	(pc) =	sbr.rel @p3 .LBB2_6-.Ltmp6, $3  }
0x9b: {  	v5 =	vld [tilespmem:s8+$0x0];
	_ =	sdelay $0x1  }
0x9c: {  	v7 =	vmul.f32 v7, v2;
	v9 =	vmul.f32 v6, v2  }
0x9d: {  	v8 =	vmul.f32 v8, v2;
	v6 =	vmul.f32 v10, v2  }
0x9e: {  	[tilespmem:s21+$0x30] =	vst v9  }
0x9f: {  	[tilespmem:s21+$0xFFFFFFC0] =	vst v7  }
0xa0: {  	v1 =	vmul.f32 v1, v2;
	[tilespmem:s21+$0x10] =	vst v8  }
0xa1: {  	v3 =	vmul.f32 v3, v2;
	[tilespmem:s21+$0xFFFFFFE0] =	vst v6  }
0xa2: {  	v5 =	vmul.f32 v5, v2;
	[tilespmem:s21+$0xFFFFFFF0] =	vst v1  }
0xa3: {  	v1 =	vmul.f32 v4, v2;
	[tilespmem:s21+$0x20] =	vst v3  }
0xa4: {  	[tilespmem:s21+$0x0] =	vst v5  }
.Ltmp7:
0xa5: {  	[tilespmem:s21+$0xFFFFFFD0] =	vst v1;
	(pc) =	sbr.rel .LBB2_8-.Ltmp7, $4  }
0xa6: {  	[spmem:s4] =	stream.indirect.scatter.add.f32 [tilespmem:s23], [sflag:$0x2], $0x80, s28, s30, $0xb8;
	[tilespmem:$0x17A00] =	vst v63  }
0xa7: {  	_ =	swait.ge [sflag:s24], $0x4000  }
0xa8: {  	[sflag:s24] =	ssyncset.done $0x0  }
0xa9: {  	[sflag:s24] =	ssyncadd.s32 $0xFFFFC000  }
.LBB2_9:
.Ltmp8:
0xaa: {  	(pc) =	sbr.rel @!p0 .LBB2_10-.Ltmp8, $2  }
0xab: {  	_ =	sdelay $0x1  }
0xac: {  	[bflag:$0x0] =	sbarrier.arrive $0xFFFF;
	_ =	sdelay $0x1  }
0xad: {  	[tilespmem:s23], [sflag:$0x3] =	stream.linear.gather [spmem:s12], $0x2800, $0x38;
	[tilespmem:$0x17A00] =	vst v63  }
0xae: {  	_ =	swait.ge [sflag:s26], $0x2800  }
0xaf: {  	[sflag:s26] =	ssyncset.done $0x0  }
0xb0: {  	s8 =	rddreg [dreg:$0xa];
	[sflag:s26] =	ssyncadd.s32 $0xFFFFD800  }
0xb1: {  	[hbm4b:s8+s5] =	stream.linear.scatter [tilespmem:s23], [sflag:$0x2], $0x2800, $0x38;
	[tilespmem:$0x17A00] =	vst v63  }
0xb2: {  	_ =	swait.ge [sflag:s24], $0x2800  }
0xb3: {  	[sflag:s24] =	ssyncset.done $0x0  }
0xb4: {  	[sflag:s24] =	ssyncadd.s32 $0xFFFFD800  }
0xb5: {  	[tilespmem:s23], [sflag:$0x3] =	stream.linear.gather [spmem:s13], $0x2800, $0x38;
	[tilespmem:$0x17A00] =	vst v63  }
0xb6: {  	_ =	swait.ge [sflag:s26], $0x2800  }
0xb7: {  	[sflag:s26] =	ssyncset.done $0x0  }
0xb8: {  	s21 =	rddreg [dreg:$0xc];
	[sflag:s26] =	ssyncadd.s32 $0xFFFFD800  }
0xb9: {  	[hbm4b:s21+s5] =	stream.linear.scatter [tilespmem:s23], [sflag:$0x2], $0x2800, $0x38;
	[tilespmem:$0x17A00] =	vst v63  }
0xba: {  	_ =	swait.ge [sflag:s24], $0x2800  }
0xbb: {  	[sflag:s24] =	ssyncset.done $0x0  }
0xbc: {  	[sflag:s24] =	ssyncadd.s32 $0xFFFFD800  }
0xbd: {  	[tilespmem:s23], [sflag:$0x3] =	stream.linear.gather [spmem:s14], $0x2800, $0x38;
	[tilespmem:$0x17A00] =	vst v63  }
0xbe: {  	_ =	swait.ge [sflag:s26], $0x2800  }
0xbf: {  	[sflag:s26] =	ssyncset.done $0x0  }
0xc0: {  	s22 =	rddreg [dreg:$0xe];
	[sflag:s26] =	ssyncadd.s32 $0xFFFFD800  }
0xc1: {  	[hbm4b:s22+s5] =	stream.linear.scatter [tilespmem:s23], [sflag:$0x2], $0x2800, $0x38;
	[tilespmem:$0x17A00] =	vst v63  }
0xc2: {  	_ =	swait.ge [sflag:s24], $0x2800  }
0xc3: {  	[sflag:s24] =	ssyncset.done $0x0  }
0xc4: {  	[sflag:s24] =	ssyncadd.s32 $0xFFFFD800  }
0xc5: {  	[tilespmem:s23], [sflag:$0x3] =	stream.linear.gather [spmem:s15], $0x2800, $0x38;
	[tilespmem:$0x17A00] =	vst v63  }
0xc6: {  	_ =	swait.ge [sflag:s26], $0x2800  }
0xc7: {  	[sflag:s26] =	ssyncset.done $0x0  }
0xc8: {  	s9 =	rddreg [dreg:$0x10];
	[sflag:s26] =	ssyncadd.s32 $0xFFFFD800  }
0xc9: {  	[hbm4b:s9+s5] =	stream.linear.scatter [tilespmem:s23], [sflag:$0x2], $0x2800, $0x38;
	[tilespmem:$0x17A00] =	vst v63  }
0xca: {  	_ =	swait.ge [sflag:s24], $0x2800  }
0xcb: {  	[sflag:s24] =	ssyncset.done $0x0  }
0xcc: {  	[sflag:s24] =	ssyncadd.s32 $0xFFFFD800  }
0xcd: {  	[tilespmem:s23], [sflag:$0x3] =	stream.linear.gather [spmem:s16], $0x2800, $0x38;
	[tilespmem:$0x17A00] =	vst v63  }
0xce: {  	_ =	swait.ge [sflag:s26], $0x2800  }
0xcf: {  	[sflag:s26] =	ssyncset.done $0x0  }
0xd0: {  	s20 =	rddreg [dreg:$0x12];
	[sflag:s26] =	ssyncadd.s32 $0xFFFFD800  }
0xd1: {  	[hbm4b:s20+s5] =	stream.linear.scatter [tilespmem:s23], [sflag:$0x2], $0x2800, $0x38;
	[tilespmem:$0x17A00] =	vst v63  }
0xd2: {  	_ =	swait.ge [sflag:s24], $0x2800  }
0xd3: {  	[sflag:s24] =	ssyncset.done $0x0  }
0xd4: {  	[sflag:s24] =	ssyncadd.s32 $0xFFFFD800  }
0xd5: {  	[tilespmem:s23], [sflag:$0x3] =	stream.linear.gather [spmem:s17], $0x2800, $0x38;
	[tilespmem:$0x17A00] =	vst v63  }
0xd6: {  	_ =	swait.ge [sflag:s26], $0x2800  }
0xd7: {  	[sflag:s26] =	ssyncset.done $0x0  }
0xd8: {  	s21 =	rddreg [dreg:$0x14];
	[sflag:s26] =	ssyncadd.s32 $0xFFFFD800  }
0xd9: {  	[hbm4b:s21+s5] =	stream.linear.scatter [tilespmem:s23], [sflag:$0x2], $0x2800, $0x38;
	[tilespmem:$0x17A00] =	vst v63  }
0xda: {  	_ =	swait.ge [sflag:s24], $0x2800  }
0xdb: {  	[sflag:s24] =	ssyncset.done $0x0  }
0xdc: {  	[sflag:s24] =	ssyncadd.s32 $0xFFFFD800  }
0xdd: {  	[tilespmem:s23], [sflag:$0x3] =	stream.linear.gather [spmem:s18], $0x2800, $0x38;
	[tilespmem:$0x17A00] =	vst v63  }
0xde: {  	_ =	swait.ge [sflag:s26], $0x2800  }
0xdf: {  	[sflag:s26] =	ssyncset.done $0x0  }
0xe0: {  	s22 =	rddreg [dreg:$0x16];
	[sflag:s26] =	ssyncadd.s32 $0xFFFFD800  }
0xe1: {  	[hbm4b:s22+s5] =	stream.linear.scatter [tilespmem:s23], [sflag:$0x2], $0x2800, $0x38;
	[tilespmem:$0x17A00] =	vst v63  }
.Ltmp9:
0xe2: {  	_ = 	snop;
	(pc) =	sbr.rel @p1 .LBB2_13-.Ltmp9, $4  }
.Ltmp10:
0xe3: {  	_ = 	snop;
	(pc) =	sbr.rel @!p1 .LBB2_12-.Ltmp10, $4  }
0xe4: {  	_ =	swait.ge [sflag:s24], $0x2800  }
0xe5: {  	[sflag:s24] =	ssyncset.done $0x0  }
0xe6: {  	s8 =	rddreg [dreg:$0x7];
	[sflag:s24] =	ssyncadd.s32 $0xFFFFD800  }
0xe7: {  	_ = 	snop  }
.LBB2_10:
0xe8: {  	[tilespmem:s23], [sflag:$0x3] =	stream.linear.gather [spmem:s12], $0x2800, $0x38;
	[tilespmem:$0x17A00] =	vst v63  }
0xe9: {  	_ =	swait.ge [sflag:s26], $0x2800  }
0xea: {  	[sflag:s26] =	ssyncset.done $0x0  }
0xeb: {  	s8 =	rddreg [dreg:$0x9];
	[sflag:s26] =	ssyncadd.s32 $0xFFFFD800  }
0xec: {  	[hbm4b:s8+s5] =	stream.linear.scatter [tilespmem:s23], [sflag:$0x2], $0x2800, $0x38;
	[tilespmem:$0x17A00] =	vst v63  }
0xed: {  	_ =	swait.ge [sflag:s24], $0x2800  }
0xee: {  	[sflag:s24] =	ssyncset.done $0x0  }
0xef: {  	[sflag:s24] =	ssyncadd.s32 $0xFFFFD800  }
0xf0: {  	[tilespmem:s23], [sflag:$0x3] =	stream.linear.gather [spmem:s13], $0x2800, $0x38;
	[tilespmem:$0x17A00] =	vst v63  }
0xf1: {  	_ =	swait.ge [sflag:s26], $0x2800  }
0xf2: {  	[sflag:s26] =	ssyncset.done $0x0  }
0xf3: {  	s21 =	rddreg [dreg:$0xb];
	[sflag:s26] =	ssyncadd.s32 $0xFFFFD800  }
0xf4: {  	[hbm4b:s21+s5] =	stream.linear.scatter [tilespmem:s23], [sflag:$0x2], $0x2800, $0x38;
	[tilespmem:$0x17A00] =	vst v63  }
0xf5: {  	_ =	swait.ge [sflag:s24], $0x2800  }
0xf6: {  	[sflag:s24] =	ssyncset.done $0x0  }
0xf7: {  	[sflag:s24] =	ssyncadd.s32 $0xFFFFD800  }
0xf8: {  	[tilespmem:s23], [sflag:$0x3] =	stream.linear.gather [spmem:s14], $0x2800, $0x38;
	[tilespmem:$0x17A00] =	vst v63  }
0xf9: {  	_ =	swait.ge [sflag:s26], $0x2800  }
0xfa: {  	[sflag:s26] =	ssyncset.done $0x0  }
0xfb: {  	s22 =	rddreg [dreg:$0xd];
	[sflag:s26] =	ssyncadd.s32 $0xFFFFD800  }
0xfc: {  	[hbm4b:s22+s5] =	stream.linear.scatter [tilespmem:s23], [sflag:$0x2], $0x2800, $0x38;
	[tilespmem:$0x17A00] =	vst v63  }
0xfd: {  	_ =	swait.ge [sflag:s24], $0x2800  }
0xfe: {  	[sflag:s24] =	ssyncset.done $0x0  }
0xff: {  	[sflag:s24] =	ssyncadd.s32 $0xFFFFD800  }
0x100: {  	[tilespmem:s23], [sflag:$0x3] =	stream.linear.gather [spmem:s15], $0x2800, $0x38;
	[tilespmem:$0x17A00] =	vst v63  }
0x101: {  	_ =	swait.ge [sflag:s26], $0x2800  }
0x102: {  	[sflag:s26] =	ssyncset.done $0x0  }
0x103: {  	s9 =	rddreg [dreg:$0xf];
	[sflag:s26] =	ssyncadd.s32 $0xFFFFD800  }
0x104: {  	[hbm4b:s9+s5] =	stream.linear.scatter [tilespmem:s23], [sflag:$0x2], $0x2800, $0x38;
	[tilespmem:$0x17A00] =	vst v63  }
0x105: {  	_ =	swait.ge [sflag:s24], $0x2800  }
0x106: {  	[sflag:s24] =	ssyncset.done $0x0  }
0x107: {  	[sflag:s24] =	ssyncadd.s32 $0xFFFFD800  }
0x108: {  	[tilespmem:s23], [sflag:$0x3] =	stream.linear.gather [spmem:s16], $0x2800, $0x38;
	[tilespmem:$0x17A00] =	vst v63  }
0x109: {  	_ =	swait.ge [sflag:s26], $0x2800  }
0x10a: {  	[sflag:s26] =	ssyncset.done $0x0  }
0x10b: {  	s20 =	rddreg [dreg:$0x11];
	[sflag:s26] =	ssyncadd.s32 $0xFFFFD800  }
0x10c: {  	[hbm4b:s20+s5] =	stream.linear.scatter [tilespmem:s23], [sflag:$0x2], $0x2800, $0x38;
	[tilespmem:$0x17A00] =	vst v63  }
0x10d: {  	_ =	swait.ge [sflag:s24], $0x2800  }
0x10e: {  	[sflag:s24] =	ssyncset.done $0x0  }
0x10f: {  	[sflag:s24] =	ssyncadd.s32 $0xFFFFD800  }
0x110: {  	[tilespmem:s23], [sflag:$0x3] =	stream.linear.gather [spmem:s17], $0x2800, $0x38;
	[tilespmem:$0x17A00] =	vst v63  }
0x111: {  	_ =	swait.ge [sflag:s26], $0x2800  }
0x112: {  	[sflag:s26] =	ssyncset.done $0x0  }
0x113: {  	s21 =	rddreg [dreg:$0x13];
	[sflag:s26] =	ssyncadd.s32 $0xFFFFD800  }
0x114: {  	[hbm4b:s21+s5] =	stream.linear.scatter [tilespmem:s23], [sflag:$0x2], $0x2800, $0x38;
	[tilespmem:$0x17A00] =	vst v63  }
0x115: {  	_ =	swait.ge [sflag:s24], $0x2800  }
0x116: {  	[sflag:s24] =	ssyncset.done $0x0  }
0x117: {  	[sflag:s24] =	ssyncadd.s32 $0xFFFFD800  }
0x118: {  	[tilespmem:s23], [sflag:$0x3] =	stream.linear.gather [spmem:s18], $0x2800, $0x38;
	[tilespmem:$0x17A00] =	vst v63  }
0x119: {  	_ =	swait.ge [sflag:s26], $0x2800  }
0x11a: {  	[sflag:s26] =	ssyncset.done $0x0  }
0x11b: {  	s22 =	rddreg [dreg:$0x15];
	[sflag:s26] =	ssyncadd.s32 $0xFFFFD800  }
0x11c: {  	[hbm4b:s22+s5] =	stream.linear.scatter [tilespmem:s23], [sflag:$0x2], $0x2800, $0x38;
	[tilespmem:$0x17A00] =	vst v63  }
.Ltmp11:
0x11d: {  	_ = 	snop;
	(pc) =	sbr.rel @p2 .LBB2_12-.Ltmp11, $4  }
.Ltmp12:
0x11e: {  	_ = 	snop;
	(pc) =	sbr.rel @!p2 .LBB2_13-.Ltmp12, $4  }
0x11f: {  	_ =	swait.ge [sflag:s24], $0x2800  }
0x120: {  	[sflag:s24] =	ssyncset.done $0x0  }
0x121: {  	s8 =	rddreg [dreg:$0x6];
	[sflag:s24] =	ssyncadd.s32 $0xFFFFD800  }
0x122: {  	_ = 	snop  }
.LBB2_14:
0x123: {  	_ =	sfence.sel $0x180000  }
0x124: {  	[bflag:$0x0] =	sbarrier.arrive $0xFFFF  }
0x125: {  	_ =	strace $0x90000047  }
0x126: {  	[bflag:$0x2] =	sbarrier.arrive $0xFFFF  }
0x127: {  	p0 =	sne.s32 s6, $0x0;
	s0 =	rddreg [dreg:$0x5]  }
0x128: {  	s0 =	sadd.s32 @!p0 $0x100000, s0  }
0x129: {  	[sflag:s0] =	ssyncadd.tile.s32 @!p0 $0x1;
	_ =	shalt  }
.Lfunc_end2:
_tile_overlayer_lowered:
.L_overlay_start_2:
0x12a: {  	(tag) =	ssettag $0x2  }
0x12b: {  	s0 =	rddreg [dreg:$0x0];
	s2 =	stileid.u32  }
0x12c: {  	s1 =	rddreg [dreg:$0x1];
	p0 =	sne.s32 s2, $0x0  }
0x12d: {  	s3 =	rddreg [dreg:$0x2];
	[bflag:$0x3] =	sbarrier.arrive $0xFFFF;
	s2 =	simm.s32 @!p0 $0x1C02  }
0x12e: {  	[timem:s3], [sflag:s2] =	dma.local @!p0 [hbm:s0], s1  }
0x12f: {  	s0 =	simm.s32 @!p0 $0x2  }
0x130: {  	_ =	swait.ge @!p0 [sflag:s0], s1  }
0x131: {  	s1 =	ssub.s32 @!p0 $0x0, s1;
	[sflag:s0] =	ssyncset.done @!p0 $0x0  }
0x132: {  	[sflag:s0] =	ssyncadd.s32 @!p0 s1  }
0x133: {  	[bflag:$0x3] =	sbarrier.arrive $0xFFFF  }
0x134: {  	_ =	shalt  }

// kernel: kernel.9.cloned.1.call-start
scs
__scs_entry_jumppad:
0x0: {  	(pc) =	sbr.rel $0x88, $3  }
0x1: {  	(tag) =	ssettag $0x0;
	lr =	simm.s32 $0x1  }
0x2: {  	[smem:$0x3F9A] =	sst lr;
	_ =	strace $0xD0000000  }
0x3: {  	_ = 	snop  }
0x4: {  	_ = 	snop  }
0x5: {  	_ = 	snop  }
0x6: {  	_ = 	snop  }
0x7: {  	_ = 	snop  }
__scs_overlays_trampoline_lowered:
0x8: {  	[smem:$0x3FA9] =	sst s0  }
0x9: {  	[smem:$0x3FAA] =	sst s1  }
0xa: {  	[smem:$0x3FAB] =	sst s2  }
0xb: {  	[smem:$0x3FAC] =	sst s3  }
0xc: {  	[smem:$0x3FAD] =	sst s4  }
0xd: {  	[smem:$0x3FAE] =	sst s5  }
0xe: {  	[smem:$0x3FAF] =	sst s6  }
0xf: {  	[smem:$0x3FB0] =	sst s7  }
0x10: {  	[smem:$0x3FB1] =	sst s8  }
0x11: {  	[smem:$0x3FB2] =	sst s9;
	s0 =	simm.s32 @!p0 $0x0  }
0x12: {  	s1 =	sld [smem:$0x3F98];
	s0 =	simm.s32 @p0 $0x1  }
0x13: {  	[smem:$0x3FB3] =	sst s0;
	s0 =	simm.s32 @!p1 $0x0  }
0x14: {  	s2 =	sld [smem:$0x3F97];
	s0 =	simm.s32 @p1 $0x1  }
0x15: {  	[smem:$0x3FB4] =	sst s0;
	s0 =	simm.s32 @!p2 $0x0  }
0x16: {  	s3 =	sld [smem:$0x3FDB];
	s0 =	simm.s32 @p2 $0x1  }
0x17: {  	s4 =	simm.s32 $0x1BF5;
	[smem:$0x3FB6] =	sst s0  }
0x18: {  	s0 =	sld [smem:$0x3F99];
	_ =	swait.ge [sflag:s4], $0x0  }
0x19: {  	s7 =	sld [smem:$0x3F9A]  }
0x1a: {  	s8 =	sadd.s32 $0xFFFFE003, lr  }
0x1b: {  	s9 =	sadd.s32 $0xFFFFFEF7, lr;
	s5 =	simm.s32 $0xFFFFFFFF;
	p2 =	slt.u32 s8, $0xFFFFF086  }
0x1c: {  	p1 =	slt.u32 s9, $0xF7A;
	s5 =	simm.s32 @!p2 $0x0  }
0x1d: {  	s5 =	simm.s32 @p1 $0x1;
	p0 =	seq.s32 s7, s2  }
0x1e: {  	s7 =	smul.u32 @!p0 $0xF7A, s2;
	p2 =	seq.s32 @!p0 s5, $0x0  }
0x1f: {  	s9 =	smul.u32 $0xF7A, s1;
	s8 =	simm.s32 @!p0 $0x1BF5;
	p2 =	por !p2, p0  }
0x20: {  	[sflag:s8] =	ssyncset.s32 @!p0 $0xFFFFF086;
	s6 =	sadd.s32 @!p0 s3, s7;
	s7 =	simm.s32 @!p0 $0x108  }
0x21: {  	s3 =	sadd.s32 s3, s9;
	s6 =	sadd.s32 @!p0 $0x88, s6;
	s7 =	simm.s32 @p2 $0x1082  }
0x22: {  	[simem:s7], [sflag:s8] =	dma.local @!p0 [hbm:s6], $0xF7A  }
0x23: {  	s9 =	sor.u32 $0xD0000000, s2;
	s6 =	simm.s32 $0x108;
	_ =	swait.ge @!p0 [sflag:s8], $0x0  }
0x24: {  	s3 =	sadd.s32 $0x88, s3;
	s6 =	simm.s32 @!p1 $0x1082;
	[sflag:s4] =	ssyncset.s32 $0xFFFFF086  }
0x25: {  	[simem:s6], [sflag:s4] =	dma.local [hbm:s3], $0xF7A  }
0x26: {  	[smem:$0x3F9A] =	sst s1;
	(tag) =	ssettag s2;
	_ =	strace s9  }
0x27: {  	s1 =	sld [smem:$0x3FAA]  }
0x28: {  	s2 =	sld [smem:$0x3FAB]  }
0x29: {  	s4 =	sld [smem:$0x3FAD]  }
0x2a: {  	p0 =	seq.s32 s5, $0x0;
	s5 =	sld [smem:$0x3FAE]  }
0x2b: {  	s6 =	sld [smem:$0x3FAF]  }
0x2c: {  	s7 =	sld [smem:$0x3FB0]  }
0x2d: {  	s3 =	simm.s32 $0x108;
	s8 =	sld [smem:$0x3FB1]  }
0x2e: {  	s3 =	simm.s32 @!p0 $0x1082;
	s9 =	sld [smem:$0x3FB2]  }
0x2f: {  	lr =	sadd.s32 s0, s3;
	s0 =	sld [smem:$0x3FA9]  }
0x30: {  	s3 =	sld [smem:$0x3FAC]  }
0x31: {  	[smem:$0x3FB5] =	sst s10  }
0x32: {  	s10 =	sld [smem:$0x3FB3];
	_ =	sdelay $0x3  }
0x33: {  	p0 =	seq.s32 s10, $0x1;
	s10 =	sld [smem:$0x3FB5];
	_ =	sdelay $0x3  }
0x34: {  	[smem:$0x3FB5] =	sst s10  }
0x35: {  	s10 =	sld [smem:$0x3FB4];
	_ =	sdelay $0x3  }
0x36: {  	p1 =	seq.s32 s10, $0x1;
	s10 =	sld [smem:$0x3FB5];
	_ =	sdelay $0x3  }
0x37: {  	[smem:$0x3FB5] =	sst s10  }
0x38: {  	s10 =	sld [smem:$0x3FB6]  }
0x39: {  	_ = 	snop;
	(pc) =	sbr.ind lr, $3  }
0x3a: {  	_ = 	snop  }
0x3b: {  	_ = 	snop  }
0x3c: {  	p2 =	seq.s32 s10, $0x1;
	s10 =	sld [smem:$0x3FB5]  }
0x3d: {  	_ =	shalt  }
0x3e: {  	_ =	shalt  }
0x3f: {  	_ =	shalt  }
0x40: {  	_ =	shalt  }
0x41: {  	_ =	shalt  }
0x42: {  	_ =	shalt  }
0x43: {  	_ =	shalt  }
0x44: {  	_ =	shalt  }
0x45: {  	_ =	shalt  }
0x46: {  	_ =	shalt  }
0x47: {  	_ =	shalt  }
0x48: {  	_ =	shalt  }
0x49: {  	_ =	shalt  }
0x4a: {  	_ =	shalt  }
0x4b: {  	_ =	shalt  }
0x4c: {  	_ =	shalt  }
0x4d: {  	_ =	shalt  }
0x4e: {  	_ =	shalt  }
0x4f: {  	_ =	shalt  }
0x50: {  	_ =	shalt  }
0x51: {  	_ =	shalt  }
0x52: {  	_ =	shalt  }
0x53: {  	_ =	shalt  }
0x54: {  	_ =	shalt  }
0x55: {  	_ =	shalt  }
0x56: {  	_ =	shalt  }
0x57: {  	_ =	shalt  }
0x58: {  	_ =	shalt  }
0x59: {  	_ =	shalt  }
0x5a: {  	_ =	shalt  }
0x5b: {  	_ =	shalt  }
0x5c: {  	_ =	shalt  }
0x5d: {  	_ =	shalt  }
0x5e: {  	_ =	shalt  }
0x5f: {  	_ =	shalt  }
0x60: {  	_ =	shalt  }
0x61: {  	_ =	shalt  }
0x62: {  	_ =	shalt  }
0x63: {  	_ =	shalt  }
0x64: {  	_ =	shalt  }
0x65: {  	_ =	shalt  }
0x66: {  	_ =	shalt  }
0x67: {  	_ =	shalt  }
0x68: {  	_ =	shalt  }
0x69: {  	_ =	shalt  }
0x6a: {  	_ =	shalt  }
0x6b: {  	_ =	shalt  }
0x6c: {  	_ =	shalt  }
0x6d: {  	_ =	shalt  }
0x6e: {  	_ =	shalt  }
0x6f: {  	_ =	shalt  }
0x70: {  	_ =	shalt  }
0x71: {  	_ =	shalt  }
0x72: {  	_ =	shalt  }
0x73: {  	_ =	shalt  }
0x74: {  	_ =	shalt  }
0x75: {  	_ =	shalt  }
0x76: {  	_ =	shalt  }
0x77: {  	_ =	shalt  }
0x78: {  	_ =	shalt  }
0x79: {  	_ =	shalt  }
0x7a: {  	_ =	shalt  }
0x7b: {  	_ =	shalt  }
0x7c: {  	_ =	shalt  }
0x7d: {  	_ =	shalt  }
0x7e: {  	_ =	shalt  }
0x7f: {  	_ =	shalt  }
0x80: {  	_ =	shalt  }
0x81: {  	_ =	shalt  }
0x82: {  	_ =	shalt  }
0x83: {  	_ =	shalt  }
0x84: {  	_ =	shalt  }
0x85: {  	_ =	shalt  }
0x86: {  	_ =	shalt  }
0x87: {  	_ =	shalt  }
.Lfunc_end0:
.L_simem_size_0:
called_computation.1_lowered:
.L_overlay_start_0:
0x88: {  	s2 =	sld [smem:$0x3FD9]  }
0x89: {  	s3 =	sld [smem:$0x3FFE];
	_ =	sdelay $0x1  }
0x8a: {  	s1 =	srdreg.scid  }
0x8b: {  	s0 =	sand.u32 $0x1, s1  }
0x8c: {  	s16 =	sshll.u32 s0, $0xA;
	s2 =	sadd.s32 s3, s2  }
0x8d: {  	s2 =	sadd.s32 s2, s16  }
0x8e: {  	[smem:$0x3FC1] =	sst s2  }
0x8f: {  	_ = 	snop  }
0x90: {  	(tm) =	ssettm $0x1  }
0x91: {  	s17 =	sld [smem:$0x3FFB];
	_ =	sdelay $0x3  }
0x92: {  	_ =	strace s17  }
0x93: {  	s2 =	sld [smem:$0x3FFC];
	_ =	sdelay $0x3  }
0x94: {  	_ =	strace s2  }
0x95: {  	s2 =	sld [smem:$0x3FFD];
	_ =	sdelay $0x3  }
0x96: {  	_ =	strace s2  }
0x97: {  	_ =	strace $0x8FFFFFFF  }
0x98: {  	s18 =	sld [smem:$0x3FDB];
	_ =	sdelay $0x1  }
0x99: {  	s19 =	simm.s32 $_scs_section_size  }
0x9a: {  	s4 =	simm.s32 $_size__tile_overlayer_lowered;
	s5 =	simm.s32 $_tile_overlayer_lowered  }
0x9b: {  	s22 =	simm.s32 $0x1BFF;
	s21 =	sshll.u32 s5, $0x1;
	s2 =	sadd.s32 s19, s18  }
0x9c: {  	s6 =	simm.s32 $0x0;
	s20 =	sshll.u32 s4, $0x1;
	s4 =	sadd.s32 s21, s2  }
0x9d: {  	[timem:s6], [sflag:s22] =	dma.local [hbm:s4], s20  }
0x9e: {  	_ =	swait.ge [sflag:s22], s20  }
0x9f: {  	s3 =	ssub.s32 $0x0, s20;
	[sflag:s22] =	ssyncset.done $0x0  }
0xa0: {  	[sflag:s22] =	ssyncadd.s32 s3;
	_ =	sdelay $0x1  }
0xa1: {  	s23 =	simm.s32 $0x1B8B  }
0xa2: {  	_ =	swait.ge [sflag:s23], $0x1  }
0xa3: {  	[sflag:s23] =	ssyncset.done $0x0  }
0xa4: {  	s25 =	simm.s32 $0x1B8E;
	s24 =	sld [smem:$0x3FFE];
	[sflag:s23] =	ssyncadd.s32 $0xFFFFFFFF  }
0xa5: {  	s26 =	simm.s32 $execute0_lowered;
	[smem:$0x3FD2] =	sst s25  }
0xa6: {  	s4 =	sshll.u32 s26, $0x1;
	_ =	strace $0x80000049;
	[dreg:$0x1] =	wrdreg $0xFFFFFFFF  }
0xa7: {  	s28 =	simm.s32 $_size_execute0_lowered;
	s2 =	sadd.s32 s2, s4;
	[dreg:$0x0] =	wrdreg $0x0  }
0xa8: {  	s4 =	sshll.u32 s28, $0x1;
	[dreg:$0x2] =	wrdreg s2  }
0xa9: {  	[dreg:$0x3] =	wrdreg s4  }
0xaa: {  	[dreg:$0x4] =	wrdreg $0xC0  }
0xab: {  	_ =	task [dreg:s6], $0x5FFFF  }
0xac: {  	[dreg:$0x1] =	wrdreg $0xFFFFFFFF  }
0xad: {  	[dreg:$0x0] =	wrdreg $0x60  }
0xae: {  	[dreg:$0x2] =	wrdreg s24  }
0xaf: {  	[dreg:$0x3] =	wrdreg $0x9  }
0xb0: {  	_ =	task.clear_ibuf [dreg:s6], $0x4FFFF;
	_ =	strace $0x90000049  }
0xb1: {  	s29 =	simm.s32 $0x9;
	_ =	strace $0x8000004B  }
0xb2: {  	_ =	swait.ge [sflag:s29], $0x1  }
0xb3: {  	[sflag:s29] =	ssyncadd.s32 $0xFFFFFFFF  }
0xb4: {  	_ =	strace $0x9000004B  }
0xb5: {  	_ =	sfence  }
0xb6: {  	s30 =	sld [smem:$0x0];
	_ =	sdelay $0x2  }
0xb7: {  	s31 =	sshll.u32 s1, $0xD;
	s1 =	sshrl.u32 s1, $0x2  }
0xb8: {  	s3 =	sand.u32 $0x4000, s31;
	s1 =	sadd.s32 s1, s30  }
0xb9: {  	s0 =	sor.u32 s3, s0;
	s1 =	sshll.u32 s1, $0x11  }
0xba: {  	s0 =	sor.u32 s1, s0  }
0xbb: {  	s0 =	sadd.s32 $0x8F2B, s0  }
0xbc: {  	[sflag:s0] =	ssyncadd.remote.s32 $0x1  }
0xbd: {  	_ =	sfence.sel $0xFFFF  }
0xbe: {  	[dreg:$0x0] =	wrdreg $0xFFFFFFFF;
	(pc) =	sbr.abs _section_cstart, $3  }
0xbf: {  	[dreg:$0x1] =	wrdreg $0xFFFFFFFF  }
0xc0: {  	_ =	task.clear_ibuf [dreg:s6], $0x2FFFF;
	_ =	strace $0x9FFFFFFF  }
0xc1: {  	(tm) =	ssettm $0x7FFFFFFF  }
tec
execute0_lowered:
.L_overlay_start_1:
0x0: {  	(tag) =	ssettag $0x1  }
0x1: {  	s2 =	rddreg [dreg:$0x0]  }
0x2: {  	s0 =	rddreg [dreg:$0x1];
	s1 =	simm.s32 $0x0  }
0x3: {  	s3 =	srdreg.scid;
	s9 =	simm.s32 $0x1;
	s10 =	simm.s32 $0x2  }
.Ltmp0:
0x4: {  	s11 =	simm.s32 $0x0;
	s6 =	sand.u32 $0x1, s3;
	(pc) =	sbr.rel .LBB2_1-.Ltmp0, $4  }
0x5: {  	[smem:$0x7FF] =	sst s1;
	s3 =	sadd.s32 $0x28E00, s2;
	s7 =	ssub.s32 $0x2, s6  }
0x6: {  	s4 =	sadd.s32 $0x50000, s2;
	s5 =	sadd.s32 $0x77200, s2;
	s8 =	sshrl.u32 s7, $0x1  }
0x7: {  	s2 =	stileid.u32;
	_ =	strace $0x8000004A;
	s7 =	ssub.s32 s7, s8  }
0x8: {  	s6 =	sshll.u32 s6, $0x4;
	s8 =	simm.s32 $0x2800;
	s7 =	smax.u32 s7, $0x1  }
.LBB2_7:
0x9: {  	s11 =	sadd.s32 $0x1, s11  }
0xa: {  	p0 =	sne.s32 s11, s7  }
.Ltmp1:
0xb: {  	_ = 	snop;
	(pc) =	sbr.rel @!p0 .LBB2_8-.Ltmp1, $1  }
0xc: {  	_ =	sdelay $0x3  }
.LBB2_1:
.Ltmp2:
0xd: {  	(pc) =	sbr.rel .LBB2_2-.Ltmp2, $2  }
0xe: {  	_ =	sdelay $0x2  }
0xf: {  	s12 =	simm.s32 $0x0  }
.LBB2_6:
0x10: {  	s12 =	sadd.s32 $0x1, s12  }
0x11: {  	p0 =	sne.s32 s12, $0x4  }
.Ltmp3:
0x12: {  	_ = 	snop;
	(pc) =	sbr.rel @!p0 .LBB2_7-.Ltmp3, $1  }
0x13: {  	_ =	sdelay $0x3  }
.LBB2_2:
0x14: {  	s13 =	sshll.u32 s12, $0x5  }
0x15: {  	s13 =	sor.u32 s13, s6  }
0x16: {  	s13 =	sor.u32 s2, s13  }
0x17: {  	p0 =	sgt.u32 s13, $0x7C  }
.Ltmp4:
0x18: {  	_ = 	snop;
	(pc) =	sbr.rel @p0 .LBB2_6-.Ltmp4, $1  }
0x19: {  	_ =	sdelay $0x3  }
0x1a: {  	s13 =	smul.u32 $0x500, s13;
	_ =	sdelay $0x1  }
0x1b: {  	s15 =	simm.s32 $0x0;
	s14 =	sadd.s32 s3, s13  }
0x1c: {  	[tilespmem:s15], [sflag:$0x1] =	stream.linear.gather [hbm4b:s14+s15], $0x2800, $0x38;
	[tilespmem:$0x5000] =	vst v63  }
0x1d: {  	s31 =	sadd.s32 s4, s13  }
0x1e: {  	[tilespmem:s8], [sflag:$0x1] =	stream.linear.gather [hbm4b:s31+s15], $0x2800, $0x38;
	[tilespmem:$0x5000] =	vst v63  }
0x1f: {  	_ =	swait.ge [sflag:s9], $0x2800  }
0x20: {  	[sflag:s9] =	ssyncset.done $0x0  }
0x21: {  	[sflag:s9] =	ssyncadd.s32 $0xFFFFD800  }
0x22: {  	_ =	swait.ge [sflag:s9], $0x2800  }
0x23: {  	[sflag:s9] =	ssyncset.done $0x0  }
0x24: {  	s14 =	simm.s32 $0x0;
	[sflag:s9] =	ssyncadd.s32 $0xFFFFD800  }
0x25: {  	v7 =	vld [tilespmem:s14+$0x2800]  }
0x26: {  	v11 =	vld [tilespmem:s14+$0x2810]  }
0x27: {  	v5 =	vld [tilespmem:s14+$0x2820]  }
0x28: {  	v4 =	vld [tilespmem:s14+$0x2830]  }
0x29: {  	v3 =	vld [tilespmem:s14+$0x2840]  }
0x2a: {  	v2 =	vld [tilespmem:s14+$0x2850]  }
0x2b: {  	v1 =	vld [tilespmem:s14+$0x2860]  }
0x2c: {  	v0 =	vld [tilespmem:s14+$0x2870]  }
0x2d: {  	v12 =	vld [tilespmem:s14+$0x0]  }
0x2e: {  	v13 =	vld [tilespmem:s14+$0x10]  }
0x2f: {  	v10 =	vld [tilespmem:s14+$0x20]  }
0x30: {  	v9 =	vld [tilespmem:s14+$0x30]  }
0x31: {  	v8 =	vld [tilespmem:s14+$0x40]  }
0x32: {  	v6 =	vld [tilespmem:s14+$0x50];
	v12 =	vadd.f32 v7, v12  }
0x33: {  	s15 =	simm.s32 $0x200;
	v11 =	vadd.f32 v11, v13;
	v7 =	vld [tilespmem:s14+$0x60]  }
.LBB2_4:
0x34: {  	s16 =	sshra.s32 s15, $0x2;
	p0 =	sne.s32 s15, $0x9E00;
	[tilespmem:s14+$0x0] =	vst v12;
	v5 =	vadd.f32 v5, v10;
	v10 =	vld [tilespmem:s14+$0x70]  }
0x35: {  	v12 =	vld [tilespmem:s16+$0x2800];
	[tilespmem:s14+$0x10] =	vst v11;
	v4 =	vadd.f32 v4, v9  }
0x36: {  	v11 =	vld [tilespmem:s16+$0x2810];
	[tilespmem:s14+$0x20] =	vst v5;
	v3 =	vadd.f32 v3, v8  }
0x37: {  	v5 =	vld [tilespmem:s16+$0x2820];
	[tilespmem:s14+$0x30] =	vst v4;
	v2 =	vadd.f32 v2, v6  }
0x38: {  	v4 =	vld [tilespmem:s16+$0x2830];
	[tilespmem:s14+$0x40] =	vst v3;
	v1 =	vadd.f32 v1, v7  }
0x39: {  	v3 =	vld [tilespmem:s16+$0x2840];
	[tilespmem:s14+$0x50] =	vst v2;
	v0 =	vadd.f32 v0, v10  }
0x3a: {  	v2 =	vld [tilespmem:s16+$0x2850];
	[tilespmem:s14+$0x60] =	vst v1  }
0x3b: {  	v1 =	vld [tilespmem:s16+$0x2860];
	[tilespmem:s14+$0x70] =	vst v0;
	s14 =	smov.u32 s16  }
0x3c: {  	v0 =	vld [tilespmem:s14+$0x2870]  }
0x3d: {  	v6 =	vld [tilespmem:s14+$0x0]  }
0x3e: {  	v7 =	vld [tilespmem:s14+$0x10]  }
.Ltmp5:
0x3f: {  	v10 =	vld [tilespmem:s14+$0x20];
	(pc) =	sbr.rel @p0 .LBB2_4-.Ltmp5, $4  }
0x40: {  	v9 =	vld [tilespmem:s14+$0x30]  }
0x41: {  	v8 =	vld [tilespmem:s14+$0x40]  }
0x42: {  	v12 =	vadd.f32 v12, v6;
	v6 =	vld [tilespmem:s14+$0x50]  }
0x43: {  	s15 =	sadd.s32 $0x200, s15;
	v11 =	vadd.f32 v11, v7;
	v7 =	vld [tilespmem:s14+$0x60]  }
0x44: {  	[tilespmem:s14+$0x0] =	vst v12;
	v5 =	vadd.f32 v5, v10;
	v63 =	vld [tilespmem:s14+$0x70]  }
0x45: {  	[tilespmem:s14+$0x10] =	vst v11;
	v4 =	vadd.f32 v4, v9  }
0x46: {  	[tilespmem:s14+$0x20] =	vst v5;
	v3 =	vadd.f32 v3, v8  }
0x47: {  	[tilespmem:s14+$0x30] =	vst v4;
	v2 =	vadd.f32 v2, v6  }
0x48: {  	[tilespmem:s14+$0x40] =	vst v3;
	v1 =	vadd.f32 v1, v7  }
0x49: {  	[tilespmem:s14+$0x50] =	vst v2;
	v0 =	vadd.f32 v0, v63  }
0x4a: {  	[tilespmem:s14+$0x60] =	vst v1  }
.Ltmp6:
0x4b: {  	s13 =	sadd.s32 s5, s13;
	[tilespmem:s14+$0x70] =	vst v0;
	(pc) =	sbr.rel .LBB2_6-.Ltmp6, $4  }
0x4c: {  	[hbm4b:s13+s1] =	stream.linear.scatter [tilespmem:s1], [sflag:$0x2], $0x2800, $0x38;
	[tilespmem:$0x5000] =	vst v63  }
0x4d: {  	_ =	swait.ge [sflag:s10], $0x2800  }
0x4e: {  	[sflag:s10] =	ssyncset.done $0x0  }
0x4f: {  	[sflag:s10] =	ssyncadd.s32 $0xFFFFD800  }
.LBB2_8:
0x50: {  	_ =	sfence.sel $0x180000  }
0x51: {  	[bflag:$0x0] =	sbarrier.arrive $0xFFFF  }
0x52: {  	p0 =	sne.s32 s2, $0x0;
	_ =	strace $0x9000004A  }
0x53: {  	s0 =	sadd.s32 @!p0 $0x100000, s0;
	[bflag:$0x2] =	sbarrier.arrive $0xFFFF  }
0x54: {  	[sflag:s0] =	ssyncadd.tile.s32 @!p0 $0x1;
	_ =	shalt  }
.Lfunc_end2:
_tile_overlayer_lowered:
.L_overlay_start_2:
0x55: {  	(tag) =	ssettag $0x2  }
0x56: {  	s0 =	rddreg [dreg:$0x0];
	s2 =	stileid.u32  }
0x57: {  	s1 =	rddreg [dreg:$0x1];
	p0 =	sne.s32 s2, $0x0  }
0x58: {  	s3 =	rddreg [dreg:$0x2];
	[bflag:$0x3] =	sbarrier.arrive $0xFFFF;
	s2 =	simm.s32 @!p0 $0x1C02  }
0x59: {  	[timem:s3], [sflag:s2] =	dma.local @!p0 [hbm:s0], s1  }
0x5a: {  	s0 =	simm.s32 @!p0 $0x2  }
0x5b: {  	_ =	swait.ge @!p0 [sflag:s0], s1  }
0x5c: {  	s1 =	ssub.s32 @!p0 $0x0, s1;
	[sflag:s0] =	ssyncset.done @!p0 $0x0  }
0x5d: {  	[sflag:s0] =	ssyncadd.s32 @!p0 s1  }
0x5e: {  	[bflag:$0x3] =	sbarrier.arrive $0xFFFF  }
0x5f: {  	_ =	shalt  }

</sc_bundles>
